<compile_context>
chip_gen: v7x
topology: tpu7x:2x2x1
jax: 0.10.2.dev20260603
libtpu: 0.0.44.dev20260713+nightly
codegen_flags: <defaults>
</compile_context>

<pallas_src>
import functools

import jax
import jax.numpy as jnp
from jax import lax
from jax.experimental import pallas as pl
from jax.experimental.pallas import tpu as pltpu
from jax.experimental.pallas import tpu_sc as plsc

BS, SLEN, DIM = 2, 2048, 2048
HID = 2048
E = 8
K = 2
T = BS * SLEN
TK = T * K

BM = 256
M_ROUTED = TK + E * BM
TILES_R = M_ROUTED // BM
TILES_S = T // BM

NW = 32



def _router_body(x_ref, wg_ref, xs0_ref, xs1_ref, sel_ref):
    x = x_ref[...]
    s = jax.nn.sigmoid(lax.dot_general(x, wg_ref[...],
                                       (((1,), (1,)), ((), ())),
                                       preferred_element_type=jnp.float32))
    iota = lax.broadcasted_iota(jnp.int32, s.shape, 1)
    m1 = jnp.max(s, axis=1, keepdims=True)
    a1 = jnp.min(jnp.where(s >= m1, iota, E), axis=1, keepdims=True)
    s2 = jnp.where(iota == a1, -1.0, s)
    m2 = jnp.max(s2, axis=1, keepdims=True)
    a2 = jnp.min(jnp.where(s2 >= m2, iota, E), axis=1, keepdims=True)
    xs0_ref[...] = x * m1
    xs1_ref[...] = x * m2
    sel_ref[...] = jnp.concatenate([a1, a2], axis=1)


def _router(xf, wg):
    bm = 512
    return pl.pallas_call(
        _router_body,
        grid=(T // bm,),
        in_specs=[
            pl.BlockSpec((bm, DIM), lambda i: (i, 0)),
            pl.BlockSpec((E, DIM), lambda i: (0, 0)),
        ],
        out_specs=[
            pl.BlockSpec((bm, DIM), lambda i: (i, 0)),
            pl.BlockSpec((bm, DIM), lambda i: (i, 0)),
            pl.BlockSpec((bm, 2), lambda i: (i, 0)),
        ],
        out_shape=[
            jax.ShapeDtypeStruct((T, DIM), jnp.float32),
            jax.ShapeDtypeStruct((T, DIM), jnp.float32),
            jax.ShapeDtypeStruct((T, 2), jnp.int32),
        ],
    )(xf, wg)



def _ffn_body(eids_ref, first_ref,
              x_ref, w1_hbm, w3_hbm, w2_hbm, o_ref,
              w1v, w3v, w2v, wsem):
    i = pl.program_id(0)
    e = eids_ref[i]
    first = first_ref[i] == 1

    NCH = 4
    CH = HID // NCH

    def chunks(mat_hbm, dst, sem, go):
        for c in range(NCH):
            cp = pltpu.make_async_copy(
                mat_hbm.at[e, pl.ds(c * CH, CH)],
                dst.at[pl.ds(c * CH, CH)], sem)
            cp.start() if go else cp.wait()

    @pl.when(first)
    def _():
        chunks(w1_hbm, w1v, wsem.at[0], True)
        chunks(w3_hbm, w3v, wsem.at[1], True)
        chunks(w2_hbm, w2v, wsem.at[2], True)

    @pl.when(first)
    def _():
        chunks(w1_hbm, w1v, wsem.at[0], False)

    x = x_ref[...]
    a = lax.dot_general(x, w1v[...], (((1,), (1,)), ((), ())),
                        preferred_element_type=jnp.float32)

    @pl.when(first)
    def _():
        chunks(w3_hbm, w3v, wsem.at[1], False)

    b = lax.dot_general(x, w3v[...], (((1,), (1,)), ((), ())),
                        preferred_element_type=jnp.float32)
    h = (a * jax.nn.sigmoid(a)) * b

    @pl.when(first)
    def _():
        chunks(w2_hbm, w2v, wsem.at[2], False)

    o_ref[...] = lax.dot_general(h, w2v[...], (((1,), (1,)), ((), ())),
                                 preferred_element_type=jnp.float32)


def _run_meta(eids):
    n = eids.shape[0]
    idx = jnp.arange(n, dtype=jnp.int32)
    return jnp.where(idx == 0, 1,
                     (eids != jnp.roll(eids, 1)).astype(jnp.int32))


def _grouped_ffn(xbuf, w1e, w3e, w2e, eids, n_tiles):
    n = n_tiles * BM
    first = _run_meta(eids)
    grid_spec = pltpu.PrefetchScalarGridSpec(
        num_scalar_prefetch=2,
        grid=(n_tiles,),
        in_specs=[
            pl.BlockSpec((BM, DIM), lambda i, *_: (i, 0)),
            pl.BlockSpec(memory_space=pltpu.MemorySpace.HBM),
            pl.BlockSpec(memory_space=pltpu.MemorySpace.HBM),
            pl.BlockSpec(memory_space=pltpu.MemorySpace.HBM),
        ],
        out_specs=pl.BlockSpec((BM, DIM), lambda i, *_: (i, 0)),
        scratch_shapes=[
            pltpu.VMEM((HID, DIM), jnp.float32),
            pltpu.VMEM((HID, DIM), jnp.float32),
            pltpu.VMEM((DIM, HID), jnp.float32),
            pltpu.SemaphoreType.DMA((3,)),
        ],
    )
    return pl.pallas_call(
        _ffn_body,
        grid_spec=grid_spec,
        out_shape=jax.ShapeDtypeStruct((n, DIM), jnp.float32),
        compiler_params=pltpu.CompilerParams(
            dimension_semantics=("arbitrary",),
            vmem_limit_bytes=63 * 1024 * 1024),
    )(eids, first, xbuf, w1e, w3e, w2e)



def _sc_mesh():
    return plsc.VectorSubcoreMesh(core_axis_name="c", subcore_axis_name="s",
                                  num_cores=2, num_subcores=16)


@functools.lru_cache(maxsize=None)
def _make_dispatch():
    per_w = TK // NW
    chunk = 32
    n_chunks = per_w // chunk

    @functools.partial(
        pl.kernel,
        out_type=jax.ShapeDtypeStruct((M_ROUTED, DIM), jnp.float32),
        mesh=_sc_mesh(),
        scratch_types=[
            pltpu.VMEM((chunk,), jnp.int32),
            pltpu.VMEM((chunk, DIM), jnp.float32),
            pltpu.SemaphoreType.DMA,
        ],
    )
    def dk(xs0_hbm, xs1_hbm, idx_hbm, out_hbm, idx_v, rows_v, sem):
        wid = lax.axis_index("s") * 2 + lax.axis_index("c")
        for c in range(n_chunks):
            base = wid * per_w + c * chunk
            pltpu.sync_copy(idx_hbm.at[pl.ds(base, chunk)], idx_v)

            @pl.when(base < T)
            def _():
                pltpu.sync_copy(xs0_hbm.at[pl.ds(base, chunk)], rows_v)

            @pl.when(base >= T)
            def _():
                pltpu.sync_copy(xs1_hbm.at[pl.ds(base - T, chunk)], rows_v)

            pltpu.async_copy(rows_v, out_hbm.at[idx_v], sem).wait()

    return dk


@functools.lru_cache(maxsize=None)
def _make_gather(n_rows, chunk):
    per_w = n_rows // NW
    n_chunks = per_w // chunk
    assert per_w % chunk == 0 and per_w % 8 == 0 and chunk % 8 == 0

    @functools.partial(
        pl.kernel,
        out_type=jax.ShapeDtypeStruct((n_rows, DIM), jnp.float32),
        mesh=_sc_mesh(),
        scratch_types=[
            pltpu.VMEM((chunk,), jnp.int32),
            pltpu.VMEM((chunk, DIM), jnp.float32),
            pltpu.SemaphoreType.DMA,
        ],
    )
    def gk(table_hbm, idx_hbm, out_hbm, idx_v, rows_v, sem):
        wid = lax.axis_index("s") * 2 + lax.axis_index("c")
        for c in range(n_chunks):
            base = wid * per_w + c * chunk
            pltpu.sync_copy(idx_hbm.at[pl.ds(base, chunk)], idx_v)
            pltpu.async_copy(table_hbm.at[idx_v], rows_v, sem).wait()
            pltpu.sync_copy(rows_v, out_hbm.at[pl.ds(base, chunk)])

    return gk


def _add3_body(a_ref, b_ref, c_ref, o_ref):
    o_ref[...] = a_ref[...] + b_ref[...] + c_ref[...]


def _add3(y01, ys):
    bm = 256
    nb = T // bm
    return pl.pallas_call(
        _add3_body,
        grid=(nb,),
        in_specs=[
            pl.BlockSpec((bm, DIM), lambda i: (i, 0)),
            pl.BlockSpec((bm, DIM), lambda i, nb=nb: (i + nb, 0)),
            pl.BlockSpec((bm, DIM), lambda i: (i, 0)),
        ],
        out_specs=pl.BlockSpec((bm, DIM), lambda i: (i, 0)),
        out_shape=jax.ShapeDtypeStruct((T, DIM), jnp.float32),
    )(y01, y01, ys)



def _metadata(sel):
    flat_e = jnp.concatenate([sel[:, 0], sel[:, 1]]).astype(jnp.int32)
    onehot = (flat_e[:, None] == jnp.arange(E, dtype=jnp.int32)[None, :])
    csum = jnp.cumsum(onehot.astype(jnp.int32), axis=0)
    counts = csum[-1]
    padded = ((counts + BM - 1) // BM) * BM
    pad_end = jnp.cumsum(padded)
    pad_start = pad_end - padded
    rank = jnp.take_along_axis(csum, flat_e[:, None], axis=1)[:, 0] - 1
    r_pair = pad_start[flat_e] + rank
    tile_base = jnp.arange(TILES_R, dtype=jnp.int32) * BM
    eids = jnp.sum((tile_base[:, None] >= pad_end[None, :]).astype(jnp.int32),
                   axis=1)
    eids = jnp.minimum(eids, E - 1)
    return r_pair, eids



def kernel(x, wg, w1, w2, w3, sw1, sw2, sw3):
    xf = x.reshape(-1, DIM)
    xs0, xs1, sel = _router(xf, wg)
    r_pair, eids = _metadata(sel)

    xbuf = _make_dispatch()(xs0, xs1, r_pair)
    yr = _grouped_ffn(xbuf, w1, w3, w2, eids, TILES_R)

    zeids = jnp.zeros((TILES_S,), jnp.int32)
    ys = _grouped_ffn(xf, sw1[None], sw3[None], sw2[None], zeids, TILES_S)

    y01 = _make_gather(TK, 32)(yr, r_pair)
    out = _add3(y01, ys)
    return out.reshape(x.shape)

# --- scband reference (transcript-rebuilt; emitter-appended) ---
"""Pipeline reference for scband-mo-e-28252294873410 (READ-ONLY COPY).

The authoritative reference and input builder live on the scoring server;
editing this copy changes nothing except your own understanding.
"""

import jax, jax.numpy as jnp
import numpy as np

BS, SLEN, DIM = 2, 2048, 2048
HID = 2048
E = 8
K = 2
ROUTE_SCALE = 1.0


def setup_inputs(seed: int = 0) -> dict:
    key = jax.random.key(seed)
    ks = jax.random.split(key, 8)
    x = jax.random.normal(ks[0], (BS, SLEN, DIM), dtype=jnp.float32)
    wg = jax.random.normal(ks[1], (E, DIM), dtype=jnp.float32) * 0.02
    w1 = jax.random.normal(ks[2], (E, HID, DIM), dtype=jnp.float32) * 0.02
    w2 = jax.random.normal(ks[3], (E, DIM, HID), dtype=jnp.float32) * 0.02
    w3 = jax.random.normal(ks[4], (E, HID, DIM), dtype=jnp.float32) * 0.02
    sw1 = jax.random.normal(ks[5], (HID, DIM), dtype=jnp.float32) * 0.02
    sw2 = jax.random.normal(ks[6], (DIM, HID), dtype=jnp.float32) * 0.02
    sw3 = jax.random.normal(ks[7], (HID, DIM), dtype=jnp.float32) * 0.02
    return {"x": x, "wg": wg, "w1": w1, "w2": w2, "w3": w3, "sw1": sw1, "sw2": sw2, "sw3": sw3}


def reference(x, wg, w1, w2, w3, sw1, sw2, sw3):
    xf = x.reshape(-1, DIM)
    T = xf.shape[0]
    # TokenChoiceTopKRouter (score_func=sigmoid, route_norm=False)
    scores = jax.nn.sigmoid((xf @ wg.T).astype(jnp.float32))
    top_scores, selected_experts = jax.lax.top_k(scores, K)
    top_scores = top_scores * ROUTE_SCALE
    # fixed-shape dispatch over token-expert pairs (pair p -> token p // K)
    flat_experts = selected_experts.reshape(-1)
    tok_j = jnp.arange(T * K) // K
    # score_before_experts=True: scale routed inputs by routing scores
    routed_in = xf[tok_j] * top_scores.reshape(-1)[:, None]
    # GroupedExperts: per-expert SwiGLU FFN, masked selection per pair
    routed_out = jnp.zeros((T * K, DIM), dtype=xf.dtype)
    for e in range(E):
        h = jax.nn.silu(routed_in @ w1[e].T) * (routed_in @ w3[e].T)
        ye = h @ w2[e].T
        routed_out = jnp.where((flat_experts == e)[:, None], ye, routed_out)
    # combine: scatter-add expert outputs back to token positions
    out = jnp.zeros((T, DIM), dtype=xf.dtype).at[tok_j].add(routed_out)
    # shared expert (BCFeedForward)
    shared = (jax.nn.silu(xf @ sw1.T) * (xf @ sw3.T)) @ sw2.T
    out = out + shared
    return out.reshape(x.shape)

if __name__ == "__main__":
    import jax
    _d = setup_inputs()
    print(jax.jit(kernel)(*tuple(_d.values())))

</pallas_src>

<mosaic_0001>
#map = affine_map<(d0, d1) -> (0, 0)>
#map1 = affine_map<(d0, d1) -> (0)>
module attributes {stable_mosaic.version = 14 : i64} {
  func.func @dk(%arg0: i32, %arg1: i32, %arg2: memref<4096x2048xf32, #tpu.memory_space<hbm>>, %arg3: memref<4096x2048xf32, #tpu.memory_space<hbm>>, %arg4: memref<8192xi32, #tpu.memory_space<hbm>>, %arg5: memref<10240x2048xf32, #tpu.memory_space<hbm>>, %arg6: memref<32xi32, #tpu.memory_space<vmem>>, %arg7: memref<32x2048xf32, #tpu.memory_space<vmem>>, %arg8: memref<!tpu.dma_semaphore, #tpu.memory_space<semaphore_mem>>) attributes {dimension_semantics = [#tpu.dimension_semantics<core_parallel>, #tpu.dimension_semantics<subcore_parallel>], iteration_bounds = array<i64: 2, 16>, scalar_prefetch = 0 : i64, scratch_operands = 3 : i64, tpu.core_type = #tpu.core_type<sc_vector_subcore>, window_params = [{transform_indices = #map}, {transform_indices = #map}, {transform_indices = #map1}, {transform_indices = #map}]} {
    %mul3A = arith.constant 2 : i32
    %mul3A_0 = arith.muli %arg1, %mul3A : i32
    %add3A = arith.addi %mul3A_0, %arg0 : i32
    %mul3A_1 = arith.constant 256 : i32
    %mul3A_2 = arith.muli %add3A, %mul3A_1 : i32
    %add3A_3 = arith.constant 0 : i32
    %add3A_4 = arith.addi %mul3A_2, %add3A_3 : i32
    "tpu.region"() ({
      %run_scoped3A = tpu.sem_alloc : memref<!tpu.dma_semaphore, #tpu.memory_space<semaphore_mem>>
      %dma_start3A_155 = tpu.memref_slice %arg4[%add3A_4] : memref<8192xi32, #tpu.memory_space<hbm>> -> memref<32xi32, #tpu.memory_space<hbm>>
      %dma_start3A_156 = tpu.memref_slice %arg4[%add3A_4] : memref<8192xi32, #tpu.memory_space<hbm>> -> memref<32xi32, #tpu.memory_space<hbm>>
      tpu.enqueue_dma source(%dma_start3A_156 : memref<32xi32, #tpu.memory_space<hbm>>) target(%arg6 : memref<32xi32, #tpu.memory_space<vmem>>) target_semaphore(%run_scoped3A : memref<!tpu.dma_semaphore, #tpu.memory_space<semaphore_mem>>)
      %dma_wait3A_157 = tpu.memref_slice %arg4[%add3A_4] : memref<8192xi32, #tpu.memory_space<hbm>> -> memref<32xi32, #tpu.memory_space<hbm>>
      %dma_wait3A_158 = tpu.memref_slice %arg4[%add3A_4] : memref<8192xi32, #tpu.memory_space<hbm>> -> memref<32xi32, #tpu.memory_space<hbm>>
      tpu.wait_dma2 semaphore(%run_scoped3A : memref<!tpu.dma_semaphore, #tpu.memory_space<semaphore_mem>>) src(%dma_wait3A_158 : memref<32xi32, #tpu.memory_space<hbm>>) dst(%arg6 : memref<32xi32, #tpu.memory_space<vmem>>)
      tpu.yield
    }) : () -> ()
    %lt3A = arith.constant 4096 : i32
    %lt3A_5 = arith.cmpi slt, %add3A_4, %lt3A : i32
    %convert_element_type3A = arith.extui %lt3A_5 : i1 to i32
    %cond3A = arith.constant 0 : i32
    %cond3A_6 = arith.cmpi ne, %convert_element_type3A, %cond3A : i32
    scf.if %cond3A_6 {
      "tpu.region"() ({
        %run_scoped3A = tpu.sem_alloc : memref<!tpu.dma_semaphore, #tpu.memory_space<semaphore_mem>>
        %dma_start3A_155 = arith.constant 0 : i32
        %dma_start3A_156 = tpu.memref_slice %arg2[%add3A_4, %dma_start3A_155] : memref<4096x2048xf32, #tpu.memory_space<hbm>> -> memref<32x2048xf32, #tpu.memory_space<hbm>>
        %dma_start3A_157 = arith.constant 0 : i32
        %dma_start3A_158 = tpu.memref_slice %arg2[%add3A_4, %dma_start3A_157] : memref<4096x2048xf32, #tpu.memory_space<hbm>> -> memref<32x2048xf32, #tpu.memory_space<hbm>>
        tpu.enqueue_dma source(%dma_start3A_158 : memref<32x2048xf32, #tpu.memory_space<hbm>>) target(%arg7 : memref<32x2048xf32, #tpu.memory_space<vmem>>) target_semaphore(%run_scoped3A : memref<!tpu.dma_semaphore, #tpu.memory_space<semaphore_mem>>)
        %dma_wait3A_159 = arith.constant 0 : i32
        %dma_wait3A_160 = tpu.memref_slice %arg2[%add3A_4, %dma_wait3A_159] : memref<4096x2048xf32, #tpu.memory_space<hbm>> -> memref<32x2048xf32, #tpu.memory_space<hbm>>
        %dma_wait3A_161 = arith.constant 0 : i32
        %dma_wait3A_162 = tpu.memref_slice %arg2[%add3A_4, %dma_wait3A_161] : memref<4096x2048xf32, #tpu.memory_space<hbm>> -> memref<32x2048xf32, #tpu.memory_space<hbm>>
        tpu.wait_dma2 semaphore(%run_scoped3A : memref<!tpu.dma_semaphore, #tpu.memory_space<semaphore_mem>>) src(%dma_wait3A_162 : memref<32x2048xf32, #tpu.memory_space<hbm>>) dst(%arg7 : memref<32x2048xf32, #tpu.memory_space<vmem>>)
        tpu.yield
      }) : () -> ()
    } else {
    }
    %ge3A = arith.constant 4096 : i32
    %ge3A_7 = arith.cmpi sge, %add3A_4, %ge3A : i32
    %convert_element_type3A_8 = arith.extui %ge3A_7 : i1 to i32
    %cond3A_9 = arith.constant 0 : i32
    %cond3A_10 = arith.cmpi ne, %convert_element_type3A_8, %cond3A_9 : i32
    scf.if %cond3A_10 {
      %sub3A = arith.constant 4096 : i32
      %sub3A_155 = arith.subi %add3A_4, %sub3A : i32
      "tpu.region"() ({
        %run_scoped3A = tpu.sem_alloc : memref<!tpu.dma_semaphore, #tpu.memory_space<semaphore_mem>>
        %dma_start3A_156 = arith.constant 0 : i32
        %dma_start3A_157 = tpu.memref_slice %arg3[%sub3A_155, %dma_start3A_156] : memref<4096x2048xf32, #tpu.memory_space<hbm>> -> memref<32x2048xf32, #tpu.memory_space<hbm>>
        %dma_start3A_158 = arith.constant 0 : i32
        %dma_start3A_159 = tpu.memref_slice %arg3[%sub3A_155, %dma_start3A_158] : memref<4096x2048xf32, #tpu.memory_space<hbm>> -> memref<32x2048xf32, #tpu.memory_space<hbm>>
        tpu.enqueue_dma source(%dma_start3A_159 : memref<32x2048xf32, #tpu.memory_space<hbm>>) target(%arg7 : memref<32x2048xf32, #tpu.memory_space<vmem>>) target_semaphore(%run_scoped3A : memref<!tpu.dma_semaphore, #tpu.memory_space<semaphore_mem>>)
        %dma_wait3A_160 = arith.constant 0 : i32
        %dma_wait3A_161 = tpu.memref_slice %arg3[%sub3A_155, %dma_wait3A_160] : memref<4096x2048xf32, #tpu.memory_space<hbm>> -> memref<32x2048xf32, #tpu.memory_space<hbm>>
        %dma_wait3A_162 = arith.constant 0 : i32
        %dma_wait3A_163 = tpu.memref_slice %arg3[%sub3A_155, %dma_wait3A_162] : memref<4096x2048xf32, #tpu.memory_space<hbm>> -> memref<32x2048xf32, #tpu.memory_space<hbm>>
        tpu.wait_dma2 semaphore(%run_scoped3A : memref<!tpu.dma_semaphore, #tpu.memory_space<semaphore_mem>>) src(%dma_wait3A_163 : memref<32x2048xf32, #tpu.memory_space<hbm>>) dst(%arg7 : memref<32x2048xf32, #tpu.memory_space<vmem>>)
        tpu.yield
      }) : () -> ()
    } else {
    }
    %dma_start3A = arith.constant 0 : i32
    %dma_start3A_11 = arith.constant 0 : i32
    %dma_start3A_12 = tpu.memref_slice %arg5[%dma_start3A, %dma_start3A_11] : memref<10240x2048xf32, #tpu.memory_space<hbm>> -> memref<10240x2048xf32, #tpu.memory_space<hbm>>
    tpu.enqueue_indirect_dma source(%arg7 : memref<32x2048xf32, #tpu.memory_space<vmem>>) target(%dma_start3A_12 : memref<10240x2048xf32, #tpu.memory_space<hbm>>) offsets(%arg6 : memref<32xi32, #tpu.memory_space<vmem>>) semaphore(%arg8 : memref<!tpu.dma_semaphore, #tpu.memory_space<semaphore_mem>>)
    %dma_wait3A = arith.constant 0 : i32
    %dma_wait3A_13 = arith.constant 0 : i32
    %dma_wait3A_14 = tpu.memref_slice %arg5[%dma_wait3A, %dma_wait3A_13] : memref<10240x2048xf32, #tpu.memory_space<hbm>> -> memref<10240x2048xf32, #tpu.memory_space<hbm>>
    tpu.wait_indirect_dma semaphore(%arg8 : memref<!tpu.dma_semaphore, #tpu.memory_space<semaphore_mem>>) src(%arg7 : memref<32x2048xf32, #tpu.memory_space<vmem>>) dst(%dma_wait3A_14 : memref<10240x2048xf32, #tpu.memory_space<hbm>>)
    %mul3A_15 = arith.constant 256 : i32
    %mul3A_16 = arith.muli %add3A, %mul3A_15 : i32
    %add3A_17 = arith.constant 32 : i32
    %add3A_18 = arith.addi %mul3A_16, %add3A_17 : i32
    "tpu.region"() ({
      %run_scoped3A = tpu.sem_alloc : memref<!tpu.dma_semaphore, #tpu.memory_space<semaphore_mem>>
      %dma_start3A_155 = tpu.memref_slice %arg4[%add3A_18] : memref<8192xi32, #tpu.memory_space<hbm>> -> memref<32xi32, #tpu.memory_space<hbm>>
      %dma_start3A_156 = tpu.memref_slice %arg4[%add3A_18] : memref<8192xi32, #tpu.memory_space<hbm>> -> memref<32xi32, #tpu.memory_space<hbm>>
      tpu.enqueue_dma source(%dma_start3A_156 : memref<32xi32, #tpu.memory_space<hbm>>) target(%arg6 : memref<32xi32, #tpu.memory_space<vmem>>) target_semaphore(%run_scoped3A : memref<!tpu.dma_semaphore, #tpu.memory_space<semaphore_mem>>)
      %dma_wait3A_157 = tpu.memref_slice %arg4[%add3A_18] : memref<8192xi32, #tpu.memory_space<hbm>> -> memref<32xi32, #tpu.memory_space<hbm>>
      %dma_wait3A_158 = tpu.memref_slice %arg4[%add3A_18] : memref<8192xi32, #tpu.memory_space<hbm>> -> memref<32xi32, #tpu.memory_space<hbm>>
      tpu.wait_dma2 semaphore(%run_scoped3A : memref<!tpu.dma_semaphore, #tpu.memory_space<semaphore_mem>>) src(%dma_wait3A_158 : memref<32xi32, #tpu.memory_space<hbm>>) dst(%arg6 : memref<32xi32, #tpu.memory_space<vmem>>)
      tpu.yield
    }) : () -> ()
    %lt3A_19 = arith.constant 4096 : i32
    %lt3A_20 = arith.cmpi slt, %add3A_18, %lt3A_19 : i32
    %convert_element_type3A_21 = arith.extui %lt3A_20 : i1 to i32
    %cond3A_22 = arith.constant 0 : i32
    %cond3A_23 = arith.cmpi ne, %convert_element_type3A_21, %cond3A_22 : i32
    scf.if %cond3A_23 {
      "tpu.region"() ({
        %run_scoped3A = tpu.sem_alloc : memref<!tpu.dma_semaphore, #tpu.memory_space<semaphore_mem>>
        %dma_start3A_155 = arith.constant 0 : i32
        %dma_start3A_156 = tpu.memref_slice %arg2[%add3A_18, %dma_start3A_155] : memref<4096x2048xf32, #tpu.memory_space<hbm>> -> memref<32x2048xf32, #tpu.memory_space<hbm>>
        %dma_start3A_157 = arith.constant 0 : i32
        %dma_start3A_158 = tpu.memref_slice %arg2[%add3A_18, %dma_start3A_157] : memref<4096x2048xf32, #tpu.memory_space<hbm>> -> memref<32x2048xf32, #tpu.memory_space<hbm>>
        tpu.enqueue_dma source(%dma_start3A_158 : memref<32x2048xf32, #tpu.memory_space<hbm>>) target(%arg7 : memref<32x2048xf32, #tpu.memory_space<vmem>>) target_semaphore(%run_scoped3A : memref<!tpu.dma_semaphore, #tpu.memory_space<semaphore_mem>>)
        %dma_wait3A_159 = arith.constant 0 : i32
        %dma_wait3A_160 = tpu.memref_slice %arg2[%add3A_18, %dma_wait3A_159] : memref<4096x2048xf32, #tpu.memory_space<hbm>> -> memref<32x2048xf32, #tpu.memory_space<hbm>>
        %dma_wait3A_161 = arith.constant 0 : i32
        %dma_wait3A_162 = tpu.memref_slice %arg2[%add3A_18, %dma_wait3A_161] : memref<4096x2048xf32, #tpu.memory_space<hbm>> -> memref<32x2048xf32, #tpu.memory_space<hbm>>
        tpu.wait_dma2 semaphore(%run_scoped3A : memref<!tpu.dma_semaphore, #tpu.memory_space<semaphore_mem>>) src(%dma_wait3A_162 : memref<32x2048xf32, #tpu.memory_space<hbm>>) dst(%arg7 : memref<32x2048xf32, #tpu.memory_space<vmem>>)
        tpu.yield
      }) : () -> ()
    } else {
    }
    %ge3A_24 = arith.constant 4096 : i32
    %ge3A_25 = arith.cmpi sge, %add3A_18, %ge3A_24 : i32
    %convert_element_type3A_26 = arith.extui %ge3A_25 : i1 to i32
    %cond3A_27 = arith.constant 0 : i32
    %cond3A_28 = arith.cmpi ne, %convert_element_type3A_26, %cond3A_27 : i32
    scf.if %cond3A_28 {
      %sub3A = arith.constant 4096 : i32
      %sub3A_155 = arith.subi %add3A_18, %sub3A : i32
      "tpu.region"() ({
        %run_scoped3A = tpu.sem_alloc : memref<!tpu.dma_semaphore, #tpu.memory_space<semaphore_mem>>
        %dma_start3A_156 = arith.constant 0 : i32
        %dma_start3A_157 = tpu.memref_slice %arg3[%sub3A_155, %dma_start3A_156] : memref<4096x2048xf32, #tpu.memory_space<hbm>> -> memref<32x2048xf32, #tpu.memory_space<hbm>>
        %dma_start3A_158 = arith.constant 0 : i32
        %dma_start3A_159 = tpu.memref_slice %arg3[%sub3A_155, %dma_start3A_158] : memref<4096x2048xf32, #tpu.memory_space<hbm>> -> memref<32x2048xf32, #tpu.memory_space<hbm>>
        tpu.enqueue_dma source(%dma_start3A_159 : memref<32x2048xf32, #tpu.memory_space<hbm>>) target(%arg7 : memref<32x2048xf32, #tpu.memory_space<vmem>>) target_semaphore(%run_scoped3A : memref<!tpu.dma_semaphore, #tpu.memory_space<semaphore_mem>>)
        %dma_wait3A_160 = arith.constant 0 : i32
        %dma_wait3A_161 = tpu.memref_slice %arg3[%sub3A_155, %dma_wait3A_160] : memref<4096x2048xf32, #tpu.memory_space<hbm>> -> memref<32x2048xf32, #tpu.memory_space<hbm>>
        %dma_wait3A_162 = arith.constant 0 : i32
        %dma_wait3A_163 = tpu.memref_slice %arg3[%sub3A_155, %dma_wait3A_162] : memref<4096x2048xf32, #tpu.memory_space<hbm>> -> memref<32x2048xf32, #tpu.memory_space<hbm>>
        tpu.wait_dma2 semaphore(%run_scoped3A : memref<!tpu.dma_semaphore, #tpu.memory_space<semaphore_mem>>) src(%dma_wait3A_163 : memref<32x2048xf32, #tpu.memory_space<hbm>>) dst(%arg7 : memref<32x2048xf32, #tpu.memory_space<vmem>>)
        tpu.yield
      }) : () -> ()
    } else {
    }
    %dma_start3A_29 = arith.constant 0 : i32
    %dma_start3A_30 = arith.constant 0 : i32
    %dma_start3A_31 = tpu.memref_slice %arg5[%dma_start3A_29, %dma_start3A_30] : memref<10240x2048xf32, #tpu.memory_space<hbm>> -> memref<10240x2048xf32, #tpu.memory_space<hbm>>
    tpu.enqueue_indirect_dma source(%arg7 : memref<32x2048xf32, #tpu.memory_space<vmem>>) target(%dma_start3A_31 : memref<10240x2048xf32, #tpu.memory_space<hbm>>) offsets(%arg6 : memref<32xi32, #tpu.memory_space<vmem>>) semaphore(%arg8 : memref<!tpu.dma_semaphore, #tpu.memory_space<semaphore_mem>>)
    %dma_wait3A_32 = arith.constant 0 : i32
    %dma_wait3A_33 = arith.constant 0 : i32
    %dma_wait3A_34 = tpu.memref_slice %arg5[%dma_wait3A_32, %dma_wait3A_33] : memref<10240x2048xf32, #tpu.memory_space<hbm>> -> memref<10240x2048xf32, #tpu.memory_space<hbm>>
    tpu.wait_indirect_dma semaphore(%arg8 : memref<!tpu.dma_semaphore, #tpu.memory_space<semaphore_mem>>) src(%arg7 : memref<32x2048xf32, #tpu.memory_space<vmem>>) dst(%dma_wait3A_34 : memref<10240x2048xf32, #tpu.memory_space<hbm>>)
    %mul3A_35 = arith.constant 256 : i32
    %mul3A_36 = arith.muli %add3A, %mul3A_35 : i32
    %add3A_37 = arith.constant 64 : i32
    %add3A_38 = arith.addi %mul3A_36, %add3A_37 : i32
    "tpu.region"() ({
      %run_scoped3A = tpu.sem_alloc : memref<!tpu.dma_semaphore, #tpu.memory_space<semaphore_mem>>
      %dma_start3A_155 = tpu.memref_slice %arg4[%add3A_38] : memref<8192xi32, #tpu.memory_space<hbm>> -> memref<32xi32, #tpu.memory_space<hbm>>
      %dma_start3A_156 = tpu.memref_slice %arg4[%add3A_38] : memref<8192xi32, #tpu.memory_space<hbm>> -> memref<32xi32, #tpu.memory_space<hbm>>
      tpu.enqueue_dma source(%dma_start3A_156 : memref<32xi32, #tpu.memory_space<hbm>>) target(%arg6 : memref<32xi32, #tpu.memory_space<vmem>>) target_semaphore(%run_scoped3A : memref<!tpu.dma_semaphore, #tpu.memory_space<semaphore_mem>>)
      %dma_wait3A_157 = tpu.memref_slice %arg4[%add3A_38] : memref<8192xi32, #tpu.memory_space<hbm>> -> memref<32xi32, #tpu.memory_space<hbm>>
      %dma_wait3A_158 = tpu.memref_slice %arg4[%add3A_38] : memref<8192xi32, #tpu.memory_space<hbm>> -> memref<32xi32, #tpu.memory_space<hbm>>
      tpu.wait_dma2 semaphore(%run_scoped3A : memref<!tpu.dma_semaphore, #tpu.memory_space<semaphore_mem>>) src(%dma_wait3A_158 : memref<32xi32, #tpu.memory_space<hbm>>) dst(%arg6 : memref<32xi32, #tpu.memory_space<vmem>>)
      tpu.yield
    }) : () -> ()
    %lt3A_39 = arith.constant 4096 : i32
    %lt3A_40 = arith.cmpi slt, %add3A_38, %lt3A_39 : i32
    %convert_element_type3A_41 = arith.extui %lt3A_40 : i1 to i32
    %cond3A_42 = arith.constant 0 : i32
    %cond3A_43 = arith.cmpi ne, %convert_element_type3A_41, %cond3A_42 : i32
    scf.if %cond3A_43 {
      "tpu.region"() ({
        %run_scoped3A = tpu.sem_alloc : memref<!tpu.dma_semaphore, #tpu.memory_space<semaphore_mem>>
        %dma_start3A_155 = arith.constant 0 : i32
        %dma_start3A_156 = tpu.memref_slice %arg2[%add3A_38, %dma_start3A_155] : memref<4096x2048xf32, #tpu.memory_space<hbm>> -> memref<32x2048xf32, #tpu.memory_space<hbm>>
        %dma_start3A_157 = arith.constant 0 : i32
        %dma_start3A_158 = tpu.memref_slice %arg2[%add3A_38, %dma_start3A_157] : memref<4096x2048xf32, #tpu.memory_space<hbm>> -> memref<32x2048xf32, #tpu.memory_space<hbm>>
        tpu.enqueue_dma source(%dma_start3A_158 : memref<32x2048xf32, #tpu.memory_space<hbm>>) target(%arg7 : memref<32x2048xf32, #tpu.memory_space<vmem>>) target_semaphore(%run_scoped3A : memref<!tpu.dma_semaphore, #tpu.memory_space<semaphore_mem>>)
        %dma_wait3A_159 = arith.constant 0 : i32
        %dma_wait3A_160 = tpu.memref_slice %arg2[%add3A_38, %dma_wait3A_159] : memref<4096x2048xf32, #tpu.memory_space<hbm>> -> memref<32x2048xf32, #tpu.memory_space<hbm>>
        %dma_wait3A_161 = arith.constant 0 : i32
        %dma_wait3A_162 = tpu.memref_slice %arg2[%add3A_38, %dma_wait3A_161] : memref<4096x2048xf32, #tpu.memory_space<hbm>> -> memref<32x2048xf32, #tpu.memory_space<hbm>>
        tpu.wait_dma2 semaphore(%run_scoped3A : memref<!tpu.dma_semaphore, #tpu.memory_space<semaphore_mem>>) src(%dma_wait3A_162 : memref<32x2048xf32, #tpu.memory_space<hbm>>) dst(%arg7 : memref<32x2048xf32, #tpu.memory_space<vmem>>)
        tpu.yield
      }) : () -> ()
    } else {
    }
    %ge3A_44 = arith.constant 4096 : i32
    %ge3A_45 = arith.cmpi sge, %add3A_38, %ge3A_44 : i32
    %convert_element_type3A_46 = arith.extui %ge3A_45 : i1 to i32
    %cond3A_47 = arith.constant 0 : i32
    %cond3A_48 = arith.cmpi ne, %convert_element_type3A_46, %cond3A_47 : i32
    scf.if %cond3A_48 {
      %sub3A = arith.constant 4096 : i32
      %sub3A_155 = arith.subi %add3A_38, %sub3A : i32
      "tpu.region"() ({
        %run_scoped3A = tpu.sem_alloc : memref<!tpu.dma_semaphore, #tpu.memory_space<semaphore_mem>>
        %dma_start3A_156 = arith.constant 0 : i32
        %dma_start3A_157 = tpu.memref_slice %arg3[%sub3A_155, %dma_start3A_156] : memref<4096x2048xf32, #tpu.memory_space<hbm>> -> memref<32x2048xf32, #tpu.memory_space<hbm>>
        %dma_start3A_158 = arith.constant 0 : i32
        %dma_start3A_159 = tpu.memref_slice %arg3[%sub3A_155, %dma_start3A_158] : memref<4096x2048xf32, #tpu.memory_space<hbm>> -> memref<32x2048xf32, #tpu.memory_space<hbm>>
        tpu.enqueue_dma source(%dma_start3A_159 : memref<32x2048xf32, #tpu.memory_space<hbm>>) target(%arg7 : memref<32x2048xf32, #tpu.memory_space<vmem>>) target_semaphore(%run_scoped3A : memref<!tpu.dma_semaphore, #tpu.memory_space<semaphore_mem>>)
        %dma_wait3A_160 = arith.constant 0 : i32
        %dma_wait3A_161 = tpu.memref_slice %arg3[%sub3A_155, %dma_wait3A_160] : memref<4096x2048xf32, #tpu.memory_space<hbm>> -> memref<32x2048xf32, #tpu.memory_space<hbm>>
        %dma_wait3A_162 = arith.constant 0 : i32
        %dma_wait3A_163 = tpu.memref_slice %arg3[%sub3A_155, %dma_wait3A_162] : memref<4096x2048xf32, #tpu.memory_space<hbm>> -> memref<32x2048xf32, #tpu.memory_space<hbm>>
        tpu.wait_dma2 semaphore(%run_scoped3A : memref<!tpu.dma_semaphore, #tpu.memory_space<semaphore_mem>>) src(%dma_wait3A_163 : memref<32x2048xf32, #tpu.memory_space<hbm>>) dst(%arg7 : memref<32x2048xf32, #tpu.memory_space<vmem>>)
        tpu.yield
      }) : () -> ()
    } else {
    }
    %dma_start3A_49 = arith.constant 0 : i32
    %dma_start3A_50 = arith.constant 0 : i32
    %dma_start3A_51 = tpu.memref_slice %arg5[%dma_start3A_49, %dma_start3A_50] : memref<10240x2048xf32, #tpu.memory_space<hbm>> -> memref<10240x2048xf32, #tpu.memory_space<hbm>>
    tpu.enqueue_indirect_dma source(%arg7 : memref<32x2048xf32, #tpu.memory_space<vmem>>) target(%dma_start3A_51 : memref<10240x2048xf32, #tpu.memory_space<hbm>>) offsets(%arg6 : memref<32xi32, #tpu.memory_space<vmem>>) semaphore(%arg8 : memref<!tpu.dma_semaphore, #tpu.memory_space<semaphore_mem>>)
    %dma_wait3A_52 = arith.constant 0 : i32
    %dma_wait3A_53 = arith.constant 0 : i32
    %dma_wait3A_54 = tpu.memref_slice %arg5[%dma_wait3A_52, %dma_wait3A_53] : memref<10240x2048xf32, #tpu.memory_space<hbm>> -> memref<10240x2048xf32, #tpu.memory_space<hbm>>
    tpu.wait_indirect_dma semaphore(%arg8 : memref<!tpu.dma_semaphore, #tpu.memory_space<semaphore_mem>>) src(%arg7 : memref<32x2048xf32, #tpu.memory_space<vmem>>) dst(%dma_wait3A_54 : memref<10240x2048xf32, #tpu.memory_space<hbm>>)
    %mul3A_55 = arith.constant 256 : i32
    %mul3A_56 = arith.muli %add3A, %mul3A_55 : i32
    %add3A_57 = arith.constant 96 : i32
    %add3A_58 = arith.addi %mul3A_56, %add3A_57 : i32
    "tpu.region"() ({
      %run_scoped3A = tpu.sem_alloc : memref<!tpu.dma_semaphore, #tpu.memory_space<semaphore_mem>>
      %dma_start3A_155 = tpu.memref_slice %arg4[%add3A_58] : memref<8192xi32, #tpu.memory_space<hbm>> -> memref<32xi32, #tpu.memory_space<hbm>>
      %dma_start3A_156 = tpu.memref_slice %arg4[%add3A_58] : memref<8192xi32, #tpu.memory_space<hbm>> -> memref<32xi32, #tpu.memory_space<hbm>>
      tpu.enqueue_dma source(%dma_start3A_156 : memref<32xi32, #tpu.memory_space<hbm>>) target(%arg6 : memref<32xi32, #tpu.memory_space<vmem>>) target_semaphore(%run_scoped3A : memref<!tpu.dma_semaphore, #tpu.memory_space<semaphore_mem>>)
      %dma_wait3A_157 = tpu.memref_slice %arg4[%add3A_58] : memref<8192xi32, #tpu.memory_space<hbm>> -> memref<32xi32, #tpu.memory_space<hbm>>
      %dma_wait3A_158 = tpu.memref_slice %arg4[%add3A_58] : memref<8192xi32, #tpu.memory_space<hbm>> -> memref<32xi32, #tpu.memory_space<hbm>>
      tpu.wait_dma2 semaphore(%run_scoped3A : memref<!tpu.dma_semaphore, #tpu.memory_space<semaphore_mem>>) src(%dma_wait3A_158 : memref<32xi32, #tpu.memory_space<hbm>>) dst(%arg6 : memref<32xi32, #tpu.memory_space<vmem>>)
      tpu.yield
    }) : () -> ()
    %lt3A_59 = arith.constant 4096 : i32
    %lt3A_60 = arith.cmpi slt, %add3A_58, %lt3A_59 : i32
    %convert_element_type3A_61 = arith.extui %lt3A_60 : i1 to i32
    %cond3A_62 = arith.constant 0 : i32
    %cond3A_63 = arith.cmpi ne, %convert_element_type3A_61, %cond3A_62 : i32
    scf.if %cond3A_63 {
      "tpu.region"() ({
        %run_scoped3A = tpu.sem_alloc : memref<!tpu.dma_semaphore, #tpu.memory_space<semaphore_mem>>
        %dma_start3A_155 = arith.constant 0 : i32
        %dma_start3A_156 = tpu.memref_slice %arg2[%add3A_58, %dma_start3A_155] : memref<4096x2048xf32, #tpu.memory_space<hbm>> -> memref<32x2048xf32, #tpu.memory_space<hbm>>
        %dma_start3A_157 = arith.constant 0 : i32
        %dma_start3A_158 = tpu.memref_slice %arg2[%add3A_58, %dma_start3A_157] : memref<4096x2048xf32, #tpu.memory_space<hbm>> -> memref<32x2048xf32, #tpu.memory_space<hbm>>
        tpu.enqueue_dma source(%dma_start3A_158 : memref<32x2048xf32, #tpu.memory_space<hbm>>) target(%arg7 : memref<32x2048xf32, #tpu.memory_space<vmem>>) target_semaphore(%run_scoped3A : memref<!tpu.dma_semaphore, #tpu.memory_space<semaphore_mem>>)
        %dma_wait3A_159 = arith.constant 0 : i32
        %dma_wait3A_160 = tpu.memref_slice %arg2[%add3A_58, %dma_wait3A_159] : memref<4096x2048xf32, #tpu.memory_space<hbm>> -> memref<32x2048xf32, #tpu.memory_space<hbm>>
        %dma_wait3A_161 = arith.constant 0 : i32
        %dma_wait3A_162 = tpu.memref_slice %arg2[%add3A_58, %dma_wait3A_161] : memref<4096x2048xf32, #tpu.memory_space<hbm>> -> memref<32x2048xf32, #tpu.memory_space<hbm>>
        tpu.wait_dma2 semaphore(%run_scoped3A : memref<!tpu.dma_semaphore, #tpu.memory_space<semaphore_mem>>) src(%dma_wait3A_162 : memref<32x2048xf32, #tpu.memory_space<hbm>>) dst(%arg7 : memref<32x2048xf32, #tpu.memory_space<vmem>>)
        tpu.yield
      }) : () -> ()
    } else {
    }
    %ge3A_64 = arith.constant 4096 : i32
    %ge3A_65 = arith.cmpi sge, %add3A_58, %ge3A_64 : i32
    %convert_element_type3A_66 = arith.extui %ge3A_65 : i1 to i32
    %cond3A_67 = arith.constant 0 : i32
    %cond3A_68 = arith.cmpi ne, %convert_element_type3A_66, %cond3A_67 : i32
    scf.if %cond3A_68 {
      %sub3A = arith.constant 4096 : i32
      %sub3A_155 = arith.subi %add3A_58, %sub3A : i32
      "tpu.region"() ({
        %run_scoped3A = tpu.sem_alloc : memref<!tpu.dma_semaphore, #tpu.memory_space<semaphore_mem>>
        %dma_start3A_156 = arith.constant 0 : i32
        %dma_start3A_157 = tpu.memref_slice %arg3[%sub3A_155, %dma_start3A_156] : memref<4096x2048xf32, #tpu.memory_space<hbm>> -> memref<32x2048xf32, #tpu.memory_space<hbm>>
        %dma_start3A_158 = arith.constant 0 : i32
        %dma_start3A_159 = tpu.memref_slice %arg3[%sub3A_155, %dma_start3A_158] : memref<4096x2048xf32, #tpu.memory_space<hbm>> -> memref<32x2048xf32, #tpu.memory_space<hbm>>
        tpu.enqueue_dma source(%dma_start3A_159 : memref<32x2048xf32, #tpu.memory_space<hbm>>) target(%arg7 : memref<32x2048xf32, #tpu.memory_space<vmem>>) target_semaphore(%run_scoped3A : memref<!tpu.dma_semaphore, #tpu.memory_space<semaphore_mem>>)
        %dma_wait3A_160 = arith.constant 0 : i32
        %dma_wait3A_161 = tpu.memref_slice %arg3[%sub3A_155, %dma_wait3A_160] : memref<4096x2048xf32, #tpu.memory_space<hbm>> -> memref<32x2048xf32, #tpu.memory_space<hbm>>
        %dma_wait3A_162 = arith.constant 0 : i32
        %dma_wait3A_163 = tpu.memref_slice %arg3[%sub3A_155, %dma_wait3A_162] : memref<4096x2048xf32, #tpu.memory_space<hbm>> -> memref<32x2048xf32, #tpu.memory_space<hbm>>
        tpu.wait_dma2 semaphore(%run_scoped3A : memref<!tpu.dma_semaphore, #tpu.memory_space<semaphore_mem>>) src(%dma_wait3A_163 : memref<32x2048xf32, #tpu.memory_space<hbm>>) dst(%arg7 : memref<32x2048xf32, #tpu.memory_space<vmem>>)
        tpu.yield
      }) : () -> ()
    } else {
    }
    %dma_start3A_69 = arith.constant 0 : i32
    %dma_start3A_70 = arith.constant 0 : i32
    %dma_start3A_71 = tpu.memref_slice %arg5[%dma_start3A_69, %dma_start3A_70] : memref<10240x2048xf32, #tpu.memory_space<hbm>> -> memref<10240x2048xf32, #tpu.memory_space<hbm>>
    tpu.enqueue_indirect_dma source(%arg7 : memref<32x2048xf32, #tpu.memory_space<vmem>>) target(%dma_start3A_71 : memref<10240x2048xf32, #tpu.memory_space<hbm>>) offsets(%arg6 : memref<32xi32, #tpu.memory_space<vmem>>) semaphore(%arg8 : memref<!tpu.dma_semaphore, #tpu.memory_space<semaphore_mem>>)
    %dma_wait3A_72 = arith.constant 0 : i32
    %dma_wait3A_73 = arith.constant 0 : i32
    %dma_wait3A_74 = tpu.memref_slice %arg5[%dma_wait3A_72, %dma_wait3A_73] : memref<10240x2048xf32, #tpu.memory_space<hbm>> -> memref<10240x2048xf32, #tpu.memory_space<hbm>>
    tpu.wait_indirect_dma semaphore(%arg8 : memref<!tpu.dma_semaphore, #tpu.memory_space<semaphore_mem>>) src(%arg7 : memref<32x2048xf32, #tpu.memory_space<vmem>>) dst(%dma_wait3A_74 : memref<10240x2048xf32, #tpu.memory_space<hbm>>)
    %mul3A_75 = arith.constant 256 : i32
    %mul3A_76 = arith.muli %add3A, %mul3A_75 : i32
    %add3A_77 = arith.constant 128 : i32
    %add3A_78 = arith.addi %mul3A_76, %add3A_77 : i32
    "tpu.region"() ({
      %run_scoped3A = tpu.sem_alloc : memref<!tpu.dma_semaphore, #tpu.memory_space<semaphore_mem>>
      %dma_start3A_155 = tpu.memref_slice %arg4[%add3A_78] : memref<8192xi32, #tpu.memory_space<hbm>> -> memref<32xi32, #tpu.memory_space<hbm>>
      %dma_start3A_156 = tpu.memref_slice %arg4[%add3A_78] : memref<8192xi32, #tpu.memory_space<hbm>> -> memref<32xi32, #tpu.memory_space<hbm>>
      tpu.enqueue_dma source(%dma_start3A_156 : memref<32xi32, #tpu.memory_space<hbm>>) target(%arg6 : memref<32xi32, #tpu.memory_space<vmem>>) target_semaphore(%run_scoped3A : memref<!tpu.dma_semaphore, #tpu.memory_space<semaphore_mem>>)
      %dma_wait3A_157 = tpu.memref_slice %arg4[%add3A_78] : memref<8192xi32, #tpu.memory_space<hbm>> -> memref<32xi32, #tpu.memory_space<hbm>>
      %dma_wait3A_158 = tpu.memref_slice %arg4[%add3A_78] : memref<8192xi32, #tpu.memory_space<hbm>> -> memref<32xi32, #tpu.memory_space<hbm>>
      tpu.wait_dma2 semaphore(%run_scoped3A : memref<!tpu.dma_semaphore, #tpu.memory_space<semaphore_mem>>) src(%dma_wait3A_158 : memref<32xi32, #tpu.memory_space<hbm>>) dst(%arg6 : memref<32xi32, #tpu.memory_space<vmem>>)
      tpu.yield
    }) : () -> ()
    %lt3A_79 = arith.constant 4096 : i32
    %lt3A_80 = arith.cmpi slt, %add3A_78, %lt3A_79 : i32
    %convert_element_type3A_81 = arith.extui %lt3A_80 : i1 to i32
    %cond3A_82 = arith.constant 0 : i32
    %cond3A_83 = arith.cmpi ne, %convert_element_type3A_81, %cond3A_82 : i32
    scf.if %cond3A_83 {
      "tpu.region"() ({
        %run_scoped3A = tpu.sem_alloc : memref<!tpu.dma_semaphore, #tpu.memory_space<semaphore_mem>>
        %dma_start3A_155 = arith.constant 0 : i32
        %dma_start3A_156 = tpu.memref_slice %arg2[%add3A_78, %dma_start3A_155] : memref<4096x2048xf32, #tpu.memory_space<hbm>> -> memref<32x2048xf32, #tpu.memory_space<hbm>>
        %dma_start3A_157 = arith.constant 0 : i32
        %dma_start3A_158 = tpu.memref_slice %arg2[%add3A_78, %dma_start3A_157] : memref<4096x2048xf32, #tpu.memory_space<hbm>> -> memref<32x2048xf32, #tpu.memory_space<hbm>>
        tpu.enqueue_dma source(%dma_start3A_158 : memref<32x2048xf32, #tpu.memory_space<hbm>>) target(%arg7 : memref<32x2048xf32, #tpu.memory_space<vmem>>) target_semaphore(%run_scoped3A : memref<!tpu.dma_semaphore, #tpu.memory_space<semaphore_mem>>)
        %dma_wait3A_159 = arith.constant 0 : i32
        %dma_wait3A_160 = tpu.memref_slice %arg2[%add3A_78, %dma_wait3A_159] : memref<4096x2048xf32, #tpu.memory_space<hbm>> -> memref<32x2048xf32, #tpu.memory_space<hbm>>
        %dma_wait3A_161 = arith.constant 0 : i32
        %dma_wait3A_162 = tpu.memref_slice %arg2[%add3A_78, %dma_wait3A_161] : memref<4096x2048xf32, #tpu.memory_space<hbm>> -> memref<32x2048xf32, #tpu.memory_space<hbm>>
        tpu.wait_dma2 semaphore(%run_scoped3A : memref<!tpu.dma_semaphore, #tpu.memory_space<semaphore_mem>>) src(%dma_wait3A_162 : memref<32x2048xf32, #tpu.memory_space<hbm>>) dst(%arg7 : memref<32x2048xf32, #tpu.memory_space<vmem>>)
        tpu.yield
      }) : () -> ()
    } else {
    }
    %ge3A_84 = arith.constant 4096 : i32
    %ge3A_85 = arith.cmpi sge, %add3A_78, %ge3A_84 : i32
    %convert_element_type3A_86 = arith.extui %ge3A_85 : i1 to i32
    %cond3A_87 = arith.constant 0 : i32
    %cond3A_88 = arith.cmpi ne, %convert_element_type3A_86, %cond3A_87 : i32
    scf.if %cond3A_88 {
      %sub3A = arith.constant 4096 : i32
      %sub3A_155 = arith.subi %add3A_78, %sub3A : i32
      "tpu.region"() ({
        %run_scoped3A = tpu.sem_alloc : memref<!tpu.dma_semaphore, #tpu.memory_space<semaphore_mem>>
        %dma_start3A_156 = arith.constant 0 : i32
        %dma_start3A_157 = tpu.memref_slice %arg3[%sub3A_155, %dma_start3A_156] : memref<4096x2048xf32, #tpu.memory_space<hbm>> -> memref<32x2048xf32, #tpu.memory_space<hbm>>
        %dma_start3A_158 = arith.constant 0 : i32
        %dma_start3A_159 = tpu.memref_slice %arg3[%sub3A_155, %dma_start3A_158] : memref<4096x2048xf32, #tpu.memory_space<hbm>> -> memref<32x2048xf32, #tpu.memory_space<hbm>>
        tpu.enqueue_dma source(%dma_start3A_159 : memref<32x2048xf32, #tpu.memory_space<hbm>>) target(%arg7 : memref<32x2048xf32, #tpu.memory_space<vmem>>) target_semaphore(%run_scoped3A : memref<!tpu.dma_semaphore, #tpu.memory_space<semaphore_mem>>)
        %dma_wait3A_160 = arith.constant 0 : i32
        %dma_wait3A_161 = tpu.memref_slice %arg3[%sub3A_155, %dma_wait3A_160] : memref<4096x2048xf32, #tpu.memory_space<hbm>> -> memref<32x2048xf32, #tpu.memory_space<hbm>>
        %dma_wait3A_162 = arith.constant 0 : i32
        %dma_wait3A_163 = tpu.memref_slice %arg3[%sub3A_155, %dma_wait3A_162] : memref<4096x2048xf32, #tpu.memory_space<hbm>> -> memref<32x2048xf32, #tpu.memory_space<hbm>>
        tpu.wait_dma2 semaphore(%run_scoped3A : memref<!tpu.dma_semaphore, #tpu.memory_space<semaphore_mem>>) src(%dma_wait3A_163 : memref<32x2048xf32, #tpu.memory_space<hbm>>) dst(%arg7 : memref<32x2048xf32, #tpu.memory_space<vmem>>)
        tpu.yield
      }) : () -> ()
    } else {
    }
    %dma_start3A_89 = arith.constant 0 : i32
    %dma_start3A_90 = arith.constant 0 : i32
    %dma_start3A_91 = tpu.memref_slice %arg5[%dma_start3A_89, %dma_start3A_90] : memref<10240x2048xf32, #tpu.memory_space<hbm>> -> memref<10240x2048xf32, #tpu.memory_space<hbm>>
    tpu.enqueue_indirect_dma source(%arg7 : memref<32x2048xf32, #tpu.memory_space<vmem>>) target(%dma_start3A_91 : memref<10240x2048xf32, #tpu.memory_space<hbm>>) offsets(%arg6 : memref<32xi32, #tpu.memory_space<vmem>>) semaphore(%arg8 : memref<!tpu.dma_semaphore, #tpu.memory_space<semaphore_mem>>)
    %dma_wait3A_92 = arith.constant 0 : i32
    %dma_wait3A_93 = arith.constant 0 : i32
    %dma_wait3A_94 = tpu.memref_slice %arg5[%dma_wait3A_92, %dma_wait3A_93] : memref<10240x2048xf32, #tpu.memory_space<hbm>> -> memref<10240x2048xf32, #tpu.memory_space<hbm>>
    tpu.wait_indirect_dma semaphore(%arg8 : memref<!tpu.dma_semaphore, #tpu.memory_space<semaphore_mem>>) src(%arg7 : memref<32x2048xf32, #tpu.memory_space<vmem>>) dst(%dma_wait3A_94 : memref<10240x2048xf32, #tpu.memory_space<hbm>>)
    %mul3A_95 = arith.constant 256 : i32
    %mul3A_96 = arith.muli %add3A, %mul3A_95 : i32
    %add3A_97 = arith.constant 160 : i32
    %add3A_98 = arith.addi %mul3A_96, %add3A_97 : i32
    "tpu.region"() ({
      %run_scoped3A = tpu.sem_alloc : memref<!tpu.dma_semaphore, #tpu.memory_space<semaphore_mem>>
      %dma_start3A_155 = tpu.memref_slice %arg4[%add3A_98] : memref<8192xi32, #tpu.memory_space<hbm>> -> memref<32xi32, #tpu.memory_space<hbm>>
      %dma_start3A_156 = tpu.memref_slice %arg4[%add3A_98] : memref<8192xi32, #tpu.memory_space<hbm>> -> memref<32xi32, #tpu.memory_space<hbm>>
      tpu.enqueue_dma source(%dma_start3A_156 : memref<32xi32, #tpu.memory_space<hbm>>) target(%arg6 : memref<32xi32, #tpu.memory_space<vmem>>) target_semaphore(%run_scoped3A : memref<!tpu.dma_semaphore, #tpu.memory_space<semaphore_mem>>)
      %dma_wait3A_157 = tpu.memref_slice %arg4[%add3A_98] : memref<8192xi32, #tpu.memory_space<hbm>> -> memref<32xi32, #tpu.memory_space<hbm>>
      %dma_wait3A_158 = tpu.memref_slice %arg4[%add3A_98] : memref<8192xi32, #tpu.memory_space<hbm>> -> memref<32xi32, #tpu.memory_space<hbm>>
      tpu.wait_dma2 semaphore(%run_scoped3A : memref<!tpu.dma_semaphore, #tpu.memory_space<semaphore_mem>>) src(%dma_wait3A_158 : memref<32xi32, #tpu.memory_space<hbm>>) dst(%arg6 : memref<32xi32, #tpu.memory_space<vmem>>)
      tpu.yield
    }) : () -> ()
    %lt3A_99 = arith.constant 4096 : i32
    %lt3A_100 = arith.cmpi slt, %add3A_98, %lt3A_99 : i32
    %convert_element_type3A_101 = arith.extui %lt3A_100 : i1 to i32
    %cond3A_102 = arith.constant 0 : i32
    %cond3A_103 = arith.cmpi ne, %convert_element_type3A_101, %cond3A_102 : i32
    scf.if %cond3A_103 {
      "tpu.region"() ({
        %run_scoped3A = tpu.sem_alloc : memref<!tpu.dma_semaphore, #tpu.memory_space<semaphore_mem>>
        %dma_start3A_155 = arith.constant 0 : i32
        %dma_start3A_156 = tpu.memref_slice %arg2[%add3A_98, %dma_start3A_155] : memref<4096x2048xf32, #tpu.memory_space<hbm>> -> memref<32x2048xf32, #tpu.memory_space<hbm>>
        %dma_start3A_157 = arith.constant 0 : i32
        %dma_start3A_158 = tpu.memref_slice %arg2[%add3A_98, %dma_start3A_157] : memref<4096x2048xf32, #tpu.memory_space<hbm>> -> memref<32x2048xf32, #tpu.memory_space<hbm>>
        tpu.enqueue_dma source(%dma_start3A_158 : memref<32x2048xf32, #tpu.memory_space<hbm>>) target(%arg7 : memref<32x2048xf32, #tpu.memory_space<vmem>>) target_semaphore(%run_scoped3A : memref<!tpu.dma_semaphore, #tpu.memory_space<semaphore_mem>>)
        %dma_wait3A_159 = arith.constant 0 : i32
        %dma_wait3A_160 = tpu.memref_slice %arg2[%add3A_98, %dma_wait3A_159] : memref<4096x2048xf32, #tpu.memory_space<hbm>> -> memref<32x2048xf32, #tpu.memory_space<hbm>>
        %dma_wait3A_161 = arith.constant 0 : i32
        %dma_wait3A_162 = tpu.memref_slice %arg2[%add3A_98, %dma_wait3A_161] : memref<4096x2048xf32, #tpu.memory_space<hbm>> -> memref<32x2048xf32, #tpu.memory_space<hbm>>
        tpu.wait_dma2 semaphore(%run_scoped3A : memref<!tpu.dma_semaphore, #tpu.memory_space<semaphore_mem>>) src(%dma_wait3A_162 : memref<32x2048xf32, #tpu.memory_space<hbm>>) dst(%arg7 : memref<32x2048xf32, #tpu.memory_space<vmem>>)
        tpu.yield
      }) : () -> ()
    } else {
    }
    %ge3A_104 = arith.constant 4096 : i32
    %ge3A_105 = arith.cmpi sge, %add3A_98, %ge3A_104 : i32
    %convert_element_type3A_106 = arith.extui %ge3A_105 : i1 to i32
    %cond3A_107 = arith.constant 0 : i32
    %cond3A_108 = arith.cmpi ne, %convert_element_type3A_106, %cond3A_107 : i32
    scf.if %cond3A_108 {
      %sub3A = arith.constant 4096 : i32
      %sub3A_155 = arith.subi %add3A_98, %sub3A : i32
      "tpu.region"() ({
        %run_scoped3A = tpu.sem_alloc : memref<!tpu.dma_semaphore, #tpu.memory_space<semaphore_mem>>
        %dma_start3A_156 = arith.constant 0 : i32
        %dma_start3A_157 = tpu.memref_slice %arg3[%sub3A_155, %dma_start3A_156] : memref<4096x2048xf32, #tpu.memory_space<hbm>> -> memref<32x2048xf32, #tpu.memory_space<hbm>>
        %dma_start3A_158 = arith.constant 0 : i32
        %dma_start3A_159 = tpu.memref_slice %arg3[%sub3A_155, %dma_start3A_158] : memref<4096x2048xf32, #tpu.memory_space<hbm>> -> memref<32x2048xf32, #tpu.memory_space<hbm>>
        tpu.enqueue_dma source(%dma_start3A_159 : memref<32x2048xf32, #tpu.memory_space<hbm>>) target(%arg7 : memref<32x2048xf32, #tpu.memory_space<vmem>>) target_semaphore(%run_scoped3A : memref<!tpu.dma_semaphore, #tpu.memory_space<semaphore_mem>>)
        %dma_wait3A_160 = arith.constant 0 : i32
        %dma_wait3A_161 = tpu.memref_slice %arg3[%sub3A_155, %dma_wait3A_160] : memref<4096x2048xf32, #tpu.memory_space<hbm>> -> memref<32x2048xf32, #tpu.memory_space<hbm>>
        %dma_wait3A_162 = arith.constant 0 : i32
        %dma_wait3A_163 = tpu.memref_slice %arg3[%sub3A_155, %dma_wait3A_162] : memref<4096x2048xf32, #tpu.memory_space<hbm>> -> memref<32x2048xf32, #tpu.memory_space<hbm>>
        tpu.wait_dma2 semaphore(%run_scoped3A : memref<!tpu.dma_semaphore, #tpu.memory_space<semaphore_mem>>) src(%dma_wait3A_163 : memref<32x2048xf32, #tpu.memory_space<hbm>>) dst(%arg7 : memref<32x2048xf32, #tpu.memory_space<vmem>>)
        tpu.yield
      }) : () -> ()
    } else {
    }
    %dma_start3A_109 = arith.constant 0 : i32
    %dma_start3A_110 = arith.constant 0 : i32
    %dma_start3A_111 = tpu.memref_slice %arg5[%dma_start3A_109, %dma_start3A_110] : memref<10240x2048xf32, #tpu.memory_space<hbm>> -> memref<10240x2048xf32, #tpu.memory_space<hbm>>
    tpu.enqueue_indirect_dma source(%arg7 : memref<32x2048xf32, #tpu.memory_space<vmem>>) target(%dma_start3A_111 : memref<10240x2048xf32, #tpu.memory_space<hbm>>) offsets(%arg6 : memref<32xi32, #tpu.memory_space<vmem>>) semaphore(%arg8 : memref<!tpu.dma_semaphore, #tpu.memory_space<semaphore_mem>>)
    %dma_wait3A_112 = arith.constant 0 : i32
    %dma_wait3A_113 = arith.constant 0 : i32
    %dma_wait3A_114 = tpu.memref_slice %arg5[%dma_wait3A_112, %dma_wait3A_113] : memref<10240x2048xf32, #tpu.memory_space<hbm>> -> memref<10240x2048xf32, #tpu.memory_space<hbm>>
    tpu.wait_indirect_dma semaphore(%arg8 : memref<!tpu.dma_semaphore, #tpu.memory_space<semaphore_mem>>) src(%arg7 : memref<32x2048xf32, #tpu.memory_space<vmem>>) dst(%dma_wait3A_114 : memref<10240x2048xf32, #tpu.memory_space<hbm>>)
    %mul3A_115 = arith.constant 256 : i32
    %mul3A_116 = arith.muli %add3A, %mul3A_115 : i32
    %add3A_117 = arith.constant 192 : i32
    %add3A_118 = arith.addi %mul3A_116, %add3A_117 : i32
    "tpu.region"() ({
      %run_scoped3A = tpu.sem_alloc : memref<!tpu.dma_semaphore, #tpu.memory_space<semaphore_mem>>
      %dma_start3A_155 = tpu.memref_slice %arg4[%add3A_118] : memref<8192xi32, #tpu.memory_space<hbm>> -> memref<32xi32, #tpu.memory_space<hbm>>
      %dma_start3A_156 = tpu.memref_slice %arg4[%add3A_118] : memref<8192xi32, #tpu.memory_space<hbm>> -> memref<32xi32, #tpu.memory_space<hbm>>
      tpu.enqueue_dma source(%dma_start3A_156 : memref<32xi32, #tpu.memory_space<hbm>>) target(%arg6 : memref<32xi32, #tpu.memory_space<vmem>>) target_semaphore(%run_scoped3A : memref<!tpu.dma_semaphore, #tpu.memory_space<semaphore_mem>>)
      %dma_wait3A_157 = tpu.memref_slice %arg4[%add3A_118] : memref<8192xi32, #tpu.memory_space<hbm>> -> memref<32xi32, #tpu.memory_space<hbm>>
      %dma_wait3A_158 = tpu.memref_slice %arg4[%add3A_118] : memref<8192xi32, #tpu.memory_space<hbm>> -> memref<32xi32, #tpu.memory_space<hbm>>
      tpu.wait_dma2 semaphore(%run_scoped3A : memref<!tpu.dma_semaphore, #tpu.memory_space<semaphore_mem>>) src(%dma_wait3A_158 : memref<32xi32, #tpu.memory_space<hbm>>) dst(%arg6 : memref<32xi32, #tpu.memory_space<vmem>>)
      tpu.yield
    }) : () -> ()
    %lt3A_119 = arith.constant 4096 : i32
    %lt3A_120 = arith.cmpi slt, %add3A_118, %lt3A_119 : i32
    %convert_element_type3A_121 = arith.extui %lt3A_120 : i1 to i32
    %cond3A_122 = arith.constant 0 : i32
    %cond3A_123 = arith.cmpi ne, %convert_element_type3A_121, %cond3A_122 : i32
    scf.if %cond3A_123 {
      "tpu.region"() ({
        %run_scoped3A = tpu.sem_alloc : memref<!tpu.dma_semaphore, #tpu.memory_space<semaphore_mem>>
        %dma_start3A_155 = arith.constant 0 : i32
        %dma_start3A_156 = tpu.memref_slice %arg2[%add3A_118, %dma_start3A_155] : memref<4096x2048xf32, #tpu.memory_space<hbm>> -> memref<32x2048xf32, #tpu.memory_space<hbm>>
        %dma_start3A_157 = arith.constant 0 : i32
        %dma_start3A_158 = tpu.memref_slice %arg2[%add3A_118, %dma_start3A_157] : memref<4096x2048xf32, #tpu.memory_space<hbm>> -> memref<32x2048xf32, #tpu.memory_space<hbm>>
        tpu.enqueue_dma source(%dma_start3A_158 : memref<32x2048xf32, #tpu.memory_space<hbm>>) target(%arg7 : memref<32x2048xf32, #tpu.memory_space<vmem>>) target_semaphore(%run_scoped3A : memref<!tpu.dma_semaphore, #tpu.memory_space<semaphore_mem>>)
        %dma_wait3A_159 = arith.constant 0 : i32
        %dma_wait3A_160 = tpu.memref_slice %arg2[%add3A_118, %dma_wait3A_159] : memref<4096x2048xf32, #tpu.memory_space<hbm>> -> memref<32x2048xf32, #tpu.memory_space<hbm>>
        %dma_wait3A_161 = arith.constant 0 : i32
        %dma_wait3A_162 = tpu.memref_slice %arg2[%add3A_118, %dma_wait3A_161] : memref<4096x2048xf32, #tpu.memory_space<hbm>> -> memref<32x2048xf32, #tpu.memory_space<hbm>>
        tpu.wait_dma2 semaphore(%run_scoped3A : memref<!tpu.dma_semaphore, #tpu.memory_space<semaphore_mem>>) src(%dma_wait3A_162 : memref<32x2048xf32, #tpu.memory_space<hbm>>) dst(%arg7 : memref<32x2048xf32, #tpu.memory_space<vmem>>)
        tpu.yield
      }) : () -> ()
    } else {
    }
    %ge3A_124 = arith.constant 4096 : i32
    %ge3A_125 = arith.cmpi sge, %add3A_118, %ge3A_124 : i32
    %convert_element_type3A_126 = arith.extui %ge3A_125 : i1 to i32
    %cond3A_127 = arith.constant 0 : i32
    %cond3A_128 = arith.cmpi ne, %convert_element_type3A_126, %cond3A_127 : i32
    scf.if %cond3A_128 {
      %sub3A = arith.constant 4096 : i32
      %sub3A_155 = arith.subi %add3A_118, %sub3A : i32
      "tpu.region"() ({
        %run_scoped3A = tpu.sem_alloc : memref<!tpu.dma_semaphore, #tpu.memory_space<semaphore_mem>>
        %dma_start3A_156 = arith.constant 0 : i32
        %dma_start3A_157 = tpu.memref_slice %arg3[%sub3A_155, %dma_start3A_156] : memref<4096x2048xf32, #tpu.memory_space<hbm>> -> memref<32x2048xf32, #tpu.memory_space<hbm>>
        %dma_start3A_158 = arith.constant 0 : i32
        %dma_start3A_159 = tpu.memref_slice %arg3[%sub3A_155, %dma_start3A_158] : memref<4096x2048xf32, #tpu.memory_space<hbm>> -> memref<32x2048xf32, #tpu.memory_space<hbm>>
        tpu.enqueue_dma source(%dma_start3A_159 : memref<32x2048xf32, #tpu.memory_space<hbm>>) target(%arg7 : memref<32x2048xf32, #tpu.memory_space<vmem>>) target_semaphore(%run_scoped3A : memref<!tpu.dma_semaphore, #tpu.memory_space<semaphore_mem>>)
        %dma_wait3A_160 = arith.constant 0 : i32
        %dma_wait3A_161 = tpu.memref_slice %arg3[%sub3A_155, %dma_wait3A_160] : memref<4096x2048xf32, #tpu.memory_space<hbm>> -> memref<32x2048xf32, #tpu.memory_space<hbm>>
        %dma_wait3A_162 = arith.constant 0 : i32
        %dma_wait3A_163 = tpu.memref_slice %arg3[%sub3A_155, %dma_wait3A_162] : memref<4096x2048xf32, #tpu.memory_space<hbm>> -> memref<32x2048xf32, #tpu.memory_space<hbm>>
        tpu.wait_dma2 semaphore(%run_scoped3A : memref<!tpu.dma_semaphore, #tpu.memory_space<semaphore_mem>>) src(%dma_wait3A_163 : memref<32x2048xf32, #tpu.memory_space<hbm>>) dst(%arg7 : memref<32x2048xf32, #tpu.memory_space<vmem>>)
        tpu.yield
      }) : () -> ()
    } else {
    }
    %dma_start3A_129 = arith.constant 0 : i32
    %dma_start3A_130 = arith.constant 0 : i32
    %dma_start3A_131 = tpu.memref_slice %arg5[%dma_start3A_129, %dma_start3A_130] : memref<10240x2048xf32, #tpu.memory_space<hbm>> -> memref<10240x2048xf32, #tpu.memory_space<hbm>>
    tpu.enqueue_indirect_dma source(%arg7 : memref<32x2048xf32, #tpu.memory_space<vmem>>) target(%dma_start3A_131 : memref<10240x2048xf32, #tpu.memory_space<hbm>>) offsets(%arg6 : memref<32xi32, #tpu.memory_space<vmem>>) semaphore(%arg8 : memref<!tpu.dma_semaphore, #tpu.memory_space<semaphore_mem>>)
    %dma_wait3A_132 = arith.constant 0 : i32
    %dma_wait3A_133 = arith.constant 0 : i32
    %dma_wait3A_134 = tpu.memref_slice %arg5[%dma_wait3A_132, %dma_wait3A_133] : memref<10240x2048xf32, #tpu.memory_space<hbm>> -> memref<10240x2048xf32, #tpu.memory_space<hbm>>
    tpu.wait_indirect_dma semaphore(%arg8 : memref<!tpu.dma_semaphore, #tpu.memory_space<semaphore_mem>>) src(%arg7 : memref<32x2048xf32, #tpu.memory_space<vmem>>) dst(%dma_wait3A_134 : memref<10240x2048xf32, #tpu.memory_space<hbm>>)
    %mul3A_135 = arith.constant 256 : i32
    %mul3A_136 = arith.muli %add3A, %mul3A_135 : i32
    %add3A_137 = arith.constant 224 : i32
    %add3A_138 = arith.addi %mul3A_136, %add3A_137 : i32
    "tpu.region"() ({
      %run_scoped3A = tpu.sem_alloc : memref<!tpu.dma_semaphore, #tpu.memory_space<semaphore_mem>>
      %dma_start3A_155 = tpu.memref_slice %arg4[%add3A_138] : memref<8192xi32, #tpu.memory_space<hbm>> -> memref<32xi32, #tpu.memory_space<hbm>>
      %dma_start3A_156 = tpu.memref_slice %arg4[%add3A_138] : memref<8192xi32, #tpu.memory_space<hbm>> -> memref<32xi32, #tpu.memory_space<hbm>>
      tpu.enqueue_dma source(%dma_start3A_156 : memref<32xi32, #tpu.memory_space<hbm>>) target(%arg6 : memref<32xi32, #tpu.memory_space<vmem>>) target_semaphore(%run_scoped3A : memref<!tpu.dma_semaphore, #tpu.memory_space<semaphore_mem>>)
      %dma_wait3A_157 = tpu.memref_slice %arg4[%add3A_138] : memref<8192xi32, #tpu.memory_space<hbm>> -> memref<32xi32, #tpu.memory_space<hbm>>
      %dma_wait3A_158 = tpu.memref_slice %arg4[%add3A_138] : memref<8192xi32, #tpu.memory_space<hbm>> -> memref<32xi32, #tpu.memory_space<hbm>>
      tpu.wait_dma2 semaphore(%run_scoped3A : memref<!tpu.dma_semaphore, #tpu.memory_space<semaphore_mem>>) src(%dma_wait3A_158 : memref<32xi32, #tpu.memory_space<hbm>>) dst(%arg6 : memref<32xi32, #tpu.memory_space<vmem>>)
      tpu.yield
    }) : () -> ()
    %lt3A_139 = arith.constant 4096 : i32
    %lt3A_140 = arith.cmpi slt, %add3A_138, %lt3A_139 : i32
    %convert_element_type3A_141 = arith.extui %lt3A_140 : i1 to i32
    %cond3A_142 = arith.constant 0 : i32
    %cond3A_143 = arith.cmpi ne, %convert_element_type3A_141, %cond3A_142 : i32
    scf.if %cond3A_143 {
      "tpu.region"() ({
        %run_scoped3A = tpu.sem_alloc : memref<!tpu.dma_semaphore, #tpu.memory_space<semaphore_mem>>
        %dma_start3A_155 = arith.constant 0 : i32
        %dma_start3A_156 = tpu.memref_slice %arg2[%add3A_138, %dma_start3A_155] : memref<4096x2048xf32, #tpu.memory_space<hbm>> -> memref<32x2048xf32, #tpu.memory_space<hbm>>
        %dma_start3A_157 = arith.constant 0 : i32
        %dma_start3A_158 = tpu.memref_slice %arg2[%add3A_138, %dma_start3A_157] : memref<4096x2048xf32, #tpu.memory_space<hbm>> -> memref<32x2048xf32, #tpu.memory_space<hbm>>
        tpu.enqueue_dma source(%dma_start3A_158 : memref<32x2048xf32, #tpu.memory_space<hbm>>) target(%arg7 : memref<32x2048xf32, #tpu.memory_space<vmem>>) target_semaphore(%run_scoped3A : memref<!tpu.dma_semaphore, #tpu.memory_space<semaphore_mem>>)
        %dma_wait3A_159 = arith.constant 0 : i32
        %dma_wait3A_160 = tpu.memref_slice %arg2[%add3A_138, %dma_wait3A_159] : memref<4096x2048xf32, #tpu.memory_space<hbm>> -> memref<32x2048xf32, #tpu.memory_space<hbm>>
        %dma_wait3A_161 = arith.constant 0 : i32
        %dma_wait3A_162 = tpu.memref_slice %arg2[%add3A_138, %dma_wait3A_161] : memref<4096x2048xf32, #tpu.memory_space<hbm>> -> memref<32x2048xf32, #tpu.memory_space<hbm>>
        tpu.wait_dma2 semaphore(%run_scoped3A : memref<!tpu.dma_semaphore, #tpu.memory_space<semaphore_mem>>) src(%dma_wait3A_162 : memref<32x2048xf32, #tpu.memory_space<hbm>>) dst(%arg7 : memref<32x2048xf32, #tpu.memory_space<vmem>>)
        tpu.yield
      }) : () -> ()
    } else {
    }
    %ge3A_144 = arith.constant 4096 : i32
    %ge3A_145 = arith.cmpi sge, %add3A_138, %ge3A_144 : i32
    %convert_element_type3A_146 = arith.extui %ge3A_145 : i1 to i32
    %cond3A_147 = arith.constant 0 : i32
    %cond3A_148 = arith.cmpi ne, %convert_element_type3A_146, %cond3A_147 : i32
    scf.if %cond3A_148 {
      %sub3A = arith.constant 4096 : i32
      %sub3A_155 = arith.subi %add3A_138, %sub3A : i32
      "tpu.region"() ({
        %run_scoped3A = tpu.sem_alloc : memref<!tpu.dma_semaphore, #tpu.memory_space<semaphore_mem>>
        %dma_start3A_156 = arith.constant 0 : i32
        %dma_start3A_157 = tpu.memref_slice %arg3[%sub3A_155, %dma_start3A_156] : memref<4096x2048xf32, #tpu.memory_space<hbm>> -> memref<32x2048xf32, #tpu.memory_space<hbm>>
        %dma_start3A_158 = arith.constant 0 : i32
        %dma_start3A_159 = tpu.memref_slice %arg3[%sub3A_155, %dma_start3A_158] : memref<4096x2048xf32, #tpu.memory_space<hbm>> -> memref<32x2048xf32, #tpu.memory_space<hbm>>
        tpu.enqueue_dma source(%dma_start3A_159 : memref<32x2048xf32, #tpu.memory_space<hbm>>) target(%arg7 : memref<32x2048xf32, #tpu.memory_space<vmem>>) target_semaphore(%run_scoped3A : memref<!tpu.dma_semaphore, #tpu.memory_space<semaphore_mem>>)
        %dma_wait3A_160 = arith.constant 0 : i32
        %dma_wait3A_161 = tpu.memref_slice %arg3[%sub3A_155, %dma_wait3A_160] : memref<4096x2048xf32, #tpu.memory_space<hbm>> -> memref<32x2048xf32, #tpu.memory_space<hbm>>
        %dma_wait3A_162 = arith.constant 0 : i32
        %dma_wait3A_163 = tpu.memref_slice %arg3[%sub3A_155, %dma_wait3A_162] : memref<4096x2048xf32, #tpu.memory_space<hbm>> -> memref<32x2048xf32, #tpu.memory_space<hbm>>
        tpu.wait_dma2 semaphore(%run_scoped3A : memref<!tpu.dma_semaphore, #tpu.memory_space<semaphore_mem>>) src(%dma_wait3A_163 : memref<32x2048xf32, #tpu.memory_space<hbm>>) dst(%arg7 : memref<32x2048xf32, #tpu.memory_space<vmem>>)
        tpu.yield
      }) : () -> ()
    } else {
    }
    %dma_start3A_149 = arith.constant 0 : i32
    %dma_start3A_150 = arith.constant 0 : i32
    %dma_start3A_151 = tpu.memref_slice %arg5[%dma_start3A_149, %dma_start3A_150] : memref<10240x2048xf32, #tpu.memory_space<hbm>> -> memref<10240x2048xf32, #tpu.memory_space<hbm>>
    tpu.enqueue_indirect_dma source(%arg7 : memref<32x2048xf32, #tpu.memory_space<vmem>>) target(%dma_start3A_151 : memref<10240x2048xf32, #tpu.memory_space<hbm>>) offsets(%arg6 : memref<32xi32, #tpu.memory_space<vmem>>) semaphore(%arg8 : memref<!tpu.dma_semaphore, #tpu.memory_space<semaphore_mem>>)
    %dma_wait3A_152 = arith.constant 0 : i32
    %dma_wait3A_153 = arith.constant 0 : i32
    %dma_wait3A_154 = tpu.memref_slice %arg5[%dma_wait3A_152, %dma_wait3A_153] : memref<10240x2048xf32, #tpu.memory_space<hbm>> -> memref<10240x2048xf32, #tpu.memory_space<hbm>>
    tpu.wait_indirect_dma semaphore(%arg8 : memref<!tpu.dma_semaphore, #tpu.memory_space<semaphore_mem>>) src(%arg7 : memref<32x2048xf32, #tpu.memory_space<vmem>>) dst(%dma_wait3A_154 : memref<10240x2048xf32, #tpu.memory_space<hbm>>)
    return
  }
}

#map = affine_map<(d0, d1) -> (0, 0)>
#map1 = affine_map<(d0, d1) -> (0)>
module attributes {stable_mosaic.version = 14 : i64} {
  func.func @gk(%arg0: i32, %arg1: i32, %arg2: memref<10240x2048xf32, #tpu.memory_space<hbm>>, %arg3: memref<8192xi32, #tpu.memory_space<hbm>>, %arg4: memref<8192x2048xf32, #tpu.memory_space<hbm>>, %arg5: memref<32xi32, #tpu.memory_space<vmem>>, %arg6: memref<32x2048xf32, #tpu.memory_space<vmem>>, %arg7: memref<!tpu.dma_semaphore, #tpu.memory_space<semaphore_mem>>) attributes {dimension_semantics = [#tpu.dimension_semantics<core_parallel>, #tpu.dimension_semantics<subcore_parallel>], iteration_bounds = array<i64: 2, 16>, scalar_prefetch = 0 : i64, scratch_operands = 3 : i64, tpu.core_type = #tpu.core_type<sc_vector_subcore>, window_params = [{transform_indices = #map}, {transform_indices = #map1}, {transform_indices = #map}]} {
    %mul3A = arith.constant 2 : i32
    %mul3A_0 = arith.muli %arg1, %mul3A : i32
    %add3A = arith.addi %mul3A_0, %arg0 : i32
    %mul3A_1 = arith.constant 256 : i32
    %mul3A_2 = arith.muli %add3A, %mul3A_1 : i32
    %add3A_3 = arith.constant 0 : i32
    %add3A_4 = arith.addi %mul3A_2, %add3A_3 : i32
    "tpu.region"() ({
      %run_scoped3A = tpu.sem_alloc : memref<!tpu.dma_semaphore, #tpu.memory_space<semaphore_mem>>
      %dma_start3A_79 = tpu.memref_slice %arg3[%add3A_4] : memref<8192xi32, #tpu.memory_space<hbm>> -> memref<32xi32, #tpu.memory_space<hbm>>
      %dma_start3A_80 = tpu.memref_slice %arg3[%add3A_4] : memref<8192xi32, #tpu.memory_space<hbm>> -> memref<32xi32, #tpu.memory_space<hbm>>
      tpu.enqueue_dma source(%dma_start3A_80 : memref<32xi32, #tpu.memory_space<hbm>>) target(%arg5 : memref<32xi32, #tpu.memory_space<vmem>>) target_semaphore(%run_scoped3A : memref<!tpu.dma_semaphore, #tpu.memory_space<semaphore_mem>>)
      %dma_wait3A_81 = tpu.memref_slice %arg3[%add3A_4] : memref<8192xi32, #tpu.memory_space<hbm>> -> memref<32xi32, #tpu.memory_space<hbm>>
      %dma_wait3A_82 = tpu.memref_slice %arg3[%add3A_4] : memref<8192xi32, #tpu.memory_space<hbm>> -> memref<32xi32, #tpu.memory_space<hbm>>
      tpu.wait_dma2 semaphore(%run_scoped3A : memref<!tpu.dma_semaphore, #tpu.memory_space<semaphore_mem>>) src(%dma_wait3A_82 : memref<32xi32, #tpu.memory_space<hbm>>) dst(%arg5 : memref<32xi32, #tpu.memory_space<vmem>>)
      tpu.yield
    }) : () -> ()
    %dma_start3A = arith.constant 0 : i32
    %dma_start3A_5 = arith.constant 0 : i32
    %dma_start3A_6 = tpu.memref_slice %arg2[%dma_start3A, %dma_start3A_5] : memref<10240x2048xf32, #tpu.memory_space<hbm>> -> memref<10240x2048xf32, #tpu.memory_space<hbm>>
    tpu.enqueue_indirect_dma source(%dma_start3A_6 : memref<10240x2048xf32, #tpu.memory_space<hbm>>) target(%arg6 : memref<32x2048xf32, #tpu.memory_space<vmem>>) offsets(%arg5 : memref<32xi32, #tpu.memory_space<vmem>>) semaphore(%arg7 : memref<!tpu.dma_semaphore, #tpu.memory_space<semaphore_mem>>)
    %dma_wait3A = arith.constant 0 : i32
    %dma_wait3A_7 = arith.constant 0 : i32
    %dma_wait3A_8 = tpu.memref_slice %arg2[%dma_wait3A, %dma_wait3A_7] : memref<10240x2048xf32, #tpu.memory_space<hbm>> -> memref<10240x2048xf32, #tpu.memory_space<hbm>>
    tpu.wait_indirect_dma semaphore(%arg7 : memref<!tpu.dma_semaphore, #tpu.memory_space<semaphore_mem>>) src(%dma_wait3A_8 : memref<10240x2048xf32, #tpu.memory_space<hbm>>) dst(%arg6 : memref<32x2048xf32, #tpu.memory_space<vmem>>)
    "tpu.region"() ({
      %run_scoped3A = tpu.sem_alloc : memref<!tpu.dma_semaphore, #tpu.memory_space<semaphore_mem>>
      %dma_start3A_79 = arith.constant 0 : i32
      %dma_start3A_80 = tpu.memref_slice %arg4[%add3A_4, %dma_start3A_79] : memref<8192x2048xf32, #tpu.memory_space<hbm>> -> memref<32x2048xf32, #tpu.memory_space<hbm>>
      %dma_start3A_81 = arith.constant 0 : i32
      %dma_start3A_82 = tpu.memref_slice %arg4[%add3A_4, %dma_start3A_81] : memref<8192x2048xf32, #tpu.memory_space<hbm>> -> memref<32x2048xf32, #tpu.memory_space<hbm>>
      tpu.enqueue_dma source(%arg6 : memref<32x2048xf32, #tpu.memory_space<vmem>>) target(%dma_start3A_82 : memref<32x2048xf32, #tpu.memory_space<hbm>>) target_semaphore(%run_scoped3A : memref<!tpu.dma_semaphore, #tpu.memory_space<semaphore_mem>>)
      %dma_wait3A_83 = arith.constant 0 : i32
      %dma_wait3A_84 = tpu.memref_slice %arg4[%add3A_4, %dma_wait3A_83] : memref<8192x2048xf32, #tpu.memory_space<hbm>> -> memref<32x2048xf32, #tpu.memory_space<hbm>>
      %dma_wait3A_85 = arith.constant 0 : i32
      %dma_wait3A_86 = tpu.memref_slice %arg4[%add3A_4, %dma_wait3A_85] : memref<8192x2048xf32, #tpu.memory_space<hbm>> -> memref<32x2048xf32, #tpu.memory_space<hbm>>
      tpu.wait_dma2 semaphore(%run_scoped3A : memref<!tpu.dma_semaphore, #tpu.memory_space<semaphore_mem>>) src(%arg6 : memref<32x2048xf32, #tpu.memory_space<vmem>>) dst(%dma_wait3A_86 : memref<32x2048xf32, #tpu.memory_space<hbm>>)
      tpu.yield
    }) : () -> ()
    %mul3A_9 = arith.constant 256 : i32
    %mul3A_10 = arith.muli %add3A, %mul3A_9 : i32
    %add3A_11 = arith.constant 32 : i32
    %add3A_12 = arith.addi %mul3A_10, %add3A_11 : i32
    "tpu.region"() ({
      %run_scoped3A = tpu.sem_alloc : memref<!tpu.dma_semaphore, #tpu.memory_space<semaphore_mem>>
      %dma_start3A_79 = tpu.memref_slice %arg3[%add3A_12] : memref<8192xi32, #tpu.memory_space<hbm>> -> memref<32xi32, #tpu.memory_space<hbm>>
      %dma_start3A_80 = tpu.memref_slice %arg3[%add3A_12] : memref<8192xi32, #tpu.memory_space<hbm>> -> memref<32xi32, #tpu.memory_space<hbm>>
      tpu.enqueue_dma source(%dma_start3A_80 : memref<32xi32, #tpu.memory_space<hbm>>) target(%arg5 : memref<32xi32, #tpu.memory_space<vmem>>) target_semaphore(%run_scoped3A : memref<!tpu.dma_semaphore, #tpu.memory_space<semaphore_mem>>)
      %dma_wait3A_81 = tpu.memref_slice %arg3[%add3A_12] : memref<8192xi32, #tpu.memory_space<hbm>> -> memref<32xi32, #tpu.memory_space<hbm>>
      %dma_wait3A_82 = tpu.memref_slice %arg3[%add3A_12] : memref<8192xi32, #tpu.memory_space<hbm>> -> memref<32xi32, #tpu.memory_space<hbm>>
      tpu.wait_dma2 semaphore(%run_scoped3A : memref<!tpu.dma_semaphore, #tpu.memory_space<semaphore_mem>>) src(%dma_wait3A_82 : memref<32xi32, #tpu.memory_space<hbm>>) dst(%arg5 : memref<32xi32, #tpu.memory_space<vmem>>)
      tpu.yield
    }) : () -> ()
    %dma_start3A_13 = arith.constant 0 : i32
    %dma_start3A_14 = arith.constant 0 : i32
    %dma_start3A_15 = tpu.memref_slice %arg2[%dma_start3A_13, %dma_start3A_14] : memref<10240x2048xf32, #tpu.memory_space<hbm>> -> memref<10240x2048xf32, #tpu.memory_space<hbm>>
    tpu.enqueue_indirect_dma source(%dma_start3A_15 : memref<10240x2048xf32, #tpu.memory_space<hbm>>) target(%arg6 : memref<32x2048xf32, #tpu.memory_space<vmem>>) offsets(%arg5 : memref<32xi32, #tpu.memory_space<vmem>>) semaphore(%arg7 : memref<!tpu.dma_semaphore, #tpu.memory_space<semaphore_mem>>)
    %dma_wait3A_16 = arith.constant 0 : i32
    %dma_wait3A_17 = arith.constant 0 : i32
    %dma_wait3A_18 = tpu.memref_slice %arg2[%dma_wait3A_16, %dma_wait3A_17] : memref<10240x2048xf32, #tpu.memory_space<hbm>> -> memref<10240x2048xf32, #tpu.memory_space<hbm>>
    tpu.wait_indirect_dma semaphore(%arg7 : memref<!tpu.dma_semaphore, #tpu.memory_space<semaphore_mem>>) src(%dma_wait3A_18 : memref<10240x2048xf32, #tpu.memory_space<hbm>>) dst(%arg6 : memref<32x2048xf32, #tpu.memory_space<vmem>>)
    "tpu.region"() ({
      %run_scoped3A = tpu.sem_alloc : memref<!tpu.dma_semaphore, #tpu.memory_space<semaphore_mem>>
      %dma_start3A_79 = arith.constant 0 : i32
      %dma_start3A_80 = tpu.memref_slice %arg4[%add3A_12, %dma_start3A_79] : memref<8192x2048xf32, #tpu.memory_space<hbm>> -> memref<32x2048xf32, #tpu.memory_space<hbm>>
      %dma_start3A_81 = arith.constant 0 : i32
      %dma_start3A_82 = tpu.memref_slice %arg4[%add3A_12, %dma_start3A_81] : memref<8192x2048xf32, #tpu.memory_space<hbm>> -> memref<32x2048xf32, #tpu.memory_space<hbm>>
      tpu.enqueue_dma source(%arg6 : memref<32x2048xf32, #tpu.memory_space<vmem>>) target(%dma_start3A_82 : memref<32x2048xf32, #tpu.memory_space<hbm>>) target_semaphore(%run_scoped3A : memref<!tpu.dma_semaphore, #tpu.memory_space<semaphore_mem>>)
      %dma_wait3A_83 = arith.constant 0 : i32
      %dma_wait3A_84 = tpu.memref_slice %arg4[%add3A_12, %dma_wait3A_83] : memref<8192x2048xf32, #tpu.memory_space<hbm>> -> memref<32x2048xf32, #tpu.memory_space<hbm>>
      %dma_wait3A_85 = arith.constant 0 : i32
      %dma_wait3A_86 = tpu.memref_slice %arg4[%add3A_12, %dma_wait3A_85] : memref<8192x2048xf32, #tpu.memory_space<hbm>> -> memref<32x2048xf32, #tpu.memory_space<hbm>>
      tpu.wait_dma2 semaphore(%run_scoped3A : memref<!tpu.dma_semaphore, #tpu.memory_space<semaphore_mem>>) src(%arg6 : memref<32x2048xf32, #tpu.memory_space<vmem>>) dst(%dma_wait3A_86 : memref<32x2048xf32, #tpu.memory_space<hbm>>)
      tpu.yield
    }) : () -> ()
    %mul3A_19 = arith.constant 256 : i32
    %mul3A_20 = arith.muli %add3A, %mul3A_19 : i32
    %add3A_21 = arith.constant 64 : i32
    %add3A_22 = arith.addi %mul3A_20, %add3A_21 : i32
    "tpu.region"() ({
      %run_scoped3A = tpu.sem_alloc : memref<!tpu.dma_semaphore, #tpu.memory_space<semaphore_mem>>
      %dma_start3A_79 = tpu.memref_slice %arg3[%add3A_22] : memref<8192xi32, #tpu.memory_space<hbm>> -> memref<32xi32, #tpu.memory_space<hbm>>
      %dma_start3A_80 = tpu.memref_slice %arg3[%add3A_22] : memref<8192xi32, #tpu.memory_space<hbm>> -> memref<32xi32, #tpu.memory_space<hbm>>
      tpu.enqueue_dma source(%dma_start3A_80 : memref<32xi32, #tpu.memory_space<hbm>>) target(%arg5 : memref<32xi32, #tpu.memory_space<vmem>>) target_semaphore(%run_scoped3A : memref<!tpu.dma_semaphore, #tpu.memory_space<semaphore_mem>>)
      %dma_wait3A_81 = tpu.memref_slice %arg3[%add3A_22] : memref<8192xi32, #tpu.memory_space<hbm>> -> memref<32xi32, #tpu.memory_space<hbm>>
      %dma_wait3A_82 = tpu.memref_slice %arg3[%add3A_22] : memref<8192xi32, #tpu.memory_space<hbm>> -> memref<32xi32, #tpu.memory_space<hbm>>
      tpu.wait_dma2 semaphore(%run_scoped3A : memref<!tpu.dma_semaphore, #tpu.memory_space<semaphore_mem>>) src(%dma_wait3A_82 : memref<32xi32, #tpu.memory_space<hbm>>) dst(%arg5 : memref<32xi32, #tpu.memory_space<vmem>>)
      tpu.yield
    }) : () -> ()
    %dma_start3A_23 = arith.constant 0 : i32
    %dma_start3A_24 = arith.constant 0 : i32
    %dma_start3A_25 = tpu.memref_slice %arg2[%dma_start3A_23, %dma_start3A_24] : memref<10240x2048xf32, #tpu.memory_space<hbm>> -> memref<10240x2048xf32, #tpu.memory_space<hbm>>
    tpu.enqueue_indirect_dma source(%dma_start3A_25 : memref<10240x2048xf32, #tpu.memory_space<hbm>>) target(%arg6 : memref<32x2048xf32, #tpu.memory_space<vmem>>) offsets(%arg5 : memref<32xi32, #tpu.memory_space<vmem>>) semaphore(%arg7 : memref<!tpu.dma_semaphore, #tpu.memory_space<semaphore_mem>>)
    %dma_wait3A_26 = arith.constant 0 : i32
    %dma_wait3A_27 = arith.constant 0 : i32
    %dma_wait3A_28 = tpu.memref_slice %arg2[%dma_wait3A_26, %dma_wait3A_27] : memref<10240x2048xf32, #tpu.memory_space<hbm>> -> memref<10240x2048xf32, #tpu.memory_space<hbm>>
    tpu.wait_indirect_dma semaphore(%arg7 : memref<!tpu.dma_semaphore, #tpu.memory_space<semaphore_mem>>) src(%dma_wait3A_28 : memref<10240x2048xf32, #tpu.memory_space<hbm>>) dst(%arg6 : memref<32x2048xf32, #tpu.memory_space<vmem>>)
    "tpu.region"() ({
      %run_scoped3A = tpu.sem_alloc : memref<!tpu.dma_semaphore, #tpu.memory_space<semaphore_mem>>
      %dma_start3A_79 = arith.constant 0 : i32
      %dma_start3A_80 = tpu.memref_slice %arg4[%add3A_22, %dma_start3A_79] : memref<8192x2048xf32, #tpu.memory_space<hbm>> -> memref<32x2048xf32, #tpu.memory_space<hbm>>
      %dma_start3A_81 = arith.constant 0 : i32
      %dma_start3A_82 = tpu.memref_slice %arg4[%add3A_22, %dma_start3A_81] : memref<8192x2048xf32, #tpu.memory_space<hbm>> -> memref<32x2048xf32, #tpu.memory_space<hbm>>
      tpu.enqueue_dma source(%arg6 : memref<32x2048xf32, #tpu.memory_space<vmem>>) target(%dma_start3A_82 : memref<32x2048xf32, #tpu.memory_space<hbm>>) target_semaphore(%run_scoped3A : memref<!tpu.dma_semaphore, #tpu.memory_space<semaphore_mem>>)
      %dma_wait3A_83 = arith.constant 0 : i32
      %dma_wait3A_84 = tpu.memref_slice %arg4[%add3A_22, %dma_wait3A_83] : memref<8192x2048xf32, #tpu.memory_space<hbm>> -> memref<32x2048xf32, #tpu.memory_space<hbm>>
      %dma_wait3A_85 = arith.constant 0 : i32
      %dma_wait3A_86 = tpu.memref_slice %arg4[%add3A_22, %dma_wait3A_85] : memref<8192x2048xf32, #tpu.memory_space<hbm>> -> memref<32x2048xf32, #tpu.memory_space<hbm>>
      tpu.wait_dma2 semaphore(%run_scoped3A : memref<!tpu.dma_semaphore, #tpu.memory_space<semaphore_mem>>) src(%arg6 : memref<32x2048xf32, #tpu.memory_space<vmem>>) dst(%dma_wait3A_86 : memref<32x2048xf32, #tpu.memory_space<hbm>>)
      tpu.yield
    }) : () -> ()
    %mul3A_29 = arith.constant 256 : i32
    %mul3A_30 = arith.muli %add3A, %mul3A_29 : i32
    %add3A_31 = arith.constant 96 : i32
    %add3A_32 = arith.addi %mul3A_30, %add3A_31 : i32
    "tpu.region"() ({
      %run_scoped3A = tpu.sem_alloc : memref<!tpu.dma_semaphore, #tpu.memory_space<semaphore_mem>>
      %dma_start3A_79 = tpu.memref_slice %arg3[%add3A_32] : memref<8192xi32, #tpu.memory_space<hbm>> -> memref<32xi32, #tpu.memory_space<hbm>>
      %dma_start3A_80 = tpu.memref_slice %arg3[%add3A_32] : memref<8192xi32, #tpu.memory_space<hbm>> -> memref<32xi32, #tpu.memory_space<hbm>>
      tpu.enqueue_dma source(%dma_start3A_80 : memref<32xi32, #tpu.memory_space<hbm>>) target(%arg5 : memref<32xi32, #tpu.memory_space<vmem>>) target_semaphore(%run_scoped3A : memref<!tpu.dma_semaphore, #tpu.memory_space<semaphore_mem>>)
      %dma_wait3A_81 = tpu.memref_slice %arg3[%add3A_32] : memref<8192xi32, #tpu.memory_space<hbm>> -> memref<32xi32, #tpu.memory_space<hbm>>
      %dma_wait3A_82 = tpu.memref_slice %arg3[%add3A_32] : memref<8192xi32, #tpu.memory_space<hbm>> -> memref<32xi32, #tpu.memory_space<hbm>>
      tpu.wait_dma2 semaphore(%run_scoped3A : memref<!tpu.dma_semaphore, #tpu.memory_space<semaphore_mem>>) src(%dma_wait3A_82 : memref<32xi32, #tpu.memory_space<hbm>>) dst(%arg5 : memref<32xi32, #tpu.memory_space<vmem>>)
      tpu.yield
    }) : () -> ()
    %dma_start3A_33 = arith.constant 0 : i32
    %dma_start3A_34 = arith.constant 0 : i32
    %dma_start3A_35 = tpu.memref_slice %arg2[%dma_start3A_33, %dma_start3A_34] : memref<10240x2048xf32, #tpu.memory_space<hbm>> -> memref<10240x2048xf32, #tpu.memory_space<hbm>>
    tpu.enqueue_indirect_dma source(%dma_start3A_35 : memref<10240x2048xf32, #tpu.memory_space<hbm>>) target(%arg6 : memref<32x2048xf32, #tpu.memory_space<vmem>>) offsets(%arg5 : memref<32xi32, #tpu.memory_space<vmem>>) semaphore(%arg7 : memref<!tpu.dma_semaphore, #tpu.memory_space<semaphore_mem>>)
    %dma_wait3A_36 = arith.constant 0 : i32
    %dma_wait3A_37 = arith.constant 0 : i32
    %dma_wait3A_38 = tpu.memref_slice %arg2[%dma_wait3A_36, %dma_wait3A_37] : memref<10240x2048xf32, #tpu.memory_space<hbm>> -> memref<10240x2048xf32, #tpu.memory_space<hbm>>
    tpu.wait_indirect_dma semaphore(%arg7 : memref<!tpu.dma_semaphore, #tpu.memory_space<semaphore_mem>>) src(%dma_wait3A_38 : memref<10240x2048xf32, #tpu.memory_space<hbm>>) dst(%arg6 : memref<32x2048xf32, #tpu.memory_space<vmem>>)
    "tpu.region"() ({
      %run_scoped3A = tpu.sem_alloc : memref<!tpu.dma_semaphore, #tpu.memory_space<semaphore_mem>>
      %dma_start3A_79 = arith.constant 0 : i32
      %dma_start3A_80 = tpu.memref_slice %arg4[%add3A_32, %dma_start3A_79] : memref<8192x2048xf32, #tpu.memory_space<hbm>> -> memref<32x2048xf32, #tpu.memory_space<hbm>>
      %dma_start3A_81 = arith.constant 0 : i32
      %dma_start3A_82 = tpu.memref_slice %arg4[%add3A_32, %dma_start3A_81] : memref<8192x2048xf32, #tpu.memory_space<hbm>> -> memref<32x2048xf32, #tpu.memory_space<hbm>>
      tpu.enqueue_dma source(%arg6 : memref<32x2048xf32, #tpu.memory_space<vmem>>) target(%dma_start3A_82 : memref<32x2048xf32, #tpu.memory_space<hbm>>) target_semaphore(%run_scoped3A : memref<!tpu.dma_semaphore, #tpu.memory_space<semaphore_mem>>)
      %dma_wait3A_83 = arith.constant 0 : i32
      %dma_wait3A_84 = tpu.memref_slice %arg4[%add3A_32, %dma_wait3A_83] : memref<8192x2048xf32, #tpu.memory_space<hbm>> -> memref<32x2048xf32, #tpu.memory_space<hbm>>
      %dma_wait3A_85 = arith.constant 0 : i32
      %dma_wait3A_86 = tpu.memref_slice %arg4[%add3A_32, %dma_wait3A_85] : memref<8192x2048xf32, #tpu.memory_space<hbm>> -> memref<32x2048xf32, #tpu.memory_space<hbm>>
      tpu.wait_dma2 semaphore(%run_scoped3A : memref<!tpu.dma_semaphore, #tpu.memory_space<semaphore_mem>>) src(%arg6 : memref<32x2048xf32, #tpu.memory_space<vmem>>) dst(%dma_wait3A_86 : memref<32x2048xf32, #tpu.memory_space<hbm>>)
      tpu.yield
    }) : () -> ()
    %mul3A_39 = arith.constant 256 : i32
    %mul3A_40 = arith.muli %add3A, %mul3A_39 : i32
    %add3A_41 = arith.constant 128 : i32
    %add3A_42 = arith.addi %mul3A_40, %add3A_41 : i32
    "tpu.region"() ({
      %run_scoped3A = tpu.sem_alloc : memref<!tpu.dma_semaphore, #tpu.memory_space<semaphore_mem>>
      %dma_start3A_79 = tpu.memref_slice %arg3[%add3A_42] : memref<8192xi32, #tpu.memory_space<hbm>> -> memref<32xi32, #tpu.memory_space<hbm>>
      %dma_start3A_80 = tpu.memref_slice %arg3[%add3A_42] : memref<8192xi32, #tpu.memory_space<hbm>> -> memref<32xi32, #tpu.memory_space<hbm>>
      tpu.enqueue_dma source(%dma_start3A_80 : memref<32xi32, #tpu.memory_space<hbm>>) target(%arg5 : memref<32xi32, #tpu.memory_space<vmem>>) target_semaphore(%run_scoped3A : memref<!tpu.dma_semaphore, #tpu.memory_space<semaphore_mem>>)
      %dma_wait3A_81 = tpu.memref_slice %arg3[%add3A_42] : memref<8192xi32, #tpu.memory_space<hbm>> -> memref<32xi32, #tpu.memory_space<hbm>>
      %dma_wait3A_82 = tpu.memref_slice %arg3[%add3A_42] : memref<8192xi32, #tpu.memory_space<hbm>> -> memref<32xi32, #tpu.memory_space<hbm>>
      tpu.wait_dma2 semaphore(%run_scoped3A : memref<!tpu.dma_semaphore, #tpu.memory_space<semaphore_mem>>) src(%dma_wait3A_82 : memref<32xi32, #tpu.memory_space<hbm>>) dst(%arg5 : memref<32xi32, #tpu.memory_space<vmem>>)
      tpu.yield
    }) : () -> ()
    %dma_start3A_43 = arith.constant 0 : i32
    %dma_start3A_44 = arith.constant 0 : i32
    %dma_start3A_45 = tpu.memref_slice %arg2[%dma_start3A_43, %dma_start3A_44] : memref<10240x2048xf32, #tpu.memory_space<hbm>> -> memref<10240x2048xf32, #tpu.memory_space<hbm>>
    tpu.enqueue_indirect_dma source(%dma_start3A_45 : memref<10240x2048xf32, #tpu.memory_space<hbm>>) target(%arg6 : memref<32x2048xf32, #tpu.memory_space<vmem>>) offsets(%arg5 : memref<32xi32, #tpu.memory_space<vmem>>) semaphore(%arg7 : memref<!tpu.dma_semaphore, #tpu.memory_space<semaphore_mem>>)
    %dma_wait3A_46 = arith.constant 0 : i32
    %dma_wait3A_47 = arith.constant 0 : i32
    %dma_wait3A_48 = tpu.memref_slice %arg2[%dma_wait3A_46, %dma_wait3A_47] : memref<10240x2048xf32, #tpu.memory_space<hbm>> -> memref<10240x2048xf32, #tpu.memory_space<hbm>>
    tpu.wait_indirect_dma semaphore(%arg7 : memref<!tpu.dma_semaphore, #tpu.memory_space<semaphore_mem>>) src(%dma_wait3A_48 : memref<10240x2048xf32, #tpu.memory_space<hbm>>) dst(%arg6 : memref<32x2048xf32, #tpu.memory_space<vmem>>)
    "tpu.region"() ({
      %run_scoped3A = tpu.sem_alloc : memref<!tpu.dma_semaphore, #tpu.memory_space<semaphore_mem>>
      %dma_start3A_79 = arith.constant 0 : i32
      %dma_start3A_80 = tpu.memref_slice %arg4[%add3A_42, %dma_start3A_79] : memref<8192x2048xf32, #tpu.memory_space<hbm>> -> memref<32x2048xf32, #tpu.memory_space<hbm>>
      %dma_start3A_81 = arith.constant 0 : i32
      %dma_start3A_82 = tpu.memref_slice %arg4[%add3A_42, %dma_start3A_81] : memref<8192x2048xf32, #tpu.memory_space<hbm>> -> memref<32x2048xf32, #tpu.memory_space<hbm>>
      tpu.enqueue_dma source(%arg6 : memref<32x2048xf32, #tpu.memory_space<vmem>>) target(%dma_start3A_82 : memref<32x2048xf32, #tpu.memory_space<hbm>>) target_semaphore(%run_scoped3A : memref<!tpu.dma_semaphore, #tpu.memory_space<semaphore_mem>>)
      %dma_wait3A_83 = arith.constant 0 : i32
      %dma_wait3A_84 = tpu.memref_slice %arg4[%add3A_42, %dma_wait3A_83] : memref<8192x2048xf32, #tpu.memory_space<hbm>> -> memref<32x2048xf32, #tpu.memory_space<hbm>>
      %dma_wait3A_85 = arith.constant 0 : i32
      %dma_wait3A_86 = tpu.memref_slice %arg4[%add3A_42, %dma_wait3A_85] : memref<8192x2048xf32, #tpu.memory_space<hbm>> -> memref<32x2048xf32, #tpu.memory_space<hbm>>
      tpu.wait_dma2 semaphore(%run_scoped3A : memref<!tpu.dma_semaphore, #tpu.memory_space<semaphore_mem>>) src(%arg6 : memref<32x2048xf32, #tpu.memory_space<vmem>>) dst(%dma_wait3A_86 : memref<32x2048xf32, #tpu.memory_space<hbm>>)
      tpu.yield
    }) : () -> ()
    %mul3A_49 = arith.constant 256 : i32
    %mul3A_50 = arith.muli %add3A, %mul3A_49 : i32
    %add3A_51 = arith.constant 160 : i32
    %add3A_52 = arith.addi %mul3A_50, %add3A_51 : i32
    "tpu.region"() ({
      %run_scoped3A = tpu.sem_alloc : memref<!tpu.dma_semaphore, #tpu.memory_space<semaphore_mem>>
      %dma_start3A_79 = tpu.memref_slice %arg3[%add3A_52] : memref<8192xi32, #tpu.memory_space<hbm>> -> memref<32xi32, #tpu.memory_space<hbm>>
      %dma_start3A_80 = tpu.memref_slice %arg3[%add3A_52] : memref<8192xi32, #tpu.memory_space<hbm>> -> memref<32xi32, #tpu.memory_space<hbm>>
      tpu.enqueue_dma source(%dma_start3A_80 : memref<32xi32, #tpu.memory_space<hbm>>) target(%arg5 : memref<32xi32, #tpu.memory_space<vmem>>) target_semaphore(%run_scoped3A : memref<!tpu.dma_semaphore, #tpu.memory_space<semaphore_mem>>)
      %dma_wait3A_81 = tpu.memref_slice %arg3[%add3A_52] : memref<8192xi32, #tpu.memory_space<hbm>> -> memref<32xi32, #tpu.memory_space<hbm>>
      %dma_wait3A_82 = tpu.memref_slice %arg3[%add3A_52] : memref<8192xi32, #tpu.memory_space<hbm>> -> memref<32xi32, #tpu.memory_space<hbm>>
      tpu.wait_dma2 semaphore(%run_scoped3A : memref<!tpu.dma_semaphore, #tpu.memory_space<semaphore_mem>>) src(%dma_wait3A_82 : memref<32xi32, #tpu.memory_space<hbm>>) dst(%arg5 : memref<32xi32, #tpu.memory_space<vmem>>)
      tpu.yield
    }) : () -> ()
    %dma_start3A_53 = arith.constant 0 : i32
    %dma_start3A_54 = arith.constant 0 : i32
    %dma_start3A_55 = tpu.memref_slice %arg2[%dma_start3A_53, %dma_start3A_54] : memref<10240x2048xf32, #tpu.memory_space<hbm>> -> memref<10240x2048xf32, #tpu.memory_space<hbm>>
    tpu.enqueue_indirect_dma source(%dma_start3A_55 : memref<10240x2048xf32, #tpu.memory_space<hbm>>) target(%arg6 : memref<32x2048xf32, #tpu.memory_space<vmem>>) offsets(%arg5 : memref<32xi32, #tpu.memory_space<vmem>>) semaphore(%arg7 : memref<!tpu.dma_semaphore, #tpu.memory_space<semaphore_mem>>)
    %dma_wait3A_56 = arith.constant 0 : i32
    %dma_wait3A_57 = arith.constant 0 : i32
    %dma_wait3A_58 = tpu.memref_slice %arg2[%dma_wait3A_56, %dma_wait3A_57] : memref<10240x2048xf32, #tpu.memory_space<hbm>> -> memref<10240x2048xf32, #tpu.memory_space<hbm>>
    tpu.wait_indirect_dma semaphore(%arg7 : memref<!tpu.dma_semaphore, #tpu.memory_space<semaphore_mem>>) src(%dma_wait3A_58 : memref<10240x2048xf32, #tpu.memory_space<hbm>>) dst(%arg6 : memref<32x2048xf32, #tpu.memory_space<vmem>>)
    "tpu.region"() ({
      %run_scoped3A = tpu.sem_alloc : memref<!tpu.dma_semaphore, #tpu.memory_space<semaphore_mem>>
      %dma_start3A_79 = arith.constant 0 : i32
      %dma_start3A_80 = tpu.memref_slice %arg4[%add3A_52, %dma_start3A_79] : memref<8192x2048xf32, #tpu.memory_space<hbm>> -> memref<32x2048xf32, #tpu.memory_space<hbm>>
      %dma_start3A_81 = arith.constant 0 : i32
      %dma_start3A_82 = tpu.memref_slice %arg4[%add3A_52, %dma_start3A_81] : memref<8192x2048xf32, #tpu.memory_space<hbm>> -> memref<32x2048xf32, #tpu.memory_space<hbm>>
      tpu.enqueue_dma source(%arg6 : memref<32x2048xf32, #tpu.memory_space<vmem>>) target(%dma_start3A_82 : memref<32x2048xf32, #tpu.memory_space<hbm>>) target_semaphore(%run_scoped3A : memref<!tpu.dma_semaphore, #tpu.memory_space<semaphore_mem>>)
      %dma_wait3A_83 = arith.constant 0 : i32
      %dma_wait3A_84 = tpu.memref_slice %arg4[%add3A_52, %dma_wait3A_83] : memref<8192x2048xf32, #tpu.memory_space<hbm>> -> memref<32x2048xf32, #tpu.memory_space<hbm>>
      %dma_wait3A_85 = arith.constant 0 : i32
      %dma_wait3A_86 = tpu.memref_slice %arg4[%add3A_52, %dma_wait3A_85] : memref<8192x2048xf32, #tpu.memory_space<hbm>> -> memref<32x2048xf32, #tpu.memory_space<hbm>>
      tpu.wait_dma2 semaphore(%run_scoped3A : memref<!tpu.dma_semaphore, #tpu.memory_space<semaphore_mem>>) src(%arg6 : memref<32x2048xf32, #tpu.memory_space<vmem>>) dst(%dma_wait3A_86 : memref<32x2048xf32, #tpu.memory_space<hbm>>)
      tpu.yield
    }) : () -> ()
    %mul3A_59 = arith.constant 256 : i32
    %mul3A_60 = arith.muli %add3A, %mul3A_59 : i32
    %add3A_61 = arith.constant 192 : i32
    %add3A_62 = arith.addi %mul3A_60, %add3A_61 : i32
    "tpu.region"() ({
      %run_scoped3A = tpu.sem_alloc : memref<!tpu.dma_semaphore, #tpu.memory_space<semaphore_mem>>
      %dma_start3A_79 = tpu.memref_slice %arg3[%add3A_62] : memref<8192xi32, #tpu.memory_space<hbm>> -> memref<32xi32, #tpu.memory_space<hbm>>
      %dma_start3A_80 = tpu.memref_slice %arg3[%add3A_62] : memref<8192xi32, #tpu.memory_space<hbm>> -> memref<32xi32, #tpu.memory_space<hbm>>
      tpu.enqueue_dma source(%dma_start3A_80 : memref<32xi32, #tpu.memory_space<hbm>>) target(%arg5 : memref<32xi32, #tpu.memory_space<vmem>>) target_semaphore(%run_scoped3A : memref<!tpu.dma_semaphore, #tpu.memory_space<semaphore_mem>>)
      %dma_wait3A_81 = tpu.memref_slice %arg3[%add3A_62] : memref<8192xi32, #tpu.memory_space<hbm>> -> memref<32xi32, #tpu.memory_space<hbm>>
      %dma_wait3A_82 = tpu.memref_slice %arg3[%add3A_62] : memref<8192xi32, #tpu.memory_space<hbm>> -> memref<32xi32, #tpu.memory_space<hbm>>
      tpu.wait_dma2 semaphore(%run_scoped3A : memref<!tpu.dma_semaphore, #tpu.memory_space<semaphore_mem>>) src(%dma_wait3A_82 : memref<32xi32, #tpu.memory_space<hbm>>) dst(%arg5 : memref<32xi32, #tpu.memory_space<vmem>>)
      tpu.yield
    }) : () -> ()
    %dma_start3A_63 = arith.constant 0 : i32
    %dma_start3A_64 = arith.constant 0 : i32
    %dma_start3A_65 = tpu.memref_slice %arg2[%dma_start3A_63, %dma_start3A_64] : memref<10240x2048xf32, #tpu.memory_space<hbm>> -> memref<10240x2048xf32, #tpu.memory_space<hbm>>
    tpu.enqueue_indirect_dma source(%dma_start3A_65 : memref<10240x2048xf32, #tpu.memory_space<hbm>>) target(%arg6 : memref<32x2048xf32, #tpu.memory_space<vmem>>) offsets(%arg5 : memref<32xi32, #tpu.memory_space<vmem>>) semaphore(%arg7 : memref<!tpu.dma_semaphore, #tpu.memory_space<semaphore_mem>>)
    %dma_wait3A_66 = arith.constant 0 : i32
    %dma_wait3A_67 = arith.constant 0 : i32
    %dma_wait3A_68 = tpu.memref_slice %arg2[%dma_wait3A_66, %dma_wait3A_67] : memref<10240x2048xf32, #tpu.memory_space<hbm>> -> memref<10240x2048xf32, #tpu.memory_space<hbm>>
    tpu.wait_indirect_dma semaphore(%arg7 : memref<!tpu.dma_semaphore, #tpu.memory_space<semaphore_mem>>) src(%dma_wait3A_68 : memref<10240x2048xf32, #tpu.memory_space<hbm>>) dst(%arg6 : memref<32x2048xf32, #tpu.memory_space<vmem>>)
    "tpu.region"() ({
      %run_scoped3A = tpu.sem_alloc : memref<!tpu.dma_semaphore, #tpu.memory_space<semaphore_mem>>
      %dma_start3A_79 = arith.constant 0 : i32
      %dma_start3A_80 = tpu.memref_slice %arg4[%add3A_62, %dma_start3A_79] : memref<8192x2048xf32, #tpu.memory_space<hbm>> -> memref<32x2048xf32, #tpu.memory_space<hbm>>
      %dma_start3A_81 = arith.constant 0 : i32
      %dma_start3A_82 = tpu.memref_slice %arg4[%add3A_62, %dma_start3A_81] : memref<8192x2048xf32, #tpu.memory_space<hbm>> -> memref<32x2048xf32, #tpu.memory_space<hbm>>
      tpu.enqueue_dma source(%arg6 : memref<32x2048xf32, #tpu.memory_space<vmem>>) target(%dma_start3A_82 : memref<32x2048xf32, #tpu.memory_space<hbm>>) target_semaphore(%run_scoped3A : memref<!tpu.dma_semaphore, #tpu.memory_space<semaphore_mem>>)
      %dma_wait3A_83 = arith.constant 0 : i32
      %dma_wait3A_84 = tpu.memref_slice %arg4[%add3A_62, %dma_wait3A_83] : memref<8192x2048xf32, #tpu.memory_space<hbm>> -> memref<32x2048xf32, #tpu.memory_space<hbm>>
      %dma_wait3A_85 = arith.constant 0 : i32
      %dma_wait3A_86 = tpu.memref_slice %arg4[%add3A_62, %dma_wait3A_85] : memref<8192x2048xf32, #tpu.memory_space<hbm>> -> memref<32x2048xf32, #tpu.memory_space<hbm>>
      tpu.wait_dma2 semaphore(%run_scoped3A : memref<!tpu.dma_semaphore, #tpu.memory_space<semaphore_mem>>) src(%arg6 : memref<32x2048xf32, #tpu.memory_space<vmem>>) dst(%dma_wait3A_86 : memref<32x2048xf32, #tpu.memory_space<hbm>>)
      tpu.yield
    }) : () -> ()
    %mul3A_69 = arith.constant 256 : i32
    %mul3A_70 = arith.muli %add3A, %mul3A_69 : i32
    %add3A_71 = arith.constant 224 : i32
    %add3A_72 = arith.addi %mul3A_70, %add3A_71 : i32
    "tpu.region"() ({
      %run_scoped3A = tpu.sem_alloc : memref<!tpu.dma_semaphore, #tpu.memory_space<semaphore_mem>>
      %dma_start3A_79 = tpu.memref_slice %arg3[%add3A_72] : memref<8192xi32, #tpu.memory_space<hbm>> -> memref<32xi32, #tpu.memory_space<hbm>>
      %dma_start3A_80 = tpu.memref_slice %arg3[%add3A_72] : memref<8192xi32, #tpu.memory_space<hbm>> -> memref<32xi32, #tpu.memory_space<hbm>>
      tpu.enqueue_dma source(%dma_start3A_80 : memref<32xi32, #tpu.memory_space<hbm>>) target(%arg5 : memref<32xi32, #tpu.memory_space<vmem>>) target_semaphore(%run_scoped3A : memref<!tpu.dma_semaphore, #tpu.memory_space<semaphore_mem>>)
      %dma_wait3A_81 = tpu.memref_slice %arg3[%add3A_72] : memref<8192xi32, #tpu.memory_space<hbm>> -> memref<32xi32, #tpu.memory_space<hbm>>
      %dma_wait3A_82 = tpu.memref_slice %arg3[%add3A_72] : memref<8192xi32, #tpu.memory_space<hbm>> -> memref<32xi32, #tpu.memory_space<hbm>>
      tpu.wait_dma2 semaphore(%run_scoped3A : memref<!tpu.dma_semaphore, #tpu.memory_space<semaphore_mem>>) src(%dma_wait3A_82 : memref<32xi32, #tpu.memory_space<hbm>>) dst(%arg5 : memref<32xi32, #tpu.memory_space<vmem>>)
      tpu.yield
    }) : () -> ()
    %dma_start3A_73 = arith.constant 0 : i32
    %dma_start3A_74 = arith.constant 0 : i32
    %dma_start3A_75 = tpu.memref_slice %arg2[%dma_start3A_73, %dma_start3A_74] : memref<10240x2048xf32, #tpu.memory_space<hbm>> -> memref<10240x2048xf32, #tpu.memory_space<hbm>>
    tpu.enqueue_indirect_dma source(%dma_start3A_75 : memref<10240x2048xf32, #tpu.memory_space<hbm>>) target(%arg6 : memref<32x2048xf32, #tpu.memory_space<vmem>>) offsets(%arg5 : memref<32xi32, #tpu.memory_space<vmem>>) semaphore(%arg7 : memref<!tpu.dma_semaphore, #tpu.memory_space<semaphore_mem>>)
    %dma_wait3A_76 = arith.constant 0 : i32
    %dma_wait3A_77 = arith.constant 0 : i32
    %dma_wait3A_78 = tpu.memref_slice %arg2[%dma_wait3A_76, %dma_wait3A_77] : memref<10240x2048xf32, #tpu.memory_space<hbm>> -> memref<10240x2048xf32, #tpu.memory_space<hbm>>
    tpu.wait_indirect_dma semaphore(%arg7 : memref<!tpu.dma_semaphore, #tpu.memory_space<semaphore_mem>>) src(%dma_wait3A_78 : memref<10240x2048xf32, #tpu.memory_space<hbm>>) dst(%arg6 : memref<32x2048xf32, #tpu.memory_space<vmem>>)
    "tpu.region"() ({
      %run_scoped3A = tpu.sem_alloc : memref<!tpu.dma_semaphore, #tpu.memory_space<semaphore_mem>>
      %dma_start3A_79 = arith.constant 0 : i32
      %dma_start3A_80 = tpu.memref_slice %arg4[%add3A_72, %dma_start3A_79] : memref<8192x2048xf32, #tpu.memory_space<hbm>> -> memref<32x2048xf32, #tpu.memory_space<hbm>>
      %dma_start3A_81 = arith.constant 0 : i32
      %dma_start3A_82 = tpu.memref_slice %arg4[%add3A_72, %dma_start3A_81] : memref<8192x2048xf32, #tpu.memory_space<hbm>> -> memref<32x2048xf32, #tpu.memory_space<hbm>>
      tpu.enqueue_dma source(%arg6 : memref<32x2048xf32, #tpu.memory_space<vmem>>) target(%dma_start3A_82 : memref<32x2048xf32, #tpu.memory_space<hbm>>) target_semaphore(%run_scoped3A : memref<!tpu.dma_semaphore, #tpu.memory_space<semaphore_mem>>)
      %dma_wait3A_83 = arith.constant 0 : i32
      %dma_wait3A_84 = tpu.memref_slice %arg4[%add3A_72, %dma_wait3A_83] : memref<8192x2048xf32, #tpu.memory_space<hbm>> -> memref<32x2048xf32, #tpu.memory_space<hbm>>
      %dma_wait3A_85 = arith.constant 0 : i32
      %dma_wait3A_86 = tpu.memref_slice %arg4[%add3A_72, %dma_wait3A_85] : memref<8192x2048xf32, #tpu.memory_space<hbm>> -> memref<32x2048xf32, #tpu.memory_space<hbm>>
      tpu.wait_dma2 semaphore(%run_scoped3A : memref<!tpu.dma_semaphore, #tpu.memory_space<semaphore_mem>>) src(%arg6 : memref<32x2048xf32, #tpu.memory_space<vmem>>) dst(%dma_wait3A_86 : memref<32x2048xf32, #tpu.memory_space<hbm>>)
      tpu.yield
    }) : () -> ()
    return
  }
}

module attributes {stable_mosaic.version = 14 : i64} {
  func.func @_router_body(%arg0: i32, %arg1: memref<512x2048xf32, #tpu.memory_space<vmem>>, %arg2: memref<8x2048xf32, #tpu.memory_space<vmem>>, %arg3: memref<512x2048xf32, #tpu.memory_space<vmem>>, %arg4: memref<512x2048xf32, #tpu.memory_space<vmem>>, %arg5: memref<512x2xi32, #tpu.memory_space<vmem>>) attributes {dimension_semantics = [#tpu.dimension_semantics<arbitrary>], iteration_bounds = array<i64: 8>, scalar_prefetch = 0 : i64, scratch_operands = 0 : i64, tpu.core_type = #tpu.core_type<tc>, window_params = [{transform_indices = @transform_0, window_bounds = array<i64: 512, 2048>}, {pipeline_mode = #tpu.pipeline_mode<synchronous>, transform_indices = @transform_1, window_bounds = array<i64: 8, 2048>}, {transform_indices = @transform_2, window_bounds = array<i64: 512, 2048>}, {transform_indices = @transform_3, window_bounds = array<i64: 512, 2048>}, {transform_indices = @transform_4, window_bounds = array<i64: 512, 2>}]} {
    %get3A = arith.constant 0 : index
    %get3A_0 = arith.constant 0 : index
    %get3A_1 = vector.load %arg1[%get3A, %get3A_0] : memref<512x2048xf32, #tpu.memory_space<vmem>>, vector<512x2048xf32>
    %get3A_2 = arith.constant 0 : index
    %get3A_3 = arith.constant 0 : index
    %get3A_4 = vector.load %arg2[%get3A_2, %get3A_3] : memref<8x2048xf32, #tpu.memory_space<vmem>>, vector<8x2048xf32>
    %dot_general3A = arith.constant dense<0.000000e+00> : vector<512x8xf32>
    %dot_general3A_5 = tpu.matmul %get3A_1, %get3A_4, %dot_general3A {dimension_numbers = #tpu.dot_dimension_numbers<[1], [1], [0], [0], [0, 0, 1, 0], [], []>, transpose_lhs_hint = false} : vector<512x2048xf32>, vector<8x2048xf32>, vector<512x8xf32> -> vector<512x8xf32>
    %logistic3A = arith.negf %dot_general3A_5 : vector<512x8xf32>
    %logistic3A_6 = math.exp %logistic3A : vector<512x8xf32>
    %logistic3A_7 = arith.constant 1.000000e+00 : f32
    %logistic3A_8 = vector.broadcast %logistic3A_7 : f32 to vector<512x8xf32>
    %logistic3A_9 = arith.addf %logistic3A_8, %logistic3A_6 : vector<512x8xf32>
    %logistic3A_10 = arith.divf %logistic3A_8, %logistic3A_9 : vector<512x8xf32>
    %iota3A = tpu.iota {dimensions = array<i32: 1>} : vector<512x8xi32>
    %reduce_max3A = arith.constant dense<0xFF800000> : vector<512xf32>
    %reduce_max3A_11 = vector.multi_reduction <maximumf>, %logistic3A_10, %reduce_max3A [1] : vector<512x8xf32> to vector<512xf32>
    %broadcast_in_dim3A = vector.shape_cast %reduce_max3A_11 : vector<512xf32> to vector<512x1xf32>
    %ge3A = vector.broadcast %broadcast_in_dim3A : vector<512x1xf32> to vector<512x8xf32>
    %ge3A_12 = arith.cmpf oge, %logistic3A_10, %ge3A : vector<512x8xf32>
    %jit3A = arith.constant 8 : i32
    %broadcast_in_dim3A_13 = vector.broadcast %jit3A : i32 to vector<512x8xi32>
    %select_n3A = arith.select %ge3A_12, %iota3A, %broadcast_in_dim3A_13 : vector<512x8xi1>, vector<512x8xi32>
    %reduce_min3A = arith.constant dense<2147483647> : vector<512xi32>
    %reduce_min3A_14 = vector.multi_reduction <minsi>, %select_n3A, %reduce_min3A [1] : vector<512x8xi32> to vector<512xi32>
    %broadcast_in_dim3A_15 = vector.shape_cast %reduce_min3A_14 : vector<512xi32> to vector<512x1xi32>
    %eq3A = vector.broadcast %broadcast_in_dim3A_15 : vector<512x1xi32> to vector<512x8xi32>
    %eq3A_16 = arith.cmpi eq, %iota3A, %eq3A : vector<512x8xi32>
    %jit3A_17 = arith.constant -1.000000e+00 : f32
    %broadcast_in_dim3A_18 = vector.broadcast %jit3A_17 : f32 to vector<512x8xf32>
    %select_n3A_19 = arith.select %eq3A_16, %broadcast_in_dim3A_18, %logistic3A_10 : vector<512x8xi1>, vector<512x8xf32>
    %reduce_max3A_20 = arith.constant dense<0xFF800000> : vector<512xf32>
    %reduce_max3A_21 = vector.multi_reduction <maximumf>, %select_n3A_19, %reduce_max3A_20 [1] : vector<512x8xf32> to vector<512xf32>
    %broadcast_in_dim3A_22 = vector.shape_cast %reduce_max3A_21 : vector<512xf32> to vector<512x1xf32>
    %ge3A_23 = vector.broadcast %broadcast_in_dim3A_22 : vector<512x1xf32> to vector<512x8xf32>
    %ge3A_24 = arith.cmpf oge, %select_n3A_19, %ge3A_23 : vector<512x8xf32>
    %jit3A_25 = arith.constant 8 : i32
    %broadcast_in_dim3A_26 = vector.broadcast %jit3A_25 : i32 to vector<512x8xi32>
    %select_n3A_27 = arith.select %ge3A_24, %iota3A, %broadcast_in_dim3A_26 : vector<512x8xi1>, vector<512x8xi32>
    %reduce_min3A_28 = arith.constant dense<2147483647> : vector<512xi32>
    %reduce_min3A_29 = vector.multi_reduction <minsi>, %select_n3A_27, %reduce_min3A_28 [1] : vector<512x8xi32> to vector<512xi32>
    %broadcast_in_dim3A_30 = vector.shape_cast %reduce_min3A_29 : vector<512xi32> to vector<512x1xi32>
    %mul3A = vector.broadcast %broadcast_in_dim3A : vector<512x1xf32> to vector<512x2048xf32>
    %mul3A_31 = arith.mulf %get3A_1, %mul3A : vector<512x2048xf32>
    %swap3A = arith.constant 0 : index
    %swap3A_32 = arith.constant 0 : index
    %swap3A_33 = vector.load %arg3[%swap3A, %swap3A_32] : memref<512x2048xf32, #tpu.memory_space<vmem>>, vector<512x2048xf32>
    tpu.vector_store %arg3[%swap3A, %swap3A_32], %mul3A_31 {strides = array<i32>} : memref<512x2048xf32, #tpu.memory_space<vmem>>, vector<512x2048xf32>,
    %mul3A_34 = vector.broadcast %broadcast_in_dim3A_22 : vector<512x1xf32> to vector<512x2048xf32>
    %mul3A_35 = arith.mulf %get3A_1, %mul3A_34 : vector<512x2048xf32>
    %swap3A_36 = arith.constant 0 : index
    %swap3A_37 = arith.constant 0 : index
    %swap3A_38 = vector.load %arg4[%swap3A_36, %swap3A_37] : memref<512x2048xf32, #tpu.memory_space<vmem>>, vector<512x2048xf32>
    tpu.vector_store %arg4[%swap3A_36, %swap3A_37], %mul3A_35 {strides = array<i32>} : memref<512x2048xf32, #tpu.memory_space<vmem>>, vector<512x2048xf32>,
    %concatenate3A = tpu.concatenate %broadcast_in_dim3A_15, %broadcast_in_dim3A_30 in 1 : vector<512x1xi32>, vector<512x1xi32> -> vector<512x2xi32>
    %swap3A_39 = arith.constant 0 : index
    %swap3A_40 = arith.constant 0 : index
    %swap3A_41 = vector.load %arg5[%swap3A_39, %swap3A_40] : memref<512x2xi32, #tpu.memory_space<vmem>>, vector<512x2xi32>
    tpu.vector_store %arg5[%swap3A_39, %swap3A_40], %concatenate3A {strides = array<i32>} : memref<512x2xi32, #tpu.memory_space<vmem>>, vector<512x2xi32>,
    return
  }
  func.func @transform_0(%arg0: i32) -> (i32, i32) {
    %c0_i32 = arith.constant 0 : i32
    %c0_i32_0 = arith.constant 0 : i32
    return %arg0, %c0_i32 : i32, i32
  }
  func.func @transform_1(%arg0: i32) -> (i32, i32) {
    %c0_i32 = arith.constant 0 : i32
    %c0_i32_0 = arith.constant 0 : i32
    %c0_i32_1 = arith.constant 0 : i32
    return %c0_i32, %c0_i32_0 : i32, i32
  }
  func.func @transform_2(%arg0: i32) -> (i32, i32) {
    %c0_i32 = arith.constant 0 : i32
    %c0_i32_0 = arith.constant 0 : i32
    return %arg0, %c0_i32 : i32, i32
  }
  func.func @transform_3(%arg0: i32) -> (i32, i32) {
    %c0_i32 = arith.constant 0 : i32
    %c0_i32_0 = arith.constant 0 : i32
    return %arg0, %c0_i32 : i32, i32
  }
  func.func @transform_4(%arg0: i32) -> (i32, i32) {
    %c0_i32 = arith.constant 0 : i32
    %c0_i32_0 = arith.constant 0 : i32
    return %arg0, %c0_i32 : i32, i32
  }
}

module attributes {stable_mosaic.version = 14 : i64} {
  func.func @_ffn_body(%arg0: i32, %arg1: memref<40xi32, #tpu.memory_space<smem>>, %arg2: memref<40xi32, #tpu.memory_space<smem>>, %arg3: memref<256x2048xf32, #tpu.memory_space<vmem>>, %arg4: memref<8x2048x2048xf32, #tpu.memory_space<hbm>>, %arg5: memref<8x2048x2048xf32, #tpu.memory_space<hbm>>, %arg6: memref<8x2048x2048xf32, #tpu.memory_space<hbm>>, %arg7: memref<256x2048xf32, #tpu.memory_space<vmem>>, %arg8: memref<2048x2048xf32, #tpu.memory_space<vmem>>, %arg9: memref<2048x2048xf32, #tpu.memory_space<vmem>>, %arg10: memref<2048x2048xf32, #tpu.memory_space<vmem>>, %arg11: memref<3x!tpu.dma_semaphore, #tpu.memory_space<semaphore_mem>>) attributes {dimension_semantics = [#tpu.dimension_semantics<arbitrary>], iteration_bounds = array<i64: 40>, scalar_prefetch = 2 : i64, scratch_operands = 4 : i64, tpu.core_type = #tpu.core_type<tc>, window_params = [{transform_indices = @transform_0, window_bounds = array<i64: 256, 2048>}, {}, {}, {}, {transform_indices = @transform_4, window_bounds = array<i64: 256, 2048>}]} {
    %get3A = arith.index_cast %arg0 : i32 to index
    %get3A_0 = memref.load %arg1[%get3A] : memref<40xi32, #tpu.memory_space<smem>>
    %get3A_1 = arith.index_cast %arg0 : i32 to index
    %get3A_2 = memref.load %arg2[%get3A_1] : memref<40xi32, #tpu.memory_space<smem>>
    %eq3A = arith.constant 1 : i32
    %eq3A_3 = arith.cmpi eq, %get3A_2, %eq3A : i32
    %convert_element_type3A = arith.extui %eq3A_3 : i1 to i32
    %cond3A = arith.constant 0 : i32
    %cond3A_4 = arith.cmpi ne, %convert_element_type3A, %cond3A : i32
    scf.if %cond3A_4 {
      %dma_start3A = arith.constant 0 : i32
      %dma_start3A_39 = tpu.memref_slice %arg11[%dma_start3A] : memref<3x!tpu.dma_semaphore, #tpu.memory_space<semaphore_mem>> -> memref<1x!tpu.dma_semaphore, #tpu.memory_space<semaphore_mem>>
      %dma_start3A_40 = tpu.memref_squeeze %dma_start3A_39 : memref<1x!tpu.dma_semaphore, #tpu.memory_space<semaphore_mem>> -> memref<!tpu.dma_semaphore, #tpu.memory_space<semaphore_mem>>
      %dma_start3A_41 = arith.constant 0 : i32
      %dma_start3A_42 = arith.constant 0 : i32
      %dma_start3A_43 = tpu.memref_slice %arg8[%dma_start3A_41, %dma_start3A_42] : memref<2048x2048xf32, #tpu.memory_space<vmem>> -> memref<512x2048xf32, #tpu.memory_space<vmem>>
      %dma_start3A_44 = arith.constant 0 : i32
      %dma_start3A_45 = arith.constant 0 : i32
      %dma_start3A_46 = tpu.memref_slice %arg4[%get3A_0, %dma_start3A_44, %dma_start3A_45] : memref<8x2048x2048xf32, #tpu.memory_space<hbm>> -> memref<1x512x2048xf32, #tpu.memory_space<hbm>>
      %dma_start3A_47 = tpu.memref_squeeze %dma_start3A_46 : memref<1x512x2048xf32, #tpu.memory_space<hbm>> -> memref<512x2048xf32, #tpu.memory_space<hbm>>
      tpu.enqueue_dma source(%dma_start3A_47 : memref<512x2048xf32, #tpu.memory_space<hbm>>) target(%dma_start3A_43 : memref<512x2048xf32, #tpu.memory_space<vmem>>) target_semaphore(%dma_start3A_40 : memref<!tpu.dma_semaphore, #tpu.memory_space<semaphore_mem>>)
      %dma_start3A_48 = arith.constant 0 : i32
      %dma_start3A_49 = tpu.memref_slice %arg11[%dma_start3A_48] : memref<3x!tpu.dma_semaphore, #tpu.memory_space<semaphore_mem>> -> memref<1x!tpu.dma_semaphore, #tpu.memory_space<semaphore_mem>>
      %dma_start3A_50 = tpu.memref_squeeze %dma_start3A_49 : memref<1x!tpu.dma_semaphore, #tpu.memory_space<semaphore_mem>> -> memref<!tpu.dma_semaphore, #tpu.memory_space<semaphore_mem>>
      %dma_start3A_51 = arith.constant 512 : i32
      %dma_start3A_52 = arith.constant 0 : i32
      %dma_start3A_53 = tpu.memref_slice %arg8[%dma_start3A_51, %dma_start3A_52] : memref<2048x2048xf32, #tpu.memory_space<vmem>> -> memref<512x2048xf32, #tpu.memory_space<vmem>>
      %dma_start3A_54 = arith.constant 512 : i32
      %dma_start3A_55 = arith.constant 0 : i32
      %dma_start3A_56 = tpu.memref_slice %arg4[%get3A_0, %dma_start3A_54, %dma_start3A_55] : memref<8x2048x2048xf32, #tpu.memory_space<hbm>> -> memref<1x512x2048xf32, #tpu.memory_space<hbm>>
      %dma_start3A_57 = tpu.memref_squeeze %dma_start3A_56 : memref<1x512x2048xf32, #tpu.memory_space<hbm>> -> memref<512x2048xf32, #tpu.memory_space<hbm>>
      tpu.enqueue_dma source(%dma_start3A_57 : memref<512x2048xf32, #tpu.memory_space<hbm>>) target(%dma_start3A_53 : memref<512x2048xf32, #tpu.memory_space<vmem>>) target_semaphore(%dma_start3A_50 : memref<!tpu.dma_semaphore, #tpu.memory_space<semaphore_mem>>)
      %dma_start3A_58 = arith.constant 0 : i32
      %dma_start3A_59 = tpu.memref_slice %arg11[%dma_start3A_58] : memref<3x!tpu.dma_semaphore, #tpu.memory_space<semaphore_mem>> -> memref<1x!tpu.dma_semaphore, #tpu.memory_space<semaphore_mem>>
      %dma_start3A_60 = tpu.memref_squeeze %dma_start3A_59 : memref<1x!tpu.dma_semaphore, #tpu.memory_space<semaphore_mem>> -> memref<!tpu.dma_semaphore, #tpu.memory_space<semaphore_mem>>
      %dma_start3A_61 = arith.constant 1024 : i32
      %dma_start3A_62 = arith.constant 0 : i32
      %dma_start3A_63 = tpu.memref_slice %arg8[%dma_start3A_61, %dma_start3A_62] : memref<2048x2048xf32, #tpu.memory_space<vmem>> -> memref<512x2048xf32, #tpu.memory_space<vmem>>
      %dma_start3A_64 = arith.constant 1024 : i32
      %dma_start3A_65 = arith.constant 0 : i32
      %dma_start3A_66 = tpu.memref_slice %arg4[%get3A_0, %dma_start3A_64, %dma_start3A_65] : memref<8x2048x2048xf32, #tpu.memory_space<hbm>> -> memref<1x512x2048xf32, #tpu.memory_space<hbm>>
      %dma_start3A_67 = tpu.memref_squeeze %dma_start3A_66 : memref<1x512x2048xf32, #tpu.memory_space<hbm>> -> memref<512x2048xf32, #tpu.memory_space<hbm>>
      tpu.enqueue_dma source(%dma_start3A_67 : memref<512x2048xf32, #tpu.memory_space<hbm>>) target(%dma_start3A_63 : memref<512x2048xf32, #tpu.memory_space<vmem>>) target_semaphore(%dma_start3A_60 : memref<!tpu.dma_semaphore, #tpu.memory_space<semaphore_mem>>)
      %dma_start3A_68 = arith.constant 0 : i32
      %dma_start3A_69 = tpu.memref_slice %arg11[%dma_start3A_68] : memref<3x!tpu.dma_semaphore, #tpu.memory_space<semaphore_mem>> -> memref<1x!tpu.dma_semaphore, #tpu.memory_space<semaphore_mem>>
      %dma_start3A_70 = tpu.memref_squeeze %dma_start3A_69 : memref<1x!tpu.dma_semaphore, #tpu.memory_space<semaphore_mem>> -> memref<!tpu.dma_semaphore, #tpu.memory_space<semaphore_mem>>
      %dma_start3A_71 = arith.constant 1536 : i32
      %dma_start3A_72 = arith.constant 0 : i32
      %dma_start3A_73 = tpu.memref_slice %arg8[%dma_start3A_71, %dma_start3A_72] : memref<2048x2048xf32, #tpu.memory_space<vmem>> -> memref<512x2048xf32, #tpu.memory_space<vmem>>
      %dma_start3A_74 = arith.constant 1536 : i32
      %dma_start3A_75 = arith.constant 0 : i32
      %dma_start3A_76 = tpu.memref_slice %arg4[%get3A_0, %dma_start3A_74, %dma_start3A_75] : memref<8x2048x2048xf32, #tpu.memory_space<hbm>> -> memref<1x512x2048xf32, #tpu.memory_space<hbm>>
      %dma_start3A_77 = tpu.memref_squeeze %dma_start3A_76 : memref<1x512x2048xf32, #tpu.memory_space<hbm>> -> memref<512x2048xf32, #tpu.memory_space<hbm>>
      tpu.enqueue_dma source(%dma_start3A_77 : memref<512x2048xf32, #tpu.memory_space<hbm>>) target(%dma_start3A_73 : memref<512x2048xf32, #tpu.memory_space<vmem>>) target_semaphore(%dma_start3A_70 : memref<!tpu.dma_semaphore, #tpu.memory_space<semaphore_mem>>)
      %dma_start3A_78 = arith.constant 1 : i32
      %dma_start3A_79 = tpu.memref_slice %arg11[%dma_start3A_78] : memref<3x!tpu.dma_semaphore, #tpu.memory_space<semaphore_mem>> -> memref<1x!tpu.dma_semaphore, #tpu.memory_space<semaphore_mem>>
      %dma_start3A_80 = tpu.memref_squeeze %dma_start3A_79 : memref<1x!tpu.dma_semaphore, #tpu.memory_space<semaphore_mem>> -> memref<!tpu.dma_semaphore, #tpu.memory_space<semaphore_mem>>
      %dma_start3A_81 = arith.constant 0 : i32
      %dma_start3A_82 = arith.constant 0 : i32
      %dma_start3A_83 = tpu.memref_slice %arg9[%dma_start3A_81, %dma_start3A_82] : memref<2048x2048xf32, #tpu.memory_space<vmem>> -> memref<512x2048xf32, #tpu.memory_space<vmem>>
      %dma_start3A_84 = arith.constant 0 : i32
      %dma_start3A_85 = arith.constant 0 : i32
      %dma_start3A_86 = tpu.memref_slice %arg5[%get3A_0, %dma_start3A_84, %dma_start3A_85] : memref<8x2048x2048xf32, #tpu.memory_space<hbm>> -> memref<1x512x2048xf32, #tpu.memory_space<hbm>>
      %dma_start3A_87 = tpu.memref_squeeze %dma_start3A_86 : memref<1x512x2048xf32, #tpu.memory_space<hbm>> -> memref<512x2048xf32, #tpu.memory_space<hbm>>
      tpu.enqueue_dma source(%dma_start3A_87 : memref<512x2048xf32, #tpu.memory_space<hbm>>) target(%dma_start3A_83 : memref<512x2048xf32, #tpu.memory_space<vmem>>) target_semaphore(%dma_start3A_80 : memref<!tpu.dma_semaphore, #tpu.memory_space<semaphore_mem>>)
      %dma_start3A_88 = arith.constant 1 : i32
      %dma_start3A_89 = tpu.memref_slice %arg11[%dma_start3A_88] : memref<3x!tpu.dma_semaphore, #tpu.memory_space<semaphore_mem>> -> memref<1x!tpu.dma_semaphore, #tpu.memory_space<semaphore_mem>>
      %dma_start3A_90 = tpu.memref_squeeze %dma_start3A_89 : memref<1x!tpu.dma_semaphore, #tpu.memory_space<semaphore_mem>> -> memref<!tpu.dma_semaphore, #tpu.memory_space<semaphore_mem>>
      %dma_start3A_91 = arith.constant 512 : i32
      %dma_start3A_92 = arith.constant 0 : i32
      %dma_start3A_93 = tpu.memref_slice %arg9[%dma_start3A_91, %dma_start3A_92] : memref<2048x2048xf32, #tpu.memory_space<vmem>> -> memref<512x2048xf32, #tpu.memory_space<vmem>>
      %dma_start3A_94 = arith.constant 512 : i32
      %dma_start3A_95 = arith.constant 0 : i32
      %dma_start3A_96 = tpu.memref_slice %arg5[%get3A_0, %dma_start3A_94, %dma_start3A_95] : memref<8x2048x2048xf32, #tpu.memory_space<hbm>> -> memref<1x512x2048xf32, #tpu.memory_space<hbm>>
      %dma_start3A_97 = tpu.memref_squeeze %dma_start3A_96 : memref<1x512x2048xf32, #tpu.memory_space<hbm>> -> memref<512x2048xf32, #tpu.memory_space<hbm>>
      tpu.enqueue_dma source(%dma_start3A_97 : memref<512x2048xf32, #tpu.memory_space<hbm>>) target(%dma_start3A_93 : memref<512x2048xf32, #tpu.memory_space<vmem>>) target_semaphore(%dma_start3A_90 : memref<!tpu.dma_semaphore, #tpu.memory_space<semaphore_mem>>)
      %dma_start3A_98 = arith.constant 1 : i32
      %dma_start3A_99 = tpu.memref_slice %arg11[%dma_start3A_98] : memref<3x!tpu.dma_semaphore, #tpu.memory_space<semaphore_mem>> -> memref<1x!tpu.dma_semaphore, #tpu.memory_space<semaphore_mem>>
      %dma_start3A_100 = tpu.memref_squeeze %dma_start3A_99 : memref<1x!tpu.dma_semaphore, #tpu.memory_space<semaphore_mem>> -> memref<!tpu.dma_semaphore, #tpu.memory_space<semaphore_mem>>
      %dma_start3A_101 = arith.constant 1024 : i32
      %dma_start3A_102 = arith.constant 0 : i32
      %dma_start3A_103 = tpu.memref_slice %arg9[%dma_start3A_101, %dma_start3A_102] : memref<2048x2048xf32, #tpu.memory_space<vmem>> -> memref<512x2048xf32, #tpu.memory_space<vmem>>
      %dma_start3A_104 = arith.constant 1024 : i32
      %dma_start3A_105 = arith.constant 0 : i32
      %dma_start3A_106 = tpu.memref_slice %arg5[%get3A_0, %dma_start3A_104, %dma_start3A_105] : memref<8x2048x2048xf32, #tpu.memory_space<hbm>> -> memref<1x512x2048xf32, #tpu.memory_space<hbm>>
      %dma_start3A_107 = tpu.memref_squeeze %dma_start3A_106 : memref<1x512x2048xf32, #tpu.memory_space<hbm>> -> memref<512x2048xf32, #tpu.memory_space<hbm>>
      tpu.enqueue_dma source(%dma_start3A_107 : memref<512x2048xf32, #tpu.memory_space<hbm>>) target(%dma_start3A_103 : memref<512x2048xf32, #tpu.memory_space<vmem>>) target_semaphore(%dma_start3A_100 : memref<!tpu.dma_semaphore, #tpu.memory_space<semaphore_mem>>)
      %dma_start3A_108 = arith.constant 1 : i32
      %dma_start3A_109 = tpu.memref_slice %arg11[%dma_start3A_108] : memref<3x!tpu.dma_semaphore, #tpu.memory_space<semaphore_mem>> -> memref<1x!tpu.dma_semaphore, #tpu.memory_space<semaphore_mem>>
      %dma_start3A_110 = tpu.memref_squeeze %dma_start3A_109 : memref<1x!tpu.dma_semaphore, #tpu.memory_space<semaphore_mem>> -> memref<!tpu.dma_semaphore, #tpu.memory_space<semaphore_mem>>
      %dma_start3A_111 = arith.constant 1536 : i32
      %dma_start3A_112 = arith.constant 0 : i32
      %dma_start3A_113 = tpu.memref_slice %arg9[%dma_start3A_111, %dma_start3A_112] : memref<2048x2048xf32, #tpu.memory_space<vmem>> -> memref<512x2048xf32, #tpu.memory_space<vmem>>
      %dma_start3A_114 = arith.constant 1536 : i32
      %dma_start3A_115 = arith.constant 0 : i32
      %dma_start3A_116 = tpu.memref_slice %arg5[%get3A_0, %dma_start3A_114, %dma_start3A_115] : memref<8x2048x2048xf32, #tpu.memory_space<hbm>> -> memref<1x512x2048xf32, #tpu.memory_space<hbm>>
      %dma_start3A_117 = tpu.memref_squeeze %dma_start3A_116 : memref<1x512x2048xf32, #tpu.memory_space<hbm>> -> memref<512x2048xf32, #tpu.memory_space<hbm>>
      tpu.enqueue_dma source(%dma_start3A_117 : memref<512x2048xf32, #tpu.memory_space<hbm>>) target(%dma_start3A_113 : memref<512x2048xf32, #tpu.memory_space<vmem>>) target_semaphore(%dma_start3A_110 : memref<!tpu.dma_semaphore, #tpu.memory_space<semaphore_mem>>)
      %dma_start3A_118 = arith.constant 2 : i32
      %dma_start3A_119 = tpu.memref_slice %arg11[%dma_start3A_118] : memref<3x!tpu.dma_semaphore, #tpu.memory_space<semaphore_mem>> -> memref<1x!tpu.dma_semaphore, #tpu.memory_space<semaphore_mem>>
      %dma_start3A_120 = tpu.memref_squeeze %dma_start3A_119 : memref<1x!tpu.dma_semaphore, #tpu.memory_space<semaphore_mem>> -> memref<!tpu.dma_semaphore, #tpu.memory_space<semaphore_mem>>
      %dma_start3A_121 = arith.constant 0 : i32
      %dma_start3A_122 = arith.constant 0 : i32
      %dma_start3A_123 = tpu.memref_slice %arg10[%dma_start3A_121, %dma_start3A_122] : memref<2048x2048xf32, #tpu.memory_space<vmem>> -> memref<512x2048xf32, #tpu.memory_space<vmem>>
      %dma_start3A_124 = arith.constant 0 : i32
      %dma_start3A_125 = arith.constant 0 : i32
      %dma_start3A_126 = tpu.memref_slice %arg6[%get3A_0, %dma_start3A_124, %dma_start3A_125] : memref<8x2048x2048xf32, #tpu.memory_space<hbm>> -> memref<1x512x2048xf32, #tpu.memory_space<hbm>>
      %dma_start3A_127 = tpu.memref_squeeze %dma_start3A_126 : memref<1x512x2048xf32, #tpu.memory_space<hbm>> -> memref<512x2048xf32, #tpu.memory_space<hbm>>
      tpu.enqueue_dma source(%dma_start3A_127 : memref<512x2048xf32, #tpu.memory_space<hbm>>) target(%dma_start3A_123 : memref<512x2048xf32, #tpu.memory_space<vmem>>) target_semaphore(%dma_start3A_120 : memref<!tpu.dma_semaphore, #tpu.memory_space<semaphore_mem>>)
      %dma_start3A_128 = arith.constant 2 : i32
      %dma_start3A_129 = tpu.memref_slice %arg11[%dma_start3A_128] : memref<3x!tpu.dma_semaphore, #tpu.memory_space<semaphore_mem>> -> memref<1x!tpu.dma_semaphore, #tpu.memory_space<semaphore_mem>>
      %dma_start3A_130 = tpu.memref_squeeze %dma_start3A_129 : memref<1x!tpu.dma_semaphore, #tpu.memory_space<semaphore_mem>> -> memref<!tpu.dma_semaphore, #tpu.memory_space<semaphore_mem>>
      %dma_start3A_131 = arith.constant 512 : i32
      %dma_start3A_132 = arith.constant 0 : i32
      %dma_start3A_133 = tpu.memref_slice %arg10[%dma_start3A_131, %dma_start3A_132] : memref<2048x2048xf32, #tpu.memory_space<vmem>> -> memref<512x2048xf32, #tpu.memory_space<vmem>>
      %dma_start3A_134 = arith.constant 512 : i32
      %dma_start3A_135 = arith.constant 0 : i32
      %dma_start3A_136 = tpu.memref_slice %arg6[%get3A_0, %dma_start3A_134, %dma_start3A_135] : memref<8x2048x2048xf32, #tpu.memory_space<hbm>> -> memref<1x512x2048xf32, #tpu.memory_space<hbm>>
      %dma_start3A_137 = tpu.memref_squeeze %dma_start3A_136 : memref<1x512x2048xf32, #tpu.memory_space<hbm>> -> memref<512x2048xf32, #tpu.memory_space<hbm>>
      tpu.enqueue_dma source(%dma_start3A_137 : memref<512x2048xf32, #tpu.memory_space<hbm>>) target(%dma_start3A_133 : memref<512x2048xf32, #tpu.memory_space<vmem>>) target_semaphore(%dma_start3A_130 : memref<!tpu.dma_semaphore, #tpu.memory_space<semaphore_mem>>)
      %dma_start3A_138 = arith.constant 2 : i32
      %dma_start3A_139 = tpu.memref_slice %arg11[%dma_start3A_138] : memref<3x!tpu.dma_semaphore, #tpu.memory_space<semaphore_mem>> -> memref<1x!tpu.dma_semaphore, #tpu.memory_space<semaphore_mem>>
      %dma_start3A_140 = tpu.memref_squeeze %dma_start3A_139 : memref<1x!tpu.dma_semaphore, #tpu.memory_space<semaphore_mem>> -> memref<!tpu.dma_semaphore, #tpu.memory_space<semaphore_mem>>
      %dma_start3A_141 = arith.constant 1024 : i32
      %dma_start3A_142 = arith.constant 0 : i32
      %dma_start3A_143 = tpu.memref_slice %arg10[%dma_start3A_141, %dma_start3A_142] : memref<2048x2048xf32, #tpu.memory_space<vmem>> -> memref<512x2048xf32, #tpu.memory_space<vmem>>
      %dma_start3A_144 = arith.constant 1024 : i32
      %dma_start3A_145 = arith.constant 0 : i32
      %dma_start3A_146 = tpu.memref_slice %arg6[%get3A_0, %dma_start3A_144, %dma_start3A_145] : memref<8x2048x2048xf32, #tpu.memory_space<hbm>> -> memref<1x512x2048xf32, #tpu.memory_space<hbm>>
      %dma_start3A_147 = tpu.memref_squeeze %dma_start3A_146 : memref<1x512x2048xf32, #tpu.memory_space<hbm>> -> memref<512x2048xf32, #tpu.memory_space<hbm>>
      tpu.enqueue_dma source(%dma_start3A_147 : memref<512x2048xf32, #tpu.memory_space<hbm>>) target(%dma_start3A_143 : memref<512x2048xf32, #tpu.memory_space<vmem>>) target_semaphore(%dma_start3A_140 : memref<!tpu.dma_semaphore, #tpu.memory_space<semaphore_mem>>)
      %dma_start3A_148 = arith.constant 2 : i32
      %dma_start3A_149 = tpu.memref_slice %arg11[%dma_start3A_148] : memref<3x!tpu.dma_semaphore, #tpu.memory_space<semaphore_mem>> -> memref<1x!tpu.dma_semaphore, #tpu.memory_space<semaphore_mem>>
      %dma_start3A_150 = tpu.memref_squeeze %dma_start3A_149 : memref<1x!tpu.dma_semaphore, #tpu.memory_space<semaphore_mem>> -> memref<!tpu.dma_semaphore, #tpu.memory_space<semaphore_mem>>
      %dma_start3A_151 = arith.constant 1536 : i32
      %dma_start3A_152 = arith.constant 0 : i32
      %dma_start3A_153 = tpu.memref_slice %arg10[%dma_start3A_151, %dma_start3A_152] : memref<2048x2048xf32, #tpu.memory_space<vmem>> -> memref<512x2048xf32, #tpu.memory_space<vmem>>
      %dma_start3A_154 = arith.constant 1536 : i32
      %dma_start3A_155 = arith.constant 0 : i32
      %dma_start3A_156 = tpu.memref_slice %arg6[%get3A_0, %dma_start3A_154, %dma_start3A_155] : memref<8x2048x2048xf32, #tpu.memory_space<hbm>> -> memref<1x512x2048xf32, #tpu.memory_space<hbm>>
      %dma_start3A_157 = tpu.memref_squeeze %dma_start3A_156 : memref<1x512x2048xf32, #tpu.memory_space<hbm>> -> memref<512x2048xf32, #tpu.memory_space<hbm>>
      tpu.enqueue_dma source(%dma_start3A_157 : memref<512x2048xf32, #tpu.memory_space<hbm>>) target(%dma_start3A_153 : memref<512x2048xf32, #tpu.memory_space<vmem>>) target_semaphore(%dma_start3A_150 : memref<!tpu.dma_semaphore, #tpu.memory_space<semaphore_mem>>)
    } else {
    }
    %convert_element_type3A_5 = arith.extui %eq3A_3 : i1 to i32
    %cond3A_6 = arith.constant 0 : i32
    %cond3A_7 = arith.cmpi ne, %convert_element_type3A_5, %cond3A_6 : i32
    scf.if %cond3A_7 {
      %dma_wait3A = arith.constant 0 : i32
      %dma_wait3A_39 = tpu.memref_slice %arg11[%dma_wait3A] : memref<3x!tpu.dma_semaphore, #tpu.memory_space<semaphore_mem>> -> memref<1x!tpu.dma_semaphore, #tpu.memory_space<semaphore_mem>>
      %dma_wait3A_40 = tpu.memref_squeeze %dma_wait3A_39 : memref<1x!tpu.dma_semaphore, #tpu.memory_space<semaphore_mem>> -> memref<!tpu.dma_semaphore, #tpu.memory_space<semaphore_mem>>
      %dma_wait3A_41 = arith.constant 0 : i32
      %dma_wait3A_42 = arith.constant 0 : i32
      %dma_wait3A_43 = tpu.memref_slice %arg8[%dma_wait3A_41, %dma_wait3A_42] : memref<2048x2048xf32, #tpu.memory_space<vmem>> -> memref<512x2048xf32, #tpu.memory_space<vmem>>
      %dma_wait3A_44 = arith.constant 0 : i32
      %dma_wait3A_45 = arith.constant 0 : i32
      %dma_wait3A_46 = tpu.memref_slice %arg4[%get3A_0, %dma_wait3A_44, %dma_wait3A_45] : memref<8x2048x2048xf32, #tpu.memory_space<hbm>> -> memref<1x512x2048xf32, #tpu.memory_space<hbm>>
      %dma_wait3A_47 = tpu.memref_squeeze %dma_wait3A_46 : memref<1x512x2048xf32, #tpu.memory_space<hbm>> -> memref<512x2048xf32, #tpu.memory_space<hbm>>
      tpu.wait_dma2 semaphore(%dma_wait3A_40 : memref<!tpu.dma_semaphore, #tpu.memory_space<semaphore_mem>>) src(%dma_wait3A_47 : memref<512x2048xf32, #tpu.memory_space<hbm>>) dst(%dma_wait3A_43 : memref<512x2048xf32, #tpu.memory_space<vmem>>)
      %dma_wait3A_48 = arith.constant 0 : i32
      %dma_wait3A_49 = tpu.memref_slice %arg11[%dma_wait3A_48] : memref<3x!tpu.dma_semaphore, #tpu.memory_space<semaphore_mem>> -> memref<1x!tpu.dma_semaphore, #tpu.memory_space<semaphore_mem>>
      %dma_wait3A_50 = tpu.memref_squeeze %dma_wait3A_49 : memref<1x!tpu.dma_semaphore, #tpu.memory_space<semaphore_mem>> -> memref<!tpu.dma_semaphore, #tpu.memory_space<semaphore_mem>>
      %dma_wait3A_51 = arith.constant 512 : i32
      %dma_wait3A_52 = arith.constant 0 : i32
      %dma_wait3A_53 = tpu.memref_slice %arg8[%dma_wait3A_51, %dma_wait3A_52] : memref<2048x2048xf32, #tpu.memory_space<vmem>> -> memref<512x2048xf32, #tpu.memory_space<vmem>>
      %dma_wait3A_54 = arith.constant 512 : i32
      %dma_wait3A_55 = arith.constant 0 : i32
      %dma_wait3A_56 = tpu.memref_slice %arg4[%get3A_0, %dma_wait3A_54, %dma_wait3A_55] : memref<8x2048x2048xf32, #tpu.memory_space<hbm>> -> memref<1x512x2048xf32, #tpu.memory_space<hbm>>
      %dma_wait3A_57 = tpu.memref_squeeze %dma_wait3A_56 : memref<1x512x2048xf32, #tpu.memory_space<hbm>> -> memref<512x2048xf32, #tpu.memory_space<hbm>>
      tpu.wait_dma2 semaphore(%dma_wait3A_50 : memref<!tpu.dma_semaphore, #tpu.memory_space<semaphore_mem>>) src(%dma_wait3A_57 : memref<512x2048xf32, #tpu.memory_space<hbm>>) dst(%dma_wait3A_53 : memref<512x2048xf32, #tpu.memory_space<vmem>>)
      %dma_wait3A_58 = arith.constant 0 : i32
      %dma_wait3A_59 = tpu.memref_slice %arg11[%dma_wait3A_58] : memref<3x!tpu.dma_semaphore, #tpu.memory_space<semaphore_mem>> -> memref<1x!tpu.dma_semaphore, #tpu.memory_space<semaphore_mem>>
      %dma_wait3A_60 = tpu.memref_squeeze %dma_wait3A_59 : memref<1x!tpu.dma_semaphore, #tpu.memory_space<semaphore_mem>> -> memref<!tpu.dma_semaphore, #tpu.memory_space<semaphore_mem>>
      %dma_wait3A_61 = arith.constant 1024 : i32
      %dma_wait3A_62 = arith.constant 0 : i32
      %dma_wait3A_63 = tpu.memref_slice %arg8[%dma_wait3A_61, %dma_wait3A_62] : memref<2048x2048xf32, #tpu.memory_space<vmem>> -> memref<512x2048xf32, #tpu.memory_space<vmem>>
      %dma_wait3A_64 = arith.constant 1024 : i32
      %dma_wait3A_65 = arith.constant 0 : i32
      %dma_wait3A_66 = tpu.memref_slice %arg4[%get3A_0, %dma_wait3A_64, %dma_wait3A_65] : memref<8x2048x2048xf32, #tpu.memory_space<hbm>> -> memref<1x512x2048xf32, #tpu.memory_space<hbm>>
      %dma_wait3A_67 = tpu.memref_squeeze %dma_wait3A_66 : memref<1x512x2048xf32, #tpu.memory_space<hbm>> -> memref<512x2048xf32, #tpu.memory_space<hbm>>
      tpu.wait_dma2 semaphore(%dma_wait3A_60 : memref<!tpu.dma_semaphore, #tpu.memory_space<semaphore_mem>>) src(%dma_wait3A_67 : memref<512x2048xf32, #tpu.memory_space<hbm>>) dst(%dma_wait3A_63 : memref<512x2048xf32, #tpu.memory_space<vmem>>)
      %dma_wait3A_68 = arith.constant 0 : i32
      %dma_wait3A_69 = tpu.memref_slice %arg11[%dma_wait3A_68] : memref<3x!tpu.dma_semaphore, #tpu.memory_space<semaphore_mem>> -> memref<1x!tpu.dma_semaphore, #tpu.memory_space<semaphore_mem>>
      %dma_wait3A_70 = tpu.memref_squeeze %dma_wait3A_69 : memref<1x!tpu.dma_semaphore, #tpu.memory_space<semaphore_mem>> -> memref<!tpu.dma_semaphore, #tpu.memory_space<semaphore_mem>>
      %dma_wait3A_71 = arith.constant 1536 : i32
      %dma_wait3A_72 = arith.constant 0 : i32
      %dma_wait3A_73 = tpu.memref_slice %arg8[%dma_wait3A_71, %dma_wait3A_72] : memref<2048x2048xf32, #tpu.memory_space<vmem>> -> memref<512x2048xf32, #tpu.memory_space<vmem>>
      %dma_wait3A_74 = arith.constant 1536 : i32
      %dma_wait3A_75 = arith.constant 0 : i32
      %dma_wait3A_76 = tpu.memref_slice %arg4[%get3A_0, %dma_wait3A_74, %dma_wait3A_75] : memref<8x2048x2048xf32, #tpu.memory_space<hbm>> -> memref<1x512x2048xf32, #tpu.memory_space<hbm>>
      %dma_wait3A_77 = tpu.memref_squeeze %dma_wait3A_76 : memref<1x512x2048xf32, #tpu.memory_space<hbm>> -> memref<512x2048xf32, #tpu.memory_space<hbm>>
      tpu.wait_dma2 semaphore(%dma_wait3A_70 : memref<!tpu.dma_semaphore, #tpu.memory_space<semaphore_mem>>) src(%dma_wait3A_77 : memref<512x2048xf32, #tpu.memory_space<hbm>>) dst(%dma_wait3A_73 : memref<512x2048xf32, #tpu.memory_space<vmem>>)
    } else {
    }
    %get3A_8 = arith.constant 0 : index
    %get3A_9 = arith.constant 0 : index
    %get3A_10 = vector.load %arg3[%get3A_8, %get3A_9] : memref<256x2048xf32, #tpu.memory_space<vmem>>, vector<256x2048xf32>
    %get3A_11 = arith.constant 0 : index
    %get3A_12 = arith.constant 0 : index
    %get3A_13 = vector.load %arg8[%get3A_11, %get3A_12] : memref<2048x2048xf32, #tpu.memory_space<vmem>>, vector<2048x2048xf32>
    %dot_general3A = arith.constant dense<0.000000e+00> : vector<256x2048xf32>
    %dot_general3A_14 = tpu.matmul %get3A_10, %get3A_13, %dot_general3A {dimension_numbers = #tpu.dot_dimension_numbers<[1], [1], [0], [0], [0, 0, 1, 0], [], []>, transpose_lhs_hint = false} : vector<256x2048xf32>, vector<2048x2048xf32>, vector<256x2048xf32> -> vector<256x2048xf32>
    %convert_element_type3A_15 = arith.extui %eq3A_3 : i1 to i32
    %cond3A_16 = arith.constant 0 : i32
    %cond3A_17 = arith.cmpi ne, %convert_element_type3A_15, %cond3A_16 : i32
    scf.if %cond3A_17 {
      %dma_wait3A = arith.constant 1 : i32
      %dma_wait3A_39 = tpu.memref_slice %arg11[%dma_wait3A] : memref<3x!tpu.dma_semaphore, #tpu.memory_space<semaphore_mem>> -> memref<1x!tpu.dma_semaphore, #tpu.memory_space<semaphore_mem>>
      %dma_wait3A_40 = tpu.memref_squeeze %dma_wait3A_39 : memref<1x!tpu.dma_semaphore, #tpu.memory_space<semaphore_mem>> -> memref<!tpu.dma_semaphore, #tpu.memory_space<semaphore_mem>>
      %dma_wait3A_41 = arith.constant 0 : i32
      %dma_wait3A_42 = arith.constant 0 : i32
      %dma_wait3A_43 = tpu.memref_slice %arg9[%dma_wait3A_41, %dma_wait3A_42] : memref<2048x2048xf32, #tpu.memory_space<vmem>> -> memref<512x2048xf32, #tpu.memory_space<vmem>>
      %dma_wait3A_44 = arith.constant 0 : i32
      %dma_wait3A_45 = arith.constant 0 : i32
      %dma_wait3A_46 = tpu.memref_slice %arg5[%get3A_0, %dma_wait3A_44, %dma_wait3A_45] : memref<8x2048x2048xf32, #tpu.memory_space<hbm>> -> memref<1x512x2048xf32, #tpu.memory_space<hbm>>
      %dma_wait3A_47 = tpu.memref_squeeze %dma_wait3A_46 : memref<1x512x2048xf32, #tpu.memory_space<hbm>> -> memref<512x2048xf32, #tpu.memory_space<hbm>>
      tpu.wait_dma2 semaphore(%dma_wait3A_40 : memref<!tpu.dma_semaphore, #tpu.memory_space<semaphore_mem>>) src(%dma_wait3A_47 : memref<512x2048xf32, #tpu.memory_space<hbm>>) dst(%dma_wait3A_43 : memref<512x2048xf32, #tpu.memory_space<vmem>>)
      %dma_wait3A_48 = arith.constant 1 : i32
      %dma_wait3A_49 = tpu.memref_slice %arg11[%dma_wait3A_48] : memref<3x!tpu.dma_semaphore, #tpu.memory_space<semaphore_mem>> -> memref<1x!tpu.dma_semaphore, #tpu.memory_space<semaphore_mem>>
      %dma_wait3A_50 = tpu.memref_squeeze %dma_wait3A_49 : memref<1x!tpu.dma_semaphore, #tpu.memory_space<semaphore_mem>> -> memref<!tpu.dma_semaphore, #tpu.memory_space<semaphore_mem>>
      %dma_wait3A_51 = arith.constant 512 : i32
      %dma_wait3A_52 = arith.constant 0 : i32
      %dma_wait3A_53 = tpu.memref_slice %arg9[%dma_wait3A_51, %dma_wait3A_52] : memref<2048x2048xf32, #tpu.memory_space<vmem>> -> memref<512x2048xf32, #tpu.memory_space<vmem>>
      %dma_wait3A_54 = arith.constant 512 : i32
      %dma_wait3A_55 = arith.constant 0 : i32
      %dma_wait3A_56 = tpu.memref_slice %arg5[%get3A_0, %dma_wait3A_54, %dma_wait3A_55] : memref<8x2048x2048xf32, #tpu.memory_space<hbm>> -> memref<1x512x2048xf32, #tpu.memory_space<hbm>>
      %dma_wait3A_57 = tpu.memref_squeeze %dma_wait3A_56 : memref<1x512x2048xf32, #tpu.memory_space<hbm>> -> memref<512x2048xf32, #tpu.memory_space<hbm>>
      tpu.wait_dma2 semaphore(%dma_wait3A_50 : memref<!tpu.dma_semaphore, #tpu.memory_space<semaphore_mem>>) src(%dma_wait3A_57 : memref<512x2048xf32, #tpu.memory_space<hbm>>) dst(%dma_wait3A_53 : memref<512x2048xf32, #tpu.memory_space<vmem>>)
      %dma_wait3A_58 = arith.constant 1 : i32
      %dma_wait3A_59 = tpu.memref_slice %arg11[%dma_wait3A_58] : memref<3x!tpu.dma_semaphore, #tpu.memory_space<semaphore_mem>> -> memref<1x!tpu.dma_semaphore, #tpu.memory_space<semaphore_mem>>
      %dma_wait3A_60 = tpu.memref_squeeze %dma_wait3A_59 : memref<1x!tpu.dma_semaphore, #tpu.memory_space<semaphore_mem>> -> memref<!tpu.dma_semaphore, #tpu.memory_space<semaphore_mem>>
      %dma_wait3A_61 = arith.constant 1024 : i32
      %dma_wait3A_62 = arith.constant 0 : i32
      %dma_wait3A_63 = tpu.memref_slice %arg9[%dma_wait3A_61, %dma_wait3A_62] : memref<2048x2048xf32, #tpu.memory_space<vmem>> -> memref<512x2048xf32, #tpu.memory_space<vmem>>
      %dma_wait3A_64 = arith.constant 1024 : i32
      %dma_wait3A_65 = arith.constant 0 : i32
      %dma_wait3A_66 = tpu.memref_slice %arg5[%get3A_0, %dma_wait3A_64, %dma_wait3A_65] : memref<8x2048x2048xf32, #tpu.memory_space<hbm>> -> memref<1x512x2048xf32, #tpu.memory_space<hbm>>
      %dma_wait3A_67 = tpu.memref_squeeze %dma_wait3A_66 : memref<1x512x2048xf32, #tpu.memory_space<hbm>> -> memref<512x2048xf32, #tpu.memory_space<hbm>>
      tpu.wait_dma2 semaphore(%dma_wait3A_60 : memref<!tpu.dma_semaphore, #tpu.memory_space<semaphore_mem>>) src(%dma_wait3A_67 : memref<512x2048xf32, #tpu.memory_space<hbm>>) dst(%dma_wait3A_63 : memref<512x2048xf32, #tpu.memory_space<vmem>>)
      %dma_wait3A_68 = arith.constant 1 : i32
      %dma_wait3A_69 = tpu.memref_slice %arg11[%dma_wait3A_68] : memref<3x!tpu.dma_semaphore, #tpu.memory_space<semaphore_mem>> -> memref<1x!tpu.dma_semaphore, #tpu.memory_space<semaphore_mem>>
      %dma_wait3A_70 = tpu.memref_squeeze %dma_wait3A_69 : memref<1x!tpu.dma_semaphore, #tpu.memory_space<semaphore_mem>> -> memref<!tpu.dma_semaphore, #tpu.memory_space<semaphore_mem>>
      %dma_wait3A_71 = arith.constant 1536 : i32
      %dma_wait3A_72 = arith.constant 0 : i32
      %dma_wait3A_73 = tpu.memref_slice %arg9[%dma_wait3A_71, %dma_wait3A_72] : memref<2048x2048xf32, #tpu.memory_space<vmem>> -> memref<512x2048xf32, #tpu.memory_space<vmem>>
      %dma_wait3A_74 = arith.constant 1536 : i32
      %dma_wait3A_75 = arith.constant 0 : i32
      %dma_wait3A_76 = tpu.memref_slice %arg5[%get3A_0, %dma_wait3A_74, %dma_wait3A_75] : memref<8x2048x2048xf32, #tpu.memory_space<hbm>> -> memref<1x512x2048xf32, #tpu.memory_space<hbm>>
      %dma_wait3A_77 = tpu.memref_squeeze %dma_wait3A_76 : memref<1x512x2048xf32, #tpu.memory_space<hbm>> -> memref<512x2048xf32, #tpu.memory_space<hbm>>
      tpu.wait_dma2 semaphore(%dma_wait3A_70 : memref<!tpu.dma_semaphore, #tpu.memory_space<semaphore_mem>>) src(%dma_wait3A_77 : memref<512x2048xf32, #tpu.memory_space<hbm>>) dst(%dma_wait3A_73 : memref<512x2048xf32, #tpu.memory_space<vmem>>)
    } else {
    }
    %get3A_18 = arith.constant 0 : index
    %get3A_19 = arith.constant 0 : index
    %get3A_20 = vector.load %arg9[%get3A_18, %get3A_19] : memref<2048x2048xf32, #tpu.memory_space<vmem>>, vector<2048x2048xf32>
    %dot_general3A_21 = arith.constant dense<0.000000e+00> : vector<256x2048xf32>
    %dot_general3A_22 = tpu.matmul %get3A_10, %get3A_20, %dot_general3A_21 {dimension_numbers = #tpu.dot_dimension_numbers<[1], [1], [0], [0], [0, 0, 1, 0], [], []>, transpose_lhs_hint = false} : vector<256x2048xf32>, vector<2048x2048xf32>, vector<256x2048xf32> -> vector<256x2048xf32>
    %logistic3A = arith.negf %dot_general3A_14 : vector<256x2048xf32>
    %logistic3A_23 = math.exp %logistic3A : vector<256x2048xf32>
    %logistic3A_24 = arith.constant 1.000000e+00 : f32
    %logistic3A_25 = vector.broadcast %logistic3A_24 : f32 to vector<256x2048xf32>
    %logistic3A_26 = arith.addf %logistic3A_25, %logistic3A_23 : vector<256x2048xf32>
    %logistic3A_27 = arith.divf %logistic3A_25, %logistic3A_26 : vector<256x2048xf32>
    %mul3A = arith.mulf %dot_general3A_14, %logistic3A_27 : vector<256x2048xf32>
    %mul3A_28 = arith.mulf %mul3A, %dot_general3A_22 : vector<256x2048xf32>
    %convert_element_type3A_29 = arith.extui %eq3A_3 : i1 to i32
    %cond3A_30 = arith.constant 0 : i32
    %cond3A_31 = arith.cmpi ne, %convert_element_type3A_29, %cond3A_30 : i32
    scf.if %cond3A_31 {
      %dma_wait3A = arith.constant 2 : i32
      %dma_wait3A_39 = tpu.memref_slice %arg11[%dma_wait3A] : memref<3x!tpu.dma_semaphore, #tpu.memory_space<semaphore_mem>> -> memref<1x!tpu.dma_semaphore, #tpu.memory_space<semaphore_mem>>
      %dma_wait3A_40 = tpu.memref_squeeze %dma_wait3A_39 : memref<1x!tpu.dma_semaphore, #tpu.memory_space<semaphore_mem>> -> memref<!tpu.dma_semaphore, #tpu.memory_space<semaphore_mem>>
      %dma_wait3A_41 = arith.constant 0 : i32
      %dma_wait3A_42 = arith.constant 0 : i32
      %dma_wait3A_43 = tpu.memref_slice %arg10[%dma_wait3A_41, %dma_wait3A_42] : memref<2048x2048xf32, #tpu.memory_space<vmem>> -> memref<512x2048xf32, #tpu.memory_space<vmem>>
      %dma_wait3A_44 = arith.constant 0 : i32
      %dma_wait3A_45 = arith.constant 0 : i32
      %dma_wait3A_46 = tpu.memref_slice %arg6[%get3A_0, %dma_wait3A_44, %dma_wait3A_45] : memref<8x2048x2048xf32, #tpu.memory_space<hbm>> -> memref<1x512x2048xf32, #tpu.memory_space<hbm>>
      %dma_wait3A_47 = tpu.memref_squeeze %dma_wait3A_46 : memref<1x512x2048xf32, #tpu.memory_space<hbm>> -> memref<512x2048xf32, #tpu.memory_space<hbm>>
      tpu.wait_dma2 semaphore(%dma_wait3A_40 : memref<!tpu.dma_semaphore, #tpu.memory_space<semaphore_mem>>) src(%dma_wait3A_47 : memref<512x2048xf32, #tpu.memory_space<hbm>>) dst(%dma_wait3A_43 : memref<512x2048xf32, #tpu.memory_space<vmem>>)
      %dma_wait3A_48 = arith.constant 2 : i32
      %dma_wait3A_49 = tpu.memref_slice %arg11[%dma_wait3A_48] : memref<3x!tpu.dma_semaphore, #tpu.memory_space<semaphore_mem>> -> memref<1x!tpu.dma_semaphore, #tpu.memory_space<semaphore_mem>>
      %dma_wait3A_50 = tpu.memref_squeeze %dma_wait3A_49 : memref<1x!tpu.dma_semaphore, #tpu.memory_space<semaphore_mem>> -> memref<!tpu.dma_semaphore, #tpu.memory_space<semaphore_mem>>
      %dma_wait3A_51 = arith.constant 512 : i32
      %dma_wait3A_52 = arith.constant 0 : i32
      %dma_wait3A_53 = tpu.memref_slice %arg10[%dma_wait3A_51, %dma_wait3A_52] : memref<2048x2048xf32, #tpu.memory_space<vmem>> -> memref<512x2048xf32, #tpu.memory_space<vmem>>
      %dma_wait3A_54 = arith.constant 512 : i32
      %dma_wait3A_55 = arith.constant 0 : i32
      %dma_wait3A_56 = tpu.memref_slice %arg6[%get3A_0, %dma_wait3A_54, %dma_wait3A_55] : memref<8x2048x2048xf32, #tpu.memory_space<hbm>> -> memref<1x512x2048xf32, #tpu.memory_space<hbm>>
      %dma_wait3A_57 = tpu.memref_squeeze %dma_wait3A_56 : memref<1x512x2048xf32, #tpu.memory_space<hbm>> -> memref<512x2048xf32, #tpu.memory_space<hbm>>
      tpu.wait_dma2 semaphore(%dma_wait3A_50 : memref<!tpu.dma_semaphore, #tpu.memory_space<semaphore_mem>>) src(%dma_wait3A_57 : memref<512x2048xf32, #tpu.memory_space<hbm>>) dst(%dma_wait3A_53 : memref<512x2048xf32, #tpu.memory_space<vmem>>)
      %dma_wait3A_58 = arith.constant 2 : i32
      %dma_wait3A_59 = tpu.memref_slice %arg11[%dma_wait3A_58] : memref<3x!tpu.dma_semaphore, #tpu.memory_space<semaphore_mem>> -> memref<1x!tpu.dma_semaphore, #tpu.memory_space<semaphore_mem>>
      %dma_wait3A_60 = tpu.memref_squeeze %dma_wait3A_59 : memref<1x!tpu.dma_semaphore, #tpu.memory_space<semaphore_mem>> -> memref<!tpu.dma_semaphore, #tpu.memory_space<semaphore_mem>>
      %dma_wait3A_61 = arith.constant 1024 : i32
      %dma_wait3A_62 = arith.constant 0 : i32
      %dma_wait3A_63 = tpu.memref_slice %arg10[%dma_wait3A_61, %dma_wait3A_62] : memref<2048x2048xf32, #tpu.memory_space<vmem>> -> memref<512x2048xf32, #tpu.memory_space<vmem>>
      %dma_wait3A_64 = arith.constant 1024 : i32
      %dma_wait3A_65 = arith.constant 0 : i32
      %dma_wait3A_66 = tpu.memref_slice %arg6[%get3A_0, %dma_wait3A_64, %dma_wait3A_65] : memref<8x2048x2048xf32, #tpu.memory_space<hbm>> -> memref<1x512x2048xf32, #tpu.memory_space<hbm>>
      %dma_wait3A_67 = tpu.memref_squeeze %dma_wait3A_66 : memref<1x512x2048xf32, #tpu.memory_space<hbm>> -> memref<512x2048xf32, #tpu.memory_space<hbm>>
      tpu.wait_dma2 semaphore(%dma_wait3A_60 : memref<!tpu.dma_semaphore, #tpu.memory_space<semaphore_mem>>) src(%dma_wait3A_67 : memref<512x2048xf32, #tpu.memory_space<hbm>>) dst(%dma_wait3A_63 : memref<512x2048xf32, #tpu.memory_space<vmem>>)
      %dma_wait3A_68 = arith.constant 2 : i32
      %dma_wait3A_69 = tpu.memref_slice %arg11[%dma_wait3A_68] : memref<3x!tpu.dma_semaphore, #tpu.memory_space<semaphore_mem>> -> memref<1x!tpu.dma_semaphore, #tpu.memory_space<semaphore_mem>>
      %dma_wait3A_70 = tpu.memref_squeeze %dma_wait3A_69 : memref<1x!tpu.dma_semaphore, #tpu.memory_space<semaphore_mem>> -> memref<!tpu.dma_semaphore, #tpu.memory_space<semaphore_mem>>
      %dma_wait3A_71 = arith.constant 1536 : i32
      %dma_wait3A_72 = arith.constant 0 : i32
      %dma_wait3A_73 = tpu.memref_slice %arg10[%dma_wait3A_71, %dma_wait3A_72] : memref<2048x2048xf32, #tpu.memory_space<vmem>> -> memref<512x2048xf32, #tpu.memory_space<vmem>>
      %dma_wait3A_74 = arith.constant 1536 : i32
      %dma_wait3A_75 = arith.constant 0 : i32
      %dma_wait3A_76 = tpu.memref_slice %arg6[%get3A_0, %dma_wait3A_74, %dma_wait3A_75] : memref<8x2048x2048xf32, #tpu.memory_space<hbm>> -> memref<1x512x2048xf32, #tpu.memory_space<hbm>>
      %dma_wait3A_77 = tpu.memref_squeeze %dma_wait3A_76 : memref<1x512x2048xf32, #tpu.memory_space<hbm>> -> memref<512x2048xf32, #tpu.memory_space<hbm>>
      tpu.wait_dma2 semaphore(%dma_wait3A_70 : memref<!tpu.dma_semaphore, #tpu.memory_space<semaphore_mem>>) src(%dma_wait3A_77 : memref<512x2048xf32, #tpu.memory_space<hbm>>) dst(%dma_wait3A_73 : memref<512x2048xf32, #tpu.memory_space<vmem>>)
    } else {
    }
    %get3A_32 = arith.constant 0 : index
    %get3A_33 = arith.constant 0 : index
    %get3A_34 = vector.load %arg10[%get3A_32, %get3A_33] : memref<2048x2048xf32, #tpu.memory_space<vmem>>, vector<2048x2048xf32>
    %dot_general3A_35 = arith.constant dense<0.000000e+00> : vector<256x2048xf32>
    %dot_general3A_36 = tpu.matmul %mul3A_28, %get3A_34, %dot_general3A_35 {dimension_numbers = #tpu.dot_dimension_numbers<[1], [1], [0], [0], [0, 0, 1, 0], [], []>, transpose_lhs_hint = false} : vector<256x2048xf32>, vector<2048x2048xf32>, vector<256x2048xf32> -> vector<256x2048xf32>
    %swap3A = arith.constant 0 : index
    %swap3A_37 = arith.constant 0 : index
    %swap3A_38 = vector.load %arg7[%swap3A, %swap3A_37] : memref<256x2048xf32, #tpu.memory_space<vmem>>, vector<256x2048xf32>
    tpu.vector_store %arg7[%swap3A, %swap3A_37], %dot_general3A_36 {strides = array<i32>} : memref<256x2048xf32, #tpu.memory_space<vmem>>, vector<256x2048xf32>,
    return
  }
  func.func @transform_0(%arg0: i32, %arg1: memref<40xi32, #tpu.memory_space<smem>>, %arg2: memref<40xi32, #tpu.memory_space<smem>>) -> (i32, i32) {
    %c0_i32 = arith.constant 0 : i32
    %c0_i32_0 = arith.constant 0 : i32
    return %arg0, %c0_i32 : i32, i32
  }
  func.func @transform_4(%arg0: i32, %arg1: memref<40xi32, #tpu.memory_space<smem>>, %arg2: memref<40xi32, #tpu.memory_space<smem>>) -> (i32, i32) {
    %c0_i32 = arith.constant 0 : i32
    %c0_i32_0 = arith.constant 0 : i32
    return %arg0, %c0_i32 : i32, i32
  }
}

module attributes {stable_mosaic.version = 14 : i64} {
  func.func @_ffn_body(%arg0: i32, %arg1: memref<16xi32, #tpu.memory_space<smem>>, %arg2: memref<16xi32, #tpu.memory_space<smem>>, %arg3: memref<256x2048xf32, #tpu.memory_space<vmem>>, %arg4: memref<1x2048x2048xf32, #tpu.memory_space<hbm>>, %arg5: memref<1x2048x2048xf32, #tpu.memory_space<hbm>>, %arg6: memref<1x2048x2048xf32, #tpu.memory_space<hbm>>, %arg7: memref<256x2048xf32, #tpu.memory_space<vmem>>, %arg8: memref<2048x2048xf32, #tpu.memory_space<vmem>>, %arg9: memref<2048x2048xf32, #tpu.memory_space<vmem>>, %arg10: memref<2048x2048xf32, #tpu.memory_space<vmem>>, %arg11: memref<3x!tpu.dma_semaphore, #tpu.memory_space<semaphore_mem>>) attributes {dimension_semantics = [#tpu.dimension_semantics<arbitrary>], iteration_bounds = array<i64: 16>, scalar_prefetch = 2 : i64, scratch_operands = 4 : i64, tpu.core_type = #tpu.core_type<tc>, window_params = [{transform_indices = @transform_0, window_bounds = array<i64: 256, 2048>}, {}, {}, {}, {transform_indices = @transform_4, window_bounds = array<i64: 256, 2048>}]} {
    %get3A = arith.index_cast %arg0 : i32 to index
    %get3A_0 = memref.load %arg1[%get3A] : memref<16xi32, #tpu.memory_space<smem>>
    %get3A_1 = arith.index_cast %arg0 : i32 to index
    %get3A_2 = memref.load %arg2[%get3A_1] : memref<16xi32, #tpu.memory_space<smem>>
    %eq3A = arith.constant 1 : i32
    %eq3A_3 = arith.cmpi eq, %get3A_2, %eq3A : i32
    %convert_element_type3A = arith.extui %eq3A_3 : i1 to i32
    %cond3A = arith.constant 0 : i32
    %cond3A_4 = arith.cmpi ne, %convert_element_type3A, %cond3A : i32
    scf.if %cond3A_4 {
      %dma_start3A = arith.constant 0 : i32
      %dma_start3A_39 = tpu.memref_slice %arg11[%dma_start3A] : memref<3x!tpu.dma_semaphore, #tpu.memory_space<semaphore_mem>> -> memref<1x!tpu.dma_semaphore, #tpu.memory_space<semaphore_mem>>
      %dma_start3A_40 = tpu.memref_squeeze %dma_start3A_39 : memref<1x!tpu.dma_semaphore, #tpu.memory_space<semaphore_mem>> -> memref<!tpu.dma_semaphore, #tpu.memory_space<semaphore_mem>>
      %dma_start3A_41 = arith.constant 0 : i32
      %dma_start3A_42 = arith.constant 0 : i32
      %dma_start3A_43 = tpu.memref_slice %arg8[%dma_start3A_41, %dma_start3A_42] : memref<2048x2048xf32, #tpu.memory_space<vmem>> -> memref<512x2048xf32, #tpu.memory_space<vmem>>
      %dma_start3A_44 = arith.constant 0 : i32
      %dma_start3A_45 = arith.constant 0 : i32
      %dma_start3A_46 = tpu.memref_slice %arg4[%get3A_0, %dma_start3A_44, %dma_start3A_45] : memref<1x2048x2048xf32, #tpu.memory_space<hbm>> -> memref<1x512x2048xf32, #tpu.memory_space<hbm>>
      %dma_start3A_47 = tpu.memref_squeeze %dma_start3A_46 : memref<1x512x2048xf32, #tpu.memory_space<hbm>> -> memref<512x2048xf32, #tpu.memory_space<hbm>>
      tpu.enqueue_dma source(%dma_start3A_47 : memref<512x2048xf32, #tpu.memory_space<hbm>>) target(%dma_start3A_43 : memref<512x2048xf32, #tpu.memory_space<vmem>>) target_semaphore(%dma_start3A_40 : memref<!tpu.dma_semaphore, #tpu.memory_space<semaphore_mem>>)
      %dma_start3A_48 = arith.constant 0 : i32
      %dma_start3A_49 = tpu.memref_slice %arg11[%dma_start3A_48] : memref<3x!tpu.dma_semaphore, #tpu.memory_space<semaphore_mem>> -> memref<1x!tpu.dma_semaphore, #tpu.memory_space<semaphore_mem>>
      %dma_start3A_50 = tpu.memref_squeeze %dma_start3A_49 : memref<1x!tpu.dma_semaphore, #tpu.memory_space<semaphore_mem>> -> memref<!tpu.dma_semaphore, #tpu.memory_space<semaphore_mem>>
      %dma_start3A_51 = arith.constant 512 : i32
      %dma_start3A_52 = arith.constant 0 : i32
      %dma_start3A_53 = tpu.memref_slice %arg8[%dma_start3A_51, %dma_start3A_52] : memref<2048x2048xf32, #tpu.memory_space<vmem>> -> memref<512x2048xf32, #tpu.memory_space<vmem>>
      %dma_start3A_54 = arith.constant 512 : i32
      %dma_start3A_55 = arith.constant 0 : i32
      %dma_start3A_56 = tpu.memref_slice %arg4[%get3A_0, %dma_start3A_54, %dma_start3A_55] : memref<1x2048x2048xf32, #tpu.memory_space<hbm>> -> memref<1x512x2048xf32, #tpu.memory_space<hbm>>
      %dma_start3A_57 = tpu.memref_squeeze %dma_start3A_56 : memref<1x512x2048xf32, #tpu.memory_space<hbm>> -> memref<512x2048xf32, #tpu.memory_space<hbm>>
      tpu.enqueue_dma source(%dma_start3A_57 : memref<512x2048xf32, #tpu.memory_space<hbm>>) target(%dma_start3A_53 : memref<512x2048xf32, #tpu.memory_space<vmem>>) target_semaphore(%dma_start3A_50 : memref<!tpu.dma_semaphore, #tpu.memory_space<semaphore_mem>>)
      %dma_start3A_58 = arith.constant 0 : i32
      %dma_start3A_59 = tpu.memref_slice %arg11[%dma_start3A_58] : memref<3x!tpu.dma_semaphore, #tpu.memory_space<semaphore_mem>> -> memref<1x!tpu.dma_semaphore, #tpu.memory_space<semaphore_mem>>
      %dma_start3A_60 = tpu.memref_squeeze %dma_start3A_59 : memref<1x!tpu.dma_semaphore, #tpu.memory_space<semaphore_mem>> -> memref<!tpu.dma_semaphore, #tpu.memory_space<semaphore_mem>>
      %dma_start3A_61 = arith.constant 1024 : i32
      %dma_start3A_62 = arith.constant 0 : i32
      %dma_start3A_63 = tpu.memref_slice %arg8[%dma_start3A_61, %dma_start3A_62] : memref<2048x2048xf32, #tpu.memory_space<vmem>> -> memref<512x2048xf32, #tpu.memory_space<vmem>>
      %dma_start3A_64 = arith.constant 1024 : i32
      %dma_start3A_65 = arith.constant 0 : i32
      %dma_start3A_66 = tpu.memref_slice %arg4[%get3A_0, %dma_start3A_64, %dma_start3A_65] : memref<1x2048x2048xf32, #tpu.memory_space<hbm>> -> memref<1x512x2048xf32, #tpu.memory_space<hbm>>
      %dma_start3A_67 = tpu.memref_squeeze %dma_start3A_66 : memref<1x512x2048xf32, #tpu.memory_space<hbm>> -> memref<512x2048xf32, #tpu.memory_space<hbm>>
      tpu.enqueue_dma source(%dma_start3A_67 : memref<512x2048xf32, #tpu.memory_space<hbm>>) target(%dma_start3A_63 : memref<512x2048xf32, #tpu.memory_space<vmem>>) target_semaphore(%dma_start3A_60 : memref<!tpu.dma_semaphore, #tpu.memory_space<semaphore_mem>>)
      %dma_start3A_68 = arith.constant 0 : i32
      %dma_start3A_69 = tpu.memref_slice %arg11[%dma_start3A_68] : memref<3x!tpu.dma_semaphore, #tpu.memory_space<semaphore_mem>> -> memref<1x!tpu.dma_semaphore, #tpu.memory_space<semaphore_mem>>
      %dma_start3A_70 = tpu.memref_squeeze %dma_start3A_69 : memref<1x!tpu.dma_semaphore, #tpu.memory_space<semaphore_mem>> -> memref<!tpu.dma_semaphore, #tpu.memory_space<semaphore_mem>>
      %dma_start3A_71 = arith.constant 1536 : i32
      %dma_start3A_72 = arith.constant 0 : i32
      %dma_start3A_73 = tpu.memref_slice %arg8[%dma_start3A_71, %dma_start3A_72] : memref<2048x2048xf32, #tpu.memory_space<vmem>> -> memref<512x2048xf32, #tpu.memory_space<vmem>>
      %dma_start3A_74 = arith.constant 1536 : i32
      %dma_start3A_75 = arith.constant 0 : i32
      %dma_start3A_76 = tpu.memref_slice %arg4[%get3A_0, %dma_start3A_74, %dma_start3A_75] : memref<1x2048x2048xf32, #tpu.memory_space<hbm>> -> memref<1x512x2048xf32, #tpu.memory_space<hbm>>
      %dma_start3A_77 = tpu.memref_squeeze %dma_start3A_76 : memref<1x512x2048xf32, #tpu.memory_space<hbm>> -> memref<512x2048xf32, #tpu.memory_space<hbm>>
      tpu.enqueue_dma source(%dma_start3A_77 : memref<512x2048xf32, #tpu.memory_space<hbm>>) target(%dma_start3A_73 : memref<512x2048xf32, #tpu.memory_space<vmem>>) target_semaphore(%dma_start3A_70 : memref<!tpu.dma_semaphore, #tpu.memory_space<semaphore_mem>>)
      %dma_start3A_78 = arith.constant 1 : i32
      %dma_start3A_79 = tpu.memref_slice %arg11[%dma_start3A_78] : memref<3x!tpu.dma_semaphore, #tpu.memory_space<semaphore_mem>> -> memref<1x!tpu.dma_semaphore, #tpu.memory_space<semaphore_mem>>
      %dma_start3A_80 = tpu.memref_squeeze %dma_start3A_79 : memref<1x!tpu.dma_semaphore, #tpu.memory_space<semaphore_mem>> -> memref<!tpu.dma_semaphore, #tpu.memory_space<semaphore_mem>>
      %dma_start3A_81 = arith.constant 0 : i32
      %dma_start3A_82 = arith.constant 0 : i32
      %dma_start3A_83 = tpu.memref_slice %arg9[%dma_start3A_81, %dma_start3A_82] : memref<2048x2048xf32, #tpu.memory_space<vmem>> -> memref<512x2048xf32, #tpu.memory_space<vmem>>
      %dma_start3A_84 = arith.constant 0 : i32
      %dma_start3A_85 = arith.constant 0 : i32
      %dma_start3A_86 = tpu.memref_slice %arg5[%get3A_0, %dma_start3A_84, %dma_start3A_85] : memref<1x2048x2048xf32, #tpu.memory_space<hbm>> -> memref<1x512x2048xf32, #tpu.memory_space<hbm>>
      %dma_start3A_87 = tpu.memref_squeeze %dma_start3A_86 : memref<1x512x2048xf32, #tpu.memory_space<hbm>> -> memref<512x2048xf32, #tpu.memory_space<hbm>>
      tpu.enqueue_dma source(%dma_start3A_87 : memref<512x2048xf32, #tpu.memory_space<hbm>>) target(%dma_start3A_83 : memref<512x2048xf32, #tpu.memory_space<vmem>>) target_semaphore(%dma_start3A_80 : memref<!tpu.dma_semaphore, #tpu.memory_space<semaphore_mem>>)
      %dma_start3A_88 = arith.constant 1 : i32
      %dma_start3A_89 = tpu.memref_slice %arg11[%dma_start3A_88] : memref<3x!tpu.dma_semaphore, #tpu.memory_space<semaphore_mem>> -> memref<1x!tpu.dma_semaphore, #tpu.memory_space<semaphore_mem>>
      %dma_start3A_90 = tpu.memref_squeeze %dma_start3A_89 : memref<1x!tpu.dma_semaphore, #tpu.memory_space<semaphore_mem>> -> memref<!tpu.dma_semaphore, #tpu.memory_space<semaphore_mem>>
      %dma_start3A_91 = arith.constant 512 : i32
      %dma_start3A_92 = arith.constant 0 : i32
      %dma_start3A_93 = tpu.memref_slice %arg9[%dma_start3A_91, %dma_start3A_92] : memref<2048x2048xf32, #tpu.memory_space<vmem>> -> memref<512x2048xf32, #tpu.memory_space<vmem>>
      %dma_start3A_94 = arith.constant 512 : i32
      %dma_start3A_95 = arith.constant 0 : i32
      %dma_start3A_96 = tpu.memref_slice %arg5[%get3A_0, %dma_start3A_94, %dma_start3A_95] : memref<1x2048x2048xf32, #tpu.memory_space<hbm>> -> memref<1x512x2048xf32, #tpu.memory_space<hbm>>
      %dma_start3A_97 = tpu.memref_squeeze %dma_start3A_96 : memref<1x512x2048xf32, #tpu.memory_space<hbm>> -> memref<512x2048xf32, #tpu.memory_space<hbm>>
      tpu.enqueue_dma source(%dma_start3A_97 : memref<512x2048xf32, #tpu.memory_space<hbm>>) target(%dma_start3A_93 : memref<512x2048xf32, #tpu.memory_space<vmem>>) target_semaphore(%dma_start3A_90 : memref<!tpu.dma_semaphore, #tpu.memory_space<semaphore_mem>>)
      %dma_start3A_98 = arith.constant 1 : i32
      %dma_start3A_99 = tpu.memref_slice %arg11[%dma_start3A_98] : memref<3x!tpu.dma_semaphore, #tpu.memory_space<semaphore_mem>> -> memref<1x!tpu.dma_semaphore, #tpu.memory_space<semaphore_mem>>
      %dma_start3A_100 = tpu.memref_squeeze %dma_start3A_99 : memref<1x!tpu.dma_semaphore, #tpu.memory_space<semaphore_mem>> -> memref<!tpu.dma_semaphore, #tpu.memory_space<semaphore_mem>>
      %dma_start3A_101 = arith.constant 1024 : i32
      %dma_start3A_102 = arith.constant 0 : i32
      %dma_start3A_103 = tpu.memref_slice %arg9[%dma_start3A_101, %dma_start3A_102] : memref<2048x2048xf32, #tpu.memory_space<vmem>> -> memref<512x2048xf32, #tpu.memory_space<vmem>>
      %dma_start3A_104 = arith.constant 1024 : i32
      %dma_start3A_105 = arith.constant 0 : i32
      %dma_start3A_106 = tpu.memref_slice %arg5[%get3A_0, %dma_start3A_104, %dma_start3A_105] : memref<1x2048x2048xf32, #tpu.memory_space<hbm>> -> memref<1x512x2048xf32, #tpu.memory_space<hbm>>
      %dma_start3A_107 = tpu.memref_squeeze %dma_start3A_106 : memref<1x512x2048xf32, #tpu.memory_space<hbm>> -> memref<512x2048xf32, #tpu.memory_space<hbm>>
      tpu.enqueue_dma source(%dma_start3A_107 : memref<512x2048xf32, #tpu.memory_space<hbm>>) target(%dma_start3A_103 : memref<512x2048xf32, #tpu.memory_space<vmem>>) target_semaphore(%dma_start3A_100 : memref<!tpu.dma_semaphore, #tpu.memory_space<semaphore_mem>>)
      %dma_start3A_108 = arith.constant 1 : i32
      %dma_start3A_109 = tpu.memref_slice %arg11[%dma_start3A_108] : memref<3x!tpu.dma_semaphore, #tpu.memory_space<semaphore_mem>> -> memref<1x!tpu.dma_semaphore, #tpu.memory_space<semaphore_mem>>
      %dma_start3A_110 = tpu.memref_squeeze %dma_start3A_109 : memref<1x!tpu.dma_semaphore, #tpu.memory_space<semaphore_mem>> -> memref<!tpu.dma_semaphore, #tpu.memory_space<semaphore_mem>>
      %dma_start3A_111 = arith.constant 1536 : i32
      %dma_start3A_112 = arith.constant 0 : i32
      %dma_start3A_113 = tpu.memref_slice %arg9[%dma_start3A_111, %dma_start3A_112] : memref<2048x2048xf32, #tpu.memory_space<vmem>> -> memref<512x2048xf32, #tpu.memory_space<vmem>>
      %dma_start3A_114 = arith.constant 1536 : i32
      %dma_start3A_115 = arith.constant 0 : i32
      %dma_start3A_116 = tpu.memref_slice %arg5[%get3A_0, %dma_start3A_114, %dma_start3A_115] : memref<1x2048x2048xf32, #tpu.memory_space<hbm>> -> memref<1x512x2048xf32, #tpu.memory_space<hbm>>
      %dma_start3A_117 = tpu.memref_squeeze %dma_start3A_116 : memref<1x512x2048xf32, #tpu.memory_space<hbm>> -> memref<512x2048xf32, #tpu.memory_space<hbm>>
      tpu.enqueue_dma source(%dma_start3A_117 : memref<512x2048xf32, #tpu.memory_space<hbm>>) target(%dma_start3A_113 : memref<512x2048xf32, #tpu.memory_space<vmem>>) target_semaphore(%dma_start3A_110 : memref<!tpu.dma_semaphore, #tpu.memory_space<semaphore_mem>>)
      %dma_start3A_118 = arith.constant 2 : i32
      %dma_start3A_119 = tpu.memref_slice %arg11[%dma_start3A_118] : memref<3x!tpu.dma_semaphore, #tpu.memory_space<semaphore_mem>> -> memref<1x!tpu.dma_semaphore, #tpu.memory_space<semaphore_mem>>
      %dma_start3A_120 = tpu.memref_squeeze %dma_start3A_119 : memref<1x!tpu.dma_semaphore, #tpu.memory_space<semaphore_mem>> -> memref<!tpu.dma_semaphore, #tpu.memory_space<semaphore_mem>>
      %dma_start3A_121 = arith.constant 0 : i32
      %dma_start3A_122 = arith.constant 0 : i32
      %dma_start3A_123 = tpu.memref_slice %arg10[%dma_start3A_121, %dma_start3A_122] : memref<2048x2048xf32, #tpu.memory_space<vmem>> -> memref<512x2048xf32, #tpu.memory_space<vmem>>
      %dma_start3A_124 = arith.constant 0 : i32
      %dma_start3A_125 = arith.constant 0 : i32
      %dma_start3A_126 = tpu.memref_slice %arg6[%get3A_0, %dma_start3A_124, %dma_start3A_125] : memref<1x2048x2048xf32, #tpu.memory_space<hbm>> -> memref<1x512x2048xf32, #tpu.memory_space<hbm>>
      %dma_start3A_127 = tpu.memref_squeeze %dma_start3A_126 : memref<1x512x2048xf32, #tpu.memory_space<hbm>> -> memref<512x2048xf32, #tpu.memory_space<hbm>>
      tpu.enqueue_dma source(%dma_start3A_127 : memref<512x2048xf32, #tpu.memory_space<hbm>>) target(%dma_start3A_123 : memref<512x2048xf32, #tpu.memory_space<vmem>>) target_semaphore(%dma_start3A_120 : memref<!tpu.dma_semaphore, #tpu.memory_space<semaphore_mem>>)
      %dma_start3A_128 = arith.constant 2 : i32
      %dma_start3A_129 = tpu.memref_slice %arg11[%dma_start3A_128] : memref<3x!tpu.dma_semaphore, #tpu.memory_space<semaphore_mem>> -> memref<1x!tpu.dma_semaphore, #tpu.memory_space<semaphore_mem>>
      %dma_start3A_130 = tpu.memref_squeeze %dma_start3A_129 : memref<1x!tpu.dma_semaphore, #tpu.memory_space<semaphore_mem>> -> memref<!tpu.dma_semaphore, #tpu.memory_space<semaphore_mem>>
      %dma_start3A_131 = arith.constant 512 : i32
      %dma_start3A_132 = arith.constant 0 : i32
      %dma_start3A_133 = tpu.memref_slice %arg10[%dma_start3A_131, %dma_start3A_132] : memref<2048x2048xf32, #tpu.memory_space<vmem>> -> memref<512x2048xf32, #tpu.memory_space<vmem>>
      %dma_start3A_134 = arith.constant 512 : i32
      %dma_start3A_135 = arith.constant 0 : i32
      %dma_start3A_136 = tpu.memref_slice %arg6[%get3A_0, %dma_start3A_134, %dma_start3A_135] : memref<1x2048x2048xf32, #tpu.memory_space<hbm>> -> memref<1x512x2048xf32, #tpu.memory_space<hbm>>
      %dma_start3A_137 = tpu.memref_squeeze %dma_start3A_136 : memref<1x512x2048xf32, #tpu.memory_space<hbm>> -> memref<512x2048xf32, #tpu.memory_space<hbm>>
      tpu.enqueue_dma source(%dma_start3A_137 : memref<512x2048xf32, #tpu.memory_space<hbm>>) target(%dma_start3A_133 : memref<512x2048xf32, #tpu.memory_space<vmem>>) target_semaphore(%dma_start3A_130 : memref<!tpu.dma_semaphore, #tpu.memory_space<semaphore_mem>>)
      %dma_start3A_138 = arith.constant 2 : i32
      %dma_start3A_139 = tpu.memref_slice %arg11[%dma_start3A_138] : memref<3x!tpu.dma_semaphore, #tpu.memory_space<semaphore_mem>> -> memref<1x!tpu.dma_semaphore, #tpu.memory_space<semaphore_mem>>
      %dma_start3A_140 = tpu.memref_squeeze %dma_start3A_139 : memref<1x!tpu.dma_semaphore, #tpu.memory_space<semaphore_mem>> -> memref<!tpu.dma_semaphore, #tpu.memory_space<semaphore_mem>>
      %dma_start3A_141 = arith.constant 1024 : i32
      %dma_start3A_142 = arith.constant 0 : i32
      %dma_start3A_143 = tpu.memref_slice %arg10[%dma_start3A_141, %dma_start3A_142] : memref<2048x2048xf32, #tpu.memory_space<vmem>> -> memref<512x2048xf32, #tpu.memory_space<vmem>>
      %dma_start3A_144 = arith.constant 1024 : i32
      %dma_start3A_145 = arith.constant 0 : i32
      %dma_start3A_146 = tpu.memref_slice %arg6[%get3A_0, %dma_start3A_144, %dma_start3A_145] : memref<1x2048x2048xf32, #tpu.memory_space<hbm>> -> memref<1x512x2048xf32, #tpu.memory_space<hbm>>
      %dma_start3A_147 = tpu.memref_squeeze %dma_start3A_146 : memref<1x512x2048xf32, #tpu.memory_space<hbm>> -> memref<512x2048xf32, #tpu.memory_space<hbm>>
      tpu.enqueue_dma source(%dma_start3A_147 : memref<512x2048xf32, #tpu.memory_space<hbm>>) target(%dma_start3A_143 : memref<512x2048xf32, #tpu.memory_space<vmem>>) target_semaphore(%dma_start3A_140 : memref<!tpu.dma_semaphore, #tpu.memory_space<semaphore_mem>>)
      %dma_start3A_148 = arith.constant 2 : i32
      %dma_start3A_149 = tpu.memref_slice %arg11[%dma_start3A_148] : memref<3x!tpu.dma_semaphore, #tpu.memory_space<semaphore_mem>> -> memref<1x!tpu.dma_semaphore, #tpu.memory_space<semaphore_mem>>
      %dma_start3A_150 = tpu.memref_squeeze %dma_start3A_149 : memref<1x!tpu.dma_semaphore, #tpu.memory_space<semaphore_mem>> -> memref<!tpu.dma_semaphore, #tpu.memory_space<semaphore_mem>>
      %dma_start3A_151 = arith.constant 1536 : i32
      %dma_start3A_152 = arith.constant 0 : i32
      %dma_start3A_153 = tpu.memref_slice %arg10[%dma_start3A_151, %dma_start3A_152] : memref<2048x2048xf32, #tpu.memory_space<vmem>> -> memref<512x2048xf32, #tpu.memory_space<vmem>>
      %dma_start3A_154 = arith.constant 1536 : i32
      %dma_start3A_155 = arith.constant 0 : i32
      %dma_start3A_156 = tpu.memref_slice %arg6[%get3A_0, %dma_start3A_154, %dma_start3A_155] : memref<1x2048x2048xf32, #tpu.memory_space<hbm>> -> memref<1x512x2048xf32, #tpu.memory_space<hbm>>
      %dma_start3A_157 = tpu.memref_squeeze %dma_start3A_156 : memref<1x512x2048xf32, #tpu.memory_space<hbm>> -> memref<512x2048xf32, #tpu.memory_space<hbm>>
      tpu.enqueue_dma source(%dma_start3A_157 : memref<512x2048xf32, #tpu.memory_space<hbm>>) target(%dma_start3A_153 : memref<512x2048xf32, #tpu.memory_space<vmem>>) target_semaphore(%dma_start3A_150 : memref<!tpu.dma_semaphore, #tpu.memory_space<semaphore_mem>>)
    } else {
    }
    %convert_element_type3A_5 = arith.extui %eq3A_3 : i1 to i32
    %cond3A_6 = arith.constant 0 : i32
    %cond3A_7 = arith.cmpi ne, %convert_element_type3A_5, %cond3A_6 : i32
    scf.if %cond3A_7 {
      %dma_wait3A = arith.constant 0 : i32
      %dma_wait3A_39 = tpu.memref_slice %arg11[%dma_wait3A] : memref<3x!tpu.dma_semaphore, #tpu.memory_space<semaphore_mem>> -> memref<1x!tpu.dma_semaphore, #tpu.memory_space<semaphore_mem>>
      %dma_wait3A_40 = tpu.memref_squeeze %dma_wait3A_39 : memref<1x!tpu.dma_semaphore, #tpu.memory_space<semaphore_mem>> -> memref<!tpu.dma_semaphore, #tpu.memory_space<semaphore_mem>>
      %dma_wait3A_41 = arith.constant 0 : i32
      %dma_wait3A_42 = arith.constant 0 : i32
      %dma_wait3A_43 = tpu.memref_slice %arg8[%dma_wait3A_41, %dma_wait3A_42] : memref<2048x2048xf32, #tpu.memory_space<vmem>> -> memref<512x2048xf32, #tpu.memory_space<vmem>>
      %dma_wait3A_44 = arith.constant 0 : i32
      %dma_wait3A_45 = arith.constant 0 : i32
      %dma_wait3A_46 = tpu.memref_slice %arg4[%get3A_0, %dma_wait3A_44, %dma_wait3A_45] : memref<1x2048x2048xf32, #tpu.memory_space<hbm>> -> memref<1x512x2048xf32, #tpu.memory_space<hbm>>
      %dma_wait3A_47 = tpu.memref_squeeze %dma_wait3A_46 : memref<1x512x2048xf32, #tpu.memory_space<hbm>> -> memref<512x2048xf32, #tpu.memory_space<hbm>>
      tpu.wait_dma2 semaphore(%dma_wait3A_40 : memref<!tpu.dma_semaphore, #tpu.memory_space<semaphore_mem>>) src(%dma_wait3A_47 : memref<512x2048xf32, #tpu.memory_space<hbm>>) dst(%dma_wait3A_43 : memref<512x2048xf32, #tpu.memory_space<vmem>>)
      %dma_wait3A_48 = arith.constant 0 : i32
      %dma_wait3A_49 = tpu.memref_slice %arg11[%dma_wait3A_48] : memref<3x!tpu.dma_semaphore, #tpu.memory_space<semaphore_mem>> -> memref<1x!tpu.dma_semaphore, #tpu.memory_space<semaphore_mem>>
      %dma_wait3A_50 = tpu.memref_squeeze %dma_wait3A_49 : memref<1x!tpu.dma_semaphore, #tpu.memory_space<semaphore_mem>> -> memref<!tpu.dma_semaphore, #tpu.memory_space<semaphore_mem>>
      %dma_wait3A_51 = arith.constant 512 : i32
      %dma_wait3A_52 = arith.constant 0 : i32
      %dma_wait3A_53 = tpu.memref_slice %arg8[%dma_wait3A_51, %dma_wait3A_52] : memref<2048x2048xf32, #tpu.memory_space<vmem>> -> memref<512x2048xf32, #tpu.memory_space<vmem>>
      %dma_wait3A_54 = arith.constant 512 : i32
      %dma_wait3A_55 = arith.constant 0 : i32
      %dma_wait3A_56 = tpu.memref_slice %arg4[%get3A_0, %dma_wait3A_54, %dma_wait3A_55] : memref<1x2048x2048xf32, #tpu.memory_space<hbm>> -> memref<1x512x2048xf32, #tpu.memory_space<hbm>>
      %dma_wait3A_57 = tpu.memref_squeeze %dma_wait3A_56 : memref<1x512x2048xf32, #tpu.memory_space<hbm>> -> memref<512x2048xf32, #tpu.memory_space<hbm>>
      tpu.wait_dma2 semaphore(%dma_wait3A_50 : memref<!tpu.dma_semaphore, #tpu.memory_space<semaphore_mem>>) src(%dma_wait3A_57 : memref<512x2048xf32, #tpu.memory_space<hbm>>) dst(%dma_wait3A_53 : memref<512x2048xf32, #tpu.memory_space<vmem>>)
      %dma_wait3A_58 = arith.constant 0 : i32
      %dma_wait3A_59 = tpu.memref_slice %arg11[%dma_wait3A_58] : memref<3x!tpu.dma_semaphore, #tpu.memory_space<semaphore_mem>> -> memref<1x!tpu.dma_semaphore, #tpu.memory_space<semaphore_mem>>
      %dma_wait3A_60 = tpu.memref_squeeze %dma_wait3A_59 : memref<1x!tpu.dma_semaphore, #tpu.memory_space<semaphore_mem>> -> memref<!tpu.dma_semaphore, #tpu.memory_space<semaphore_mem>>
      %dma_wait3A_61 = arith.constant 1024 : i32
      %dma_wait3A_62 = arith.constant 0 : i32
      %dma_wait3A_63 = tpu.memref_slice %arg8[%dma_wait3A_61, %dma_wait3A_62] : memref<2048x2048xf32, #tpu.memory_space<vmem>> -> memref<512x2048xf32, #tpu.memory_space<vmem>>
      %dma_wait3A_64 = arith.constant 1024 : i32
      %dma_wait3A_65 = arith.constant 0 : i32
      %dma_wait3A_66 = tpu.memref_slice %arg4[%get3A_0, %dma_wait3A_64, %dma_wait3A_65] : memref<1x2048x2048xf32, #tpu.memory_space<hbm>> -> memref<1x512x2048xf32, #tpu.memory_space<hbm>>
      %dma_wait3A_67 = tpu.memref_squeeze %dma_wait3A_66 : memref<1x512x2048xf32, #tpu.memory_space<hbm>> -> memref<512x2048xf32, #tpu.memory_space<hbm>>
      tpu.wait_dma2 semaphore(%dma_wait3A_60 : memref<!tpu.dma_semaphore, #tpu.memory_space<semaphore_mem>>) src(%dma_wait3A_67 : memref<512x2048xf32, #tpu.memory_space<hbm>>) dst(%dma_wait3A_63 : memref<512x2048xf32, #tpu.memory_space<vmem>>)
      %dma_wait3A_68 = arith.constant 0 : i32
      %dma_wait3A_69 = tpu.memref_slice %arg11[%dma_wait3A_68] : memref<3x!tpu.dma_semaphore, #tpu.memory_space<semaphore_mem>> -> memref<1x!tpu.dma_semaphore, #tpu.memory_space<semaphore_mem>>
      %dma_wait3A_70 = tpu.memref_squeeze %dma_wait3A_69 : memref<1x!tpu.dma_semaphore, #tpu.memory_space<semaphore_mem>> -> memref<!tpu.dma_semaphore, #tpu.memory_space<semaphore_mem>>
      %dma_wait3A_71 = arith.constant 1536 : i32
      %dma_wait3A_72 = arith.constant 0 : i32
      %dma_wait3A_73 = tpu.memref_slice %arg8[%dma_wait3A_71, %dma_wait3A_72] : memref<2048x2048xf32, #tpu.memory_space<vmem>> -> memref<512x2048xf32, #tpu.memory_space<vmem>>
      %dma_wait3A_74 = arith.constant 1536 : i32
      %dma_wait3A_75 = arith.constant 0 : i32
      %dma_wait3A_76 = tpu.memref_slice %arg4[%get3A_0, %dma_wait3A_74, %dma_wait3A_75] : memref<1x2048x2048xf32, #tpu.memory_space<hbm>> -> memref<1x512x2048xf32, #tpu.memory_space<hbm>>
      %dma_wait3A_77 = tpu.memref_squeeze %dma_wait3A_76 : memref<1x512x2048xf32, #tpu.memory_space<hbm>> -> memref<512x2048xf32, #tpu.memory_space<hbm>>
      tpu.wait_dma2 semaphore(%dma_wait3A_70 : memref<!tpu.dma_semaphore, #tpu.memory_space<semaphore_mem>>) src(%dma_wait3A_77 : memref<512x2048xf32, #tpu.memory_space<hbm>>) dst(%dma_wait3A_73 : memref<512x2048xf32, #tpu.memory_space<vmem>>)
    } else {
    }
    %get3A_8 = arith.constant 0 : index
    %get3A_9 = arith.constant 0 : index
    %get3A_10 = vector.load %arg3[%get3A_8, %get3A_9] : memref<256x2048xf32, #tpu.memory_space<vmem>>, vector<256x2048xf32>
    %get3A_11 = arith.constant 0 : index
    %get3A_12 = arith.constant 0 : index
    %get3A_13 = vector.load %arg8[%get3A_11, %get3A_12] : memref<2048x2048xf32, #tpu.memory_space<vmem>>, vector<2048x2048xf32>
    %dot_general3A = arith.constant dense<0.000000e+00> : vector<256x2048xf32>
    %dot_general3A_14 = tpu.matmul %get3A_10, %get3A_13, %dot_general3A {dimension_numbers = #tpu.dot_dimension_numbers<[1], [1], [0], [0], [0, 0, 1, 0], [], []>, transpose_lhs_hint = false} : vector<256x2048xf32>, vector<2048x2048xf32>, vector<256x2048xf32> -> vector<256x2048xf32>
    %convert_element_type3A_15 = arith.extui %eq3A_3 : i1 to i32
    %cond3A_16 = arith.constant 0 : i32
    %cond3A_17 = arith.cmpi ne, %convert_element_type3A_15, %cond3A_16 : i32
    scf.if %cond3A_17 {
      %dma_wait3A = arith.constant 1 : i32
      %dma_wait3A_39 = tpu.memref_slice %arg11[%dma_wait3A] : memref<3x!tpu.dma_semaphore, #tpu.memory_space<semaphore_mem>> -> memref<1x!tpu.dma_semaphore, #tpu.memory_space<semaphore_mem>>
      %dma_wait3A_40 = tpu.memref_squeeze %dma_wait3A_39 : memref<1x!tpu.dma_semaphore, #tpu.memory_space<semaphore_mem>> -> memref<!tpu.dma_semaphore, #tpu.memory_space<semaphore_mem>>
      %dma_wait3A_41 = arith.constant 0 : i32
      %dma_wait3A_42 = arith.constant 0 : i32
      %dma_wait3A_43 = tpu.memref_slice %arg9[%dma_wait3A_41, %dma_wait3A_42] : memref<2048x2048xf32, #tpu.memory_space<vmem>> -> memref<512x2048xf32, #tpu.memory_space<vmem>>
      %dma_wait3A_44 = arith.constant 0 : i32
      %dma_wait3A_45 = arith.constant 0 : i32
      %dma_wait3A_46 = tpu.memref_slice %arg5[%get3A_0, %dma_wait3A_44, %dma_wait3A_45] : memref<1x2048x2048xf32, #tpu.memory_space<hbm>> -> memref<1x512x2048xf32, #tpu.memory_space<hbm>>
      %dma_wait3A_47 = tpu.memref_squeeze %dma_wait3A_46 : memref<1x512x2048xf32, #tpu.memory_space<hbm>> -> memref<512x2048xf32, #tpu.memory_space<hbm>>
      tpu.wait_dma2 semaphore(%dma_wait3A_40 : memref<!tpu.dma_semaphore, #tpu.memory_space<semaphore_mem>>) src(%dma_wait3A_47 : memref<512x2048xf32, #tpu.memory_space<hbm>>) dst(%dma_wait3A_43 : memref<512x2048xf32, #tpu.memory_space<vmem>>)
      %dma_wait3A_48 = arith.constant 1 : i32
      %dma_wait3A_49 = tpu.memref_slice %arg11[%dma_wait3A_48] : memref<3x!tpu.dma_semaphore, #tpu.memory_space<semaphore_mem>> -> memref<1x!tpu.dma_semaphore, #tpu.memory_space<semaphore_mem>>
      %dma_wait3A_50 = tpu.memref_squeeze %dma_wait3A_49 : memref<1x!tpu.dma_semaphore, #tpu.memory_space<semaphore_mem>> -> memref<!tpu.dma_semaphore, #tpu.memory_space<semaphore_mem>>
      %dma_wait3A_51 = arith.constant 512 : i32
      %dma_wait3A_52 = arith.constant 0 : i32
      %dma_wait3A_53 = tpu.memref_slice %arg9[%dma_wait3A_51, %dma_wait3A_52] : memref<2048x2048xf32, #tpu.memory_space<vmem>> -> memref<512x2048xf32, #tpu.memory_space<vmem>>
      %dma_wait3A_54 = arith.constant 512 : i32
      %dma_wait3A_55 = arith.constant 0 : i32
      %dma_wait3A_56 = tpu.memref_slice %arg5[%get3A_0, %dma_wait3A_54, %dma_wait3A_55] : memref<1x2048x2048xf32, #tpu.memory_space<hbm>> -> memref<1x512x2048xf32, #tpu.memory_space<hbm>>
      %dma_wait3A_57 = tpu.memref_squeeze %dma_wait3A_56 : memref<1x512x2048xf32, #tpu.memory_space<hbm>> -> memref<512x2048xf32, #tpu.memory_space<hbm>>
      tpu.wait_dma2 semaphore(%dma_wait3A_50 : memref<!tpu.dma_semaphore, #tpu.memory_space<semaphore_mem>>) src(%dma_wait3A_57 : memref<512x2048xf32, #tpu.memory_space<hbm>>) dst(%dma_wait3A_53 : memref<512x2048xf32, #tpu.memory_space<vmem>>)
      %dma_wait3A_58 = arith.constant 1 : i32
      %dma_wait3A_59 = tpu.memref_slice %arg11[%dma_wait3A_58] : memref<3x!tpu.dma_semaphore, #tpu.memory_space<semaphore_mem>> -> memref<1x!tpu.dma_semaphore, #tpu.memory_space<semaphore_mem>>
      %dma_wait3A_60 = tpu.memref_squeeze %dma_wait3A_59 : memref<1x!tpu.dma_semaphore, #tpu.memory_space<semaphore_mem>> -> memref<!tpu.dma_semaphore, #tpu.memory_space<semaphore_mem>>
      %dma_wait3A_61 = arith.constant 1024 : i32
      %dma_wait3A_62 = arith.constant 0 : i32
      %dma_wait3A_63 = tpu.memref_slice %arg9[%dma_wait3A_61, %dma_wait3A_62] : memref<2048x2048xf32, #tpu.memory_space<vmem>> -> memref<512x2048xf32, #tpu.memory_space<vmem>>
      %dma_wait3A_64 = arith.constant 1024 : i32
      %dma_wait3A_65 = arith.constant 0 : i32
      %dma_wait3A_66 = tpu.memref_slice %arg5[%get3A_0, %dma_wait3A_64, %dma_wait3A_65] : memref<1x2048x2048xf32, #tpu.memory_space<hbm>> -> memref<1x512x2048xf32, #tpu.memory_space<hbm>>
      %dma_wait3A_67 = tpu.memref_squeeze %dma_wait3A_66 : memref<1x512x2048xf32, #tpu.memory_space<hbm>> -> memref<512x2048xf32, #tpu.memory_space<hbm>>
      tpu.wait_dma2 semaphore(%dma_wait3A_60 : memref<!tpu.dma_semaphore, #tpu.memory_space<semaphore_mem>>) src(%dma_wait3A_67 : memref<512x2048xf32, #tpu.memory_space<hbm>>) dst(%dma_wait3A_63 : memref<512x2048xf32, #tpu.memory_space<vmem>>)
      %dma_wait3A_68 = arith.constant 1 : i32
      %dma_wait3A_69 = tpu.memref_slice %arg11[%dma_wait3A_68] : memref<3x!tpu.dma_semaphore, #tpu.memory_space<semaphore_mem>> -> memref<1x!tpu.dma_semaphore, #tpu.memory_space<semaphore_mem>>
      %dma_wait3A_70 = tpu.memref_squeeze %dma_wait3A_69 : memref<1x!tpu.dma_semaphore, #tpu.memory_space<semaphore_mem>> -> memref<!tpu.dma_semaphore, #tpu.memory_space<semaphore_mem>>
      %dma_wait3A_71 = arith.constant 1536 : i32
      %dma_wait3A_72 = arith.constant 0 : i32
      %dma_wait3A_73 = tpu.memref_slice %arg9[%dma_wait3A_71, %dma_wait3A_72] : memref<2048x2048xf32, #tpu.memory_space<vmem>> -> memref<512x2048xf32, #tpu.memory_space<vmem>>
      %dma_wait3A_74 = arith.constant 1536 : i32
      %dma_wait3A_75 = arith.constant 0 : i32
      %dma_wait3A_76 = tpu.memref_slice %arg5[%get3A_0, %dma_wait3A_74, %dma_wait3A_75] : memref<1x2048x2048xf32, #tpu.memory_space<hbm>> -> memref<1x512x2048xf32, #tpu.memory_space<hbm>>
      %dma_wait3A_77 = tpu.memref_squeeze %dma_wait3A_76 : memref<1x512x2048xf32, #tpu.memory_space<hbm>> -> memref<512x2048xf32, #tpu.memory_space<hbm>>
      tpu.wait_dma2 semaphore(%dma_wait3A_70 : memref<!tpu.dma_semaphore, #tpu.memory_space<semaphore_mem>>) src(%dma_wait3A_77 : memref<512x2048xf32, #tpu.memory_space<hbm>>) dst(%dma_wait3A_73 : memref<512x2048xf32, #tpu.memory_space<vmem>>)
    } else {
    }
    %get3A_18 = arith.constant 0 : index
    %get3A_19 = arith.constant 0 : index
    %get3A_20 = vector.load %arg9[%get3A_18, %get3A_19] : memref<2048x2048xf32, #tpu.memory_space<vmem>>, vector<2048x2048xf32>
    %dot_general3A_21 = arith.constant dense<0.000000e+00> : vector<256x2048xf32>
    %dot_general3A_22 = tpu.matmul %get3A_10, %get3A_20, %dot_general3A_21 {dimension_numbers = #tpu.dot_dimension_numbers<[1], [1], [0], [0], [0, 0, 1, 0], [], []>, transpose_lhs_hint = false} : vector<256x2048xf32>, vector<2048x2048xf32>, vector<256x2048xf32> -> vector<256x2048xf32>
    %logistic3A = arith.negf %dot_general3A_14 : vector<256x2048xf32>
    %logistic3A_23 = math.exp %logistic3A : vector<256x2048xf32>
    %logistic3A_24 = arith.constant 1.000000e+00 : f32
    %logistic3A_25 = vector.broadcast %logistic3A_24 : f32 to vector<256x2048xf32>
    %logistic3A_26 = arith.addf %logistic3A_25, %logistic3A_23 : vector<256x2048xf32>
    %logistic3A_27 = arith.divf %logistic3A_25, %logistic3A_26 : vector<256x2048xf32>
    %mul3A = arith.mulf %dot_general3A_14, %logistic3A_27 : vector<256x2048xf32>
    %mul3A_28 = arith.mulf %mul3A, %dot_general3A_22 : vector<256x2048xf32>
    %convert_element_type3A_29 = arith.extui %eq3A_3 : i1 to i32
    %cond3A_30 = arith.constant 0 : i32
    %cond3A_31 = arith.cmpi ne, %convert_element_type3A_29, %cond3A_30 : i32
    scf.if %cond3A_31 {
      %dma_wait3A = arith.constant 2 : i32
      %dma_wait3A_39 = tpu.memref_slice %arg11[%dma_wait3A] : memref<3x!tpu.dma_semaphore, #tpu.memory_space<semaphore_mem>> -> memref<1x!tpu.dma_semaphore, #tpu.memory_space<semaphore_mem>>
      %dma_wait3A_40 = tpu.memref_squeeze %dma_wait3A_39 : memref<1x!tpu.dma_semaphore, #tpu.memory_space<semaphore_mem>> -> memref<!tpu.dma_semaphore, #tpu.memory_space<semaphore_mem>>
      %dma_wait3A_41 = arith.constant 0 : i32
      %dma_wait3A_42 = arith.constant 0 : i32
      %dma_wait3A_43 = tpu.memref_slice %arg10[%dma_wait3A_41, %dma_wait3A_42] : memref<2048x2048xf32, #tpu.memory_space<vmem>> -> memref<512x2048xf32, #tpu.memory_space<vmem>>
      %dma_wait3A_44 = arith.constant 0 : i32
      %dma_wait3A_45 = arith.constant 0 : i32
      %dma_wait3A_46 = tpu.memref_slice %arg6[%get3A_0, %dma_wait3A_44, %dma_wait3A_45] : memref<1x2048x2048xf32, #tpu.memory_space<hbm>> -> memref<1x512x2048xf32, #tpu.memory_space<hbm>>
      %dma_wait3A_47 = tpu.memref_squeeze %dma_wait3A_46 : memref<1x512x2048xf32, #tpu.memory_space<hbm>> -> memref<512x2048xf32, #tpu.memory_space<hbm>>
      tpu.wait_dma2 semaphore(%dma_wait3A_40 : memref<!tpu.dma_semaphore, #tpu.memory_space<semaphore_mem>>) src(%dma_wait3A_47 : memref<512x2048xf32, #tpu.memory_space<hbm>>) dst(%dma_wait3A_43 : memref<512x2048xf32, #tpu.memory_space<vmem>>)
      %dma_wait3A_48 = arith.constant 2 : i32
      %dma_wait3A_49 = tpu.memref_slice %arg11[%dma_wait3A_48] : memref<3x!tpu.dma_semaphore, #tpu.memory_space<semaphore_mem>> -> memref<1x!tpu.dma_semaphore, #tpu.memory_space<semaphore_mem>>
      %dma_wait3A_50 = tpu.memref_squeeze %dma_wait3A_49 : memref<1x!tpu.dma_semaphore, #tpu.memory_space<semaphore_mem>> -> memref<!tpu.dma_semaphore, #tpu.memory_space<semaphore_mem>>
      %dma_wait3A_51 = arith.constant 512 : i32
      %dma_wait3A_52 = arith.constant 0 : i32
      %dma_wait3A_53 = tpu.memref_slice %arg10[%dma_wait3A_51, %dma_wait3A_52] : memref<2048x2048xf32, #tpu.memory_space<vmem>> -> memref<512x2048xf32, #tpu.memory_space<vmem>>
      %dma_wait3A_54 = arith.constant 512 : i32
      %dma_wait3A_55 = arith.constant 0 : i32
      %dma_wait3A_56 = tpu.memref_slice %arg6[%get3A_0, %dma_wait3A_54, %dma_wait3A_55] : memref<1x2048x2048xf32, #tpu.memory_space<hbm>> -> memref<1x512x2048xf32, #tpu.memory_space<hbm>>
      %dma_wait3A_57 = tpu.memref_squeeze %dma_wait3A_56 : memref<1x512x2048xf32, #tpu.memory_space<hbm>> -> memref<512x2048xf32, #tpu.memory_space<hbm>>
      tpu.wait_dma2 semaphore(%dma_wait3A_50 : memref<!tpu.dma_semaphore, #tpu.memory_space<semaphore_mem>>) src(%dma_wait3A_57 : memref<512x2048xf32, #tpu.memory_space<hbm>>) dst(%dma_wait3A_53 : memref<512x2048xf32, #tpu.memory_space<vmem>>)
      %dma_wait3A_58 = arith.constant 2 : i32
      %dma_wait3A_59 = tpu.memref_slice %arg11[%dma_wait3A_58] : memref<3x!tpu.dma_semaphore, #tpu.memory_space<semaphore_mem>> -> memref<1x!tpu.dma_semaphore, #tpu.memory_space<semaphore_mem>>
      %dma_wait3A_60 = tpu.memref_squeeze %dma_wait3A_59 : memref<1x!tpu.dma_semaphore, #tpu.memory_space<semaphore_mem>> -> memref<!tpu.dma_semaphore, #tpu.memory_space<semaphore_mem>>
      %dma_wait3A_61 = arith.constant 1024 : i32
      %dma_wait3A_62 = arith.constant 0 : i32
      %dma_wait3A_63 = tpu.memref_slice %arg10[%dma_wait3A_61, %dma_wait3A_62] : memref<2048x2048xf32, #tpu.memory_space<vmem>> -> memref<512x2048xf32, #tpu.memory_space<vmem>>
      %dma_wait3A_64 = arith.constant 1024 : i32
      %dma_wait3A_65 = arith.constant 0 : i32
      %dma_wait3A_66 = tpu.memref_slice %arg6[%get3A_0, %dma_wait3A_64, %dma_wait3A_65] : memref<1x2048x2048xf32, #tpu.memory_space<hbm>> -> memref<1x512x2048xf32, #tpu.memory_space<hbm>>
      %dma_wait3A_67 = tpu.memref_squeeze %dma_wait3A_66 : memref<1x512x2048xf32, #tpu.memory_space<hbm>> -> memref<512x2048xf32, #tpu.memory_space<hbm>>
      tpu.wait_dma2 semaphore(%dma_wait3A_60 : memref<!tpu.dma_semaphore, #tpu.memory_space<semaphore_mem>>) src(%dma_wait3A_67 : memref<512x2048xf32, #tpu.memory_space<hbm>>) dst(%dma_wait3A_63 : memref<512x2048xf32, #tpu.memory_space<vmem>>)
      %dma_wait3A_68 = arith.constant 2 : i32
      %dma_wait3A_69 = tpu.memref_slice %arg11[%dma_wait3A_68] : memref<3x!tpu.dma_semaphore, #tpu.memory_space<semaphore_mem>> -> memref<1x!tpu.dma_semaphore, #tpu.memory_space<semaphore_mem>>
      %dma_wait3A_70 = tpu.memref_squeeze %dma_wait3A_69 : memref<1x!tpu.dma_semaphore, #tpu.memory_space<semaphore_mem>> -> memref<!tpu.dma_semaphore, #tpu.memory_space<semaphore_mem>>
      %dma_wait3A_71 = arith.constant 1536 : i32
      %dma_wait3A_72 = arith.constant 0 : i32
      %dma_wait3A_73 = tpu.memref_slice %arg10[%dma_wait3A_71, %dma_wait3A_72] : memref<2048x2048xf32, #tpu.memory_space<vmem>> -> memref<512x2048xf32, #tpu.memory_space<vmem>>
      %dma_wait3A_74 = arith.constant 1536 : i32
      %dma_wait3A_75 = arith.constant 0 : i32
      %dma_wait3A_76 = tpu.memref_slice %arg6[%get3A_0, %dma_wait3A_74, %dma_wait3A_75] : memref<1x2048x2048xf32, #tpu.memory_space<hbm>> -> memref<1x512x2048xf32, #tpu.memory_space<hbm>>
      %dma_wait3A_77 = tpu.memref_squeeze %dma_wait3A_76 : memref<1x512x2048xf32, #tpu.memory_space<hbm>> -> memref<512x2048xf32, #tpu.memory_space<hbm>>
      tpu.wait_dma2 semaphore(%dma_wait3A_70 : memref<!tpu.dma_semaphore, #tpu.memory_space<semaphore_mem>>) src(%dma_wait3A_77 : memref<512x2048xf32, #tpu.memory_space<hbm>>) dst(%dma_wait3A_73 : memref<512x2048xf32, #tpu.memory_space<vmem>>)
    } else {
    }
    %get3A_32 = arith.constant 0 : index
    %get3A_33 = arith.constant 0 : index
    %get3A_34 = vector.load %arg10[%get3A_32, %get3A_33] : memref<2048x2048xf32, #tpu.memory_space<vmem>>, vector<2048x2048xf32>
    %dot_general3A_35 = arith.constant dense<0.000000e+00> : vector<256x2048xf32>
    %dot_general3A_36 = tpu.matmul %mul3A_28, %get3A_34, %dot_general3A_35 {dimension_numbers = #tpu.dot_dimension_numbers<[1], [1], [0], [0], [0, 0, 1, 0], [], []>, transpose_lhs_hint = false} : vector<256x2048xf32>, vector<2048x2048xf32>, vector<256x2048xf32> -> vector<256x2048xf32>
    %swap3A = arith.constant 0 : index
    %swap3A_37 = arith.constant 0 : index
    %swap3A_38 = vector.load %arg7[%swap3A, %swap3A_37] : memref<256x2048xf32, #tpu.memory_space<vmem>>, vector<256x2048xf32>
    tpu.vector_store %arg7[%swap3A, %swap3A_37], %dot_general3A_36 {strides = array<i32>} : memref<256x2048xf32, #tpu.memory_space<vmem>>, vector<256x2048xf32>,
    return
  }
  func.func @transform_0(%arg0: i32, %arg1: memref<16xi32, #tpu.memory_space<smem>>, %arg2: memref<16xi32, #tpu.memory_space<smem>>) -> (i32, i32) {
    %c0_i32 = arith.constant 0 : i32
    %c0_i32_0 = arith.constant 0 : i32
    return %arg0, %c0_i32 : i32, i32
  }
  func.func @transform_4(%arg0: i32, %arg1: memref<16xi32, #tpu.memory_space<smem>>, %arg2: memref<16xi32, #tpu.memory_space<smem>>) -> (i32, i32) {
    %c0_i32 = arith.constant 0 : i32
    %c0_i32_0 = arith.constant 0 : i32
    return %arg0, %c0_i32 : i32, i32
  }
}

module attributes {stable_mosaic.version = 14 : i64} {
  func.func @_add3_body(%arg0: i32, %arg1: memref<256x2048xf32, #tpu.memory_space<vmem>>, %arg2: memref<256x2048xf32, #tpu.memory_space<vmem>>, %arg3: memref<256x2048xf32, #tpu.memory_space<vmem>>, %arg4: memref<256x2048xf32, #tpu.memory_space<vmem>>) attributes {dimension_semantics = [#tpu.dimension_semantics<arbitrary>], iteration_bounds = array<i64: 16>, scalar_prefetch = 0 : i64, scratch_operands = 0 : i64, tpu.core_type = #tpu.core_type<tc>, window_params = [{transform_indices = @transform_0, window_bounds = array<i64: 256, 2048>}, {transform_indices = @transform_1, window_bounds = array<i64: 256, 2048>}, {transform_indices = @transform_2, window_bounds = array<i64: 256, 2048>}, {transform_indices = @transform_3, window_bounds = array<i64: 256, 2048>}]} {
    %get3A = arith.constant 0 : index
    %get3A_0 = arith.constant 0 : index
    %get3A_1 = vector.load %arg1[%get3A, %get3A_0] : memref<256x2048xf32, #tpu.memory_space<vmem>>, vector<256x2048xf32>
    %get3A_2 = arith.constant 0 : index
    %get3A_3 = arith.constant 0 : index
    %get3A_4 = vector.load %arg2[%get3A_2, %get3A_3] : memref<256x2048xf32, #tpu.memory_space<vmem>>, vector<256x2048xf32>
    %add3A = arith.addf %get3A_1, %get3A_4 : vector<256x2048xf32>
    %get3A_5 = arith.constant 0 : index
    %get3A_6 = arith.constant 0 : index
    %get3A_7 = vector.load %arg3[%get3A_5, %get3A_6] : memref<256x2048xf32, #tpu.memory_space<vmem>>, vector<256x2048xf32>
    %add3A_8 = arith.addf %add3A, %get3A_7 : vector<256x2048xf32>
    %swap3A = arith.constant 0 : index
    %swap3A_9 = arith.constant 0 : index
    %swap3A_10 = vector.load %arg4[%swap3A, %swap3A_9] : memref<256x2048xf32, #tpu.memory_space<vmem>>, vector<256x2048xf32>
    tpu.vector_store %arg4[%swap3A, %swap3A_9], %add3A_8 {strides = array<i32>} : memref<256x2048xf32, #tpu.memory_space<vmem>>, vector<256x2048xf32>,
    return
  }
  func.func @transform_0(%arg0: i32) -> (i32, i32) {
    %c0_i32 = arith.constant 0 : i32
    %c0_i32_0 = arith.constant 0 : i32
    return %arg0, %c0_i32 : i32, i32
  }
  func.func @transform_1(%arg0: i32) -> (i32, i32) {
    %add3A = arith.constant 16 : i32
    %add3A_0 = arith.addi %arg0, %add3A : i32
    %c0_i32 = arith.constant 0 : i32
    %c0_i32_1 = arith.constant 0 : i32
    return %add3A_0, %c0_i32 : i32, i32
  }
  func.func @transform_2(%arg0: i32) -> (i32, i32) {
    %c0_i32 = arith.constant 0 : i32
    %c0_i32_0 = arith.constant 0 : i32
    return %arg0, %c0_i32 : i32, i32
  }
  func.func @transform_3(%arg0: i32) -> (i32, i32) {
    %c0_i32 = arith.constant 0 : i32
    %c0_i32_0 = arith.constant 0 : i32
    return %arg0, %c0_i32 : i32, i32
  }
}

</mosaic_0001>

<sc_bundles>
// kernel: gather_offload_async_start
scs
__scs_entry_jumppad:
0x0: {  	(pc) =	sbr.rel $0x88, $3  }
0x1: {  	(tag) =	ssettag $0x0;
	lr =	simm.s32 $0x1  }
0x2: {  	[smem:$0x3F99] =	sst lr;
	_ =	strace $0xD0000000  }
0x3: {  	_ = 	snop  }
0x4: {  	_ = 	snop  }
0x5: {  	_ = 	snop  }
0x6: {  	_ = 	snop  }
0x7: {  	_ = 	snop  }
__scs_overlays_trampoline_lowered:
0x8: {  	[smem:$0x3FA8] =	sst s0  }
0x9: {  	[smem:$0x3FA9] =	sst s1  }
0xa: {  	[smem:$0x3FAA] =	sst s2  }
0xb: {  	[smem:$0x3FAB] =	sst s3  }
0xc: {  	[smem:$0x3FAC] =	sst s4  }
0xd: {  	[smem:$0x3FAD] =	sst s5  }
0xe: {  	[smem:$0x3FAE] =	sst s6  }
0xf: {  	[smem:$0x3FAF] =	sst s7  }
0x10: {  	[smem:$0x3FB0] =	sst s8  }
0x11: {  	[smem:$0x3FB1] =	sst s9;
	s0 =	simm.s32 @!p0 $0x0  }
0x12: {  	s1 =	sld [smem:$0x3F97];
	s0 =	simm.s32 @p0 $0x1  }
0x13: {  	[smem:$0x3FB2] =	sst s0;
	s0 =	simm.s32 @!p1 $0x0  }
0x14: {  	s2 =	sld [smem:$0x3F96];
	s0 =	simm.s32 @p1 $0x1  }
0x15: {  	[smem:$0x3FB3] =	sst s0;
	s0 =	simm.s32 @!p2 $0x0  }
0x16: {  	s3 =	sld [smem:$0x3FDB];
	s0 =	simm.s32 @p2 $0x1  }
0x17: {  	s4 =	simm.s32 $0x1BF5;
	[smem:$0x3FB5] =	sst s0  }
0x18: {  	s0 =	sld [smem:$0x3F98];
	_ =	swait.ge [sflag:s4], $0x0  }
0x19: {  	s7 =	sld [smem:$0x3F99]  }
0x1a: {  	s8 =	sadd.s32 $0xFFFFE003, lr  }
0x1b: {  	s9 =	sadd.s32 $0xFFFFFEF7, lr;
	s5 =	simm.s32 $0xFFFFFFFF;
	p2 =	slt.u32 s8, $0xFFFFF086  }
0x1c: {  	p1 =	slt.u32 s9, $0xF7A;
	s5 =	simm.s32 @!p2 $0x0  }
0x1d: {  	s5 =	simm.s32 @p1 $0x1;
	p0 =	seq.s32 s7, s2  }
0x1e: {  	s7 =	smul.u32 @!p0 $0xF7A, s2;
	p2 =	seq.s32 @!p0 s5, $0x0  }
0x1f: {  	s9 =	smul.u32 $0xF7A, s1;
	s8 =	simm.s32 @!p0 $0x1BF5;
	p2 =	por !p2, p0  }
0x20: {  	[sflag:s8] =	ssyncset.s32 @!p0 $0xFFFFF086;
	s6 =	sadd.s32 @!p0 s3, s7;
	s7 =	simm.s32 @!p0 $0x108  }
0x21: {  	s3 =	sadd.s32 s3, s9;
	s6 =	sadd.s32 @!p0 $0x88, s6;
	s7 =	simm.s32 @p2 $0x1082  }
0x22: {  	[simem:s7], [sflag:s8] =	dma.local @!p0 [hbm:s6], $0xF7A  }
0x23: {  	s9 =	sor.u32 $0xD0000000, s2;
	s6 =	simm.s32 $0x108;
	_ =	swait.ge @!p0 [sflag:s8], $0x0  }
0x24: {  	s3 =	sadd.s32 $0x88, s3;
	s6 =	simm.s32 @!p1 $0x1082;
	[sflag:s4] =	ssyncset.s32 $0xFFFFF086  }
0x25: {  	[simem:s6], [sflag:s4] =	dma.local [hbm:s3], $0xF7A  }
0x26: {  	[smem:$0x3F99] =	sst s1;
	(tag) =	ssettag s2;
	_ =	strace s9  }
0x27: {  	s1 =	sld [smem:$0x3FA9]  }
0x28: {  	s2 =	sld [smem:$0x3FAA]  }
0x29: {  	s4 =	sld [smem:$0x3FAC]  }
0x2a: {  	p0 =	seq.s32 s5, $0x0;
	s5 =	sld [smem:$0x3FAD]  }
0x2b: {  	s6 =	sld [smem:$0x3FAE]  }
0x2c: {  	s7 =	sld [smem:$0x3FAF]  }
0x2d: {  	s3 =	simm.s32 $0x108;
	s8 =	sld [smem:$0x3FB0]  }
0x2e: {  	s3 =	simm.s32 @!p0 $0x1082;
	s9 =	sld [smem:$0x3FB1]  }
0x2f: {  	lr =	sadd.s32 s0, s3;
	s0 =	sld [smem:$0x3FA8]  }
0x30: {  	s3 =	sld [smem:$0x3FAB]  }
0x31: {  	[smem:$0x3FB4] =	sst s10  }
0x32: {  	s10 =	sld [smem:$0x3FB2];
	_ =	sdelay $0x3  }
0x33: {  	p0 =	seq.s32 s10, $0x1;
	s10 =	sld [smem:$0x3FB4];
	_ =	sdelay $0x3  }
0x34: {  	[smem:$0x3FB4] =	sst s10  }
0x35: {  	s10 =	sld [smem:$0x3FB3];
	_ =	sdelay $0x3  }
0x36: {  	p1 =	seq.s32 s10, $0x1;
	s10 =	sld [smem:$0x3FB4];
	_ =	sdelay $0x3  }
0x37: {  	[smem:$0x3FB4] =	sst s10  }
0x38: {  	s10 =	sld [smem:$0x3FB5]  }
0x39: {  	_ = 	snop;
	(pc) =	sbr.ind lr, $3  }
0x3a: {  	_ = 	snop  }
0x3b: {  	_ = 	snop  }
0x3c: {  	p2 =	seq.s32 s10, $0x1;
	s10 =	sld [smem:$0x3FB4]  }
0x3d: {  	_ =	shalt  }
0x3e: {  	_ =	shalt  }
0x3f: {  	_ =	shalt  }
0x40: {  	_ =	shalt  }
0x41: {  	_ =	shalt  }
0x42: {  	_ =	shalt  }
0x43: {  	_ =	shalt  }
0x44: {  	_ =	shalt  }
0x45: {  	_ =	shalt  }
0x46: {  	_ =	shalt  }
0x47: {  	_ =	shalt  }
0x48: {  	_ =	shalt  }
0x49: {  	_ =	shalt  }
0x4a: {  	_ =	shalt  }
0x4b: {  	_ =	shalt  }
0x4c: {  	_ =	shalt  }
0x4d: {  	_ =	shalt  }
0x4e: {  	_ =	shalt  }
0x4f: {  	_ =	shalt  }
0x50: {  	_ =	shalt  }
0x51: {  	_ =	shalt  }
0x52: {  	_ =	shalt  }
0x53: {  	_ =	shalt  }
0x54: {  	_ =	shalt  }
0x55: {  	_ =	shalt  }
0x56: {  	_ =	shalt  }
0x57: {  	_ =	shalt  }
0x58: {  	_ =	shalt  }
0x59: {  	_ =	shalt  }
0x5a: {  	_ =	shalt  }
0x5b: {  	_ =	shalt  }
0x5c: {  	_ =	shalt  }
0x5d: {  	_ =	shalt  }
0x5e: {  	_ =	shalt  }
0x5f: {  	_ =	shalt  }
0x60: {  	_ =	shalt  }
0x61: {  	_ =	shalt  }
0x62: {  	_ =	shalt  }
0x63: {  	_ =	shalt  }
0x64: {  	_ =	shalt  }
0x65: {  	_ =	shalt  }
0x66: {  	_ =	shalt  }
0x67: {  	_ =	shalt  }
0x68: {  	_ =	shalt  }
0x69: {  	_ =	shalt  }
0x6a: {  	_ =	shalt  }
0x6b: {  	_ =	shalt  }
0x6c: {  	_ =	shalt  }
0x6d: {  	_ =	shalt  }
0x6e: {  	_ =	shalt  }
0x6f: {  	_ =	shalt  }
0x70: {  	_ =	shalt  }
0x71: {  	_ =	shalt  }
0x72: {  	_ =	shalt  }
0x73: {  	_ =	shalt  }
0x74: {  	_ =	shalt  }
0x75: {  	_ =	shalt  }
0x76: {  	_ =	shalt  }
0x77: {  	_ =	shalt  }
0x78: {  	_ =	shalt  }
0x79: {  	_ =	shalt  }
0x7a: {  	_ =	shalt  }
0x7b: {  	_ =	shalt  }
0x7c: {  	_ =	shalt  }
0x7d: {  	_ =	shalt  }
0x7e: {  	_ =	shalt  }
0x7f: {  	_ =	shalt  }
0x80: {  	_ =	shalt  }
0x81: {  	_ =	shalt  }
0x82: {  	_ =	shalt  }
0x83: {  	_ =	shalt  }
0x84: {  	_ =	shalt  }
0x85: {  	_ =	shalt  }
0x86: {  	_ =	shalt  }
0x87: {  	_ =	shalt  }
.Lfunc_end0:
.L_simem_size_0:
called_computation_lowered:
.L_overlay_start_0:
0x88: {  	s2 =	sld [smem:$0x3FD9]  }
0x89: {  	s3 =	sld [smem:$0x3FFE];
	_ =	sdelay $0x1  }
0x8a: {  	s1 =	srdreg.scid  }
0x8b: {  	s0 =	sand.u32 $0x1, s1  }
0x8c: {  	s16 =	sshll.u32 s0, $0xA;
	s2 =	sadd.s32 s3, s2  }
0x8d: {  	s2 =	sadd.s32 s2, s16  }
0x8e: {  	[smem:$0x3FC0] =	sst s2  }
0x8f: {  	_ = 	snop  }
0x90: {  	(tm) =	ssettm $0x1  }
0x91: {  	s17 =	sld [smem:$0x3FFB];
	_ =	sdelay $0x3  }
0x92: {  	_ =	strace s17  }
0x93: {  	s2 =	sld [smem:$0x3FFC];
	_ =	sdelay $0x3  }
0x94: {  	_ =	strace s2  }
0x95: {  	s2 =	sld [smem:$0x3FFD];
	_ =	sdelay $0x3  }
0x96: {  	_ =	strace s2  }
0x97: {  	_ =	strace $0x8FFFFFFF  }
0x98: {  	s18 =	sld [smem:$0x3FDB];
	_ =	sdelay $0x1  }
0x99: {  	s19 =	simm.s32 $_scs_section_size  }
0x9a: {  	s4 =	simm.s32 $_size__tile_overlayer_lowered;
	s5 =	simm.s32 $_tile_overlayer_lowered  }
0x9b: {  	s22 =	simm.s32 $0x1BFF;
	s21 =	sshll.u32 s5, $0x1;
	s2 =	sadd.s32 s19, s18  }
0x9c: {  	s6 =	simm.s32 $0x0;
	s20 =	sshll.u32 s4, $0x1;
	s4 =	sadd.s32 s21, s2  }
0x9d: {  	[timem:s6], [sflag:s22] =	dma.local [hbm:s4], s20  }
0x9e: {  	_ =	swait.ge [sflag:s22], s20  }
0x9f: {  	s3 =	ssub.s32 $0x0, s20;
	[sflag:s22] =	ssyncset.done $0x0  }
0xa0: {  	[sflag:s22] =	ssyncadd.s32 s3;
	_ =	sdelay $0x1  }
0xa1: {  	s23 =	simm.s32 $0x1B8B  }
0xa2: {  	_ =	swait.ge [sflag:s23], $0x1  }
0xa3: {  	[sflag:s23] =	ssyncset.done $0x0  }
0xa4: {  	s25 =	simm.s32 $0x1B8E;
	s24 =	sld [smem:$0x3FFE];
	[sflag:s23] =	ssyncadd.s32 $0xFFFFFFFF  }
0xa5: {  	s26 =	simm.s32 $execute0_lowered;
	[smem:$0x3FD2] =	sst s25  }
0xa6: {  	s4 =	sshll.u32 s26, $0x1;
	_ =	strace $0x80000046;
	[dreg:$0x1] =	wrdreg $0xFFFFFFFF  }
0xa7: {  	s28 =	simm.s32 $_size_execute0_lowered;
	s2 =	sadd.s32 s2, s4;
	[dreg:$0x0] =	wrdreg $0x0  }
0xa8: {  	s4 =	sshll.u32 s28, $0x1;
	[dreg:$0x2] =	wrdreg s2  }
0xa9: {  	[dreg:$0x3] =	wrdreg s4  }
0xaa: {  	[dreg:$0x4] =	wrdreg $0xC0  }
0xab: {  	_ =	task [dreg:s6], $0x5FFFF  }
0xac: {  	[dreg:$0x1] =	wrdreg $0xFFFFFFFF  }
0xad: {  	[dreg:$0x0] =	wrdreg $0x60  }
0xae: {  	[dreg:$0x2] =	wrdreg s24  }
0xaf: {  	[dreg:$0x3] =	wrdreg $0x9  }
0xb0: {  	_ =	task.clear_ibuf [dreg:s6], $0x4FFFF;
	_ =	strace $0x90000046  }
0xb1: {  	s29 =	simm.s32 $0x9;
	_ =	strace $0x80000048  }
0xb2: {  	_ =	swait.ge [sflag:s29], $0x1  }
0xb3: {  	[sflag:s29] =	ssyncadd.s32 $0xFFFFFFFF  }
0xb4: {  	_ =	strace $0x90000048  }
0xb5: {  	_ =	sfence  }
0xb6: {  	s30 =	sld [smem:$0x0];
	_ =	sdelay $0x2  }
0xb7: {  	s31 =	sshll.u32 s1, $0xD;
	s1 =	sshrl.u32 s1, $0x2  }
0xb8: {  	s3 =	sand.u32 $0x4000, s31;
	s1 =	sadd.s32 s1, s30  }
0xb9: {  	s0 =	sor.u32 s3, s0;
	s1 =	sshll.u32 s1, $0x11  }
0xba: {  	s0 =	sor.u32 s1, s0  }
0xbb: {  	s0 =	sadd.s32 $0x8F2B, s0  }
0xbc: {  	[sflag:s0] =	ssyncadd.remote.s32 $0x1  }
0xbd: {  	_ =	sfence.sel $0xFFFF  }
0xbe: {  	[dreg:$0x0] =	wrdreg $0xFFFFFFFF;
	(pc) =	sbr.abs _section_cstart, $3  }
0xbf: {  	[dreg:$0x1] =	wrdreg $0xFFFFFFFF  }
0xc0: {  	_ =	task.clear_ibuf [dreg:s6], $0x2FFFF;
	_ =	strace $0x9FFFFFFF  }
0xc1: {  	(tm) =	ssettm $0x7FFFFFFF  }
tec
execute0_lowered:
.L_overlay_start_1:
0x0: {  	(tag) =	ssettag $0x1  }
0x1: {  	s0 =	srdreg.scid;
	s5 =	rddreg [dreg:$0x0]  }
0x2: {  	s1 =	stileid.u32;
	s6 =	simm.s32 $0x1;
	s9 =	simm.s32 $0x1  }
0x3: {  	s10 =	simm.s32 $0x3;
	s13 =	simm.s32 $0x0;
	s2 =	sshll.u32 s0, $0x7  }
0x4: {  	s12 =	simm.s32 $0x0;
	s3 =	sshll.u32 s1, $0x8;
	s2 =	sand.u32 $0x80, s2  }
0x5: {  	s0 =	rddreg [dreg:$0x1];
	_ =	strace $0x80000047;
	s2 =	sor.u32 s3, s2  }
0x6: {  	s4 =	sadd.s32 $0x121200, s5;
	[sflag:s6] =	ssyncpa.u1 $0x0;
	s8 =	ssub.s32 $0x2000, s2  }
.Ltmp0:
0x7: {  	s3 =	sadd.s32 $0x100000, s5;
	s7 =	sand.u32 $0xF80, s8;
	(pc) =	sbr.rel .LBB2_1-.Ltmp0, $4  }
0x8: {  	s5 =	sadd.s32 $0x120200, s5;
	s11 =	smov.u32 s2;
	p0 =	sne.s32 s7, $0x0  }
0x9: {  	s8 =	sshrl.u32 s8, $0xC;
	s7 =	simm.s32 $0x2;
	s9 =	simm.s32 @!p0 $0x0  }
0xa: {  	[sflag:s7] =	ssyncpa.u1 $0x0;
	p0 =	por $0x0, $0x0;
	s8 =	sadd.s32 s9, s8  }
0xb: {  	vm0 =	vmmov $0xffff;
	[sflag:s10] =	ssyncpa.u1 $0x0;
	s10 =	simm.s32 $0x0;
	s9 =	sadd.s32 $0x1, s8  }
.LBB2_4:
0xc: {  	v5 =	vshrl.u32 v1, $0xD;
	v6 =	vshll.u32 v1, $0x7  }
0xd: {  	vm1 =	veq.s32 v1, $0x80000000;
	v58 =	vand.u32 $0x7, v5;
	v59 =	vand.u32 $0xFFF80, v6  }
0xe: {  	v1 =	vsel vm1, $0xFFFFFFFF, v58;
	v5 =	vsel vm1, $0xFFFFFF80, v59  }
0xf: {  	v3 =	vor.u32 v4, v3;
	v60 =	vand.u32 $0xFFFFFC00, v5;
	v61 =	vand.u32 $0xFFFFFC00, v1  }
0x10: {  	v2 =	vor.u32 v2, v3;
	v63 =	vand.u32 $0x380, v5;
	v62 =	vadd.s32 v61, v60  }
0x11: {  	v1 =	vand.u32 $0x7F, v1;
	v3 =	vor.u32 v63, v62  }
0x12: {  	v1 =	vor.u32 v1, v3  }
0x13: {  	[tilespmem:s15], [sflag:$0x1] =	stream.indirect_vreg.gather [hbm4b:s3+s10], $0x1, v0, vm0, $0x4038;
	[tilespmem:$0x200] =	vst v63  }
0x14: {  	(ifvalue) =	ssetifvalue $0x7FFFFFFF  }
0x15: {  	[tilespmem:s16], [sflag:$0x1] =	stream.indirect_vreg.gather [hbm4b:s3+s10], $0x1, v2, vm0, $0x4038;
	[tilespmem:$0x200] =	vst v63  }
0x16: {  	s29 =	sadd.s32 $0x10, s16;
	(ifvalue) =	ssetifvalue $0x7FFFFFFF  }
0x17: {  	[tilespmem:s29], [sflag:$0x1] =	stream.indirect_vreg.gather [hbm4b:s3+s10], $0x1, v1, vm0, $0x4038;
	[tilespmem:$0x200] =	vst v63  }
0x18: {  	_ =	swait.ge [sflag:s6], $0x80  }
0x19: {  	s30 =	sshrl.u32 s13, $0x3;
	[sflag:s6] =	ssyncset.done $0x0  }
0x1a: {  	s31 =	sand.u32 $0x7, s13;
	s15 =	sadd.s32 s5, s30;
	[sflag:s6] =	ssyncadd.s32 $0xFFFFFF80  }
0x1b: {  	[hbm4b:s15+s31] =	stream.linear.scatter [tilespmem:s14], [sflag:$0x3], $0x80, $0x38;
	[tilespmem:$0x200] =	vst v63  }
.LBB2_5:
0x1c: {  	s15 =	sadd.s32 $0x1000, s11  }
0x1d: {  	p2 =	sgt.s32 s15, $0x1FFF  }
0x1e: {  	s15 =	smov.u32 @p2 s2;
	p2 =	sne.s32 s12, s9  }
.Ltmp1:
0x1f: {  	p1 =	slt.u32 s12, $0x2;
	(pc) =	sbr.rel @!p2 .LBB2_6-.Ltmp1, $4  }
0x20: {  	s14 =	simm.s32 @!p1 $0x3  }
0x21: {  	s16 =	sadd.s32 $0x1, s12;
	_ =	swait.ge @!p1 [sflag:s14], $0x80  }
0x22: {  	s13 =	smov.u32 s11;
	p0 =	por !p0, !p0;
	[sflag:s14] =	ssyncset.done @!p1 $0x0  }
0x23: {  	s12 =	smov.u32 s16;
	s11 =	smov.u32 s15;
	[sflag:s14] =	ssyncadd.s32 @!p1 $0xFFFFFF80  }
.LBB2_1:
0x24: {  	p1 =	sge.u32 s12, s8  }
0x25: {  	s14 =	sxor.u32 @!p1 $0xFFFFFFFF, s12  }
0x26: {  	s31 =	sadd.s32 $0xFFFFFFFF, s12;
	s15 =	sshrl.u32 @!p1 s11, $0x3;
	s14 =	sshll.u32 @!p1 s14, $0x7  }
0x27: {  	s16 =	sand.u32 @!p1 $0x7, s11;
	s15 =	sadd.s32 @!p1 s4, s15;
	s14 =	sand.u32 @!p1 $0x80, s14  }
0x28: {  	[tilespmem:s14], [sflag:$0x2] =	stream.linear.gather @!p1 [hbm4b:s15+s16], $0x80, $0x38;
	[tilespmem:$0x200] =	vst v63  }
0x29: {  	p1 =	sge.u32 s31, s8  }
.Ltmp2:
0x2a: {  	_ = 	snop;
	(pc) =	sbr.rel @p1 .LBB2_5-.Ltmp2, $1  }
0x2b: {  	_ =	sdelay $0x3  }
0x2c: {  	s14 =	simm.s32 $0x1  }
0x2d: {  	_ =	swait.ge [sflag:s7], $0x80;
	s14 =	simm.s32 @!p0 $0x0  }
0x2e: {  	[sflag:s7] =	ssyncset.done $0x0;
	s14 =	sshll.u32 s14, $0x7  }
0x2f: {  	[sflag:s7] =	ssyncadd.s32 $0xFFFFFF80;
	(ifvalue) =	ssetifvalue $0x7FFFFFFF;
	v0 =	vld.msk [tilespmem:s14+$0x0 ss:$0x1], $0xffff;
	_ =	sdelay $0x4  }
0x30: {  	s15 =	sadd.s32 $0x10, s14;
	v2 =	vshrl.u32 v0, $0xD;
	v3 =	vshll.u32 v0, $0x7  }
0x31: {  	v1 =	vld.msk [tilespmem:s15+$0x0 ss:$0x1], $0xffff;
	vm1 =	veq.s32 v0, $0x80000000;
	v0 =	vand.u32 $0x7, v2;
	v2 =	vand.u32 $0xFFF80, v3  }
0x32: {  	v0 =	vsel vm1, $0xFFFFFFFF, v0;
	v2 =	vsel vm1, $0xFFFFFF80, v2  }
0x33: {  	v3 =	vand.u32 $0xFFFFFC00, v2;
	v4 =	vand.u32 $0xFFFFFC00, v0  }
0x34: {  	v2 =	vand.u32 $0x380, v2;
	v3 =	vadd.s32 v4, v3  }
0x35: {  	v0 =	vand.u32 $0x7F, v0;
	v2 =	vor.u32 v2, v3  }
0x36: {  	v5 =	vshll.u32 v1, $0x7;
	v4 =	vshrl.u32 v1, $0xD;
	v0 =	vor.u32 v0, v2  }
0x37: {  	s16 =	sshll.u32 s12, $0x7;
	vm1 =	veq.s32 v1, $0x80000000;
	v1 =	vand.u32 $0x7, v4;
	v4 =	vand.u32 $0xFFF80, v5  }
0x38: {  	s16 =	sand.u32 $0x80, s16;
	s18 =	sadd.s32 $0x10, s15;
	v3 =	vsel vm1, $0xFFFFFFFF, v1;
	v4 =	vsel vm1, $0xFFFFFF80, v4  }
0x39: {  	s17 =	simm.s32 $0x20;
	s15 =	sor.u32 $0x100, s14;
	s14 =	sor.u32 $0x100, s16;
	v1 =	vld.msk [tilespmem:s18+$0x0 ss:$0x1], $0xffff;
	v5 =	vand.u32 $0xFFFFFC00, v4;
	v6 =	vand.u32 $0xFFFFFC00, v3  }
0x3a: {  	s16 =	sadd.s32 $0x10, s15;
	s18 =	sadd.s32 $0x10, s18;
	(ifvalue) =	ssetifvalue $0x7FFFFFFF;
	v2 =	vand.u32 $0x7F, v3;
	v4 =	vand.u32 $0x380, v4;
	v3 =	vadd.s32 v6, v5  }
.LBB2_3:
0x3b: {  	[tilespmem:s15], [sflag:$0x1] =	stream.indirect_vreg.gather [hbm4b:s3+s10], $0x1, v0, vm0, $0x4038;
	[tilespmem:$0x200] =	vst v63  }
0x3c: {  	s17 =	sadd.s32 $0x10, s17  }
0x3d: {  	v3 =	vor.u32 v4, v3;
	p1 =	slt.u32 s17, $0x70  }
.Ltmp3:
0x3e: {  	v4 =	vshrl.u32 v1, $0xD;
	v5 =	vshll.u32 v1, $0x7;
	s15 =	smov.u32 s16;
	v0 =	vor.u32 v2, v3;
	v2 =	vmovc v1;
	v1 =	vld.msk [tilespmem:s18+$0x0 ss:$0x1], $0xffff;
	(pc) =	sbr.rel @p1 .LBB2_3-.Ltmp3, $4  }
0x3f: {  	v3 =	vand.u32 $0xFFF80, v5;
	vm1 =	veq.s32 v2, $0x80000000;
	v2 =	vand.u32 $0x7, v4  }
0x40: {  	v4 =	vsel vm1, $0xFFFFFFFF, v2;
	v5 =	vsel vm1, $0xFFFFFF80, v3  }
0x41: {  	v2 =	vand.u32 $0x7F, v4;
	v3 =	vand.u32 $0xFFFFFC00, v5;
	v4 =	vand.u32 $0xFFFFFC00, v4  }
0x42: {  	s16 =	sadd.s32 $0x10, s16;
	s18 =	sadd.s32 $0x10, s18;
	v3 =	vadd.s32 v4, v3;
	v4 =	vand.u32 $0x380, v5;
	(ifvalue) =	ssetifvalue $0x7FFFFFFF  }
.Ltmp4:
0x43: {  	_ = 	snop;
	(pc) =	sbr.rel .LBB2_4-.Ltmp4, $1  }
0x44: {  	_ =	sdelay $0x3  }
.LBB2_6:
0x45: {  	_ =	sfence.sel $0x180000  }
0x46: {  	s2 =	simm.s32 $0x2;
	[bflag:$0x0] =	sbarrier.arrive $0xFFFF  }
0x47: {  	s30 =	simm.s32 $0x3;
	[sflag:s2] =	ssyncpa.u1 $0x1  }
0x48: {  	s31 =	simm.s32 $0x1;
	[sflag:s30] =	ssyncpa.u1 $0x1  }
0x49: {  	[sflag:s31] =	ssyncpa.u1 $0x1  }
0x4a: {  	p0 =	sne.s32 s1, $0x0;
	_ =	strace $0x90000047  }
0x4b: {  	s0 =	sadd.s32 @!p0 $0x100000, s0;
	[bflag:$0x2] =	sbarrier.arrive $0xFFFF  }
0x4c: {  	[sflag:s0] =	ssyncadd.tile.s32 @!p0 $0x1;
	_ =	shalt  }
.Lfunc_end2:
_tile_overlayer_lowered:
.L_overlay_start_2:
0x4d: {  	(tag) =	ssettag $0x2  }
0x4e: {  	s0 =	rddreg [dreg:$0x0];
	s2 =	stileid.u32  }
0x4f: {  	s1 =	rddreg [dreg:$0x1];
	p0 =	sne.s32 s2, $0x0  }
0x50: {  	s3 =	rddreg [dreg:$0x2];
	[bflag:$0x3] =	sbarrier.arrive $0xFFFF;
	s2 =	simm.s32 @!p0 $0x1C01  }
0x51: {  	[timem:s3], [sflag:s2] =	dma.local @!p0 [hbm:s0], s1  }
0x52: {  	s0 =	simm.s32 @!p0 $0x1  }
0x53: {  	_ =	swait.ge @!p0 [sflag:s0], s1  }
0x54: {  	s1 =	ssub.s32 @!p0 $0x0, s1;
	[sflag:s0] =	ssyncset.done @!p0 $0x0  }
0x55: {  	[sflag:s0] =	ssyncadd.s32 @!p0 s1  }
0x56: {  	[bflag:$0x3] =	sbarrier.arrive $0xFFFF  }
0x57: {  	_ =	shalt  }

// kernel: kernel.11.cloned.1.call-start
scs
__scs_entry_jumppad:
0x0: {  	(pc) =	sbr.rel $0x88, $3  }
0x1: {  	(tag) =	ssettag $0x0;
	lr =	simm.s32 $0x1  }
0x2: {  	[smem:$0x3F99] =	sst lr;
	_ =	strace $0xD0000000  }
0x3: {  	_ = 	snop  }
0x4: {  	_ = 	snop  }
0x5: {  	_ = 	snop  }
0x6: {  	_ = 	snop  }
0x7: {  	_ = 	snop  }
__scs_overlays_trampoline_lowered:
0x8: {  	[smem:$0x3FA8] =	sst s0  }
0x9: {  	[smem:$0x3FA9] =	sst s1  }
0xa: {  	[smem:$0x3FAA] =	sst s2  }
0xb: {  	[smem:$0x3FAB] =	sst s3  }
0xc: {  	[smem:$0x3FAC] =	sst s4  }
0xd: {  	[smem:$0x3FAD] =	sst s5  }
0xe: {  	[smem:$0x3FAE] =	sst s6  }
0xf: {  	[smem:$0x3FAF] =	sst s7  }
0x10: {  	[smem:$0x3FB0] =	sst s8  }
0x11: {  	[smem:$0x3FB1] =	sst s9;
	s0 =	simm.s32 @!p0 $0x0  }
0x12: {  	s1 =	sld [smem:$0x3F97];
	s0 =	simm.s32 @p0 $0x1  }
0x13: {  	[smem:$0x3FB2] =	sst s0;
	s0 =	simm.s32 @!p1 $0x0  }
0x14: {  	s2 =	sld [smem:$0x3F96];
	s0 =	simm.s32 @p1 $0x1  }
0x15: {  	[smem:$0x3FB3] =	sst s0;
	s0 =	simm.s32 @!p2 $0x0  }
0x16: {  	s3 =	sld [smem:$0x3FDB];
	s0 =	simm.s32 @p2 $0x1  }
0x17: {  	s4 =	simm.s32 $0x1BF5;
	[smem:$0x3FB5] =	sst s0  }
0x18: {  	s0 =	sld [smem:$0x3F98];
	_ =	swait.ge [sflag:s4], $0x0  }
0x19: {  	s7 =	sld [smem:$0x3F99]  }
0x1a: {  	s8 =	sadd.s32 $0xFFFFE003, lr  }
0x1b: {  	s9 =	sadd.s32 $0xFFFFFEF7, lr;
	s5 =	simm.s32 $0xFFFFFFFF;
	p2 =	slt.u32 s8, $0xFFFFF086  }
0x1c: {  	p1 =	slt.u32 s9, $0xF7A;
	s5 =	simm.s32 @!p2 $0x0  }
0x1d: {  	s5 =	simm.s32 @p1 $0x1;
	p0 =	seq.s32 s7, s2  }
0x1e: {  	s7 =	smul.u32 @!p0 $0xF7A, s2;
	p2 =	seq.s32 @!p0 s5, $0x0  }
0x1f: {  	s9 =	smul.u32 $0xF7A, s1;
	s8 =	simm.s32 @!p0 $0x1BF5;
	p2 =	por !p2, p0  }
0x20: {  	[sflag:s8] =	ssyncset.s32 @!p0 $0xFFFFF086;
	s6 =	sadd.s32 @!p0 s3, s7;
	s7 =	simm.s32 @!p0 $0x108  }
0x21: {  	s3 =	sadd.s32 s3, s9;
	s6 =	sadd.s32 @!p0 $0x88, s6;
	s7 =	simm.s32 @p2 $0x1082  }
0x22: {  	[simem:s7], [sflag:s8] =	dma.local @!p0 [hbm:s6], $0xF7A  }
0x23: {  	s9 =	sor.u32 $0xD0000000, s2;
	s6 =	simm.s32 $0x108;
	_ =	swait.ge @!p0 [sflag:s8], $0x0  }
0x24: {  	s3 =	sadd.s32 $0x88, s3;
	s6 =	simm.s32 @!p1 $0x1082;
	[sflag:s4] =	ssyncset.s32 $0xFFFFF086  }
0x25: {  	[simem:s6], [sflag:s4] =	dma.local [hbm:s3], $0xF7A  }
0x26: {  	[smem:$0x3F99] =	sst s1;
	(tag) =	ssettag s2;
	_ =	strace s9  }
0x27: {  	s1 =	sld [smem:$0x3FA9]  }
0x28: {  	s2 =	sld [smem:$0x3FAA]  }
0x29: {  	s4 =	sld [smem:$0x3FAC]  }
0x2a: {  	p0 =	seq.s32 s5, $0x0;
	s5 =	sld [smem:$0x3FAD]  }
0x2b: {  	s6 =	sld [smem:$0x3FAE]  }
0x2c: {  	s7 =	sld [smem:$0x3FAF]  }
0x2d: {  	s3 =	simm.s32 $0x108;
	s8 =	sld [smem:$0x3FB0]  }
0x2e: {  	s3 =	simm.s32 @!p0 $0x1082;
	s9 =	sld [smem:$0x3FB1]  }
0x2f: {  	lr =	sadd.s32 s0, s3;
	s0 =	sld [smem:$0x3FA8]  }
0x30: {  	s3 =	sld [smem:$0x3FAB]  }
0x31: {  	[smem:$0x3FB4] =	sst s10  }
0x32: {  	s10 =	sld [smem:$0x3FB2];
	_ =	sdelay $0x3  }
0x33: {  	p0 =	seq.s32 s10, $0x1;
	s10 =	sld [smem:$0x3FB4];
	_ =	sdelay $0x3  }
0x34: {  	[smem:$0x3FB4] =	sst s10  }
0x35: {  	s10 =	sld [smem:$0x3FB3];
	_ =	sdelay $0x3  }
0x36: {  	p1 =	seq.s32 s10, $0x1;
	s10 =	sld [smem:$0x3FB4];
	_ =	sdelay $0x3  }
0x37: {  	[smem:$0x3FB4] =	sst s10  }
0x38: {  	s10 =	sld [smem:$0x3FB5]  }
0x39: {  	_ = 	snop;
	(pc) =	sbr.ind lr, $3  }
0x3a: {  	_ = 	snop  }
0x3b: {  	_ = 	snop  }
0x3c: {  	p2 =	seq.s32 s10, $0x1;
	s10 =	sld [smem:$0x3FB4]  }
0x3d: {  	_ =	shalt  }
0x3e: {  	_ =	shalt  }
0x3f: {  	_ =	shalt  }
0x40: {  	_ =	shalt  }
0x41: {  	_ =	shalt  }
0x42: {  	_ =	shalt  }
0x43: {  	_ =	shalt  }
0x44: {  	_ =	shalt  }
0x45: {  	_ =	shalt  }
0x46: {  	_ =	shalt  }
0x47: {  	_ =	shalt  }
0x48: {  	_ =	shalt  }
0x49: {  	_ =	shalt  }
0x4a: {  	_ =	shalt  }
0x4b: {  	_ =	shalt  }
0x4c: {  	_ =	shalt  }
0x4d: {  	_ =	shalt  }
0x4e: {  	_ =	shalt  }
0x4f: {  	_ =	shalt  }
0x50: {  	_ =	shalt  }
0x51: {  	_ =	shalt  }
0x52: {  	_ =	shalt  }
0x53: {  	_ =	shalt  }
0x54: {  	_ =	shalt  }
0x55: {  	_ =	shalt  }
0x56: {  	_ =	shalt  }
0x57: {  	_ =	shalt  }
0x58: {  	_ =	shalt  }
0x59: {  	_ =	shalt  }
0x5a: {  	_ =	shalt  }
0x5b: {  	_ =	shalt  }
0x5c: {  	_ =	shalt  }
0x5d: {  	_ =	shalt  }
0x5e: {  	_ =	shalt  }
0x5f: {  	_ =	shalt  }
0x60: {  	_ =	shalt  }
0x61: {  	_ =	shalt  }
0x62: {  	_ =	shalt  }
0x63: {  	_ =	shalt  }
0x64: {  	_ =	shalt  }
0x65: {  	_ =	shalt  }
0x66: {  	_ =	shalt  }
0x67: {  	_ =	shalt  }
0x68: {  	_ =	shalt  }
0x69: {  	_ =	shalt  }
0x6a: {  	_ =	shalt  }
0x6b: {  	_ =	shalt  }
0x6c: {  	_ =	shalt  }
0x6d: {  	_ =	shalt  }
0x6e: {  	_ =	shalt  }
0x6f: {  	_ =	shalt  }
0x70: {  	_ =	shalt  }
0x71: {  	_ =	shalt  }
0x72: {  	_ =	shalt  }
0x73: {  	_ =	shalt  }
0x74: {  	_ =	shalt  }
0x75: {  	_ =	shalt  }
0x76: {  	_ =	shalt  }
0x77: {  	_ =	shalt  }
0x78: {  	_ =	shalt  }
0x79: {  	_ =	shalt  }
0x7a: {  	_ =	shalt  }
0x7b: {  	_ =	shalt  }
0x7c: {  	_ =	shalt  }
0x7d: {  	_ =	shalt  }
0x7e: {  	_ =	shalt  }
0x7f: {  	_ =	shalt  }
0x80: {  	_ =	shalt  }
0x81: {  	_ =	shalt  }
0x82: {  	_ =	shalt  }
0x83: {  	_ =	shalt  }
0x84: {  	_ =	shalt  }
0x85: {  	_ =	shalt  }
0x86: {  	_ =	shalt  }
0x87: {  	_ =	shalt  }
.Lfunc_end0:
.L_simem_size_0:
called_computation.2_lowered:
.L_overlay_start_0:
0x88: {  	s2 =	sld [smem:$0x3FD9]  }
0x89: {  	s3 =	sld [smem:$0x3FFE];
	_ =	sdelay $0x1  }
0x8a: {  	s1 =	srdreg.scid  }
0x8b: {  	s0 =	sand.u32 $0x1, s1  }
0x8c: {  	s16 =	sshll.u32 s0, $0xA;
	s2 =	sadd.s32 s3, s2  }
0x8d: {  	s2 =	sadd.s32 s2, s16  }
0x8e: {  	[smem:$0x3FC0] =	sst s2  }
0x8f: {  	_ = 	snop  }
0x90: {  	(tm) =	ssettm $0x1  }
0x91: {  	s17 =	sld [smem:$0x3FFB];
	_ =	sdelay $0x3  }
0x92: {  	_ =	strace s17  }
0x93: {  	s2 =	sld [smem:$0x3FFC];
	_ =	sdelay $0x3  }
0x94: {  	_ =	strace s2  }
0x95: {  	s2 =	sld [smem:$0x3FFD];
	_ =	sdelay $0x3  }
0x96: {  	_ =	strace s2  }
0x97: {  	_ =	strace $0x8FFFFFFF  }
0x98: {  	s18 =	sld [smem:$0x3FDB];
	_ =	sdelay $0x1  }
0x99: {  	s19 =	simm.s32 $_scs_section_size  }
0x9a: {  	s4 =	simm.s32 $_size__tile_overlayer_lowered;
	s5 =	simm.s32 $_tile_overlayer_lowered  }
0x9b: {  	s22 =	simm.s32 $0x1BFF;
	s21 =	sshll.u32 s5, $0x1;
	s2 =	sadd.s32 s19, s18  }
0x9c: {  	s6 =	simm.s32 $0x0;
	s20 =	sshll.u32 s4, $0x1;
	s4 =	sadd.s32 s21, s2  }
0x9d: {  	[timem:s6], [sflag:s22] =	dma.local [hbm:s4], s20  }
0x9e: {  	_ =	swait.ge [sflag:s22], s20  }
0x9f: {  	s3 =	ssub.s32 $0x0, s20;
	[sflag:s22] =	ssyncset.done $0x0  }
0xa0: {  	[sflag:s22] =	ssyncadd.s32 s3;
	_ =	sdelay $0x1  }
0xa1: {  	s23 =	simm.s32 $0x1B8B  }
0xa2: {  	_ =	swait.ge [sflag:s23], $0x1  }
0xa3: {  	[sflag:s23] =	ssyncset.done $0x0  }
0xa4: {  	s25 =	simm.s32 $0x1B8E;
	s24 =	sld [smem:$0x3FFE];
	[sflag:s23] =	ssyncadd.s32 $0xFFFFFFFF  }
0xa5: {  	s26 =	simm.s32 $execute0_lowered;
	[smem:$0x3FD2] =	sst s25  }
0xa6: {  	s4 =	sshll.u32 s26, $0x1;
	_ =	strace $0x8000004C;
	[dreg:$0x1] =	wrdreg $0xFFFFFFFF  }
0xa7: {  	s28 =	simm.s32 $_size_execute0_lowered;
	s2 =	sadd.s32 s2, s4;
	[dreg:$0x0] =	wrdreg $0x0  }
0xa8: {  	s4 =	sshll.u32 s28, $0x1;
	[dreg:$0x2] =	wrdreg s2  }
0xa9: {  	[dreg:$0x3] =	wrdreg s4  }
0xaa: {  	[dreg:$0x4] =	wrdreg $0xC0  }
0xab: {  	_ =	task [dreg:s6], $0x5FFFF  }
0xac: {  	[dreg:$0x1] =	wrdreg $0xFFFFFFFF  }
0xad: {  	[dreg:$0x0] =	wrdreg $0x60  }
0xae: {  	[dreg:$0x2] =	wrdreg s24  }
0xaf: {  	[dreg:$0x3] =	wrdreg $0x9  }
0xb0: {  	_ =	task.clear_ibuf [dreg:s6], $0x4FFFF;
	_ =	strace $0x9000004C  }
0xb1: {  	s29 =	simm.s32 $0x9;
	_ =	strace $0x8000004E  }
0xb2: {  	_ =	swait.ge [sflag:s29], $0x1  }
0xb3: {  	[sflag:s29] =	ssyncadd.s32 $0xFFFFFFFF  }
0xb4: {  	_ =	strace $0x9000004E  }
0xb5: {  	_ =	sfence  }
0xb6: {  	s30 =	sld [smem:$0x0];
	_ =	sdelay $0x2  }
0xb7: {  	s31 =	sshll.u32 s1, $0xD;
	s1 =	sshrl.u32 s1, $0x2  }
0xb8: {  	s3 =	sand.u32 $0x4000, s31;
	s1 =	sadd.s32 s1, s30  }
0xb9: {  	s0 =	sor.u32 s3, s0;
	s1 =	sshll.u32 s1, $0x11  }
0xba: {  	s0 =	sor.u32 s1, s0  }
0xbb: {  	s0 =	sadd.s32 $0x8F2B, s0  }
0xbc: {  	[sflag:s0] =	ssyncadd.remote.s32 $0x1  }
0xbd: {  	_ =	sfence.sel $0xFFFF  }
0xbe: {  	[dreg:$0x0] =	wrdreg $0xFFFFFFFF;
	(pc) =	sbr.abs _section_cstart, $3  }
0xbf: {  	[dreg:$0x1] =	wrdreg $0xFFFFFFFF  }
0xc0: {  	_ =	task.clear_ibuf [dreg:s6], $0x2FFFF;
	_ =	strace $0x9FFFFFFF  }
0xc1: {  	(tm) =	ssettm $0x7FFFFFFF  }
tec
execute0_lowered:
.L_overlay_start_1:
0x0: {  	(tag) =	ssettag $0x1  }
0x1: {  	s0 =	rddreg [dreg:$0x0]  }
0x2: {  	s1 =	srdreg.scid;
	s2 =	simm.s32 $0x0;
	s3 =	stileid.u32  }
0x3: {  	[smem:$0x7FF] =	sst s2;
	s4 =	sshll.u32 s3, $0x9;
	s3 =	sadd.s32 $0x3A0A00, s0  }
0x4: {  	s1 =	sand.u32 $0x1, s1;
	s11 =	sadd.s32 $0x120600, s0;
	s12 =	sadd.s32 $0x120A00, s0  }
0x5: {  	s6 =	sadd.s32 $0x3A0D00, s0;
	s5 =	sshll.u32 s1, $0x8;
	s1 =	ssub.s32 $0x2, s1  }
0x6: {  	_ =	strace $0x8000004D;
	s10 =	sor.u32 s5, s4;
	s8 =	sshrl.u32 s1, $0x1  }
0x7: {  	s5 =	sadd.s32 $0x3A0C00, s0;
	s4 =	sshrl.u32 s10, $0x3;
	s1 =	ssub.s32 s1, s8  }
0x8: {  	s7 =	sshll.u32 s10, $0x8;
	s8 =	sor.u32 $0x20, s10;
	s13 =	sor.u32 $0x40, s10  }
0x9: {  	s19 =	sor.u32 $0x80, s10;
	s25 =	sor.u32 $0xC0, s10;
	s4 =	sadd.s32 s11, s4  }
0xa: {  	s7 =	sadd.s32 s12, s7;
	s9 =	sshrl.u32 s8, $0x3;
	s8 =	sshll.u32 s8, $0x8  }
0xb: {  	s14 =	sshrl.u32 s13, $0x3;
	s20 =	sshrl.u32 s19, $0x3;
	[dreg:$0x2] =	wrdreg s4  }
0xc: {  	s26 =	sshrl.u32 s25, $0x3;
	[dreg:$0x3] =	wrdreg s7;
	s9 =	sadd.s32 s11, s9  }
0xd: {  	s4 =	sadd.s32 $0x3A0B00, s0;
	s8 =	sadd.s32 s12, s8;
	[dreg:$0x4] =	wrdreg s9  }
0xe: {  	s7 =	sadd.s32 $0x3A0E00, s0;
	[dreg:$0x5] =	wrdreg s8;
	s8 =	sadd.s32 s11, s14  }
0xf: {  	s9 =	sshll.u32 s13, $0x8;
	s13 =	sor.u32 $0x60, s10;
	s14 =	sor.u32 $0xA0, s10  }
0x10: {  	s10 =	sor.u32 $0xE0, s10;
	[dreg:$0x6] =	wrdreg s8;
	s15 =	sadd.s32 s12, s9  }
0x11: {  	s16 =	sshrl.u32 s13, $0x3;
	s18 =	sshll.u32 s13, $0x8;
	s8 =	sadd.s32 $0x3A0F00, s0  }
0x12: {  	s13 =	sshll.u32 s19, $0x8;
	[dreg:$0x7] =	wrdreg s15;
	s17 =	sadd.s32 s11, s16  }
0x13: {  	s22 =	sshrl.u32 s14, $0x3;
	s9 =	sadd.s32 s12, s18;
	[dreg:$0x8] =	wrdreg s17  }
0x14: {  	s24 =	sshll.u32 s14, $0x8;
	s21 =	sadd.s32 s12, s13;
	[dreg:$0x9] =	wrdreg s9  }
0x15: {  	s14 =	sshll.u32 s25, $0x8;
	s23 =	sadd.s32 s11, s22;
	[dreg:$0xb] =	wrdreg s21  }
0x16: {  	s29 =	sshrl.u32 s10, $0x3;
	s13 =	sadd.s32 s12, s24;
	[dreg:$0xc] =	wrdreg s23  }
0x17: {  	s30 =	sshll.u32 s10, $0x8;
	s28 =	sadd.s32 s12, s14;
	[dreg:$0xd] =	wrdreg s13  }
0x18: {  	s10 =	sadd.s32 $0x3A1100, s0;
	s31 =	sadd.s32 s12, s30;
	[dreg:$0xf] =	wrdreg s28  }
0x19: {  	s12 =	simm.s32 $0x2;
	s9 =	sadd.s32 s11, s20;
	[dreg:$0x11] =	wrdreg s31  }
0x1a: {  	v2 =	vlaneseq.u32;
	s13 =	sadd.s32 s11, s26;
	s11 =	sadd.s32 s11, s29;
	[dreg:$0xa] =	wrdreg s9  }
0x1b: {  	vm0 =	vmmov $0xffff;
	v1 =	vshrl.u32 v2, $0x3;
	s21 =	smax.u32 s1, $0x1;
	s26 =	simm.s32 $0x1;
	[dreg:$0xe] =	wrdreg s13  }
0x1c: {  	v0 =	vand.u32 $0x7, v2;
	v2 =	vor.u32 $0x8, v2;
	v1 =	vmul.u32 $0x8, v1;
	s9 =	sadd.s32 $0x3A1000, s0;
	[dreg:$0x10] =	wrdreg s11;
	s13 =	simm.s32 $0x80  }
.LBB2_1:
0x1d: {  	s28 =	rddreg [dreg:$0x2]  }
0x1e: {  	[tilespmem:s2], [sflag:$0x2] =	stream.linear.gather [hbm4b:s28+s2], $0x20, $0x38;
	[tilespmem:$0x10080] =	vst v63  }
0x1f: {  	_ =	swait.ge [sflag:s12], $0x20  }
0x20: {  	[sflag:s12] =	ssyncset.done $0x0  }
0x21: {  	[sflag:s12] =	ssyncadd.s32 $0xFFFFFFE0  }
0x22: {  	v3 =	vld [tilespmem:$0x0];
	_ =	sdelay $0x4  }
0x23: {  	v4 =	vshll.u32 v3, $0x4  }
0x24: {  	v3 =	vand.u32 $0x7, v3;
	v4 =	vand.u32 $0xFFFFFF80, v4  }
0x25: {  	v3 =	vor.u32 v3, v4  }
0x26: {  	v4 =	vperm.xlane v3, v0;
	_ =	sdelay $0x1  }
0x27: {  	v4 =	vadd.s32 v1, v4;
	_ =	sdelay $0x4  }
0x28: {  	[tilespmem:s13], [sflag:$0x1] =	stream.indirect_vreg.gather [hbm4b:s3+s2], $0x80, v4, vm0, $0xb8;
	[tilespmem:$0x10080] =	vst v63  }
0x29: {  	s0 =	simm.s32 $0x880  }
0x2a: {  	[tilespmem:s0], [sflag:$0x1] =	stream.indirect_vreg.gather [hbm4b:s4+s2], $0x80, v4, vm0, $0xb8;
	[tilespmem:$0x10080] =	vst v63  }
0x2b: {  	s14 =	simm.s32 $0x1080  }
0x2c: {  	[tilespmem:s14], [sflag:$0x1] =	stream.indirect_vreg.gather [hbm4b:s5+s2], $0x80, v4, vm0, $0xb8;
	[tilespmem:$0x10080] =	vst v63  }
0x2d: {  	s15 =	simm.s32 $0x1880  }
0x2e: {  	[tilespmem:s15], [sflag:$0x1] =	stream.indirect_vreg.gather [hbm4b:s6+s2], $0x80, v4, vm0, $0xb8;
	[tilespmem:$0x10080] =	vst v63  }
0x2f: {  	s16 =	simm.s32 $0x2080  }
0x30: {  	[tilespmem:s16], [sflag:$0x1] =	stream.indirect_vreg.gather [hbm4b:s7+s2], $0x80, v4, vm0, $0xb8;
	[tilespmem:$0x10080] =	vst v63  }
0x31: {  	s17 =	simm.s32 $0x2880;
	v3 =	vperm.xlane v3, v2  }
0x32: {  	[tilespmem:s17], [sflag:$0x1] =	stream.indirect_vreg.gather [hbm4b:s8+s2], $0x80, v4, vm0, $0xb8;
	[tilespmem:$0x10080] =	vst v63  }
0x33: {  	s18 =	simm.s32 $0x3080;
	v3 =	vadd.s32 v1, v3  }
0x34: {  	[tilespmem:s18], [sflag:$0x1] =	stream.indirect_vreg.gather [hbm4b:s9+s2], $0x80, v4, vm0, $0xb8;
	[tilespmem:$0x10080] =	vst v63  }
0x35: {  	s19 =	simm.s32 $0x3880  }
0x36: {  	[tilespmem:s19], [sflag:$0x1] =	stream.indirect_vreg.gather [hbm4b:s10+s2], $0x80, v4, vm0, $0xb8;
	[tilespmem:$0x10080] =	vst v63  }
0x37: {  	s20 =	simm.s32 $0x4080  }
0x38: {  	[tilespmem:s20], [sflag:$0x1] =	stream.indirect_vreg.gather [hbm4b:s3+s2], $0x80, v3, vm0, $0xb8;
	[tilespmem:$0x10080] =	vst v63  }
0x39: {  	s22 =	simm.s32 $0x4880  }
0x3a: {  	[tilespmem:s22], [sflag:$0x1] =	stream.indirect_vreg.gather [hbm4b:s4+s2], $0x80, v3, vm0, $0xb8;
	[tilespmem:$0x10080] =	vst v63  }
0x3b: {  	s23 =	simm.s32 $0x5080  }
0x3c: {  	[tilespmem:s23], [sflag:$0x1] =	stream.indirect_vreg.gather [hbm4b:s5+s2], $0x80, v3, vm0, $0xb8;
	[tilespmem:$0x10080] =	vst v63  }
0x3d: {  	s24 =	simm.s32 $0x5880  }
0x3e: {  	[tilespmem:s24], [sflag:$0x1] =	stream.indirect_vreg.gather [hbm4b:s6+s2], $0x80, v3, vm0, $0xb8;
	[tilespmem:$0x10080] =	vst v63  }
0x3f: {  	s25 =	simm.s32 $0x6080  }
0x40: {  	[tilespmem:s25], [sflag:$0x1] =	stream.indirect_vreg.gather [hbm4b:s7+s2], $0x80, v3, vm0, $0xb8;
	[tilespmem:$0x10080] =	vst v63  }
0x41: {  	s28 =	simm.s32 $0x6880  }
0x42: {  	[tilespmem:s28], [sflag:$0x1] =	stream.indirect_vreg.gather [hbm4b:s8+s2], $0x80, v3, vm0, $0xb8;
	[tilespmem:$0x10080] =	vst v63  }
0x43: {  	s29 =	simm.s32 $0x7080  }
0x44: {  	[tilespmem:s29], [sflag:$0x1] =	stream.indirect_vreg.gather [hbm4b:s9+s2], $0x80, v3, vm0, $0xb8;
	[tilespmem:$0x10080] =	vst v63  }
0x45: {  	s30 =	simm.s32 $0x7880  }
0x46: {  	[tilespmem:s30], [sflag:$0x1] =	stream.indirect_vreg.gather [hbm4b:s10+s2], $0x80, v3, vm0, $0xb8;
	[tilespmem:$0x10080] =	vst v63  }
0x47: {  	v3 =	vld [tilespmem:$0x10];
	_ =	sdelay $0x4  }
0x48: {  	v49 =	vshll.u32 v3, $0x4  }
0x49: {  	v3 =	vand.u32 $0x7, v3;
	v4 =	vand.u32 $0xFFFFFF80, v49  }
0x4a: {  	v3 =	vor.u32 v3, v4  }
0x4b: {  	v4 =	vperm.xlane v3, v0;
	_ =	sdelay $0x1  }
0x4c: {  	v4 =	vadd.s32 v1, v4;
	_ =	sdelay $0x3  }
0x4d: {  	s31 =	simm.s32 $0x8080  }
0x4e: {  	[tilespmem:s31], [sflag:$0x1] =	stream.indirect_vreg.gather [hbm4b:s3+s2], $0x80, v4, vm0, $0xb8;
	[tilespmem:$0x10080] =	vst v63  }
0x4f: {  	s17 =	simm.s32 $0x8880  }
0x50: {  	[tilespmem:s17], [sflag:$0x1] =	stream.indirect_vreg.gather [hbm4b:s4+s2], $0x80, v4, vm0, $0xb8;
	[tilespmem:$0x10080] =	vst v63  }
0x51: {  	s18 =	simm.s32 $0x9080  }
0x52: {  	[tilespmem:s18], [sflag:$0x1] =	stream.indirect_vreg.gather [hbm4b:s5+s2], $0x80, v4, vm0, $0xb8;
	[tilespmem:$0x10080] =	vst v63  }
0x53: {  	s19 =	simm.s32 $0x9880  }
0x54: {  	[tilespmem:s19], [sflag:$0x1] =	stream.indirect_vreg.gather [hbm4b:s6+s2], $0x80, v4, vm0, $0xb8;
	[tilespmem:$0x10080] =	vst v63  }
0x55: {  	s20 =	simm.s32 $0xA080  }
0x56: {  	[tilespmem:s20], [sflag:$0x1] =	stream.indirect_vreg.gather [hbm4b:s7+s2], $0x80, v4, vm0, $0xb8;
	[tilespmem:$0x10080] =	vst v63  }
0x57: {  	s25 =	simm.s32 $0xA880;
	v3 =	vperm.xlane v3, v2  }
0x58: {  	[tilespmem:s25], [sflag:$0x1] =	stream.indirect_vreg.gather [hbm4b:s8+s2], $0x80, v4, vm0, $0xb8;
	[tilespmem:$0x10080] =	vst v63  }
0x59: {  	s29 =	simm.s32 $0xB080;
	v3 =	vadd.s32 v1, v3  }
0x5a: {  	[tilespmem:s29], [sflag:$0x1] =	stream.indirect_vreg.gather [hbm4b:s9+s2], $0x80, v4, vm0, $0xb8;
	[tilespmem:$0x10080] =	vst v63  }
0x5b: {  	s30 =	simm.s32 $0xB880  }
0x5c: {  	[tilespmem:s30], [sflag:$0x1] =	stream.indirect_vreg.gather [hbm4b:s10+s2], $0x80, v4, vm0, $0xb8;
	[tilespmem:$0x10080] =	vst v63  }
0x5d: {  	s31 =	simm.s32 $0xC080  }
0x5e: {  	[tilespmem:s31], [sflag:$0x1] =	stream.indirect_vreg.gather [hbm4b:s3+s2], $0x80, v3, vm0, $0xb8;
	[tilespmem:$0x10080] =	vst v63  }
0x5f: {  	s0 =	simm.s32 $0xC880  }
0x60: {  	[tilespmem:s0], [sflag:$0x1] =	stream.indirect_vreg.gather [hbm4b:s4+s2], $0x80, v3, vm0, $0xb8;
	[tilespmem:$0x10080] =	vst v63  }
0x61: {  	s17 =	simm.s32 $0xD080  }
0x62: {  	[tilespmem:s17], [sflag:$0x1] =	stream.indirect_vreg.gather [hbm4b:s5+s2], $0x80, v3, vm0, $0xb8;
	[tilespmem:$0x10080] =	vst v63  }
0x63: {  	s20 =	simm.s32 $0xD880  }
0x64: {  	[tilespmem:s20], [sflag:$0x1] =	stream.indirect_vreg.gather [hbm4b:s6+s2], $0x80, v3, vm0, $0xb8;
	[tilespmem:$0x10080] =	vst v63  }
0x65: {  	s25 =	simm.s32 $0xE080  }
0x66: {  	[tilespmem:s25], [sflag:$0x1] =	stream.indirect_vreg.gather [hbm4b:s7+s2], $0x80, v3, vm0, $0xb8;
	[tilespmem:$0x10080] =	vst v63  }
0x67: {  	s29 =	simm.s32 $0xE880  }
0x68: {  	[tilespmem:s29], [sflag:$0x1] =	stream.indirect_vreg.gather [hbm4b:s8+s2], $0x80, v3, vm0, $0xb8;
	[tilespmem:$0x10080] =	vst v63  }
0x69: {  	s30 =	simm.s32 $0xF080  }
0x6a: {  	[tilespmem:s30], [sflag:$0x1] =	stream.indirect_vreg.gather [hbm4b:s9+s2], $0x80, v3, vm0, $0xb8;
	[tilespmem:$0x10080] =	vst v63  }
0x6b: {  	s31 =	simm.s32 $0xF880  }
0x6c: {  	[tilespmem:s31], [sflag:$0x1] =	stream.indirect_vreg.gather [hbm4b:s10+s2], $0x80, v3, vm0, $0xb8;
	[tilespmem:$0x10080] =	vst v63  }
0x6d: {  	_ =	swait.ge [sflag:s26], $0x10000  }
0x6e: {  	[sflag:s26] =	ssyncset.done $0x0  }
0x6f: {  	s0 =	rddreg [dreg:$0x3];
	[sflag:s26] =	ssyncadd.s32 $0xFFFF0000  }
0x70: {  	[hbm4b:s0+s2] =	stream.linear.scatter [tilespmem:s13], [sflag:$0x2], $0x10000, $0x38;
	[tilespmem:$0x10080] =	vst v63  }
0x71: {  	_ =	swait.ge [sflag:s12], $0x10000  }
0x72: {  	[sflag:s12] =	ssyncset.done $0x0  }
0x73: {  	s17 =	rddreg [dreg:$0x4];
	[sflag:s12] =	ssyncadd.s32 $0xFFFF0000  }
0x74: {  	[tilespmem:s2], [sflag:$0x2] =	stream.linear.gather [hbm4b:s17+s2], $0x20, $0x38;
	[tilespmem:$0x10080] =	vst v63  }
0x75: {  	_ =	swait.ge [sflag:s12], $0x20  }
0x76: {  	[sflag:s12] =	ssyncset.done $0x0  }
0x77: {  	[sflag:s12] =	ssyncadd.s32 $0xFFFFFFE0  }
0x78: {  	v3 =	vld [tilespmem:$0x0];
	_ =	sdelay $0x4  }
0x79: {  	v50 =	vshll.u32 v3, $0x4  }
0x7a: {  	v3 =	vand.u32 $0x7, v3;
	v4 =	vand.u32 $0xFFFFFF80, v50  }
0x7b: {  	v3 =	vor.u32 v3, v4  }
0x7c: {  	v4 =	vperm.xlane v3, v0;
	_ =	sdelay $0x1  }
0x7d: {  	v4 =	vadd.s32 v1, v4;
	_ =	sdelay $0x4  }
0x7e: {  	[tilespmem:s13], [sflag:$0x1] =	stream.indirect_vreg.gather [hbm4b:s3+s2], $0x80, v4, vm0, $0xb8;
	[tilespmem:$0x10080] =	vst v63  }
0x7f: {  	s1 =	simm.s32 $0x880  }
0x80: {  	[tilespmem:s1], [sflag:$0x1] =	stream.indirect_vreg.gather [hbm4b:s4+s2], $0x80, v4, vm0, $0xb8;
	[tilespmem:$0x10080] =	vst v63  }
0x81: {  	s11 =	simm.s32 $0x1080  }
0x82: {  	[tilespmem:s11], [sflag:$0x1] =	stream.indirect_vreg.gather [hbm4b:s5+s2], $0x80, v4, vm0, $0xb8;
	[tilespmem:$0x10080] =	vst v63  }
0x83: {  	s14 =	simm.s32 $0x1880  }
0x84: {  	[tilespmem:s14], [sflag:$0x1] =	stream.indirect_vreg.gather [hbm4b:s6+s2], $0x80, v4, vm0, $0xb8;
	[tilespmem:$0x10080] =	vst v63  }
0x85: {  	s15 =	simm.s32 $0x2080  }
0x86: {  	[tilespmem:s15], [sflag:$0x1] =	stream.indirect_vreg.gather [hbm4b:s7+s2], $0x80, v4, vm0, $0xb8;
	[tilespmem:$0x10080] =	vst v63  }
0x87: {  	s16 =	simm.s32 $0x2880;
	v3 =	vperm.xlane v3, v2  }
0x88: {  	[tilespmem:s16], [sflag:$0x1] =	stream.indirect_vreg.gather [hbm4b:s8+s2], $0x80, v4, vm0, $0xb8;
	[tilespmem:$0x10080] =	vst v63  }
0x89: {  	s0 =	simm.s32 $0x3080;
	v3 =	vadd.s32 v1, v3  }
0x8a: {  	[tilespmem:s0], [sflag:$0x1] =	stream.indirect_vreg.gather [hbm4b:s9+s2], $0x80, v4, vm0, $0xb8;
	[tilespmem:$0x10080] =	vst v63  }
0x8b: {  	s1 =	simm.s32 $0x3880  }
0x8c: {  	[tilespmem:s1], [sflag:$0x1] =	stream.indirect_vreg.gather [hbm4b:s10+s2], $0x80, v4, vm0, $0xb8;
	[tilespmem:$0x10080] =	vst v63  }
0x8d: {  	s11 =	simm.s32 $0x4080  }
0x8e: {  	[tilespmem:s11], [sflag:$0x1] =	stream.indirect_vreg.gather [hbm4b:s3+s2], $0x80, v3, vm0, $0xb8;
	[tilespmem:$0x10080] =	vst v63  }
0x8f: {  	s25 =	simm.s32 $0x4880  }
0x90: {  	[tilespmem:s25], [sflag:$0x1] =	stream.indirect_vreg.gather [hbm4b:s4+s2], $0x80, v3, vm0, $0xb8;
	[tilespmem:$0x10080] =	vst v63  }
0x91: {  	s29 =	simm.s32 $0x5080  }
0x92: {  	[tilespmem:s29], [sflag:$0x1] =	stream.indirect_vreg.gather [hbm4b:s5+s2], $0x80, v3, vm0, $0xb8;
	[tilespmem:$0x10080] =	vst v63  }
0x93: {  	s30 =	simm.s32 $0x5880  }
0x94: {  	[tilespmem:s30], [sflag:$0x1] =	stream.indirect_vreg.gather [hbm4b:s6+s2], $0x80, v3, vm0, $0xb8;
	[tilespmem:$0x10080] =	vst v63  }
0x95: {  	s31 =	simm.s32 $0x6080  }
0x96: {  	[tilespmem:s31], [sflag:$0x1] =	stream.indirect_vreg.gather [hbm4b:s7+s2], $0x80, v3, vm0, $0xb8;
	[tilespmem:$0x10080] =	vst v63  }
0x97: {  	s14 =	simm.s32 $0x6880  }
0x98: {  	[tilespmem:s14], [sflag:$0x1] =	stream.indirect_vreg.gather [hbm4b:s8+s2], $0x80, v3, vm0, $0xb8;
	[tilespmem:$0x10080] =	vst v63  }
0x99: {  	s15 =	simm.s32 $0x7080  }
0x9a: {  	[tilespmem:s15], [sflag:$0x1] =	stream.indirect_vreg.gather [hbm4b:s9+s2], $0x80, v3, vm0, $0xb8;
	[tilespmem:$0x10080] =	vst v63  }
0x9b: {  	s17 =	simm.s32 $0x7880  }
0x9c: {  	[tilespmem:s17], [sflag:$0x1] =	stream.indirect_vreg.gather [hbm4b:s10+s2], $0x80, v3, vm0, $0xb8;
	[tilespmem:$0x10080] =	vst v63  }
0x9d: {  	v3 =	vld [tilespmem:$0x10];
	_ =	sdelay $0x4  }
0x9e: {  	v51 =	vshll.u32 v3, $0x4  }
0x9f: {  	v3 =	vand.u32 $0x7, v3;
	v4 =	vand.u32 $0xFFFFFF80, v51  }
0xa0: {  	v3 =	vor.u32 v3, v4  }
0xa1: {  	v4 =	vperm.xlane v3, v0;
	_ =	sdelay $0x1  }
0xa2: {  	v4 =	vadd.s32 v1, v4;
	_ =	sdelay $0x3  }
0xa3: {  	s16 =	simm.s32 $0x8080  }
0xa4: {  	[tilespmem:s16], [sflag:$0x1] =	stream.indirect_vreg.gather [hbm4b:s3+s2], $0x80, v4, vm0, $0xb8;
	[tilespmem:$0x10080] =	vst v63  }
0xa5: {  	s22 =	simm.s32 $0x8880  }
0xa6: {  	[tilespmem:s22], [sflag:$0x1] =	stream.indirect_vreg.gather [hbm4b:s4+s2], $0x80, v4, vm0, $0xb8;
	[tilespmem:$0x10080] =	vst v63  }
0xa7: {  	s23 =	simm.s32 $0x9080  }
0xa8: {  	[tilespmem:s23], [sflag:$0x1] =	stream.indirect_vreg.gather [hbm4b:s5+s2], $0x80, v4, vm0, $0xb8;
	[tilespmem:$0x10080] =	vst v63  }
0xa9: {  	s24 =	simm.s32 $0x9880  }
0xaa: {  	[tilespmem:s24], [sflag:$0x1] =	stream.indirect_vreg.gather [hbm4b:s6+s2], $0x80, v4, vm0, $0xb8;
	[tilespmem:$0x10080] =	vst v63  }
0xab: {  	s18 =	simm.s32 $0xA080  }
0xac: {  	[tilespmem:s18], [sflag:$0x1] =	stream.indirect_vreg.gather [hbm4b:s7+s2], $0x80, v4, vm0, $0xb8;
	[tilespmem:$0x10080] =	vst v63  }
0xad: {  	s19 =	simm.s32 $0xA880;
	v3 =	vperm.xlane v3, v2  }
0xae: {  	[tilespmem:s19], [sflag:$0x1] =	stream.indirect_vreg.gather [hbm4b:s8+s2], $0x80, v4, vm0, $0xb8;
	[tilespmem:$0x10080] =	vst v63  }
0xaf: {  	v3 =	vadd.s32 v1, v3;
	s19 =	simm.s32 $0xB080  }
0xb0: {  	[tilespmem:s19], [sflag:$0x1] =	stream.indirect_vreg.gather [hbm4b:s9+s2], $0x80, v4, vm0, $0xb8;
	[tilespmem:$0x10080] =	vst v63  }
0xb1: {  	s24 =	simm.s32 $0xB880  }
0xb2: {  	[tilespmem:s24], [sflag:$0x1] =	stream.indirect_vreg.gather [hbm4b:s10+s2], $0x80, v4, vm0, $0xb8;
	[tilespmem:$0x10080] =	vst v63  }
0xb3: {  	s28 =	simm.s32 $0xC080  }
0xb4: {  	[tilespmem:s28], [sflag:$0x1] =	stream.indirect_vreg.gather [hbm4b:s3+s2], $0x80, v3, vm0, $0xb8;
	[tilespmem:$0x10080] =	vst v63  }
0xb5: {  	s28 =	simm.s32 $0xC880  }
0xb6: {  	[tilespmem:s28], [sflag:$0x1] =	stream.indirect_vreg.gather [hbm4b:s4+s2], $0x80, v3, vm0, $0xb8;
	[tilespmem:$0x10080] =	vst v63  }
0xb7: {  	s28 =	simm.s32 $0xD080  }
0xb8: {  	[tilespmem:s28], [sflag:$0x1] =	stream.indirect_vreg.gather [hbm4b:s5+s2], $0x80, v3, vm0, $0xb8;
	[tilespmem:$0x10080] =	vst v63  }
0xb9: {  	s28 =	simm.s32 $0xD880  }
0xba: {  	[tilespmem:s28], [sflag:$0x1] =	stream.indirect_vreg.gather [hbm4b:s6+s2], $0x80, v3, vm0, $0xb8;
	[tilespmem:$0x10080] =	vst v63  }
0xbb: {  	s28 =	simm.s32 $0xE080  }
0xbc: {  	[tilespmem:s28], [sflag:$0x1] =	stream.indirect_vreg.gather [hbm4b:s7+s2], $0x80, v3, vm0, $0xb8;
	[tilespmem:$0x10080] =	vst v63  }
0xbd: {  	s28 =	simm.s32 $0xE880  }
0xbe: {  	[tilespmem:s28], [sflag:$0x1] =	stream.indirect_vreg.gather [hbm4b:s8+s2], $0x80, v3, vm0, $0xb8;
	[tilespmem:$0x10080] =	vst v63  }
0xbf: {  	s28 =	simm.s32 $0xF080  }
0xc0: {  	[tilespmem:s28], [sflag:$0x1] =	stream.indirect_vreg.gather [hbm4b:s9+s2], $0x80, v3, vm0, $0xb8;
	[tilespmem:$0x10080] =	vst v63  }
0xc1: {  	s20 =	simm.s32 $0xF880  }
0xc2: {  	[tilespmem:s20], [sflag:$0x1] =	stream.indirect_vreg.gather [hbm4b:s10+s2], $0x80, v3, vm0, $0xb8;
	[tilespmem:$0x10080] =	vst v63  }
0xc3: {  	_ =	swait.ge [sflag:s26], $0x10000  }
0xc4: {  	[sflag:s26] =	ssyncset.done $0x0  }
0xc5: {  	s28 =	rddreg [dreg:$0x5];
	[sflag:s26] =	ssyncadd.s32 $0xFFFF0000  }
0xc6: {  	[hbm4b:s28+s2] =	stream.linear.scatter [tilespmem:s13], [sflag:$0x2], $0x10000, $0x38;
	[tilespmem:$0x10080] =	vst v63  }
0xc7: {  	_ =	swait.ge [sflag:s12], $0x10000  }
0xc8: {  	[sflag:s12] =	ssyncset.done $0x0  }
0xc9: {  	s28 =	rddreg [dreg:$0x6];
	[sflag:s12] =	ssyncadd.s32 $0xFFFF0000  }
0xca: {  	[tilespmem:s2], [sflag:$0x2] =	stream.linear.gather [hbm4b:s28+s2], $0x20, $0x38;
	[tilespmem:$0x10080] =	vst v63  }
0xcb: {  	_ =	swait.ge [sflag:s12], $0x20  }
0xcc: {  	[sflag:s12] =	ssyncset.done $0x0  }
0xcd: {  	[sflag:s12] =	ssyncadd.s32 $0xFFFFFFE0  }
0xce: {  	v3 =	vld [tilespmem:$0x0];
	_ =	sdelay $0x4  }
0xcf: {  	v52 =	vshll.u32 v3, $0x4  }
0xd0: {  	v3 =	vand.u32 $0x7, v3;
	v4 =	vand.u32 $0xFFFFFF80, v52  }
0xd1: {  	v3 =	vor.u32 v3, v4  }
0xd2: {  	v4 =	vperm.xlane v3, v0;
	_ =	sdelay $0x1  }
0xd3: {  	v4 =	vadd.s32 v1, v4;
	_ =	sdelay $0x4  }
0xd4: {  	[tilespmem:s13], [sflag:$0x1] =	stream.indirect_vreg.gather [hbm4b:s3+s2], $0x80, v4, vm0, $0xb8;
	[tilespmem:$0x10080] =	vst v63  }
0xd5: {  	s28 =	simm.s32 $0x880  }
0xd6: {  	[tilespmem:s28], [sflag:$0x1] =	stream.indirect_vreg.gather [hbm4b:s4+s2], $0x80, v4, vm0, $0xb8;
	[tilespmem:$0x10080] =	vst v63  }
0xd7: {  	s28 =	simm.s32 $0x1080  }
0xd8: {  	[tilespmem:s28], [sflag:$0x1] =	stream.indirect_vreg.gather [hbm4b:s5+s2], $0x80, v4, vm0, $0xb8;
	[tilespmem:$0x10080] =	vst v63  }
0xd9: {  	s28 =	simm.s32 $0x1880  }
0xda: {  	[tilespmem:s28], [sflag:$0x1] =	stream.indirect_vreg.gather [hbm4b:s6+s2], $0x80, v4, vm0, $0xb8;
	[tilespmem:$0x10080] =	vst v63  }
0xdb: {  	s28 =	simm.s32 $0x2080  }
0xdc: {  	[tilespmem:s28], [sflag:$0x1] =	stream.indirect_vreg.gather [hbm4b:s7+s2], $0x80, v4, vm0, $0xb8;
	[tilespmem:$0x10080] =	vst v63  }
0xdd: {  	v3 =	vperm.xlane v3, v2;
	s28 =	simm.s32 $0x2880  }
0xde: {  	[tilespmem:s28], [sflag:$0x1] =	stream.indirect_vreg.gather [hbm4b:s8+s2], $0x80, v4, vm0, $0xb8;
	[tilespmem:$0x10080] =	vst v63  }
0xdf: {  	v3 =	vadd.s32 v1, v3  }
0xe0: {  	[tilespmem:s0], [sflag:$0x1] =	stream.indirect_vreg.gather [hbm4b:s9+s2], $0x80, v4, vm0, $0xb8;
	[tilespmem:$0x10080] =	vst v63  }
0xe1: {  	_ = 	snop  }
0xe2: {  	[tilespmem:s1], [sflag:$0x1] =	stream.indirect_vreg.gather [hbm4b:s10+s2], $0x80, v4, vm0, $0xb8;
	[tilespmem:$0x10080] =	vst v63  }
0xe3: {  	_ = 	snop  }
0xe4: {  	[tilespmem:s11], [sflag:$0x1] =	stream.indirect_vreg.gather [hbm4b:s3+s2], $0x80, v3, vm0, $0xb8;
	[tilespmem:$0x10080] =	vst v63  }
0xe5: {  	_ = 	snop  }
0xe6: {  	[tilespmem:s25], [sflag:$0x1] =	stream.indirect_vreg.gather [hbm4b:s4+s2], $0x80, v3, vm0, $0xb8;
	[tilespmem:$0x10080] =	vst v63  }
0xe7: {  	_ = 	snop  }
0xe8: {  	[tilespmem:s29], [sflag:$0x1] =	stream.indirect_vreg.gather [hbm4b:s5+s2], $0x80, v3, vm0, $0xb8;
	[tilespmem:$0x10080] =	vst v63  }
0xe9: {  	_ = 	snop  }
0xea: {  	[tilespmem:s30], [sflag:$0x1] =	stream.indirect_vreg.gather [hbm4b:s6+s2], $0x80, v3, vm0, $0xb8;
	[tilespmem:$0x10080] =	vst v63  }
0xeb: {  	_ = 	snop  }
0xec: {  	[tilespmem:s31], [sflag:$0x1] =	stream.indirect_vreg.gather [hbm4b:s7+s2], $0x80, v3, vm0, $0xb8;
	[tilespmem:$0x10080] =	vst v63  }
0xed: {  	_ = 	snop  }
0xee: {  	[tilespmem:s14], [sflag:$0x1] =	stream.indirect_vreg.gather [hbm4b:s8+s2], $0x80, v3, vm0, $0xb8;
	[tilespmem:$0x10080] =	vst v63  }
0xef: {  	_ = 	snop  }
0xf0: {  	[tilespmem:s15], [sflag:$0x1] =	stream.indirect_vreg.gather [hbm4b:s9+s2], $0x80, v3, vm0, $0xb8;
	[tilespmem:$0x10080] =	vst v63  }
0xf1: {  	_ = 	snop  }
0xf2: {  	[tilespmem:s17], [sflag:$0x1] =	stream.indirect_vreg.gather [hbm4b:s10+s2], $0x80, v3, vm0, $0xb8;
	[tilespmem:$0x10080] =	vst v63  }
0xf3: {  	v3 =	vld [tilespmem:$0x10];
	_ =	sdelay $0x4  }
0xf4: {  	v53 =	vshll.u32 v3, $0x4  }
0xf5: {  	v3 =	vand.u32 $0x7, v3;
	v4 =	vand.u32 $0xFFFFFF80, v53  }
0xf6: {  	v3 =	vor.u32 v3, v4  }
0xf7: {  	v4 =	vperm.xlane v3, v0;
	_ =	sdelay $0x1  }
0xf8: {  	v4 =	vadd.s32 v1, v4;
	_ =	sdelay $0x4  }
0xf9: {  	[tilespmem:s16], [sflag:$0x1] =	stream.indirect_vreg.gather [hbm4b:s3+s2], $0x80, v4, vm0, $0xb8;
	[tilespmem:$0x10080] =	vst v63  }
0xfa: {  	s28 =	simm.s32 $0x8880  }
0xfb: {  	[tilespmem:s28], [sflag:$0x1] =	stream.indirect_vreg.gather [hbm4b:s4+s2], $0x80, v4, vm0, $0xb8;
	[tilespmem:$0x10080] =	vst v63  }
0xfc: {  	s22 =	simm.s32 $0x9080  }
0xfd: {  	[tilespmem:s22], [sflag:$0x1] =	stream.indirect_vreg.gather [hbm4b:s5+s2], $0x80, v4, vm0, $0xb8;
	[tilespmem:$0x10080] =	vst v63  }
0xfe: {  	s23 =	simm.s32 $0x9880  }
0xff: {  	[tilespmem:s23], [sflag:$0x1] =	stream.indirect_vreg.gather [hbm4b:s6+s2], $0x80, v4, vm0, $0xb8;
	[tilespmem:$0x10080] =	vst v63  }
0x100: {  	s28 =	simm.s32 $0xA080  }
0x101: {  	[tilespmem:s28], [sflag:$0x1] =	stream.indirect_vreg.gather [hbm4b:s7+s2], $0x80, v4, vm0, $0xb8;
	[tilespmem:$0x10080] =	vst v63  }
0x102: {  	v3 =	vperm.xlane v3, v2;
	s28 =	simm.s32 $0xA880  }
0x103: {  	[tilespmem:s28], [sflag:$0x1] =	stream.indirect_vreg.gather [hbm4b:s8+s2], $0x80, v4, vm0, $0xb8;
	[tilespmem:$0x10080] =	vst v63  }
0x104: {  	s18 =	simm.s32 $0xB080;
	v3 =	vadd.s32 v1, v3  }
0x105: {  	[tilespmem:s18], [sflag:$0x1] =	stream.indirect_vreg.gather [hbm4b:s9+s2], $0x80, v4, vm0, $0xb8;
	[tilespmem:$0x10080] =	vst v63  }
0x106: {  	s19 =	simm.s32 $0xB880  }
0x107: {  	[tilespmem:s19], [sflag:$0x1] =	stream.indirect_vreg.gather [hbm4b:s10+s2], $0x80, v4, vm0, $0xb8;
	[tilespmem:$0x10080] =	vst v63  }
0x108: {  	s24 =	simm.s32 $0xC080  }
0x109: {  	[tilespmem:s24], [sflag:$0x1] =	stream.indirect_vreg.gather [hbm4b:s3+s2], $0x80, v3, vm0, $0xb8;
	[tilespmem:$0x10080] =	vst v63  }
0x10a: {  	s28 =	simm.s32 $0xC880  }
0x10b: {  	[tilespmem:s28], [sflag:$0x1] =	stream.indirect_vreg.gather [hbm4b:s4+s2], $0x80, v3, vm0, $0xb8;
	[tilespmem:$0x10080] =	vst v63  }
0x10c: {  	s28 =	simm.s32 $0xD080  }
0x10d: {  	[tilespmem:s28], [sflag:$0x1] =	stream.indirect_vreg.gather [hbm4b:s5+s2], $0x80, v3, vm0, $0xb8;
	[tilespmem:$0x10080] =	vst v63  }
0x10e: {  	s28 =	simm.s32 $0xD880  }
0x10f: {  	[tilespmem:s28], [sflag:$0x1] =	stream.indirect_vreg.gather [hbm4b:s6+s2], $0x80, v3, vm0, $0xb8;
	[tilespmem:$0x10080] =	vst v63  }
0x110: {  	s28 =	simm.s32 $0xE080  }
0x111: {  	[tilespmem:s28], [sflag:$0x1] =	stream.indirect_vreg.gather [hbm4b:s7+s2], $0x80, v3, vm0, $0xb8;
	[tilespmem:$0x10080] =	vst v63  }
0x112: {  	s28 =	simm.s32 $0xE880  }
0x113: {  	[tilespmem:s28], [sflag:$0x1] =	stream.indirect_vreg.gather [hbm4b:s8+s2], $0x80, v3, vm0, $0xb8;
	[tilespmem:$0x10080] =	vst v63  }
0x114: {  	s28 =	simm.s32 $0xF080  }
0x115: {  	[tilespmem:s28], [sflag:$0x1] =	stream.indirect_vreg.gather [hbm4b:s9+s2], $0x80, v3, vm0, $0xb8;
	[tilespmem:$0x10080] =	vst v63  }
0x116: {  	s20 =	simm.s32 $0xF880  }
0x117: {  	[tilespmem:s20], [sflag:$0x1] =	stream.indirect_vreg.gather [hbm4b:s10+s2], $0x80, v3, vm0, $0xb8;
	[tilespmem:$0x10080] =	vst v63  }
0x118: {  	_ =	swait.ge [sflag:s26], $0x10000  }
0x119: {  	[sflag:s26] =	ssyncset.done $0x0  }
0x11a: {  	s28 =	rddreg [dreg:$0x7];
	[sflag:s26] =	ssyncadd.s32 $0xFFFF0000  }
0x11b: {  	[hbm4b:s28+s2] =	stream.linear.scatter [tilespmem:s13], [sflag:$0x2], $0x10000, $0x38;
	[tilespmem:$0x10080] =	vst v63  }
0x11c: {  	_ =	swait.ge [sflag:s12], $0x10000  }
0x11d: {  	[sflag:s12] =	ssyncset.done $0x0  }
0x11e: {  	s28 =	rddreg [dreg:$0x8];
	[sflag:s12] =	ssyncadd.s32 $0xFFFF0000  }
0x11f: {  	[tilespmem:s2], [sflag:$0x2] =	stream.linear.gather [hbm4b:s28+s2], $0x20, $0x38;
	[tilespmem:$0x10080] =	vst v63  }
0x120: {  	_ =	swait.ge [sflag:s12], $0x20  }
0x121: {  	[sflag:s12] =	ssyncset.done $0x0  }
0x122: {  	[sflag:s12] =	ssyncadd.s32 $0xFFFFFFE0  }
0x123: {  	v3 =	vld [tilespmem:$0x0];
	_ =	sdelay $0x4  }
0x124: {  	v54 =	vshll.u32 v3, $0x4  }
0x125: {  	v3 =	vand.u32 $0x7, v3;
	v4 =	vand.u32 $0xFFFFFF80, v54  }
0x126: {  	v3 =	vor.u32 v3, v4  }
0x127: {  	v4 =	vperm.xlane v3, v0;
	_ =	sdelay $0x1  }
0x128: {  	v4 =	vadd.s32 v1, v4;
	_ =	sdelay $0x4  }
0x129: {  	[tilespmem:s13], [sflag:$0x1] =	stream.indirect_vreg.gather [hbm4b:s3+s2], $0x80, v4, vm0, $0xb8;
	[tilespmem:$0x10080] =	vst v63  }
0x12a: {  	s28 =	simm.s32 $0x880  }
0x12b: {  	[tilespmem:s28], [sflag:$0x1] =	stream.indirect_vreg.gather [hbm4b:s4+s2], $0x80, v4, vm0, $0xb8;
	[tilespmem:$0x10080] =	vst v63  }
0x12c: {  	s28 =	simm.s32 $0x1080  }
0x12d: {  	[tilespmem:s28], [sflag:$0x1] =	stream.indirect_vreg.gather [hbm4b:s5+s2], $0x80, v4, vm0, $0xb8;
	[tilespmem:$0x10080] =	vst v63  }
0x12e: {  	s28 =	simm.s32 $0x1880  }
0x12f: {  	[tilespmem:s28], [sflag:$0x1] =	stream.indirect_vreg.gather [hbm4b:s6+s2], $0x80, v4, vm0, $0xb8;
	[tilespmem:$0x10080] =	vst v63  }
0x130: {  	s28 =	simm.s32 $0x2080  }
0x131: {  	[tilespmem:s28], [sflag:$0x1] =	stream.indirect_vreg.gather [hbm4b:s7+s2], $0x80, v4, vm0, $0xb8;
	[tilespmem:$0x10080] =	vst v63  }
0x132: {  	v3 =	vperm.xlane v3, v2;
	s28 =	simm.s32 $0x2880  }
0x133: {  	[tilespmem:s28], [sflag:$0x1] =	stream.indirect_vreg.gather [hbm4b:s8+s2], $0x80, v4, vm0, $0xb8;
	[tilespmem:$0x10080] =	vst v63  }
0x134: {  	s0 =	simm.s32 $0x3080;
	v3 =	vadd.s32 v1, v3  }
0x135: {  	[tilespmem:s0], [sflag:$0x1] =	stream.indirect_vreg.gather [hbm4b:s9+s2], $0x80, v4, vm0, $0xb8;
	[tilespmem:$0x10080] =	vst v63  }
0x136: {  	s1 =	simm.s32 $0x3880  }
0x137: {  	[tilespmem:s1], [sflag:$0x1] =	stream.indirect_vreg.gather [hbm4b:s10+s2], $0x80, v4, vm0, $0xb8;
	[tilespmem:$0x10080] =	vst v63  }
0x138: {  	s11 =	simm.s32 $0x4080  }
0x139: {  	[tilespmem:s11], [sflag:$0x1] =	stream.indirect_vreg.gather [hbm4b:s3+s2], $0x80, v3, vm0, $0xb8;
	[tilespmem:$0x10080] =	vst v63  }
0x13a: {  	s25 =	simm.s32 $0x4880  }
0x13b: {  	[tilespmem:s25], [sflag:$0x1] =	stream.indirect_vreg.gather [hbm4b:s4+s2], $0x80, v3, vm0, $0xb8;
	[tilespmem:$0x10080] =	vst v63  }
0x13c: {  	s29 =	simm.s32 $0x5080  }
0x13d: {  	[tilespmem:s29], [sflag:$0x1] =	stream.indirect_vreg.gather [hbm4b:s5+s2], $0x80, v3, vm0, $0xb8;
	[tilespmem:$0x10080] =	vst v63  }
0x13e: {  	s30 =	simm.s32 $0x5880  }
0x13f: {  	[tilespmem:s30], [sflag:$0x1] =	stream.indirect_vreg.gather [hbm4b:s6+s2], $0x80, v3, vm0, $0xb8;
	[tilespmem:$0x10080] =	vst v63  }
0x140: {  	s31 =	simm.s32 $0x6080  }
0x141: {  	[tilespmem:s31], [sflag:$0x1] =	stream.indirect_vreg.gather [hbm4b:s7+s2], $0x80, v3, vm0, $0xb8;
	[tilespmem:$0x10080] =	vst v63  }
0x142: {  	s14 =	simm.s32 $0x6880  }
0x143: {  	[tilespmem:s14], [sflag:$0x1] =	stream.indirect_vreg.gather [hbm4b:s8+s2], $0x80, v3, vm0, $0xb8;
	[tilespmem:$0x10080] =	vst v63  }
0x144: {  	s15 =	simm.s32 $0x7080  }
0x145: {  	[tilespmem:s15], [sflag:$0x1] =	stream.indirect_vreg.gather [hbm4b:s9+s2], $0x80, v3, vm0, $0xb8;
	[tilespmem:$0x10080] =	vst v63  }
0x146: {  	s17 =	simm.s32 $0x7880  }
0x147: {  	[tilespmem:s17], [sflag:$0x1] =	stream.indirect_vreg.gather [hbm4b:s10+s2], $0x80, v3, vm0, $0xb8;
	[tilespmem:$0x10080] =	vst v63  }
0x148: {  	v3 =	vld [tilespmem:$0x10];
	_ =	sdelay $0x4  }
0x149: {  	v55 =	vshll.u32 v3, $0x4  }
0x14a: {  	v3 =	vand.u32 $0x7, v3;
	v4 =	vand.u32 $0xFFFFFF80, v55  }
0x14b: {  	v3 =	vor.u32 v3, v4  }
0x14c: {  	v4 =	vperm.xlane v3, v0;
	_ =	sdelay $0x1  }
0x14d: {  	v4 =	vadd.s32 v1, v4;
	_ =	sdelay $0x3  }
0x14e: {  	s16 =	simm.s32 $0x8080  }
0x14f: {  	[tilespmem:s16], [sflag:$0x1] =	stream.indirect_vreg.gather [hbm4b:s3+s2], $0x80, v4, vm0, $0xb8;
	[tilespmem:$0x10080] =	vst v63  }
0x150: {  	s28 =	simm.s32 $0x8880  }
0x151: {  	[tilespmem:s28], [sflag:$0x1] =	stream.indirect_vreg.gather [hbm4b:s4+s2], $0x80, v4, vm0, $0xb8;
	[tilespmem:$0x10080] =	vst v63  }
0x152: {  	s22 =	simm.s32 $0x9080  }
0x153: {  	[tilespmem:s22], [sflag:$0x1] =	stream.indirect_vreg.gather [hbm4b:s5+s2], $0x80, v4, vm0, $0xb8;
	[tilespmem:$0x10080] =	vst v63  }
0x154: {  	s23 =	simm.s32 $0x9880  }
0x155: {  	[tilespmem:s23], [sflag:$0x1] =	stream.indirect_vreg.gather [hbm4b:s6+s2], $0x80, v4, vm0, $0xb8;
	[tilespmem:$0x10080] =	vst v63  }
0x156: {  	s28 =	simm.s32 $0xA080  }
0x157: {  	[tilespmem:s28], [sflag:$0x1] =	stream.indirect_vreg.gather [hbm4b:s7+s2], $0x80, v4, vm0, $0xb8;
	[tilespmem:$0x10080] =	vst v63  }
0x158: {  	v3 =	vperm.xlane v3, v2;
	s28 =	simm.s32 $0xA880  }
0x159: {  	[tilespmem:s28], [sflag:$0x1] =	stream.indirect_vreg.gather [hbm4b:s8+s2], $0x80, v4, vm0, $0xb8;
	[tilespmem:$0x10080] =	vst v63  }
0x15a: {  	s18 =	simm.s32 $0xB080;
	v3 =	vadd.s32 v1, v3  }
0x15b: {  	[tilespmem:s18], [sflag:$0x1] =	stream.indirect_vreg.gather [hbm4b:s9+s2], $0x80, v4, vm0, $0xb8;
	[tilespmem:$0x10080] =	vst v63  }
0x15c: {  	s19 =	simm.s32 $0xB880  }
0x15d: {  	[tilespmem:s19], [sflag:$0x1] =	stream.indirect_vreg.gather [hbm4b:s10+s2], $0x80, v4, vm0, $0xb8;
	[tilespmem:$0x10080] =	vst v63  }
0x15e: {  	s24 =	simm.s32 $0xC080  }
0x15f: {  	[tilespmem:s24], [sflag:$0x1] =	stream.indirect_vreg.gather [hbm4b:s3+s2], $0x80, v3, vm0, $0xb8;
	[tilespmem:$0x10080] =	vst v63  }
0x160: {  	s28 =	simm.s32 $0xC880  }
0x161: {  	[tilespmem:s28], [sflag:$0x1] =	stream.indirect_vreg.gather [hbm4b:s4+s2], $0x80, v3, vm0, $0xb8;
	[tilespmem:$0x10080] =	vst v63  }
0x162: {  	s28 =	simm.s32 $0xD080  }
0x163: {  	[tilespmem:s28], [sflag:$0x1] =	stream.indirect_vreg.gather [hbm4b:s5+s2], $0x80, v3, vm0, $0xb8;
	[tilespmem:$0x10080] =	vst v63  }
0x164: {  	s28 =	simm.s32 $0xD880  }
0x165: {  	[tilespmem:s28], [sflag:$0x1] =	stream.indirect_vreg.gather [hbm4b:s6+s2], $0x80, v3, vm0, $0xb8;
	[tilespmem:$0x10080] =	vst v63  }
0x166: {  	s28 =	simm.s32 $0xE080  }
0x167: {  	[tilespmem:s28], [sflag:$0x1] =	stream.indirect_vreg.gather [hbm4b:s7+s2], $0x80, v3, vm0, $0xb8;
	[tilespmem:$0x10080] =	vst v63  }
0x168: {  	s28 =	simm.s32 $0xE880  }
0x169: {  	[tilespmem:s28], [sflag:$0x1] =	stream.indirect_vreg.gather [hbm4b:s8+s2], $0x80, v3, vm0, $0xb8;
	[tilespmem:$0x10080] =	vst v63  }
0x16a: {  	s28 =	simm.s32 $0xF080  }
0x16b: {  	[tilespmem:s28], [sflag:$0x1] =	stream.indirect_vreg.gather [hbm4b:s9+s2], $0x80, v3, vm0, $0xb8;
	[tilespmem:$0x10080] =	vst v63  }
0x16c: {  	s20 =	simm.s32 $0xF880  }
0x16d: {  	[tilespmem:s20], [sflag:$0x1] =	stream.indirect_vreg.gather [hbm4b:s10+s2], $0x80, v3, vm0, $0xb8;
	[tilespmem:$0x10080] =	vst v63  }
0x16e: {  	_ =	swait.ge [sflag:s26], $0x10000  }
0x16f: {  	[sflag:s26] =	ssyncset.done $0x0  }
0x170: {  	s28 =	rddreg [dreg:$0x9];
	[sflag:s26] =	ssyncadd.s32 $0xFFFF0000  }
0x171: {  	[hbm4b:s28+s2] =	stream.linear.scatter [tilespmem:s13], [sflag:$0x2], $0x10000, $0x38;
	[tilespmem:$0x10080] =	vst v63  }
0x172: {  	_ =	swait.ge [sflag:s12], $0x10000  }
0x173: {  	[sflag:s12] =	ssyncset.done $0x0  }
0x174: {  	s28 =	rddreg [dreg:$0xa];
	[sflag:s12] =	ssyncadd.s32 $0xFFFF0000  }
0x175: {  	[tilespmem:s2], [sflag:$0x2] =	stream.linear.gather [hbm4b:s28+s2], $0x20, $0x38;
	[tilespmem:$0x10080] =	vst v63  }
0x176: {  	_ =	swait.ge [sflag:s12], $0x20  }
0x177: {  	[sflag:s12] =	ssyncset.done $0x0  }
0x178: {  	[sflag:s12] =	ssyncadd.s32 $0xFFFFFFE0  }
0x179: {  	v3 =	vld [tilespmem:$0x0];
	_ =	sdelay $0x4  }
0x17a: {  	v56 =	vshll.u32 v3, $0x4  }
0x17b: {  	v3 =	vand.u32 $0x7, v3;
	v4 =	vand.u32 $0xFFFFFF80, v56  }
0x17c: {  	v3 =	vor.u32 v3, v4  }
0x17d: {  	v4 =	vperm.xlane v3, v0;
	_ =	sdelay $0x1  }
0x17e: {  	v4 =	vadd.s32 v1, v4;
	_ =	sdelay $0x4  }
0x17f: {  	[tilespmem:s13], [sflag:$0x1] =	stream.indirect_vreg.gather [hbm4b:s3+s2], $0x80, v4, vm0, $0xb8;
	[tilespmem:$0x10080] =	vst v63  }
0x180: {  	s28 =	simm.s32 $0x880  }
0x181: {  	[tilespmem:s28], [sflag:$0x1] =	stream.indirect_vreg.gather [hbm4b:s4+s2], $0x80, v4, vm0, $0xb8;
	[tilespmem:$0x10080] =	vst v63  }
0x182: {  	s28 =	simm.s32 $0x1080  }
0x183: {  	[tilespmem:s28], [sflag:$0x1] =	stream.indirect_vreg.gather [hbm4b:s5+s2], $0x80, v4, vm0, $0xb8;
	[tilespmem:$0x10080] =	vst v63  }
0x184: {  	s28 =	simm.s32 $0x1880  }
0x185: {  	[tilespmem:s28], [sflag:$0x1] =	stream.indirect_vreg.gather [hbm4b:s6+s2], $0x80, v4, vm0, $0xb8;
	[tilespmem:$0x10080] =	vst v63  }
0x186: {  	s28 =	simm.s32 $0x2080  }
0x187: {  	[tilespmem:s28], [sflag:$0x1] =	stream.indirect_vreg.gather [hbm4b:s7+s2], $0x80, v4, vm0, $0xb8;
	[tilespmem:$0x10080] =	vst v63  }
0x188: {  	v3 =	vperm.xlane v3, v2;
	s28 =	simm.s32 $0x2880  }
0x189: {  	[tilespmem:s28], [sflag:$0x1] =	stream.indirect_vreg.gather [hbm4b:s8+s2], $0x80, v4, vm0, $0xb8;
	[tilespmem:$0x10080] =	vst v63  }
0x18a: {  	s0 =	simm.s32 $0x3080;
	v3 =	vadd.s32 v1, v3  }
0x18b: {  	[tilespmem:s0], [sflag:$0x1] =	stream.indirect_vreg.gather [hbm4b:s9+s2], $0x80, v4, vm0, $0xb8;
	[tilespmem:$0x10080] =	vst v63  }
0x18c: {  	s1 =	simm.s32 $0x3880  }
0x18d: {  	[tilespmem:s1], [sflag:$0x1] =	stream.indirect_vreg.gather [hbm4b:s10+s2], $0x80, v4, vm0, $0xb8;
	[tilespmem:$0x10080] =	vst v63  }
0x18e: {  	s11 =	simm.s32 $0x4080  }
0x18f: {  	[tilespmem:s11], [sflag:$0x1] =	stream.indirect_vreg.gather [hbm4b:s3+s2], $0x80, v3, vm0, $0xb8;
	[tilespmem:$0x10080] =	vst v63  }
0x190: {  	s25 =	simm.s32 $0x4880  }
0x191: {  	[tilespmem:s25], [sflag:$0x1] =	stream.indirect_vreg.gather [hbm4b:s4+s2], $0x80, v3, vm0, $0xb8;
	[tilespmem:$0x10080] =	vst v63  }
0x192: {  	s29 =	simm.s32 $0x5080  }
0x193: {  	[tilespmem:s29], [sflag:$0x1] =	stream.indirect_vreg.gather [hbm4b:s5+s2], $0x80, v3, vm0, $0xb8;
	[tilespmem:$0x10080] =	vst v63  }
0x194: {  	s30 =	simm.s32 $0x5880  }
0x195: {  	[tilespmem:s30], [sflag:$0x1] =	stream.indirect_vreg.gather [hbm4b:s6+s2], $0x80, v3, vm0, $0xb8;
	[tilespmem:$0x10080] =	vst v63  }
0x196: {  	s31 =	simm.s32 $0x6080  }
0x197: {  	[tilespmem:s31], [sflag:$0x1] =	stream.indirect_vreg.gather [hbm4b:s7+s2], $0x80, v3, vm0, $0xb8;
	[tilespmem:$0x10080] =	vst v63  }
0x198: {  	s14 =	simm.s32 $0x6880  }
0x199: {  	[tilespmem:s14], [sflag:$0x1] =	stream.indirect_vreg.gather [hbm4b:s8+s2], $0x80, v3, vm0, $0xb8;
	[tilespmem:$0x10080] =	vst v63  }
0x19a: {  	s15 =	simm.s32 $0x7080  }
0x19b: {  	[tilespmem:s15], [sflag:$0x1] =	stream.indirect_vreg.gather [hbm4b:s9+s2], $0x80, v3, vm0, $0xb8;
	[tilespmem:$0x10080] =	vst v63  }
0x19c: {  	s28 =	simm.s32 $0x7880  }
0x19d: {  	[tilespmem:s28], [sflag:$0x1] =	stream.indirect_vreg.gather [hbm4b:s10+s2], $0x80, v3, vm0, $0xb8;
	[tilespmem:$0x10080] =	vst v63  }
0x19e: {  	v3 =	vld [tilespmem:$0x10];
	_ =	sdelay $0x4  }
0x19f: {  	v57 =	vshll.u32 v3, $0x4  }
0x1a0: {  	v3 =	vand.u32 $0x7, v3;
	v4 =	vand.u32 $0xFFFFFF80, v57  }
0x1a1: {  	v3 =	vor.u32 v3, v4  }
0x1a2: {  	v4 =	vperm.xlane v3, v0;
	_ =	sdelay $0x1  }
0x1a3: {  	v4 =	vadd.s32 v1, v4;
	_ =	sdelay $0x3  }
0x1a4: {  	s16 =	simm.s32 $0x8080  }
0x1a5: {  	[tilespmem:s16], [sflag:$0x1] =	stream.indirect_vreg.gather [hbm4b:s3+s2], $0x80, v4, vm0, $0xb8;
	[tilespmem:$0x10080] =	vst v63  }
0x1a6: {  	s28 =	simm.s32 $0x8880  }
0x1a7: {  	[tilespmem:s28], [sflag:$0x1] =	stream.indirect_vreg.gather [hbm4b:s4+s2], $0x80, v4, vm0, $0xb8;
	[tilespmem:$0x10080] =	vst v63  }
0x1a8: {  	s17 =	simm.s32 $0x9080  }
0x1a9: {  	[tilespmem:s17], [sflag:$0x1] =	stream.indirect_vreg.gather [hbm4b:s5+s2], $0x80, v4, vm0, $0xb8;
	[tilespmem:$0x10080] =	vst v63  }
0x1aa: {  	s23 =	simm.s32 $0x9880  }
0x1ab: {  	[tilespmem:s23], [sflag:$0x1] =	stream.indirect_vreg.gather [hbm4b:s6+s2], $0x80, v4, vm0, $0xb8;
	[tilespmem:$0x10080] =	vst v63  }
0x1ac: {  	s28 =	simm.s32 $0xA080  }
0x1ad: {  	[tilespmem:s28], [sflag:$0x1] =	stream.indirect_vreg.gather [hbm4b:s7+s2], $0x80, v4, vm0, $0xb8;
	[tilespmem:$0x10080] =	vst v63  }
0x1ae: {  	v3 =	vperm.xlane v3, v2;
	s28 =	simm.s32 $0xA880  }
0x1af: {  	[tilespmem:s28], [sflag:$0x1] =	stream.indirect_vreg.gather [hbm4b:s8+s2], $0x80, v4, vm0, $0xb8;
	[tilespmem:$0x10080] =	vst v63  }
0x1b0: {  	s22 =	simm.s32 $0xB080;
	v3 =	vadd.s32 v1, v3  }
0x1b1: {  	[tilespmem:s22], [sflag:$0x1] =	stream.indirect_vreg.gather [hbm4b:s9+s2], $0x80, v4, vm0, $0xb8;
	[tilespmem:$0x10080] =	vst v63  }
0x1b2: {  	s18 =	simm.s32 $0xB880  }
0x1b3: {  	[tilespmem:s18], [sflag:$0x1] =	stream.indirect_vreg.gather [hbm4b:s10+s2], $0x80, v4, vm0, $0xb8;
	[tilespmem:$0x10080] =	vst v63  }
0x1b4: {  	s19 =	simm.s32 $0xC080  }
0x1b5: {  	[tilespmem:s19], [sflag:$0x1] =	stream.indirect_vreg.gather [hbm4b:s3+s2], $0x80, v3, vm0, $0xb8;
	[tilespmem:$0x10080] =	vst v63  }
0x1b6: {  	s24 =	simm.s32 $0xC880  }
0x1b7: {  	[tilespmem:s24], [sflag:$0x1] =	stream.indirect_vreg.gather [hbm4b:s4+s2], $0x80, v3, vm0, $0xb8;
	[tilespmem:$0x10080] =	vst v63  }
0x1b8: {  	s28 =	simm.s32 $0xD080  }
0x1b9: {  	[tilespmem:s28], [sflag:$0x1] =	stream.indirect_vreg.gather [hbm4b:s5+s2], $0x80, v3, vm0, $0xb8;
	[tilespmem:$0x10080] =	vst v63  }
0x1ba: {  	s28 =	simm.s32 $0xD880  }
0x1bb: {  	[tilespmem:s28], [sflag:$0x1] =	stream.indirect_vreg.gather [hbm4b:s6+s2], $0x80, v3, vm0, $0xb8;
	[tilespmem:$0x10080] =	vst v63  }
0x1bc: {  	s28 =	simm.s32 $0xE080  }
0x1bd: {  	[tilespmem:s28], [sflag:$0x1] =	stream.indirect_vreg.gather [hbm4b:s7+s2], $0x80, v3, vm0, $0xb8;
	[tilespmem:$0x10080] =	vst v63  }
0x1be: {  	s28 =	simm.s32 $0xE880  }
0x1bf: {  	[tilespmem:s28], [sflag:$0x1] =	stream.indirect_vreg.gather [hbm4b:s8+s2], $0x80, v3, vm0, $0xb8;
	[tilespmem:$0x10080] =	vst v63  }
0x1c0: {  	s28 =	simm.s32 $0xF080  }
0x1c1: {  	[tilespmem:s28], [sflag:$0x1] =	stream.indirect_vreg.gather [hbm4b:s9+s2], $0x80, v3, vm0, $0xb8;
	[tilespmem:$0x10080] =	vst v63  }
0x1c2: {  	s20 =	simm.s32 $0xF880  }
0x1c3: {  	[tilespmem:s20], [sflag:$0x1] =	stream.indirect_vreg.gather [hbm4b:s10+s2], $0x80, v3, vm0, $0xb8;
	[tilespmem:$0x10080] =	vst v63  }
0x1c4: {  	_ =	swait.ge [sflag:s26], $0x10000  }
0x1c5: {  	[sflag:s26] =	ssyncset.done $0x0  }
0x1c6: {  	s28 =	rddreg [dreg:$0xb];
	[sflag:s26] =	ssyncadd.s32 $0xFFFF0000  }
0x1c7: {  	[hbm4b:s28+s2] =	stream.linear.scatter [tilespmem:s13], [sflag:$0x2], $0x10000, $0x38;
	[tilespmem:$0x10080] =	vst v63  }
0x1c8: {  	_ =	swait.ge [sflag:s12], $0x10000  }
0x1c9: {  	[sflag:s12] =	ssyncset.done $0x0  }
0x1ca: {  	s28 =	rddreg [dreg:$0xc];
	[sflag:s12] =	ssyncadd.s32 $0xFFFF0000  }
0x1cb: {  	[tilespmem:s2], [sflag:$0x2] =	stream.linear.gather [hbm4b:s28+s2], $0x20, $0x38;
	[tilespmem:$0x10080] =	vst v63  }
0x1cc: {  	_ =	swait.ge [sflag:s12], $0x20  }
0x1cd: {  	[sflag:s12] =	ssyncset.done $0x0  }
0x1ce: {  	[sflag:s12] =	ssyncadd.s32 $0xFFFFFFE0  }
0x1cf: {  	v3 =	vld [tilespmem:$0x0];
	_ =	sdelay $0x4  }
0x1d0: {  	v58 =	vshll.u32 v3, $0x4  }
0x1d1: {  	v3 =	vand.u32 $0x7, v3;
	v4 =	vand.u32 $0xFFFFFF80, v58  }
0x1d2: {  	v3 =	vor.u32 v3, v4  }
0x1d3: {  	v4 =	vperm.xlane v3, v0;
	_ =	sdelay $0x1  }
0x1d4: {  	v4 =	vadd.s32 v1, v4;
	_ =	sdelay $0x4  }
0x1d5: {  	[tilespmem:s13], [sflag:$0x1] =	stream.indirect_vreg.gather [hbm4b:s3+s2], $0x80, v4, vm0, $0xb8;
	[tilespmem:$0x10080] =	vst v63  }
0x1d6: {  	s28 =	simm.s32 $0x880  }
0x1d7: {  	[tilespmem:s28], [sflag:$0x1] =	stream.indirect_vreg.gather [hbm4b:s4+s2], $0x80, v4, vm0, $0xb8;
	[tilespmem:$0x10080] =	vst v63  }
0x1d8: {  	s28 =	simm.s32 $0x1080  }
0x1d9: {  	[tilespmem:s28], [sflag:$0x1] =	stream.indirect_vreg.gather [hbm4b:s5+s2], $0x80, v4, vm0, $0xb8;
	[tilespmem:$0x10080] =	vst v63  }
0x1da: {  	s28 =	simm.s32 $0x1880  }
0x1db: {  	[tilespmem:s28], [sflag:$0x1] =	stream.indirect_vreg.gather [hbm4b:s6+s2], $0x80, v4, vm0, $0xb8;
	[tilespmem:$0x10080] =	vst v63  }
0x1dc: {  	s28 =	simm.s32 $0x2080  }
0x1dd: {  	[tilespmem:s28], [sflag:$0x1] =	stream.indirect_vreg.gather [hbm4b:s7+s2], $0x80, v4, vm0, $0xb8;
	[tilespmem:$0x10080] =	vst v63  }
0x1de: {  	v3 =	vperm.xlane v3, v2;
	s28 =	simm.s32 $0x2880  }
0x1df: {  	[tilespmem:s28], [sflag:$0x1] =	stream.indirect_vreg.gather [hbm4b:s8+s2], $0x80, v4, vm0, $0xb8;
	[tilespmem:$0x10080] =	vst v63  }
0x1e0: {  	s0 =	simm.s32 $0x3080;
	v3 =	vadd.s32 v1, v3  }
0x1e1: {  	[tilespmem:s0], [sflag:$0x1] =	stream.indirect_vreg.gather [hbm4b:s9+s2], $0x80, v4, vm0, $0xb8;
	[tilespmem:$0x10080] =	vst v63  }
0x1e2: {  	s1 =	simm.s32 $0x3880  }
0x1e3: {  	[tilespmem:s1], [sflag:$0x1] =	stream.indirect_vreg.gather [hbm4b:s10+s2], $0x80, v4, vm0, $0xb8;
	[tilespmem:$0x10080] =	vst v63  }
0x1e4: {  	s11 =	simm.s32 $0x4080  }
0x1e5: {  	[tilespmem:s11], [sflag:$0x1] =	stream.indirect_vreg.gather [hbm4b:s3+s2], $0x80, v3, vm0, $0xb8;
	[tilespmem:$0x10080] =	vst v63  }
0x1e6: {  	s25 =	simm.s32 $0x4880  }
0x1e7: {  	[tilespmem:s25], [sflag:$0x1] =	stream.indirect_vreg.gather [hbm4b:s4+s2], $0x80, v3, vm0, $0xb8;
	[tilespmem:$0x10080] =	vst v63  }
0x1e8: {  	s29 =	simm.s32 $0x5080  }
0x1e9: {  	[tilespmem:s29], [sflag:$0x1] =	stream.indirect_vreg.gather [hbm4b:s5+s2], $0x80, v3, vm0, $0xb8;
	[tilespmem:$0x10080] =	vst v63  }
0x1ea: {  	s30 =	simm.s32 $0x5880  }
0x1eb: {  	[tilespmem:s30], [sflag:$0x1] =	stream.indirect_vreg.gather [hbm4b:s6+s2], $0x80, v3, vm0, $0xb8;
	[tilespmem:$0x10080] =	vst v63  }
0x1ec: {  	s31 =	simm.s32 $0x6080  }
0x1ed: {  	[tilespmem:s31], [sflag:$0x1] =	stream.indirect_vreg.gather [hbm4b:s7+s2], $0x80, v3, vm0, $0xb8;
	[tilespmem:$0x10080] =	vst v63  }
0x1ee: {  	s14 =	simm.s32 $0x6880  }
0x1ef: {  	[tilespmem:s14], [sflag:$0x1] =	stream.indirect_vreg.gather [hbm4b:s8+s2], $0x80, v3, vm0, $0xb8;
	[tilespmem:$0x10080] =	vst v63  }
0x1f0: {  	s15 =	simm.s32 $0x7080  }
0x1f1: {  	[tilespmem:s15], [sflag:$0x1] =	stream.indirect_vreg.gather [hbm4b:s9+s2], $0x80, v3, vm0, $0xb8;
	[tilespmem:$0x10080] =	vst v63  }
0x1f2: {  	s28 =	simm.s32 $0x7880  }
0x1f3: {  	[tilespmem:s28], [sflag:$0x1] =	stream.indirect_vreg.gather [hbm4b:s10+s2], $0x80, v3, vm0, $0xb8;
	[tilespmem:$0x10080] =	vst v63  }
0x1f4: {  	v3 =	vld [tilespmem:$0x10];
	_ =	sdelay $0x4  }
0x1f5: {  	v59 =	vshll.u32 v3, $0x4  }
0x1f6: {  	v3 =	vand.u32 $0x7, v3;
	v4 =	vand.u32 $0xFFFFFF80, v59  }
0x1f7: {  	v3 =	vor.u32 v3, v4  }
0x1f8: {  	v4 =	vperm.xlane v3, v0;
	_ =	sdelay $0x1  }
0x1f9: {  	v4 =	vadd.s32 v1, v4;
	_ =	sdelay $0x3  }
0x1fa: {  	s16 =	simm.s32 $0x8080  }
0x1fb: {  	[tilespmem:s16], [sflag:$0x1] =	stream.indirect_vreg.gather [hbm4b:s3+s2], $0x80, v4, vm0, $0xb8;
	[tilespmem:$0x10080] =	vst v63  }
0x1fc: {  	s28 =	simm.s32 $0x8880  }
0x1fd: {  	[tilespmem:s28], [sflag:$0x1] =	stream.indirect_vreg.gather [hbm4b:s4+s2], $0x80, v4, vm0, $0xb8;
	[tilespmem:$0x10080] =	vst v63  }
0x1fe: {  	s17 =	simm.s32 $0x9080  }
0x1ff: {  	[tilespmem:s17], [sflag:$0x1] =	stream.indirect_vreg.gather [hbm4b:s5+s2], $0x80, v4, vm0, $0xb8;
	[tilespmem:$0x10080] =	vst v63  }
0x200: {  	s28 =	simm.s32 $0x9880  }
0x201: {  	[tilespmem:s28], [sflag:$0x1] =	stream.indirect_vreg.gather [hbm4b:s6+s2], $0x80, v4, vm0, $0xb8;
	[tilespmem:$0x10080] =	vst v63  }
0x202: {  	s28 =	simm.s32 $0xA080  }
0x203: {  	[tilespmem:s28], [sflag:$0x1] =	stream.indirect_vreg.gather [hbm4b:s7+s2], $0x80, v4, vm0, $0xb8;
	[tilespmem:$0x10080] =	vst v63  }
0x204: {  	v3 =	vperm.xlane v3, v2;
	s28 =	simm.s32 $0xA880  }
0x205: {  	[tilespmem:s28], [sflag:$0x1] =	stream.indirect_vreg.gather [hbm4b:s8+s2], $0x80, v4, vm0, $0xb8;
	[tilespmem:$0x10080] =	vst v63  }
0x206: {  	s23 =	simm.s32 $0xB080;
	v3 =	vadd.s32 v1, v3  }
0x207: {  	[tilespmem:s23], [sflag:$0x1] =	stream.indirect_vreg.gather [hbm4b:s9+s2], $0x80, v4, vm0, $0xb8;
	[tilespmem:$0x10080] =	vst v63  }
0x208: {  	s18 =	simm.s32 $0xB880  }
0x209: {  	[tilespmem:s18], [sflag:$0x1] =	stream.indirect_vreg.gather [hbm4b:s10+s2], $0x80, v4, vm0, $0xb8;
	[tilespmem:$0x10080] =	vst v63  }
0x20a: {  	s19 =	simm.s32 $0xC080  }
0x20b: {  	[tilespmem:s19], [sflag:$0x1] =	stream.indirect_vreg.gather [hbm4b:s3+s2], $0x80, v3, vm0, $0xb8;
	[tilespmem:$0x10080] =	vst v63  }
0x20c: {  	s22 =	simm.s32 $0xC880  }
0x20d: {  	[tilespmem:s22], [sflag:$0x1] =	stream.indirect_vreg.gather [hbm4b:s4+s2], $0x80, v3, vm0, $0xb8;
	[tilespmem:$0x10080] =	vst v63  }
0x20e: {  	s24 =	simm.s32 $0xD080  }
0x20f: {  	[tilespmem:s24], [sflag:$0x1] =	stream.indirect_vreg.gather [hbm4b:s5+s2], $0x80, v3, vm0, $0xb8;
	[tilespmem:$0x10080] =	vst v63  }
0x210: {  	s24 =	simm.s32 $0xD880  }
0x211: {  	[tilespmem:s24], [sflag:$0x1] =	stream.indirect_vreg.gather [hbm4b:s6+s2], $0x80, v3, vm0, $0xb8;
	[tilespmem:$0x10080] =	vst v63  }
0x212: {  	s28 =	simm.s32 $0xE080  }
0x213: {  	[tilespmem:s28], [sflag:$0x1] =	stream.indirect_vreg.gather [hbm4b:s7+s2], $0x80, v3, vm0, $0xb8;
	[tilespmem:$0x10080] =	vst v63  }
0x214: {  	s24 =	simm.s32 $0xE880  }
0x215: {  	[tilespmem:s24], [sflag:$0x1] =	stream.indirect_vreg.gather [hbm4b:s8+s2], $0x80, v3, vm0, $0xb8;
	[tilespmem:$0x10080] =	vst v63  }
0x216: {  	s28 =	simm.s32 $0xF080  }
0x217: {  	[tilespmem:s28], [sflag:$0x1] =	stream.indirect_vreg.gather [hbm4b:s9+s2], $0x80, v3, vm0, $0xb8;
	[tilespmem:$0x10080] =	vst v63  }
0x218: {  	s20 =	simm.s32 $0xF880  }
0x219: {  	[tilespmem:s20], [sflag:$0x1] =	stream.indirect_vreg.gather [hbm4b:s10+s2], $0x80, v3, vm0, $0xb8;
	[tilespmem:$0x10080] =	vst v63  }
0x21a: {  	_ =	swait.ge [sflag:s26], $0x10000  }
0x21b: {  	[sflag:s26] =	ssyncset.done $0x0  }
0x21c: {  	s22 =	rddreg [dreg:$0xd];
	[sflag:s26] =	ssyncadd.s32 $0xFFFF0000  }
0x21d: {  	[hbm4b:s22+s2] =	stream.linear.scatter [tilespmem:s13], [sflag:$0x2], $0x10000, $0x38;
	[tilespmem:$0x10080] =	vst v63  }
0x21e: {  	_ =	swait.ge [sflag:s12], $0x10000  }
0x21f: {  	[sflag:s12] =	ssyncset.done $0x0  }
0x220: {  	s24 =	rddreg [dreg:$0xe];
	[sflag:s12] =	ssyncadd.s32 $0xFFFF0000  }
0x221: {  	[tilespmem:s2], [sflag:$0x2] =	stream.linear.gather [hbm4b:s24+s2], $0x20, $0x38;
	[tilespmem:$0x10080] =	vst v63  }
0x222: {  	_ =	swait.ge [sflag:s12], $0x20  }
0x223: {  	[sflag:s12] =	ssyncset.done $0x0  }
0x224: {  	[sflag:s12] =	ssyncadd.s32 $0xFFFFFFE0  }
0x225: {  	v3 =	vld [tilespmem:$0x0];
	_ =	sdelay $0x4  }
0x226: {  	v60 =	vshll.u32 v3, $0x4  }
0x227: {  	v3 =	vand.u32 $0x7, v3;
	v4 =	vand.u32 $0xFFFFFF80, v60  }
0x228: {  	v3 =	vor.u32 v3, v4  }
0x229: {  	v4 =	vperm.xlane v3, v0;
	_ =	sdelay $0x1  }
0x22a: {  	v4 =	vadd.s32 v1, v4;
	_ =	sdelay $0x4  }
0x22b: {  	[tilespmem:s13], [sflag:$0x1] =	stream.indirect_vreg.gather [hbm4b:s3+s2], $0x80, v4, vm0, $0xb8;
	[tilespmem:$0x10080] =	vst v63  }
0x22c: {  	s28 =	simm.s32 $0x880  }
0x22d: {  	[tilespmem:s28], [sflag:$0x1] =	stream.indirect_vreg.gather [hbm4b:s4+s2], $0x80, v4, vm0, $0xb8;
	[tilespmem:$0x10080] =	vst v63  }
0x22e: {  	s22 =	simm.s32 $0x1080  }
0x22f: {  	[tilespmem:s22], [sflag:$0x1] =	stream.indirect_vreg.gather [hbm4b:s5+s2], $0x80, v4, vm0, $0xb8;
	[tilespmem:$0x10080] =	vst v63  }
0x230: {  	s24 =	simm.s32 $0x1880  }
0x231: {  	[tilespmem:s24], [sflag:$0x1] =	stream.indirect_vreg.gather [hbm4b:s6+s2], $0x80, v4, vm0, $0xb8;
	[tilespmem:$0x10080] =	vst v63  }
0x232: {  	s28 =	simm.s32 $0x2080  }
0x233: {  	[tilespmem:s28], [sflag:$0x1] =	stream.indirect_vreg.gather [hbm4b:s7+s2], $0x80, v4, vm0, $0xb8;
	[tilespmem:$0x10080] =	vst v63  }
0x234: {  	v3 =	vperm.xlane v3, v2;
	s22 =	simm.s32 $0x2880  }
0x235: {  	[tilespmem:s22], [sflag:$0x1] =	stream.indirect_vreg.gather [hbm4b:s8+s2], $0x80, v4, vm0, $0xb8;
	[tilespmem:$0x10080] =	vst v63  }
0x236: {  	s0 =	simm.s32 $0x3080;
	v3 =	vadd.s32 v1, v3  }
0x237: {  	[tilespmem:s0], [sflag:$0x1] =	stream.indirect_vreg.gather [hbm4b:s9+s2], $0x80, v4, vm0, $0xb8;
	[tilespmem:$0x10080] =	vst v63  }
0x238: {  	s1 =	simm.s32 $0x3880  }
0x239: {  	[tilespmem:s1], [sflag:$0x1] =	stream.indirect_vreg.gather [hbm4b:s10+s2], $0x80, v4, vm0, $0xb8;
	[tilespmem:$0x10080] =	vst v63  }
0x23a: {  	s11 =	simm.s32 $0x4080  }
0x23b: {  	[tilespmem:s11], [sflag:$0x1] =	stream.indirect_vreg.gather [hbm4b:s3+s2], $0x80, v3, vm0, $0xb8;
	[tilespmem:$0x10080] =	vst v63  }
0x23c: {  	s25 =	simm.s32 $0x4880  }
0x23d: {  	[tilespmem:s25], [sflag:$0x1] =	stream.indirect_vreg.gather [hbm4b:s4+s2], $0x80, v3, vm0, $0xb8;
	[tilespmem:$0x10080] =	vst v63  }
0x23e: {  	s29 =	simm.s32 $0x5080  }
0x23f: {  	[tilespmem:s29], [sflag:$0x1] =	stream.indirect_vreg.gather [hbm4b:s5+s2], $0x80, v3, vm0, $0xb8;
	[tilespmem:$0x10080] =	vst v63  }
0x240: {  	s30 =	simm.s32 $0x5880  }
0x241: {  	[tilespmem:s30], [sflag:$0x1] =	stream.indirect_vreg.gather [hbm4b:s6+s2], $0x80, v3, vm0, $0xb8;
	[tilespmem:$0x10080] =	vst v63  }
0x242: {  	s31 =	simm.s32 $0x6080  }
0x243: {  	[tilespmem:s31], [sflag:$0x1] =	stream.indirect_vreg.gather [hbm4b:s7+s2], $0x80, v3, vm0, $0xb8;
	[tilespmem:$0x10080] =	vst v63  }
0x244: {  	s14 =	simm.s32 $0x6880  }
0x245: {  	[tilespmem:s14], [sflag:$0x1] =	stream.indirect_vreg.gather [hbm4b:s8+s2], $0x80, v3, vm0, $0xb8;
	[tilespmem:$0x10080] =	vst v63  }
0x246: {  	s15 =	simm.s32 $0x7080  }
0x247: {  	[tilespmem:s15], [sflag:$0x1] =	stream.indirect_vreg.gather [hbm4b:s9+s2], $0x80, v3, vm0, $0xb8;
	[tilespmem:$0x10080] =	vst v63  }
0x248: {  	s24 =	simm.s32 $0x7880  }
0x249: {  	[tilespmem:s24], [sflag:$0x1] =	stream.indirect_vreg.gather [hbm4b:s10+s2], $0x80, v3, vm0, $0xb8;
	[tilespmem:$0x10080] =	vst v63  }
0x24a: {  	v3 =	vld [tilespmem:$0x10];
	_ =	sdelay $0x4  }
0x24b: {  	v61 =	vshll.u32 v3, $0x4  }
0x24c: {  	v3 =	vand.u32 $0x7, v3;
	v4 =	vand.u32 $0xFFFFFF80, v61  }
0x24d: {  	v3 =	vor.u32 v3, v4  }
0x24e: {  	v4 =	vperm.xlane v3, v0;
	_ =	sdelay $0x1  }
0x24f: {  	v4 =	vadd.s32 v1, v4;
	_ =	sdelay $0x3  }
0x250: {  	s16 =	simm.s32 $0x8080  }
0x251: {  	[tilespmem:s16], [sflag:$0x1] =	stream.indirect_vreg.gather [hbm4b:s3+s2], $0x80, v4, vm0, $0xb8;
	[tilespmem:$0x10080] =	vst v63  }
0x252: {  	s28 =	simm.s32 $0x8880  }
0x253: {  	[tilespmem:s28], [sflag:$0x1] =	stream.indirect_vreg.gather [hbm4b:s4+s2], $0x80, v4, vm0, $0xb8;
	[tilespmem:$0x10080] =	vst v63  }
0x254: {  	s17 =	simm.s32 $0x9080  }
0x255: {  	[tilespmem:s17], [sflag:$0x1] =	stream.indirect_vreg.gather [hbm4b:s5+s2], $0x80, v4, vm0, $0xb8;
	[tilespmem:$0x10080] =	vst v63  }
0x256: {  	s24 =	simm.s32 $0x9880  }
0x257: {  	[tilespmem:s24], [sflag:$0x1] =	stream.indirect_vreg.gather [hbm4b:s6+s2], $0x80, v4, vm0, $0xb8;
	[tilespmem:$0x10080] =	vst v63  }
0x258: {  	s28 =	simm.s32 $0xA080  }
0x259: {  	[tilespmem:s28], [sflag:$0x1] =	stream.indirect_vreg.gather [hbm4b:s7+s2], $0x80, v4, vm0, $0xb8;
	[tilespmem:$0x10080] =	vst v63  }
0x25a: {  	v3 =	vperm.xlane v3, v2;
	s28 =	simm.s32 $0xA880  }
0x25b: {  	[tilespmem:s28], [sflag:$0x1] =	stream.indirect_vreg.gather [hbm4b:s8+s2], $0x80, v4, vm0, $0xb8;
	[tilespmem:$0x10080] =	vst v63  }
0x25c: {  	v3 =	vadd.s32 v1, v3;
	s24 =	simm.s32 $0xB080  }
0x25d: {  	[tilespmem:s24], [sflag:$0x1] =	stream.indirect_vreg.gather [hbm4b:s9+s2], $0x80, v4, vm0, $0xb8;
	[tilespmem:$0x10080] =	vst v63  }
0x25e: {  	s18 =	simm.s32 $0xB880  }
0x25f: {  	[tilespmem:s18], [sflag:$0x1] =	stream.indirect_vreg.gather [hbm4b:s10+s2], $0x80, v4, vm0, $0xb8;
	[tilespmem:$0x10080] =	vst v63  }
0x260: {  	s19 =	simm.s32 $0xC080  }
0x261: {  	[tilespmem:s19], [sflag:$0x1] =	stream.indirect_vreg.gather [hbm4b:s3+s2], $0x80, v3, vm0, $0xb8;
	[tilespmem:$0x10080] =	vst v63  }
0x262: {  	s23 =	simm.s32 $0xC880  }
0x263: {  	[tilespmem:s23], [sflag:$0x1] =	stream.indirect_vreg.gather [hbm4b:s4+s2], $0x80, v3, vm0, $0xb8;
	[tilespmem:$0x10080] =	vst v63  }
0x264: {  	s28 =	simm.s32 $0xD080  }
0x265: {  	[tilespmem:s28], [sflag:$0x1] =	stream.indirect_vreg.gather [hbm4b:s5+s2], $0x80, v3, vm0, $0xb8;
	[tilespmem:$0x10080] =	vst v63  }
0x266: {  	s28 =	simm.s32 $0xD880  }
0x267: {  	[tilespmem:s28], [sflag:$0x1] =	stream.indirect_vreg.gather [hbm4b:s6+s2], $0x80, v3, vm0, $0xb8;
	[tilespmem:$0x10080] =	vst v63  }
0x268: {  	s28 =	simm.s32 $0xE080  }
0x269: {  	[tilespmem:s28], [sflag:$0x1] =	stream.indirect_vreg.gather [hbm4b:s7+s2], $0x80, v3, vm0, $0xb8;
	[tilespmem:$0x10080] =	vst v63  }
0x26a: {  	s28 =	simm.s32 $0xE880  }
0x26b: {  	[tilespmem:s28], [sflag:$0x1] =	stream.indirect_vreg.gather [hbm4b:s8+s2], $0x80, v3, vm0, $0xb8;
	[tilespmem:$0x10080] =	vst v63  }
0x26c: {  	s28 =	simm.s32 $0xF080  }
0x26d: {  	[tilespmem:s28], [sflag:$0x1] =	stream.indirect_vreg.gather [hbm4b:s9+s2], $0x80, v3, vm0, $0xb8;
	[tilespmem:$0x10080] =	vst v63  }
0x26e: {  	s28 =	simm.s32 $0xF880  }
0x26f: {  	[tilespmem:s28], [sflag:$0x1] =	stream.indirect_vreg.gather [hbm4b:s10+s2], $0x80, v3, vm0, $0xb8;
	[tilespmem:$0x10080] =	vst v63  }
0x270: {  	_ =	swait.ge [sflag:s26], $0x10000  }
0x271: {  	[sflag:s26] =	ssyncset.done $0x0  }
0x272: {  	s28 =	rddreg [dreg:$0xf];
	[sflag:s26] =	ssyncadd.s32 $0xFFFF0000  }
0x273: {  	[hbm4b:s28+s2] =	stream.linear.scatter [tilespmem:s13], [sflag:$0x2], $0x10000, $0x38;
	[tilespmem:$0x10080] =	vst v63  }
0x274: {  	_ =	swait.ge [sflag:s12], $0x10000  }
0x275: {  	[sflag:s12] =	ssyncset.done $0x0  }
0x276: {  	s28 =	rddreg [dreg:$0x10];
	[sflag:s12] =	ssyncadd.s32 $0xFFFF0000  }
0x277: {  	[tilespmem:s2], [sflag:$0x2] =	stream.linear.gather [hbm4b:s28+s2], $0x20, $0x38;
	[tilespmem:$0x10080] =	vst v63  }
0x278: {  	_ =	swait.ge [sflag:s12], $0x20  }
0x279: {  	[sflag:s12] =	ssyncset.done $0x0  }
0x27a: {  	[sflag:s12] =	ssyncadd.s32 $0xFFFFFFE0  }
0x27b: {  	v3 =	vld [tilespmem:$0x0];
	_ =	sdelay $0x4  }
0x27c: {  	v62 =	vshll.u32 v3, $0x4  }
0x27d: {  	v3 =	vand.u32 $0x7, v3;
	v4 =	vand.u32 $0xFFFFFF80, v62  }
0x27e: {  	v3 =	vor.u32 v3, v4  }
0x27f: {  	v4 =	vperm.xlane v3, v0;
	_ =	sdelay $0x1  }
0x280: {  	v4 =	vadd.s32 v1, v4;
	_ =	sdelay $0x4  }
0x281: {  	[tilespmem:s13], [sflag:$0x1] =	stream.indirect_vreg.gather [hbm4b:s3+s2], $0x80, v4, vm0, $0xb8;
	[tilespmem:$0x10080] =	vst v63  }
0x282: {  	s28 =	simm.s32 $0x880  }
0x283: {  	[tilespmem:s28], [sflag:$0x1] =	stream.indirect_vreg.gather [hbm4b:s4+s2], $0x80, v4, vm0, $0xb8;
	[tilespmem:$0x10080] =	vst v63  }
0x284: {  	s28 =	simm.s32 $0x1080  }
0x285: {  	[tilespmem:s28], [sflag:$0x1] =	stream.indirect_vreg.gather [hbm4b:s5+s2], $0x80, v4, vm0, $0xb8;
	[tilespmem:$0x10080] =	vst v63  }
0x286: {  	s28 =	simm.s32 $0x1880  }
0x287: {  	[tilespmem:s28], [sflag:$0x1] =	stream.indirect_vreg.gather [hbm4b:s6+s2], $0x80, v4, vm0, $0xb8;
	[tilespmem:$0x10080] =	vst v63  }
0x288: {  	s28 =	simm.s32 $0x2080  }
0x289: {  	[tilespmem:s28], [sflag:$0x1] =	stream.indirect_vreg.gather [hbm4b:s7+s2], $0x80, v4, vm0, $0xb8;
	[tilespmem:$0x10080] =	vst v63  }
0x28a: {  	v3 =	vperm.xlane v3, v2;
	s28 =	simm.s32 $0x2880  }
0x28b: {  	[tilespmem:s28], [sflag:$0x1] =	stream.indirect_vreg.gather [hbm4b:s8+s2], $0x80, v4, vm0, $0xb8;
	[tilespmem:$0x10080] =	vst v63  }
0x28c: {  	s0 =	simm.s32 $0x3080;
	v3 =	vadd.s32 v1, v3  }
0x28d: {  	[tilespmem:s0], [sflag:$0x1] =	stream.indirect_vreg.gather [hbm4b:s9+s2], $0x80, v4, vm0, $0xb8;
	[tilespmem:$0x10080] =	vst v63  }
0x28e: {  	s1 =	simm.s32 $0x3880  }
0x28f: {  	[tilespmem:s1], [sflag:$0x1] =	stream.indirect_vreg.gather [hbm4b:s10+s2], $0x80, v4, vm0, $0xb8;
	[tilespmem:$0x10080] =	vst v63  }
0x290: {  	s11 =	simm.s32 $0x4080  }
0x291: {  	[tilespmem:s11], [sflag:$0x1] =	stream.indirect_vreg.gather [hbm4b:s3+s2], $0x80, v3, vm0, $0xb8;
	[tilespmem:$0x10080] =	vst v63  }
0x292: {  	s20 =	simm.s32 $0x4880  }
0x293: {  	[tilespmem:s20], [sflag:$0x1] =	stream.indirect_vreg.gather [hbm4b:s4+s2], $0x80, v3, vm0, $0xb8;
	[tilespmem:$0x10080] =	vst v63  }
0x294: {  	s25 =	simm.s32 $0x5080  }
0x295: {  	[tilespmem:s25], [sflag:$0x1] =	stream.indirect_vreg.gather [hbm4b:s5+s2], $0x80, v3, vm0, $0xb8;
	[tilespmem:$0x10080] =	vst v63  }
0x296: {  	s29 =	simm.s32 $0x5880  }
0x297: {  	[tilespmem:s29], [sflag:$0x1] =	stream.indirect_vreg.gather [hbm4b:s6+s2], $0x80, v3, vm0, $0xb8;
	[tilespmem:$0x10080] =	vst v63  }
0x298: {  	s30 =	simm.s32 $0x6080  }
0x299: {  	[tilespmem:s30], [sflag:$0x1] =	stream.indirect_vreg.gather [hbm4b:s7+s2], $0x80, v3, vm0, $0xb8;
	[tilespmem:$0x10080] =	vst v63  }
0x29a: {  	s14 =	simm.s32 $0x6880  }
0x29b: {  	[tilespmem:s14], [sflag:$0x1] =	stream.indirect_vreg.gather [hbm4b:s8+s2], $0x80, v3, vm0, $0xb8;
	[tilespmem:$0x10080] =	vst v63  }
0x29c: {  	s15 =	simm.s32 $0x7080  }
0x29d: {  	[tilespmem:s15], [sflag:$0x1] =	stream.indirect_vreg.gather [hbm4b:s9+s2], $0x80, v3, vm0, $0xb8;
	[tilespmem:$0x10080] =	vst v63  }
0x29e: {  	s31 =	simm.s32 $0x7880  }
0x29f: {  	[tilespmem:s31], [sflag:$0x1] =	stream.indirect_vreg.gather [hbm4b:s10+s2], $0x80, v3, vm0, $0xb8;
	[tilespmem:$0x10080] =	vst v63  }
0x2a0: {  	v3 =	vld [tilespmem:$0x10];
	_ =	sdelay $0x4  }
0x2a1: {  	v63 =	vshll.u32 v3, $0x4  }
0x2a2: {  	v3 =	vand.u32 $0x7, v3;
	v4 =	vand.u32 $0xFFFFFF80, v63  }
0x2a3: {  	v3 =	vor.u32 v3, v4  }
0x2a4: {  	v4 =	vperm.xlane v3, v0;
	_ =	sdelay $0x1  }
0x2a5: {  	v4 =	vadd.s32 v1, v4;
	_ =	sdelay $0x3  }
0x2a6: {  	s16 =	simm.s32 $0x8080  }
0x2a7: {  	[tilespmem:s16], [sflag:$0x1] =	stream.indirect_vreg.gather [hbm4b:s3+s2], $0x80, v4, vm0, $0xb8;
	[tilespmem:$0x10080] =	vst v63  }
0x2a8: {  	s16 =	simm.s32 $0x8880  }
0x2a9: {  	[tilespmem:s16], [sflag:$0x1] =	stream.indirect_vreg.gather [hbm4b:s4+s2], $0x80, v4, vm0, $0xb8;
	[tilespmem:$0x10080] =	vst v63  }
0x2aa: {  	s17 =	simm.s32 $0x9080  }
0x2ab: {  	[tilespmem:s17], [sflag:$0x1] =	stream.indirect_vreg.gather [hbm4b:s5+s2], $0x80, v4, vm0, $0xb8;
	[tilespmem:$0x10080] =	vst v63  }
0x2ac: {  	s22 =	simm.s32 $0x9880  }
0x2ad: {  	[tilespmem:s22], [sflag:$0x1] =	stream.indirect_vreg.gather [hbm4b:s6+s2], $0x80, v4, vm0, $0xb8;
	[tilespmem:$0x10080] =	vst v63  }
0x2ae: {  	s20 =	simm.s32 $0xA080  }
0x2af: {  	[tilespmem:s20], [sflag:$0x1] =	stream.indirect_vreg.gather [hbm4b:s7+s2], $0x80, v4, vm0, $0xb8;
	[tilespmem:$0x10080] =	vst v63  }
0x2b0: {  	v3 =	vperm.xlane v3, v2;
	s22 =	simm.s32 $0xA880  }
0x2b1: {  	[tilespmem:s22], [sflag:$0x1] =	stream.indirect_vreg.gather [hbm4b:s8+s2], $0x80, v4, vm0, $0xb8;
	[tilespmem:$0x10080] =	vst v63  }
0x2b2: {  	s24 =	simm.s32 $0xB080;
	v3 =	vadd.s32 v1, v3  }
0x2b3: {  	[tilespmem:s24], [sflag:$0x1] =	stream.indirect_vreg.gather [hbm4b:s9+s2], $0x80, v4, vm0, $0xb8;
	[tilespmem:$0x10080] =	vst v63  }
0x2b4: {  	s18 =	simm.s32 $0xB880  }
0x2b5: {  	[tilespmem:s18], [sflag:$0x1] =	stream.indirect_vreg.gather [hbm4b:s10+s2], $0x80, v4, vm0, $0xb8;
	[tilespmem:$0x10080] =	vst v63  }
0x2b6: {  	s19 =	simm.s32 $0xC080  }
0x2b7: {  	[tilespmem:s19], [sflag:$0x1] =	stream.indirect_vreg.gather [hbm4b:s3+s2], $0x80, v3, vm0, $0xb8;
	[tilespmem:$0x10080] =	vst v63  }
0x2b8: {  	s23 =	simm.s32 $0xC880  }
0x2b9: {  	[tilespmem:s23], [sflag:$0x1] =	stream.indirect_vreg.gather [hbm4b:s4+s2], $0x80, v3, vm0, $0xb8;
	[tilespmem:$0x10080] =	vst v63  }
0x2ba: {  	s23 =	simm.s32 $0xD080  }
0x2bb: {  	[tilespmem:s23], [sflag:$0x1] =	stream.indirect_vreg.gather [hbm4b:s5+s2], $0x80, v3, vm0, $0xb8;
	[tilespmem:$0x10080] =	vst v63  }
0x2bc: {  	s24 =	simm.s32 $0xD880  }
0x2bd: {  	[tilespmem:s24], [sflag:$0x1] =	stream.indirect_vreg.gather [hbm4b:s6+s2], $0x80, v3, vm0, $0xb8;
	[tilespmem:$0x10080] =	vst v63  }
0x2be: {  	s25 =	simm.s32 $0xE080  }
0x2bf: {  	[tilespmem:s25], [sflag:$0x1] =	stream.indirect_vreg.gather [hbm4b:s7+s2], $0x80, v3, vm0, $0xb8;
	[tilespmem:$0x10080] =	vst v63  }
0x2c0: {  	s28 =	simm.s32 $0xE880  }
0x2c1: {  	[tilespmem:s28], [sflag:$0x1] =	stream.indirect_vreg.gather [hbm4b:s8+s2], $0x80, v3, vm0, $0xb8;
	[tilespmem:$0x10080] =	vst v63  }
0x2c2: {  	s29 =	simm.s32 $0xF080  }
0x2c3: {  	[tilespmem:s29], [sflag:$0x1] =	stream.indirect_vreg.gather [hbm4b:s9+s2], $0x80, v3, vm0, $0xb8;
	[tilespmem:$0x10080] =	vst v63  }
0x2c4: {  	s30 =	simm.s32 $0xF880  }
0x2c5: {  	[tilespmem:s30], [sflag:$0x1] =	stream.indirect_vreg.gather [hbm4b:s10+s2], $0x80, v3, vm0, $0xb8;
	[tilespmem:$0x10080] =	vst v63  }
0x2c6: {  	_ =	swait.ge [sflag:s26], $0x10000  }
0x2c7: {  	p0 =	sne.s32 s21, $0x1;
	[sflag:s26] =	ssyncset.done $0x0  }
.Ltmp0:
0x2c8: {  	s31 =	rddreg [dreg:$0x11];
	[sflag:s26] =	ssyncadd.s32 $0xFFFF0000;
	(pc) =	sbr.rel @p0 .LBB2_1-.Ltmp0, $4  }
0x2c9: {  	[hbm4b:s31+s2] =	stream.linear.scatter [tilespmem:s13], [sflag:$0x2], $0x10000, $0x38;
	[tilespmem:$0x10080] =	vst v63  }
0x2ca: {  	_ =	swait.ge [sflag:s12], $0x10000  }
0x2cb: {  	[sflag:s12] =	ssyncset.done $0x0  }
0x2cc: {  	s21 =	sadd.s32 $0xFFFFFFFF, s21;
	[sflag:s12] =	ssyncadd.s32 $0xFFFF0000  }
0x2cd: {  	_ =	sfence.sel $0x180000  }
0x2ce: {  	[bflag:$0x0] =	sbarrier.arrive $0xFFFF  }
0x2cf: {  	_ =	strace $0x9000004D  }
0x2d0: {  	s0 =	stileid.u32;
	[bflag:$0x2] =	sbarrier.arrive $0xFFFF  }
0x2d1: {  	p0 =	sne.s32 s0, $0x0;
	s0 =	rddreg [dreg:$0x1]  }
0x2d2: {  	s0 =	sadd.s32 @!p0 $0x100000, s0  }
0x2d3: {  	[sflag:s0] =	ssyncadd.tile.s32 @!p0 $0x1;
	_ =	shalt  }
.Lfunc_end2:
_tile_overlayer_lowered:
.L_overlay_start_2:
0x2d4: {  	(tag) =	ssettag $0x2  }
0x2d5: {  	s0 =	rddreg [dreg:$0x0];
	s2 =	stileid.u32  }
0x2d6: {  	s1 =	rddreg [dreg:$0x1];
	p0 =	sne.s32 s2, $0x0  }
0x2d7: {  	s3 =	rddreg [dreg:$0x2];
	[bflag:$0x3] =	sbarrier.arrive $0xFFFF;
	s2 =	simm.s32 @!p0 $0x1C02  }
0x2d8: {  	[timem:s3], [sflag:s2] =	dma.local @!p0 [hbm:s0], s1  }
0x2d9: {  	s0 =	simm.s32 @!p0 $0x2  }
0x2da: {  	_ =	swait.ge @!p0 [sflag:s0], s1  }
0x2db: {  	s1 =	ssub.s32 @!p0 $0x0, s1;
	[sflag:s0] =	ssyncset.done @!p0 $0x0  }
0x2dc: {  	[sflag:s0] =	ssyncadd.s32 @!p0 s1  }
0x2dd: {  	[bflag:$0x3] =	sbarrier.arrive $0xFFFF  }
0x2de: {  	_ =	shalt  }

// kernel: kernel.8.cloned.1.call-start
scs
__scs_entry_jumppad:
0x0: {  	(pc) =	sbr.rel $0x88, $3  }
0x1: {  	(tag) =	ssettag $0x0;
	lr =	simm.s32 $0x1  }
0x2: {  	[smem:$0x3F99] =	sst lr;
	_ =	strace $0xD0000000  }
0x3: {  	_ = 	snop  }
0x4: {  	_ = 	snop  }
0x5: {  	_ = 	snop  }
0x6: {  	_ = 	snop  }
0x7: {  	_ = 	snop  }
__scs_overlays_trampoline_lowered:
0x8: {  	[smem:$0x3FA8] =	sst s0  }
0x9: {  	[smem:$0x3FA9] =	sst s1  }
0xa: {  	[smem:$0x3FAA] =	sst s2  }
0xb: {  	[smem:$0x3FAB] =	sst s3  }
0xc: {  	[smem:$0x3FAC] =	sst s4  }
0xd: {  	[smem:$0x3FAD] =	sst s5  }
0xe: {  	[smem:$0x3FAE] =	sst s6  }
0xf: {  	[smem:$0x3FAF] =	sst s7  }
0x10: {  	[smem:$0x3FB0] =	sst s8  }
0x11: {  	[smem:$0x3FB1] =	sst s9;
	s0 =	simm.s32 @!p0 $0x0  }
0x12: {  	s1 =	sld [smem:$0x3F97];
	s0 =	simm.s32 @p0 $0x1  }
0x13: {  	[smem:$0x3FB2] =	sst s0;
	s0 =	simm.s32 @!p1 $0x0  }
0x14: {  	s2 =	sld [smem:$0x3F96];
	s0 =	simm.s32 @p1 $0x1  }
0x15: {  	[smem:$0x3FB3] =	sst s0;
	s0 =	simm.s32 @!p2 $0x0  }
0x16: {  	s3 =	sld [smem:$0x3FDB];
	s0 =	simm.s32 @p2 $0x1  }
0x17: {  	s4 =	simm.s32 $0x1BF5;
	[smem:$0x3FB5] =	sst s0  }
0x18: {  	s0 =	sld [smem:$0x3F98];
	_ =	swait.ge [sflag:s4], $0x0  }
0x19: {  	s7 =	sld [smem:$0x3F99]  }
0x1a: {  	s8 =	sadd.s32 $0xFFFFE003, lr  }
0x1b: {  	s9 =	sadd.s32 $0xFFFFFEF7, lr;
	s5 =	simm.s32 $0xFFFFFFFF;
	p2 =	slt.u32 s8, $0xFFFFF086  }
0x1c: {  	p1 =	slt.u32 s9, $0xF7A;
	s5 =	simm.s32 @!p2 $0x0  }
0x1d: {  	s5 =	simm.s32 @p1 $0x1;
	p0 =	seq.s32 s7, s2  }
0x1e: {  	s7 =	smul.u32 @!p0 $0xF7A, s2;
	p2 =	seq.s32 @!p0 s5, $0x0  }
0x1f: {  	s9 =	smul.u32 $0xF7A, s1;
	s8 =	simm.s32 @!p0 $0x1BF5;
	p2 =	por !p2, p0  }
0x20: {  	[sflag:s8] =	ssyncset.s32 @!p0 $0xFFFFF086;
	s6 =	sadd.s32 @!p0 s3, s7;
	s7 =	simm.s32 @!p0 $0x108  }
0x21: {  	s3 =	sadd.s32 s3, s9;
	s6 =	sadd.s32 @!p0 $0x88, s6;
	s7 =	simm.s32 @p2 $0x1082  }
0x22: {  	[simem:s7], [sflag:s8] =	dma.local @!p0 [hbm:s6], $0xF7A  }
0x23: {  	s9 =	sor.u32 $0xD0000000, s2;
	s6 =	simm.s32 $0x108;
	_ =	swait.ge @!p0 [sflag:s8], $0x0  }
0x24: {  	s3 =	sadd.s32 $0x88, s3;
	s6 =	simm.s32 @!p1 $0x1082;
	[sflag:s4] =	ssyncset.s32 $0xFFFFF086  }
0x25: {  	[simem:s6], [sflag:s4] =	dma.local [hbm:s3], $0xF7A  }
0x26: {  	[smem:$0x3F99] =	sst s1;
	(tag) =	ssettag s2;
	_ =	strace s9  }
0x27: {  	s1 =	sld [smem:$0x3FA9]  }
0x28: {  	s2 =	sld [smem:$0x3FAA]  }
0x29: {  	s4 =	sld [smem:$0x3FAC]  }
0x2a: {  	p0 =	seq.s32 s5, $0x0;
	s5 =	sld [smem:$0x3FAD]  }
0x2b: {  	s6 =	sld [smem:$0x3FAE]  }
0x2c: {  	s7 =	sld [smem:$0x3FAF]  }
0x2d: {  	s3 =	simm.s32 $0x108;
	s8 =	sld [smem:$0x3FB0]  }
0x2e: {  	s3 =	simm.s32 @!p0 $0x1082;
	s9 =	sld [smem:$0x3FB1]  }
0x2f: {  	lr =	sadd.s32 s0, s3;
	s0 =	sld [smem:$0x3FA8]  }
0x30: {  	s3 =	sld [smem:$0x3FAB]  }
0x31: {  	[smem:$0x3FB4] =	sst s10  }
0x32: {  	s10 =	sld [smem:$0x3FB2];
	_ =	sdelay $0x3  }
0x33: {  	p0 =	seq.s32 s10, $0x1;
	s10 =	sld [smem:$0x3FB4];
	_ =	sdelay $0x3  }
0x34: {  	[smem:$0x3FB4] =	sst s10  }
0x35: {  	s10 =	sld [smem:$0x3FB3];
	_ =	sdelay $0x3  }
0x36: {  	p1 =	seq.s32 s10, $0x1;
	s10 =	sld [smem:$0x3FB4];
	_ =	sdelay $0x3  }
0x37: {  	[smem:$0x3FB4] =	sst s10  }
0x38: {  	s10 =	sld [smem:$0x3FB5]  }
0x39: {  	_ = 	snop;
	(pc) =	sbr.ind lr, $3  }
0x3a: {  	_ = 	snop  }
0x3b: {  	_ = 	snop  }
0x3c: {  	p2 =	seq.s32 s10, $0x1;
	s10 =	sld [smem:$0x3FB4]  }
0x3d: {  	_ =	shalt  }
0x3e: {  	_ =	shalt  }
0x3f: {  	_ =	shalt  }
0x40: {  	_ =	shalt  }
0x41: {  	_ =	shalt  }
0x42: {  	_ =	shalt  }
0x43: {  	_ =	shalt  }
0x44: {  	_ =	shalt  }
0x45: {  	_ =	shalt  }
0x46: {  	_ =	shalt  }
0x47: {  	_ =	shalt  }
0x48: {  	_ =	shalt  }
0x49: {  	_ =	shalt  }
0x4a: {  	_ =	shalt  }
0x4b: {  	_ =	shalt  }
0x4c: {  	_ =	shalt  }
0x4d: {  	_ =	shalt  }
0x4e: {  	_ =	shalt  }
0x4f: {  	_ =	shalt  }
0x50: {  	_ =	shalt  }
0x51: {  	_ =	shalt  }
0x52: {  	_ =	shalt  }
0x53: {  	_ =	shalt  }
0x54: {  	_ =	shalt  }
0x55: {  	_ =	shalt  }
0x56: {  	_ =	shalt  }
0x57: {  	_ =	shalt  }
0x58: {  	_ =	shalt  }
0x59: {  	_ =	shalt  }
0x5a: {  	_ =	shalt  }
0x5b: {  	_ =	shalt  }
0x5c: {  	_ =	shalt  }
0x5d: {  	_ =	shalt  }
0x5e: {  	_ =	shalt  }
0x5f: {  	_ =	shalt  }
0x60: {  	_ =	shalt  }
0x61: {  	_ =	shalt  }
0x62: {  	_ =	shalt  }
0x63: {  	_ =	shalt  }
0x64: {  	_ =	shalt  }
0x65: {  	_ =	shalt  }
0x66: {  	_ =	shalt  }
0x67: {  	_ =	shalt  }
0x68: {  	_ =	shalt  }
0x69: {  	_ =	shalt  }
0x6a: {  	_ =	shalt  }
0x6b: {  	_ =	shalt  }
0x6c: {  	_ =	shalt  }
0x6d: {  	_ =	shalt  }
0x6e: {  	_ =	shalt  }
0x6f: {  	_ =	shalt  }
0x70: {  	_ =	shalt  }
0x71: {  	_ =	shalt  }
0x72: {  	_ =	shalt  }
0x73: {  	_ =	shalt  }
0x74: {  	_ =	shalt  }
0x75: {  	_ =	shalt  }
0x76: {  	_ =	shalt  }
0x77: {  	_ =	shalt  }
0x78: {  	_ =	shalt  }
0x79: {  	_ =	shalt  }
0x7a: {  	_ =	shalt  }
0x7b: {  	_ =	shalt  }
0x7c: {  	_ =	shalt  }
0x7d: {  	_ =	shalt  }
0x7e: {  	_ =	shalt  }
0x7f: {  	_ =	shalt  }
0x80: {  	_ =	shalt  }
0x81: {  	_ =	shalt  }
0x82: {  	_ =	shalt  }
0x83: {  	_ =	shalt  }
0x84: {  	_ =	shalt  }
0x85: {  	_ =	shalt  }
0x86: {  	_ =	shalt  }
0x87: {  	_ =	shalt  }
.Lfunc_end0:
.L_simem_size_0:
called_computation.1_lowered:
.L_overlay_start_0:
0x88: {  	s2 =	sld [smem:$0x3FD9]  }
0x89: {  	s3 =	sld [smem:$0x3FFE];
	_ =	sdelay $0x1  }
0x8a: {  	s1 =	srdreg.scid  }
0x8b: {  	s0 =	sand.u32 $0x1, s1  }
0x8c: {  	s17 =	sshll.u32 s0, $0xA;
	s2 =	sadd.s32 s3, s2  }
0x8d: {  	s2 =	sadd.s32 s2, s17  }
0x8e: {  	[smem:$0x3FC0] =	sst s2  }
0x8f: {  	_ = 	snop  }
0x90: {  	s2 =	sld [smem:$0x3FD0];
	(tm) =	ssettm $0x1  }
0x91: {  	s18 =	sld [smem:$0x3FFB];
	_ =	sdelay $0x3  }
0x92: {  	_ =	strace s18  }
0x93: {  	s3 =	sld [smem:$0x3FFC];
	_ =	sdelay $0x3  }
0x94: {  	_ =	strace s3  }
0x95: {  	s3 =	sld [smem:$0x3FFD];
	_ =	sdelay $0x3  }
0x96: {  	_ =	strace s3  }
0x97: {  	_ =	strace $0x8FFFFFFF  }
0x98: {  	s19 =	sld [smem:$0x3FDB];
	_ =	sdelay $0x1  }
0x99: {  	s4 =	simm.s32 $_scs_section_size  }
0x9a: {  	s5 =	simm.s32 $_size__tile_overlayer_lowered;
	s6 =	simm.s32 $_tile_overlayer_lowered  }
0x9b: {  	s22 =	simm.s32 $0x1BFF;
	s21 =	sshll.u32 s6, $0x1;
	s3 =	sadd.s32 s4, s19  }
0x9c: {  	s7 =	simm.s32 $0x0;
	s20 =	sshll.u32 s5, $0x1;
	s5 =	sadd.s32 s21, s3  }
0x9d: {  	[timem:s7], [sflag:s22] =	dma.local [hbm:s5], s20  }
0x9e: {  	_ =	swait.ge [sflag:s22], s20  }
0x9f: {  	s4 =	ssub.s32 $0x0, s20;
	[sflag:s22] =	ssyncset.done $0x0  }
0xa0: {  	[sflag:s22] =	ssyncadd.s32 s4;
	_ =	sdelay $0x1  }
0xa1: {  	s23 =	simm.s32 $0x1B8B  }
0xa2: {  	_ =	swait.ge [sflag:s23], $0x1  }
0xa3: {  	[sflag:s23] =	ssyncset.done $0x0  }
0xa4: {  	s25 =	simm.s32 $0x1B8E;
	s24 =	sld [smem:$0x3FFE];
	[sflag:s23] =	ssyncadd.s32 $0xFFFFFFFF  }
0xa5: {  	s26 =	simm.s32 $execute0_lowered;
	[smem:$0x3FD2] =	sst s25  }
0xa6: {  	s5 =	sshll.u32 s26, $0x1;
	_ =	strace $0x80000049;
	[dreg:$0x1] =	wrdreg $0xFFFFFFFF  }
0xa7: {  	s28 =	simm.s32 $_size_execute0_lowered;
	s3 =	sadd.s32 s3, s5;
	[dreg:$0x0] =	wrdreg $0x0  }
0xa8: {  	s5 =	sshll.u32 s28, $0x1;
	[dreg:$0x2] =	wrdreg s3  }
0xa9: {  	[dreg:$0x3] =	wrdreg s5  }
0xaa: {  	[dreg:$0x4] =	wrdreg $0xC0  }
0xab: {  	_ =	task [dreg:s7], $0x5FFFF  }
0xac: {  	[dreg:$0x1] =	wrdreg $0xFFFFFFFF  }
0xad: {  	[dreg:$0x0] =	wrdreg $0x60  }
0xae: {  	[dreg:$0x2] =	wrdreg s2  }
0xaf: {  	[dreg:$0x3] =	wrdreg s24  }
0xb0: {  	[dreg:$0x4] =	wrdreg $0x9  }
0xb1: {  	_ =	task.clear_ibuf [dreg:s7], $0x5FFFF;
	_ =	strace $0x90000049  }
0xb2: {  	s29 =	simm.s32 $0x9;
	_ =	strace $0x8000004B  }
0xb3: {  	_ =	swait.ge [sflag:s29], $0x1  }
0xb4: {  	[sflag:s29] =	ssyncadd.s32 $0xFFFFFFFF  }
0xb5: {  	_ =	strace $0x9000004B  }
0xb6: {  	_ =	sfence  }
0xb7: {  	s30 =	sld [smem:$0x0];
	_ =	sdelay $0x2  }
0xb8: {  	s31 =	sshll.u32 s1, $0xD;
	s1 =	sshrl.u32 s1, $0x2  }
0xb9: {  	s3 =	sand.u32 $0x4000, s31;
	s1 =	sadd.s32 s1, s30  }
0xba: {  	s0 =	sor.u32 s3, s0;
	s1 =	sshll.u32 s1, $0x11  }
0xbb: {  	s0 =	sor.u32 s1, s0  }
0xbc: {  	s0 =	sadd.s32 $0x8F2B, s0  }
0xbd: {  	[sflag:s0] =	ssyncadd.remote.s32 $0x1  }
0xbe: {  	_ =	sfence.sel $0xFFFF  }
0xbf: {  	[dreg:$0x0] =	wrdreg $0xFFFFFFFF;
	(pc) =	sbr.abs _section_cstart, $3  }
0xc0: {  	[dreg:$0x1] =	wrdreg $0xFFFFFFFF  }
0xc1: {  	_ =	task.clear_ibuf [dreg:s7], $0x2FFFF;
	_ =	strace $0x9FFFFFFF  }
0xc2: {  	(tm) =	ssettm $0x7FFFFFFF  }
0xc3: {  	_ =	shalt  }
tec
execute0_lowered:
.L_overlay_start_1:
0x0: {  	(tag) =	ssettag $0x1  }
0x1: {  	s1 =	rddreg [dreg:$0x0]  }
0x2: {  	s0 =	rddreg [dreg:$0x1]  }
0x3: {  	s3 =	srdreg.scid;
	s2 =	simm.s32 $0x0;
	s7 =	stileid.u32  }
0x4: {  	s4 =	sand.u32 $0x1, s3;
	[smem:$0x7FF] =	sst s2;
	s23 =	sshll.u32 s7, $0x9  }
0x5: {  	s12 =	sadd.s32 $0x120600, s0;
	s3 =	sadd.s32 $0x120A00, s0;
	p0 =	sgt.u32 s7, $0x7  }
0x6: {  	s7 =	sadd.s32 $0x120E00, s0;
	s8 =	sadd.s32 $0x120F00, s0;
	s5 =	sshll.u32 s4, $0x8  }
0x7: {  	s9 =	sadd.s32 $0x121000, s0;
	s4 =	ssub.s32 $0x2, s4;
	s13 =	sor.u32 s5, s23  }
0x8: {  	_ =	strace $0x8000004A;
	s6 =	sshrl.u32 s4, $0x1;
	s5 =	sshrl.u32 s13, $0x3  }
0x9: {  	s10 =	sshll.u32 s13, $0xB;
	s11 =	ssub.s32 s4, s6;
	s25 =	sshll.u32 s13, $0x8  }
0xa: {  	s6 =	sadd.s32 $0x120D00, s0;
	s16 =	sor.u32 $0x20, s13;
	s18 =	sor.u32 $0x40, s13  }
0xb: {  	s19 =	sor.u32 $0x60, s13;
	s20 =	sor.u32 $0x80, s13;
	s22 =	sor.u32 $0xA0, s13  }
0xc: {  	s5 =	sadd.s32 s12, s5;
	s24 =	sadd.s32 $0xFF800000, s10;
	s14 =	sadd.s32 s1, s25  }
0xd: {  	s17 =	sshrl.u32 s16, $0x3;
	s16 =	sshll.u32 s16, $0x8;
	s26 =	sshrl.u32 s18, $0x3  }
0xe: {  	s28 =	sshrl.u32 s19, $0x3;
	s21 =	sshrl.u32 s20, $0x3;
	s30 =	sshrl.u32 s22, $0x3  }
0xf: {  	s23 =	sadd.s32 $0xFF810000, s10;
	s18 =	sshll.u32 s18, $0x8;
	s19 =	sshll.u32 s19, $0x8  }
0x10: {  	s20 =	sshll.u32 s20, $0x8;
	s22 =	sshll.u32 s22, $0x8;
	[dreg:$0x3] =	wrdreg s5  }
0x11: {  	s4 =	sshrl.u32 s24, $0x3;
	s5 =	sadd.s32 $0x120C00, s0;
	s17 =	sadd.s32 s12, s17  }
0x12: {  	s16 =	sadd.s32 s1, s16;
	s29 =	sadd.s32 s12, s21;
	s31 =	sadd.s32 s12, s30  }
0x13: {  	s21 =	sor.u32 $0xC0, s13;
	s23 =	sshrl.u32 s23, $0x3;
	s13 =	sor.u32 $0xE0, s13  }
0x14: {  	s18 =	sadd.s32 s1, s18;
	s19 =	sadd.s32 s1, s19;
	s20 =	sadd.s32 s1, s20  }
0x15: {  	s22 =	sadd.s32 s1, s22;
	s30 =	sadd.s32 $0xFF850000, s10;
	[dreg:$0x4] =	wrdreg s17  }
0x16: {  	s15 =	sadd.s32 s0, s4;
	s4 =	sadd.s32 $0x120B00, s0;
	[dreg:$0x7] =	wrdreg s29  }
0x17: {  	s17 =	sadd.s32 s12, s26;
	[dreg:$0x8] =	wrdreg s31;
	s24 =	sshrl.u32 s21, $0x3  }
0x18: {  	s25 =	sshrl.u32 s13, $0x3;
	s23 =	sadd.s32 s0, s23;
	s26 =	sadd.s32 $0xFF820000, s10  }
0x19: {  	s29 =	sadd.s32 $0xFF840000, s10;
	s31 =	sadd.s32 $0xFF860000, s10;
	s21 =	sshll.u32 s21, $0x8  }
0x1a: {  	s13 =	sshll.u32 s13, $0x8;
	[dreg:$0x5] =	wrdreg s17;
	s17 =	sadd.s32 s12, s28  }
0x1b: {  	s28 =	sadd.s32 $0xFF830000, s10;
	s14 =	smov.u32 @p0 s15;
	s15 =	sshrl.u32 s29, $0x3  }
0x1c: {  	s16 =	smov.u32 @p0 s23;
	s23 =	sshrl.u32 s31, $0x3;
	s21 =	sadd.s32 s1, s21  }
0x1d: {  	s1 =	sadd.s32 s1, s13;
	s10 =	sadd.s32 $0xFF870000, s10;
	[dreg:$0x6] =	wrdreg s17  }
0x1e: {  	s13 =	simm.s32 $0x80;
	s17 =	sadd.s32 s12, s24;
	[dreg:$0xb] =	wrdreg s14  }
0x1f: {  	s12 =	sadd.s32 s12, s25;
	s15 =	sadd.s32 s0, s15;
	[dreg:$0xc] =	wrdreg s16  }
0x20: {  	s14 =	sshrl.u32 s30, $0x3;
	s23 =	sadd.s32 s0, s23;
	[dreg:$0x9] =	wrdreg s17  }
0x21: {  	s10 =	sshrl.u32 s10, $0x3;
	[dreg:$0xa] =	wrdreg s12;
	s17 =	sshrl.u32 s26, $0x3  }
0x22: {  	s12 =	sshrl.u32 s28, $0x3;
	s14 =	sadd.s32 s0, s14;
	s20 =	smov.u32 @p0 s15  }
0x23: {  	s21 =	smov.u32 @p0 s23;
	s26 =	simm.s32 $0x1;
	[dreg:$0xf] =	wrdreg s20  }
0x24: {  	s17 =	sadd.s32 s0, s17;
	s22 =	smov.u32 @p0 s14;
	[dreg:$0x11] =	wrdreg s21  }
0x25: {  	s12 =	sadd.s32 s0, s12;
	s18 =	smov.u32 @p0 s17;
	[dreg:$0x10] =	wrdreg s22  }
0x26: {  	v2 =	vlaneseq.u32;
	s19 =	smov.u32 @p0 s12;
	s12 =	sadd.s32 s0, s10;
	[dreg:$0xd] =	wrdreg s18  }
0x27: {  	vm0 =	vmmov $0xffff;
	v1 =	vshrl.u32 v2, $0x3;
	s21 =	smax.u32 s11, $0x1;
	[dreg:$0xe] =	wrdreg s19;
	s1 =	smov.u32 @p0 s12  }
0x28: {  	v0 =	vand.u32 $0x7, v2;
	v2 =	vor.u32 $0x8, v2;
	v1 =	vmul.u32 $0x8, v1;
	s10 =	sadd.s32 $0x121100, s0;
	s12 =	simm.s32 $0x2;
	[dreg:$0x12] =	wrdreg s1  }
.LBB2_1:
0x29: {  	s28 =	rddreg [dreg:$0x3]  }
0x2a: {  	[tilespmem:s2], [sflag:$0x2] =	stream.linear.gather [hbm4b:s28+s2], $0x20, $0x38;
	[tilespmem:$0x10080] =	vst v63  }
0x2b: {  	_ =	swait.ge [sflag:s12], $0x20  }
0x2c: {  	[sflag:s12] =	ssyncset.done $0x0  }
0x2d: {  	s11 =	rddreg [dreg:$0xb];
	[sflag:s12] =	ssyncadd.s32 $0xFFFFFFE0  }
0x2e: {  	[tilespmem:s13], [sflag:$0x2] =	stream.linear.gather [hbm4b:s11+s2], $0x10000, $0x38;
	[tilespmem:$0x10080] =	vst v63  }
0x2f: {  	_ =	swait.ge [sflag:s12], $0x10000  }
0x30: {  	[sflag:s12] =	ssyncset.done $0x0  }
0x31: {  	[sflag:s12] =	ssyncadd.s32 $0xFFFF0000  }
0x32: {  	v3 =	vld [tilespmem:$0x0];
	_ =	sdelay $0x4  }
0x33: {  	v4 =	vshll.u32 v3, $0x4  }
0x34: {  	v3 =	vand.u32 $0x7, v3;
	v4 =	vand.u32 $0xFFFFFF80, v4  }
0x35: {  	v3 =	vor.u32 v3, v4  }
0x36: {  	v4 =	vperm.xlane v3, v0;
	_ =	sdelay $0x1  }
0x37: {  	v4 =	vadd.s32 v1, v4;
	_ =	sdelay $0x4  }
0x38: {  	[hbm4b:s3+s2] =	stream.indirect_vreg.scatter [tilespmem:s13], [sflag:$0x1], $0x80, v4, vm0, $0xb8;
	[tilespmem:$0x10080] =	vst v63  }
0x39: {  	s0 =	simm.s32 $0x880  }
0x3a: {  	[hbm4b:s4+s2] =	stream.indirect_vreg.scatter [tilespmem:s0], [sflag:$0x1], $0x80, v4, vm0, $0xb8;
	[tilespmem:$0x10080] =	vst v63  }
0x3b: {  	s14 =	simm.s32 $0x1080  }
0x3c: {  	[hbm4b:s5+s2] =	stream.indirect_vreg.scatter [tilespmem:s14], [sflag:$0x1], $0x80, v4, vm0, $0xb8;
	[tilespmem:$0x10080] =	vst v63  }
0x3d: {  	s15 =	simm.s32 $0x1880  }
0x3e: {  	[hbm4b:s6+s2] =	stream.indirect_vreg.scatter [tilespmem:s15], [sflag:$0x1], $0x80, v4, vm0, $0xb8;
	[tilespmem:$0x10080] =	vst v63  }
0x3f: {  	s16 =	simm.s32 $0x2080  }
0x40: {  	[hbm4b:s7+s2] =	stream.indirect_vreg.scatter [tilespmem:s16], [sflag:$0x1], $0x80, v4, vm0, $0xb8;
	[tilespmem:$0x10080] =	vst v63  }
0x41: {  	s17 =	simm.s32 $0x2880;
	v3 =	vperm.xlane v3, v2  }
0x42: {  	[hbm4b:s8+s2] =	stream.indirect_vreg.scatter [tilespmem:s17], [sflag:$0x1], $0x80, v4, vm0, $0xb8;
	[tilespmem:$0x10080] =	vst v63  }
0x43: {  	s18 =	simm.s32 $0x3080;
	v3 =	vadd.s32 v1, v3  }
0x44: {  	[hbm4b:s9+s2] =	stream.indirect_vreg.scatter [tilespmem:s18], [sflag:$0x1], $0x80, v4, vm0, $0xb8;
	[tilespmem:$0x10080] =	vst v63  }
0x45: {  	s19 =	simm.s32 $0x3880  }
0x46: {  	[hbm4b:s10+s2] =	stream.indirect_vreg.scatter [tilespmem:s19], [sflag:$0x1], $0x80, v4, vm0, $0xb8;
	[tilespmem:$0x10080] =	vst v63  }
0x47: {  	s20 =	simm.s32 $0x4080  }
0x48: {  	[hbm4b:s3+s2] =	stream.indirect_vreg.scatter [tilespmem:s20], [sflag:$0x1], $0x80, v3, vm0, $0xb8;
	[tilespmem:$0x10080] =	vst v63  }
0x49: {  	s22 =	simm.s32 $0x4880  }
0x4a: {  	[hbm4b:s4+s2] =	stream.indirect_vreg.scatter [tilespmem:s22], [sflag:$0x1], $0x80, v3, vm0, $0xb8;
	[tilespmem:$0x10080] =	vst v63  }
0x4b: {  	s23 =	simm.s32 $0x5080  }
0x4c: {  	[hbm4b:s5+s2] =	stream.indirect_vreg.scatter [tilespmem:s23], [sflag:$0x1], $0x80, v3, vm0, $0xb8;
	[tilespmem:$0x10080] =	vst v63  }
0x4d: {  	s24 =	simm.s32 $0x5880  }
0x4e: {  	[hbm4b:s6+s2] =	stream.indirect_vreg.scatter [tilespmem:s24], [sflag:$0x1], $0x80, v3, vm0, $0xb8;
	[tilespmem:$0x10080] =	vst v63  }
0x4f: {  	s25 =	simm.s32 $0x6080  }
0x50: {  	[hbm4b:s7+s2] =	stream.indirect_vreg.scatter [tilespmem:s25], [sflag:$0x1], $0x80, v3, vm0, $0xb8;
	[tilespmem:$0x10080] =	vst v63  }
0x51: {  	s28 =	simm.s32 $0x6880  }
0x52: {  	[hbm4b:s8+s2] =	stream.indirect_vreg.scatter [tilespmem:s28], [sflag:$0x1], $0x80, v3, vm0, $0xb8;
	[tilespmem:$0x10080] =	vst v63  }
0x53: {  	s29 =	simm.s32 $0x7080  }
0x54: {  	[hbm4b:s9+s2] =	stream.indirect_vreg.scatter [tilespmem:s29], [sflag:$0x1], $0x80, v3, vm0, $0xb8;
	[tilespmem:$0x10080] =	vst v63  }
0x55: {  	s30 =	simm.s32 $0x7880  }
0x56: {  	[hbm4b:s10+s2] =	stream.indirect_vreg.scatter [tilespmem:s30], [sflag:$0x1], $0x80, v3, vm0, $0xb8;
	[tilespmem:$0x10080] =	vst v63  }
0x57: {  	v3 =	vld [tilespmem:$0x10];
	_ =	sdelay $0x4  }
0x58: {  	v49 =	vshll.u32 v3, $0x4  }
0x59: {  	v3 =	vand.u32 $0x7, v3;
	v4 =	vand.u32 $0xFFFFFF80, v49  }
0x5a: {  	v3 =	vor.u32 v3, v4  }
0x5b: {  	v4 =	vperm.xlane v3, v0;
	_ =	sdelay $0x1  }
0x5c: {  	v4 =	vadd.s32 v1, v4;
	_ =	sdelay $0x3  }
0x5d: {  	s31 =	simm.s32 $0x8080  }
0x5e: {  	[hbm4b:s3+s2] =	stream.indirect_vreg.scatter [tilespmem:s31], [sflag:$0x1], $0x80, v4, vm0, $0xb8;
	[tilespmem:$0x10080] =	vst v63  }
0x5f: {  	s17 =	simm.s32 $0x8880  }
0x60: {  	[hbm4b:s4+s2] =	stream.indirect_vreg.scatter [tilespmem:s17], [sflag:$0x1], $0x80, v4, vm0, $0xb8;
	[tilespmem:$0x10080] =	vst v63  }
0x61: {  	s18 =	simm.s32 $0x9080  }
0x62: {  	[hbm4b:s5+s2] =	stream.indirect_vreg.scatter [tilespmem:s18], [sflag:$0x1], $0x80, v4, vm0, $0xb8;
	[tilespmem:$0x10080] =	vst v63  }
0x63: {  	s19 =	simm.s32 $0x9880  }
0x64: {  	[hbm4b:s6+s2] =	stream.indirect_vreg.scatter [tilespmem:s19], [sflag:$0x1], $0x80, v4, vm0, $0xb8;
	[tilespmem:$0x10080] =	vst v63  }
0x65: {  	s20 =	simm.s32 $0xA080  }
0x66: {  	[hbm4b:s7+s2] =	stream.indirect_vreg.scatter [tilespmem:s20], [sflag:$0x1], $0x80, v4, vm0, $0xb8;
	[tilespmem:$0x10080] =	vst v63  }
0x67: {  	s25 =	simm.s32 $0xA880;
	v3 =	vperm.xlane v3, v2  }
0x68: {  	[hbm4b:s8+s2] =	stream.indirect_vreg.scatter [tilespmem:s25], [sflag:$0x1], $0x80, v4, vm0, $0xb8;
	[tilespmem:$0x10080] =	vst v63  }
0x69: {  	s29 =	simm.s32 $0xB080;
	v3 =	vadd.s32 v1, v3  }
0x6a: {  	[hbm4b:s9+s2] =	stream.indirect_vreg.scatter [tilespmem:s29], [sflag:$0x1], $0x80, v4, vm0, $0xb8;
	[tilespmem:$0x10080] =	vst v63  }
0x6b: {  	s30 =	simm.s32 $0xB880  }
0x6c: {  	[hbm4b:s10+s2] =	stream.indirect_vreg.scatter [tilespmem:s30], [sflag:$0x1], $0x80, v4, vm0, $0xb8;
	[tilespmem:$0x10080] =	vst v63  }
0x6d: {  	s31 =	simm.s32 $0xC080  }
0x6e: {  	[hbm4b:s3+s2] =	stream.indirect_vreg.scatter [tilespmem:s31], [sflag:$0x1], $0x80, v3, vm0, $0xb8;
	[tilespmem:$0x10080] =	vst v63  }
0x6f: {  	s0 =	simm.s32 $0xC880  }
0x70: {  	[hbm4b:s4+s2] =	stream.indirect_vreg.scatter [tilespmem:s0], [sflag:$0x1], $0x80, v3, vm0, $0xb8;
	[tilespmem:$0x10080] =	vst v63  }
0x71: {  	s17 =	simm.s32 $0xD080  }
0x72: {  	[hbm4b:s5+s2] =	stream.indirect_vreg.scatter [tilespmem:s17], [sflag:$0x1], $0x80, v3, vm0, $0xb8;
	[tilespmem:$0x10080] =	vst v63  }
0x73: {  	s20 =	simm.s32 $0xD880  }
0x74: {  	[hbm4b:s6+s2] =	stream.indirect_vreg.scatter [tilespmem:s20], [sflag:$0x1], $0x80, v3, vm0, $0xb8;
	[tilespmem:$0x10080] =	vst v63  }
0x75: {  	s25 =	simm.s32 $0xE080  }
0x76: {  	[hbm4b:s7+s2] =	stream.indirect_vreg.scatter [tilespmem:s25], [sflag:$0x1], $0x80, v3, vm0, $0xb8;
	[tilespmem:$0x10080] =	vst v63  }
0x77: {  	s29 =	simm.s32 $0xE880  }
0x78: {  	[hbm4b:s8+s2] =	stream.indirect_vreg.scatter [tilespmem:s29], [sflag:$0x1], $0x80, v3, vm0, $0xb8;
	[tilespmem:$0x10080] =	vst v63  }
0x79: {  	s30 =	simm.s32 $0xF080  }
0x7a: {  	[hbm4b:s9+s2] =	stream.indirect_vreg.scatter [tilespmem:s30], [sflag:$0x1], $0x80, v3, vm0, $0xb8;
	[tilespmem:$0x10080] =	vst v63  }
0x7b: {  	s31 =	simm.s32 $0xF880  }
0x7c: {  	[hbm4b:s10+s2] =	stream.indirect_vreg.scatter [tilespmem:s31], [sflag:$0x1], $0x80, v3, vm0, $0xb8;
	[tilespmem:$0x10080] =	vst v63  }
0x7d: {  	_ =	swait.ge [sflag:s26], $0x10000  }
0x7e: {  	[sflag:s26] =	ssyncset.done $0x0  }
0x7f: {  	s0 =	rddreg [dreg:$0x4];
	[sflag:s26] =	ssyncadd.s32 $0xFFFF0000  }
0x80: {  	[tilespmem:s2], [sflag:$0x2] =	stream.linear.gather [hbm4b:s0+s2], $0x20, $0x38;
	[tilespmem:$0x10080] =	vst v63  }
0x81: {  	_ =	swait.ge [sflag:s12], $0x20  }
0x82: {  	[sflag:s12] =	ssyncset.done $0x0  }
0x83: {  	s17 =	rddreg [dreg:$0xc];
	[sflag:s12] =	ssyncadd.s32 $0xFFFFFFE0  }
0x84: {  	[tilespmem:s13], [sflag:$0x2] =	stream.linear.gather [hbm4b:s17+s2], $0x10000, $0x38;
	[tilespmem:$0x10080] =	vst v63  }
0x85: {  	_ =	swait.ge [sflag:s12], $0x10000  }
0x86: {  	[sflag:s12] =	ssyncset.done $0x0  }
0x87: {  	[sflag:s12] =	ssyncadd.s32 $0xFFFF0000  }
0x88: {  	v3 =	vld [tilespmem:$0x0];
	_ =	sdelay $0x4  }
0x89: {  	v50 =	vshll.u32 v3, $0x4  }
0x8a: {  	v3 =	vand.u32 $0x7, v3;
	v4 =	vand.u32 $0xFFFFFF80, v50  }
0x8b: {  	v3 =	vor.u32 v3, v4  }
0x8c: {  	v4 =	vperm.xlane v3, v0;
	_ =	sdelay $0x1  }
0x8d: {  	v4 =	vadd.s32 v1, v4;
	_ =	sdelay $0x4  }
0x8e: {  	[hbm4b:s3+s2] =	stream.indirect_vreg.scatter [tilespmem:s13], [sflag:$0x1], $0x80, v4, vm0, $0xb8;
	[tilespmem:$0x10080] =	vst v63  }
0x8f: {  	s1 =	simm.s32 $0x880  }
0x90: {  	[hbm4b:s4+s2] =	stream.indirect_vreg.scatter [tilespmem:s1], [sflag:$0x1], $0x80, v4, vm0, $0xb8;
	[tilespmem:$0x10080] =	vst v63  }
0x91: {  	s11 =	simm.s32 $0x1080  }
0x92: {  	[hbm4b:s5+s2] =	stream.indirect_vreg.scatter [tilespmem:s11], [sflag:$0x1], $0x80, v4, vm0, $0xb8;
	[tilespmem:$0x10080] =	vst v63  }
0x93: {  	s14 =	simm.s32 $0x1880  }
0x94: {  	[hbm4b:s6+s2] =	stream.indirect_vreg.scatter [tilespmem:s14], [sflag:$0x1], $0x80, v4, vm0, $0xb8;
	[tilespmem:$0x10080] =	vst v63  }
0x95: {  	s15 =	simm.s32 $0x2080  }
0x96: {  	[hbm4b:s7+s2] =	stream.indirect_vreg.scatter [tilespmem:s15], [sflag:$0x1], $0x80, v4, vm0, $0xb8;
	[tilespmem:$0x10080] =	vst v63  }
0x97: {  	s16 =	simm.s32 $0x2880;
	v3 =	vperm.xlane v3, v2  }
0x98: {  	[hbm4b:s8+s2] =	stream.indirect_vreg.scatter [tilespmem:s16], [sflag:$0x1], $0x80, v4, vm0, $0xb8;
	[tilespmem:$0x10080] =	vst v63  }
0x99: {  	s0 =	simm.s32 $0x3080;
	v3 =	vadd.s32 v1, v3  }
0x9a: {  	[hbm4b:s9+s2] =	stream.indirect_vreg.scatter [tilespmem:s0], [sflag:$0x1], $0x80, v4, vm0, $0xb8;
	[tilespmem:$0x10080] =	vst v63  }
0x9b: {  	s1 =	simm.s32 $0x3880  }
0x9c: {  	[hbm4b:s10+s2] =	stream.indirect_vreg.scatter [tilespmem:s1], [sflag:$0x1], $0x80, v4, vm0, $0xb8;
	[tilespmem:$0x10080] =	vst v63  }
0x9d: {  	s11 =	simm.s32 $0x4080  }
0x9e: {  	[hbm4b:s3+s2] =	stream.indirect_vreg.scatter [tilespmem:s11], [sflag:$0x1], $0x80, v3, vm0, $0xb8;
	[tilespmem:$0x10080] =	vst v63  }
0x9f: {  	s25 =	simm.s32 $0x4880  }
0xa0: {  	[hbm4b:s4+s2] =	stream.indirect_vreg.scatter [tilespmem:s25], [sflag:$0x1], $0x80, v3, vm0, $0xb8;
	[tilespmem:$0x10080] =	vst v63  }
0xa1: {  	s29 =	simm.s32 $0x5080  }
0xa2: {  	[hbm4b:s5+s2] =	stream.indirect_vreg.scatter [tilespmem:s29], [sflag:$0x1], $0x80, v3, vm0, $0xb8;
	[tilespmem:$0x10080] =	vst v63  }
0xa3: {  	s30 =	simm.s32 $0x5880  }
0xa4: {  	[hbm4b:s6+s2] =	stream.indirect_vreg.scatter [tilespmem:s30], [sflag:$0x1], $0x80, v3, vm0, $0xb8;
	[tilespmem:$0x10080] =	vst v63  }
0xa5: {  	s31 =	simm.s32 $0x6080  }
0xa6: {  	[hbm4b:s7+s2] =	stream.indirect_vreg.scatter [tilespmem:s31], [sflag:$0x1], $0x80, v3, vm0, $0xb8;
	[tilespmem:$0x10080] =	vst v63  }
0xa7: {  	s14 =	simm.s32 $0x6880  }
0xa8: {  	[hbm4b:s8+s2] =	stream.indirect_vreg.scatter [tilespmem:s14], [sflag:$0x1], $0x80, v3, vm0, $0xb8;
	[tilespmem:$0x10080] =	vst v63  }
0xa9: {  	s15 =	simm.s32 $0x7080  }
0xaa: {  	[hbm4b:s9+s2] =	stream.indirect_vreg.scatter [tilespmem:s15], [sflag:$0x1], $0x80, v3, vm0, $0xb8;
	[tilespmem:$0x10080] =	vst v63  }
0xab: {  	s17 =	simm.s32 $0x7880  }
0xac: {  	[hbm4b:s10+s2] =	stream.indirect_vreg.scatter [tilespmem:s17], [sflag:$0x1], $0x80, v3, vm0, $0xb8;
	[tilespmem:$0x10080] =	vst v63  }
0xad: {  	v3 =	vld [tilespmem:$0x10];
	_ =	sdelay $0x4  }
0xae: {  	v51 =	vshll.u32 v3, $0x4  }
0xaf: {  	v3 =	vand.u32 $0x7, v3;
	v4 =	vand.u32 $0xFFFFFF80, v51  }
0xb0: {  	v3 =	vor.u32 v3, v4  }
0xb1: {  	v4 =	vperm.xlane v3, v0;
	_ =	sdelay $0x1  }
0xb2: {  	v4 =	vadd.s32 v1, v4;
	_ =	sdelay $0x3  }
0xb3: {  	s16 =	simm.s32 $0x8080  }
0xb4: {  	[hbm4b:s3+s2] =	stream.indirect_vreg.scatter [tilespmem:s16], [sflag:$0x1], $0x80, v4, vm0, $0xb8;
	[tilespmem:$0x10080] =	vst v63  }
0xb5: {  	s22 =	simm.s32 $0x8880  }
0xb6: {  	[hbm4b:s4+s2] =	stream.indirect_vreg.scatter [tilespmem:s22], [sflag:$0x1], $0x80, v4, vm0, $0xb8;
	[tilespmem:$0x10080] =	vst v63  }
0xb7: {  	s23 =	simm.s32 $0x9080  }
0xb8: {  	[hbm4b:s5+s2] =	stream.indirect_vreg.scatter [tilespmem:s23], [sflag:$0x1], $0x80, v4, vm0, $0xb8;
	[tilespmem:$0x10080] =	vst v63  }
0xb9: {  	s24 =	simm.s32 $0x9880  }
0xba: {  	[hbm4b:s6+s2] =	stream.indirect_vreg.scatter [tilespmem:s24], [sflag:$0x1], $0x80, v4, vm0, $0xb8;
	[tilespmem:$0x10080] =	vst v63  }
0xbb: {  	s18 =	simm.s32 $0xA080  }
0xbc: {  	[hbm4b:s7+s2] =	stream.indirect_vreg.scatter [tilespmem:s18], [sflag:$0x1], $0x80, v4, vm0, $0xb8;
	[tilespmem:$0x10080] =	vst v63  }
0xbd: {  	s19 =	simm.s32 $0xA880;
	v3 =	vperm.xlane v3, v2  }
0xbe: {  	[hbm4b:s8+s2] =	stream.indirect_vreg.scatter [tilespmem:s19], [sflag:$0x1], $0x80, v4, vm0, $0xb8;
	[tilespmem:$0x10080] =	vst v63  }
0xbf: {  	v3 =	vadd.s32 v1, v3;
	s19 =	simm.s32 $0xB080  }
0xc0: {  	[hbm4b:s9+s2] =	stream.indirect_vreg.scatter [tilespmem:s19], [sflag:$0x1], $0x80, v4, vm0, $0xb8;
	[tilespmem:$0x10080] =	vst v63  }
0xc1: {  	s24 =	simm.s32 $0xB880  }
0xc2: {  	[hbm4b:s10+s2] =	stream.indirect_vreg.scatter [tilespmem:s24], [sflag:$0x1], $0x80, v4, vm0, $0xb8;
	[tilespmem:$0x10080] =	vst v63  }
0xc3: {  	s28 =	simm.s32 $0xC080  }
0xc4: {  	[hbm4b:s3+s2] =	stream.indirect_vreg.scatter [tilespmem:s28], [sflag:$0x1], $0x80, v3, vm0, $0xb8;
	[tilespmem:$0x10080] =	vst v63  }
0xc5: {  	s28 =	simm.s32 $0xC880  }
0xc6: {  	[hbm4b:s4+s2] =	stream.indirect_vreg.scatter [tilespmem:s28], [sflag:$0x1], $0x80, v3, vm0, $0xb8;
	[tilespmem:$0x10080] =	vst v63  }
0xc7: {  	s28 =	simm.s32 $0xD080  }
0xc8: {  	[hbm4b:s5+s2] =	stream.indirect_vreg.scatter [tilespmem:s28], [sflag:$0x1], $0x80, v3, vm0, $0xb8;
	[tilespmem:$0x10080] =	vst v63  }
0xc9: {  	s28 =	simm.s32 $0xD880  }
0xca: {  	[hbm4b:s6+s2] =	stream.indirect_vreg.scatter [tilespmem:s28], [sflag:$0x1], $0x80, v3, vm0, $0xb8;
	[tilespmem:$0x10080] =	vst v63  }
0xcb: {  	s28 =	simm.s32 $0xE080  }
0xcc: {  	[hbm4b:s7+s2] =	stream.indirect_vreg.scatter [tilespmem:s28], [sflag:$0x1], $0x80, v3, vm0, $0xb8;
	[tilespmem:$0x10080] =	vst v63  }
0xcd: {  	s28 =	simm.s32 $0xE880  }
0xce: {  	[hbm4b:s8+s2] =	stream.indirect_vreg.scatter [tilespmem:s28], [sflag:$0x1], $0x80, v3, vm0, $0xb8;
	[tilespmem:$0x10080] =	vst v63  }
0xcf: {  	s28 =	simm.s32 $0xF080  }
0xd0: {  	[hbm4b:s9+s2] =	stream.indirect_vreg.scatter [tilespmem:s28], [sflag:$0x1], $0x80, v3, vm0, $0xb8;
	[tilespmem:$0x10080] =	vst v63  }
0xd1: {  	s20 =	simm.s32 $0xF880  }
0xd2: {  	[hbm4b:s10+s2] =	stream.indirect_vreg.scatter [tilespmem:s20], [sflag:$0x1], $0x80, v3, vm0, $0xb8;
	[tilespmem:$0x10080] =	vst v63  }
0xd3: {  	_ =	swait.ge [sflag:s26], $0x10000  }
0xd4: {  	[sflag:s26] =	ssyncset.done $0x0  }
0xd5: {  	s28 =	rddreg [dreg:$0x5];
	[sflag:s26] =	ssyncadd.s32 $0xFFFF0000  }
0xd6: {  	[tilespmem:s2], [sflag:$0x2] =	stream.linear.gather [hbm4b:s28+s2], $0x20, $0x38;
	[tilespmem:$0x10080] =	vst v63  }
0xd7: {  	_ =	swait.ge [sflag:s12], $0x20  }
0xd8: {  	[sflag:s12] =	ssyncset.done $0x0  }
0xd9: {  	s28 =	rddreg [dreg:$0xd];
	[sflag:s12] =	ssyncadd.s32 $0xFFFFFFE0  }
0xda: {  	[tilespmem:s13], [sflag:$0x2] =	stream.linear.gather [hbm4b:s28+s2], $0x10000, $0x38;
	[tilespmem:$0x10080] =	vst v63  }
0xdb: {  	_ =	swait.ge [sflag:s12], $0x10000  }
0xdc: {  	[sflag:s12] =	ssyncset.done $0x0  }
0xdd: {  	[sflag:s12] =	ssyncadd.s32 $0xFFFF0000  }
0xde: {  	v3 =	vld [tilespmem:$0x0];
	_ =	sdelay $0x4  }
0xdf: {  	v52 =	vshll.u32 v3, $0x4  }
0xe0: {  	v3 =	vand.u32 $0x7, v3;
	v4 =	vand.u32 $0xFFFFFF80, v52  }
0xe1: {  	v3 =	vor.u32 v3, v4  }
0xe2: {  	v4 =	vperm.xlane v3, v0;
	_ =	sdelay $0x1  }
0xe3: {  	v4 =	vadd.s32 v1, v4;
	_ =	sdelay $0x4  }
0xe4: {  	[hbm4b:s3+s2] =	stream.indirect_vreg.scatter [tilespmem:s13], [sflag:$0x1], $0x80, v4, vm0, $0xb8;
	[tilespmem:$0x10080] =	vst v63  }
0xe5: {  	s28 =	simm.s32 $0x880  }
0xe6: {  	[hbm4b:s4+s2] =	stream.indirect_vreg.scatter [tilespmem:s28], [sflag:$0x1], $0x80, v4, vm0, $0xb8;
	[tilespmem:$0x10080] =	vst v63  }
0xe7: {  	s28 =	simm.s32 $0x1080  }
0xe8: {  	[hbm4b:s5+s2] =	stream.indirect_vreg.scatter [tilespmem:s28], [sflag:$0x1], $0x80, v4, vm0, $0xb8;
	[tilespmem:$0x10080] =	vst v63  }
0xe9: {  	s28 =	simm.s32 $0x1880  }
0xea: {  	[hbm4b:s6+s2] =	stream.indirect_vreg.scatter [tilespmem:s28], [sflag:$0x1], $0x80, v4, vm0, $0xb8;
	[tilespmem:$0x10080] =	vst v63  }
0xeb: {  	s28 =	simm.s32 $0x2080  }
0xec: {  	[hbm4b:s7+s2] =	stream.indirect_vreg.scatter [tilespmem:s28], [sflag:$0x1], $0x80, v4, vm0, $0xb8;
	[tilespmem:$0x10080] =	vst v63  }
0xed: {  	v3 =	vperm.xlane v3, v2;
	s28 =	simm.s32 $0x2880  }
0xee: {  	[hbm4b:s8+s2] =	stream.indirect_vreg.scatter [tilespmem:s28], [sflag:$0x1], $0x80, v4, vm0, $0xb8;
	[tilespmem:$0x10080] =	vst v63  }
0xef: {  	v3 =	vadd.s32 v1, v3  }
0xf0: {  	[hbm4b:s9+s2] =	stream.indirect_vreg.scatter [tilespmem:s0], [sflag:$0x1], $0x80, v4, vm0, $0xb8;
	[tilespmem:$0x10080] =	vst v63  }
0xf1: {  	_ = 	snop  }
0xf2: {  	[hbm4b:s10+s2] =	stream.indirect_vreg.scatter [tilespmem:s1], [sflag:$0x1], $0x80, v4, vm0, $0xb8;
	[tilespmem:$0x10080] =	vst v63  }
0xf3: {  	_ = 	snop  }
0xf4: {  	[hbm4b:s3+s2] =	stream.indirect_vreg.scatter [tilespmem:s11], [sflag:$0x1], $0x80, v3, vm0, $0xb8;
	[tilespmem:$0x10080] =	vst v63  }
0xf5: {  	_ = 	snop  }
0xf6: {  	[hbm4b:s4+s2] =	stream.indirect_vreg.scatter [tilespmem:s25], [sflag:$0x1], $0x80, v3, vm0, $0xb8;
	[tilespmem:$0x10080] =	vst v63  }
0xf7: {  	_ = 	snop  }
0xf8: {  	[hbm4b:s5+s2] =	stream.indirect_vreg.scatter [tilespmem:s29], [sflag:$0x1], $0x80, v3, vm0, $0xb8;
	[tilespmem:$0x10080] =	vst v63  }
0xf9: {  	_ = 	snop  }
0xfa: {  	[hbm4b:s6+s2] =	stream.indirect_vreg.scatter [tilespmem:s30], [sflag:$0x1], $0x80, v3, vm0, $0xb8;
	[tilespmem:$0x10080] =	vst v63  }
0xfb: {  	_ = 	snop  }
0xfc: {  	[hbm4b:s7+s2] =	stream.indirect_vreg.scatter [tilespmem:s31], [sflag:$0x1], $0x80, v3, vm0, $0xb8;
	[tilespmem:$0x10080] =	vst v63  }
0xfd: {  	_ = 	snop  }
0xfe: {  	[hbm4b:s8+s2] =	stream.indirect_vreg.scatter [tilespmem:s14], [sflag:$0x1], $0x80, v3, vm0, $0xb8;
	[tilespmem:$0x10080] =	vst v63  }
0xff: {  	_ = 	snop  }
0x100: {  	[hbm4b:s9+s2] =	stream.indirect_vreg.scatter [tilespmem:s15], [sflag:$0x1], $0x80, v3, vm0, $0xb8;
	[tilespmem:$0x10080] =	vst v63  }
0x101: {  	_ = 	snop  }
0x102: {  	[hbm4b:s10+s2] =	stream.indirect_vreg.scatter [tilespmem:s17], [sflag:$0x1], $0x80, v3, vm0, $0xb8;
	[tilespmem:$0x10080] =	vst v63  }
0x103: {  	v3 =	vld [tilespmem:$0x10];
	_ =	sdelay $0x4  }
0x104: {  	v53 =	vshll.u32 v3, $0x4  }
0x105: {  	v3 =	vand.u32 $0x7, v3;
	v4 =	vand.u32 $0xFFFFFF80, v53  }
0x106: {  	v3 =	vor.u32 v3, v4  }
0x107: {  	v4 =	vperm.xlane v3, v0;
	_ =	sdelay $0x1  }
0x108: {  	v4 =	vadd.s32 v1, v4;
	_ =	sdelay $0x4  }
0x109: {  	[hbm4b:s3+s2] =	stream.indirect_vreg.scatter [tilespmem:s16], [sflag:$0x1], $0x80, v4, vm0, $0xb8;
	[tilespmem:$0x10080] =	vst v63  }
0x10a: {  	s28 =	simm.s32 $0x8880  }
0x10b: {  	[hbm4b:s4+s2] =	stream.indirect_vreg.scatter [tilespmem:s28], [sflag:$0x1], $0x80, v4, vm0, $0xb8;
	[tilespmem:$0x10080] =	vst v63  }
0x10c: {  	s22 =	simm.s32 $0x9080  }
0x10d: {  	[hbm4b:s5+s2] =	stream.indirect_vreg.scatter [tilespmem:s22], [sflag:$0x1], $0x80, v4, vm0, $0xb8;
	[tilespmem:$0x10080] =	vst v63  }
0x10e: {  	s23 =	simm.s32 $0x9880  }
0x10f: {  	[hbm4b:s6+s2] =	stream.indirect_vreg.scatter [tilespmem:s23], [sflag:$0x1], $0x80, v4, vm0, $0xb8;
	[tilespmem:$0x10080] =	vst v63  }
0x110: {  	s28 =	simm.s32 $0xA080  }
0x111: {  	[hbm4b:s7+s2] =	stream.indirect_vreg.scatter [tilespmem:s28], [sflag:$0x1], $0x80, v4, vm0, $0xb8;
	[tilespmem:$0x10080] =	vst v63  }
0x112: {  	v3 =	vperm.xlane v3, v2;
	s28 =	simm.s32 $0xA880  }
0x113: {  	[hbm4b:s8+s2] =	stream.indirect_vreg.scatter [tilespmem:s28], [sflag:$0x1], $0x80, v4, vm0, $0xb8;
	[tilespmem:$0x10080] =	vst v63  }
0x114: {  	s18 =	simm.s32 $0xB080;
	v3 =	vadd.s32 v1, v3  }
0x115: {  	[hbm4b:s9+s2] =	stream.indirect_vreg.scatter [tilespmem:s18], [sflag:$0x1], $0x80, v4, vm0, $0xb8;
	[tilespmem:$0x10080] =	vst v63  }
0x116: {  	s19 =	simm.s32 $0xB880  }
0x117: {  	[hbm4b:s10+s2] =	stream.indirect_vreg.scatter [tilespmem:s19], [sflag:$0x1], $0x80, v4, vm0, $0xb8;
	[tilespmem:$0x10080] =	vst v63  }
0x118: {  	s24 =	simm.s32 $0xC080  }
0x119: {  	[hbm4b:s3+s2] =	stream.indirect_vreg.scatter [tilespmem:s24], [sflag:$0x1], $0x80, v3, vm0, $0xb8;
	[tilespmem:$0x10080] =	vst v63  }
0x11a: {  	s28 =	simm.s32 $0xC880  }
0x11b: {  	[hbm4b:s4+s2] =	stream.indirect_vreg.scatter [tilespmem:s28], [sflag:$0x1], $0x80, v3, vm0, $0xb8;
	[tilespmem:$0x10080] =	vst v63  }
0x11c: {  	s28 =	simm.s32 $0xD080  }
0x11d: {  	[hbm4b:s5+s2] =	stream.indirect_vreg.scatter [tilespmem:s28], [sflag:$0x1], $0x80, v3, vm0, $0xb8;
	[tilespmem:$0x10080] =	vst v63  }
0x11e: {  	s28 =	simm.s32 $0xD880  }
0x11f: {  	[hbm4b:s6+s2] =	stream.indirect_vreg.scatter [tilespmem:s28], [sflag:$0x1], $0x80, v3, vm0, $0xb8;
	[tilespmem:$0x10080] =	vst v63  }
0x120: {  	s28 =	simm.s32 $0xE080  }
0x121: {  	[hbm4b:s7+s2] =	stream.indirect_vreg.scatter [tilespmem:s28], [sflag:$0x1], $0x80, v3, vm0, $0xb8;
	[tilespmem:$0x10080] =	vst v63  }
0x122: {  	s28 =	simm.s32 $0xE880  }
0x123: {  	[hbm4b:s8+s2] =	stream.indirect_vreg.scatter [tilespmem:s28], [sflag:$0x1], $0x80, v3, vm0, $0xb8;
	[tilespmem:$0x10080] =	vst v63  }
0x124: {  	s28 =	simm.s32 $0xF080  }
0x125: {  	[hbm4b:s9+s2] =	stream.indirect_vreg.scatter [tilespmem:s28], [sflag:$0x1], $0x80, v3, vm0, $0xb8;
	[tilespmem:$0x10080] =	vst v63  }
0x126: {  	s20 =	simm.s32 $0xF880  }
0x127: {  	[hbm4b:s10+s2] =	stream.indirect_vreg.scatter [tilespmem:s20], [sflag:$0x1], $0x80, v3, vm0, $0xb8;
	[tilespmem:$0x10080] =	vst v63  }
0x128: {  	_ =	swait.ge [sflag:s26], $0x10000  }
0x129: {  	[sflag:s26] =	ssyncset.done $0x0  }
0x12a: {  	s28 =	rddreg [dreg:$0x6];
	[sflag:s26] =	ssyncadd.s32 $0xFFFF0000  }
0x12b: {  	[tilespmem:s2], [sflag:$0x2] =	stream.linear.gather [hbm4b:s28+s2], $0x20, $0x38;
	[tilespmem:$0x10080] =	vst v63  }
0x12c: {  	_ =	swait.ge [sflag:s12], $0x20  }
0x12d: {  	[sflag:s12] =	ssyncset.done $0x0  }
0x12e: {  	s28 =	rddreg [dreg:$0xe];
	[sflag:s12] =	ssyncadd.s32 $0xFFFFFFE0  }
0x12f: {  	[tilespmem:s13], [sflag:$0x2] =	stream.linear.gather [hbm4b:s28+s2], $0x10000, $0x38;
	[tilespmem:$0x10080] =	vst v63  }
0x130: {  	_ =	swait.ge [sflag:s12], $0x10000  }
0x131: {  	[sflag:s12] =	ssyncset.done $0x0  }
0x132: {  	[sflag:s12] =	ssyncadd.s32 $0xFFFF0000  }
0x133: {  	v3 =	vld [tilespmem:$0x0];
	_ =	sdelay $0x4  }
0x134: {  	v54 =	vshll.u32 v3, $0x4  }
0x135: {  	v3 =	vand.u32 $0x7, v3;
	v4 =	vand.u32 $0xFFFFFF80, v54  }
0x136: {  	v3 =	vor.u32 v3, v4  }
0x137: {  	v4 =	vperm.xlane v3, v0;
	_ =	sdelay $0x1  }
0x138: {  	v4 =	vadd.s32 v1, v4;
	_ =	sdelay $0x4  }
0x139: {  	[hbm4b:s3+s2] =	stream.indirect_vreg.scatter [tilespmem:s13], [sflag:$0x1], $0x80, v4, vm0, $0xb8;
	[tilespmem:$0x10080] =	vst v63  }
0x13a: {  	s28 =	simm.s32 $0x880  }
0x13b: {  	[hbm4b:s4+s2] =	stream.indirect_vreg.scatter [tilespmem:s28], [sflag:$0x1], $0x80, v4, vm0, $0xb8;
	[tilespmem:$0x10080] =	vst v63  }
0x13c: {  	s28 =	simm.s32 $0x1080  }
0x13d: {  	[hbm4b:s5+s2] =	stream.indirect_vreg.scatter [tilespmem:s28], [sflag:$0x1], $0x80, v4, vm0, $0xb8;
	[tilespmem:$0x10080] =	vst v63  }
0x13e: {  	s28 =	simm.s32 $0x1880  }
0x13f: {  	[hbm4b:s6+s2] =	stream.indirect_vreg.scatter [tilespmem:s28], [sflag:$0x1], $0x80, v4, vm0, $0xb8;
	[tilespmem:$0x10080] =	vst v63  }
0x140: {  	s28 =	simm.s32 $0x2080  }
0x141: {  	[hbm4b:s7+s2] =	stream.indirect_vreg.scatter [tilespmem:s28], [sflag:$0x1], $0x80, v4, vm0, $0xb8;
	[tilespmem:$0x10080] =	vst v63  }
0x142: {  	v3 =	vperm.xlane v3, v2;
	s28 =	simm.s32 $0x2880  }
0x143: {  	[hbm4b:s8+s2] =	stream.indirect_vreg.scatter [tilespmem:s28], [sflag:$0x1], $0x80, v4, vm0, $0xb8;
	[tilespmem:$0x10080] =	vst v63  }
0x144: {  	s0 =	simm.s32 $0x3080;
	v3 =	vadd.s32 v1, v3  }
0x145: {  	[hbm4b:s9+s2] =	stream.indirect_vreg.scatter [tilespmem:s0], [sflag:$0x1], $0x80, v4, vm0, $0xb8;
	[tilespmem:$0x10080] =	vst v63  }
0x146: {  	s1 =	simm.s32 $0x3880  }
0x147: {  	[hbm4b:s10+s2] =	stream.indirect_vreg.scatter [tilespmem:s1], [sflag:$0x1], $0x80, v4, vm0, $0xb8;
	[tilespmem:$0x10080] =	vst v63  }
0x148: {  	s11 =	simm.s32 $0x4080  }
0x149: {  	[hbm4b:s3+s2] =	stream.indirect_vreg.scatter [tilespmem:s11], [sflag:$0x1], $0x80, v3, vm0, $0xb8;
	[tilespmem:$0x10080] =	vst v63  }
0x14a: {  	s25 =	simm.s32 $0x4880  }
0x14b: {  	[hbm4b:s4+s2] =	stream.indirect_vreg.scatter [tilespmem:s25], [sflag:$0x1], $0x80, v3, vm0, $0xb8;
	[tilespmem:$0x10080] =	vst v63  }
0x14c: {  	s29 =	simm.s32 $0x5080  }
0x14d: {  	[hbm4b:s5+s2] =	stream.indirect_vreg.scatter [tilespmem:s29], [sflag:$0x1], $0x80, v3, vm0, $0xb8;
	[tilespmem:$0x10080] =	vst v63  }
0x14e: {  	s30 =	simm.s32 $0x5880  }
0x14f: {  	[hbm4b:s6+s2] =	stream.indirect_vreg.scatter [tilespmem:s30], [sflag:$0x1], $0x80, v3, vm0, $0xb8;
	[tilespmem:$0x10080] =	vst v63  }
0x150: {  	s31 =	simm.s32 $0x6080  }
0x151: {  	[hbm4b:s7+s2] =	stream.indirect_vreg.scatter [tilespmem:s31], [sflag:$0x1], $0x80, v3, vm0, $0xb8;
	[tilespmem:$0x10080] =	vst v63  }
0x152: {  	s14 =	simm.s32 $0x6880  }
0x153: {  	[hbm4b:s8+s2] =	stream.indirect_vreg.scatter [tilespmem:s14], [sflag:$0x1], $0x80, v3, vm0, $0xb8;
	[tilespmem:$0x10080] =	vst v63  }
0x154: {  	s15 =	simm.s32 $0x7080  }
0x155: {  	[hbm4b:s9+s2] =	stream.indirect_vreg.scatter [tilespmem:s15], [sflag:$0x1], $0x80, v3, vm0, $0xb8;
	[tilespmem:$0x10080] =	vst v63  }
0x156: {  	s17 =	simm.s32 $0x7880  }
0x157: {  	[hbm4b:s10+s2] =	stream.indirect_vreg.scatter [tilespmem:s17], [sflag:$0x1], $0x80, v3, vm0, $0xb8;
	[tilespmem:$0x10080] =	vst v63  }
0x158: {  	v3 =	vld [tilespmem:$0x10];
	_ =	sdelay $0x4  }
0x159: {  	v55 =	vshll.u32 v3, $0x4  }
0x15a: {  	v3 =	vand.u32 $0x7, v3;
	v4 =	vand.u32 $0xFFFFFF80, v55  }
0x15b: {  	v3 =	vor.u32 v3, v4  }
0x15c: {  	v4 =	vperm.xlane v3, v0;
	_ =	sdelay $0x1  }
0x15d: {  	v4 =	vadd.s32 v1, v4;
	_ =	sdelay $0x3  }
0x15e: {  	s16 =	simm.s32 $0x8080  }
0x15f: {  	[hbm4b:s3+s2] =	stream.indirect_vreg.scatter [tilespmem:s16], [sflag:$0x1], $0x80, v4, vm0, $0xb8;
	[tilespmem:$0x10080] =	vst v63  }
0x160: {  	s28 =	simm.s32 $0x8880  }
0x161: {  	[hbm4b:s4+s2] =	stream.indirect_vreg.scatter [tilespmem:s28], [sflag:$0x1], $0x80, v4, vm0, $0xb8;
	[tilespmem:$0x10080] =	vst v63  }
0x162: {  	s22 =	simm.s32 $0x9080  }
0x163: {  	[hbm4b:s5+s2] =	stream.indirect_vreg.scatter [tilespmem:s22], [sflag:$0x1], $0x80, v4, vm0, $0xb8;
	[tilespmem:$0x10080] =	vst v63  }
0x164: {  	s23 =	simm.s32 $0x9880  }
0x165: {  	[hbm4b:s6+s2] =	stream.indirect_vreg.scatter [tilespmem:s23], [sflag:$0x1], $0x80, v4, vm0, $0xb8;
	[tilespmem:$0x10080] =	vst v63  }
0x166: {  	s28 =	simm.s32 $0xA080  }
0x167: {  	[hbm4b:s7+s2] =	stream.indirect_vreg.scatter [tilespmem:s28], [sflag:$0x1], $0x80, v4, vm0, $0xb8;
	[tilespmem:$0x10080] =	vst v63  }
0x168: {  	v3 =	vperm.xlane v3, v2;
	s28 =	simm.s32 $0xA880  }
0x169: {  	[hbm4b:s8+s2] =	stream.indirect_vreg.scatter [tilespmem:s28], [sflag:$0x1], $0x80, v4, vm0, $0xb8;
	[tilespmem:$0x10080] =	vst v63  }
0x16a: {  	s18 =	simm.s32 $0xB080;
	v3 =	vadd.s32 v1, v3  }
0x16b: {  	[hbm4b:s9+s2] =	stream.indirect_vreg.scatter [tilespmem:s18], [sflag:$0x1], $0x80, v4, vm0, $0xb8;
	[tilespmem:$0x10080] =	vst v63  }
0x16c: {  	s19 =	simm.s32 $0xB880  }
0x16d: {  	[hbm4b:s10+s2] =	stream.indirect_vreg.scatter [tilespmem:s19], [sflag:$0x1], $0x80, v4, vm0, $0xb8;
	[tilespmem:$0x10080] =	vst v63  }
0x16e: {  	s24 =	simm.s32 $0xC080  }
0x16f: {  	[hbm4b:s3+s2] =	stream.indirect_vreg.scatter [tilespmem:s24], [sflag:$0x1], $0x80, v3, vm0, $0xb8;
	[tilespmem:$0x10080] =	vst v63  }
0x170: {  	s28 =	simm.s32 $0xC880  }
0x171: {  	[hbm4b:s4+s2] =	stream.indirect_vreg.scatter [tilespmem:s28], [sflag:$0x1], $0x80, v3, vm0, $0xb8;
	[tilespmem:$0x10080] =	vst v63  }
0x172: {  	s28 =	simm.s32 $0xD080  }
0x173: {  	[hbm4b:s5+s2] =	stream.indirect_vreg.scatter [tilespmem:s28], [sflag:$0x1], $0x80, v3, vm0, $0xb8;
	[tilespmem:$0x10080] =	vst v63  }
0x174: {  	s28 =	simm.s32 $0xD880  }
0x175: {  	[hbm4b:s6+s2] =	stream.indirect_vreg.scatter [tilespmem:s28], [sflag:$0x1], $0x80, v3, vm0, $0xb8;
	[tilespmem:$0x10080] =	vst v63  }
0x176: {  	s28 =	simm.s32 $0xE080  }
0x177: {  	[hbm4b:s7+s2] =	stream.indirect_vreg.scatter [tilespmem:s28], [sflag:$0x1], $0x80, v3, vm0, $0xb8;
	[tilespmem:$0x10080] =	vst v63  }
0x178: {  	s28 =	simm.s32 $0xE880  }
0x179: {  	[hbm4b:s8+s2] =	stream.indirect_vreg.scatter [tilespmem:s28], [sflag:$0x1], $0x80, v3, vm0, $0xb8;
	[tilespmem:$0x10080] =	vst v63  }
0x17a: {  	s28 =	simm.s32 $0xF080  }
0x17b: {  	[hbm4b:s9+s2] =	stream.indirect_vreg.scatter [tilespmem:s28], [sflag:$0x1], $0x80, v3, vm0, $0xb8;
	[tilespmem:$0x10080] =	vst v63  }
0x17c: {  	s20 =	simm.s32 $0xF880  }
0x17d: {  	[hbm4b:s10+s2] =	stream.indirect_vreg.scatter [tilespmem:s20], [sflag:$0x1], $0x80, v3, vm0, $0xb8;
	[tilespmem:$0x10080] =	vst v63  }
0x17e: {  	_ =	swait.ge [sflag:s26], $0x10000  }
0x17f: {  	[sflag:s26] =	ssyncset.done $0x0  }
0x180: {  	s28 =	rddreg [dreg:$0x7];
	[sflag:s26] =	ssyncadd.s32 $0xFFFF0000  }
0x181: {  	[tilespmem:s2], [sflag:$0x2] =	stream.linear.gather [hbm4b:s28+s2], $0x20, $0x38;
	[tilespmem:$0x10080] =	vst v63  }
0x182: {  	_ =	swait.ge [sflag:s12], $0x20  }
0x183: {  	[sflag:s12] =	ssyncset.done $0x0  }
0x184: {  	s28 =	rddreg [dreg:$0xf];
	[sflag:s12] =	ssyncadd.s32 $0xFFFFFFE0  }
0x185: {  	[tilespmem:s13], [sflag:$0x2] =	stream.linear.gather [hbm4b:s28+s2], $0x10000, $0x38;
	[tilespmem:$0x10080] =	vst v63  }
0x186: {  	_ =	swait.ge [sflag:s12], $0x10000  }
0x187: {  	[sflag:s12] =	ssyncset.done $0x0  }
0x188: {  	[sflag:s12] =	ssyncadd.s32 $0xFFFF0000  }
0x189: {  	v3 =	vld [tilespmem:$0x0];
	_ =	sdelay $0x4  }
0x18a: {  	v56 =	vshll.u32 v3, $0x4  }
0x18b: {  	v3 =	vand.u32 $0x7, v3;
	v4 =	vand.u32 $0xFFFFFF80, v56  }
0x18c: {  	v3 =	vor.u32 v3, v4  }
0x18d: {  	v4 =	vperm.xlane v3, v0;
	_ =	sdelay $0x1  }
0x18e: {  	v4 =	vadd.s32 v1, v4;
	_ =	sdelay $0x4  }
0x18f: {  	[hbm4b:s3+s2] =	stream.indirect_vreg.scatter [tilespmem:s13], [sflag:$0x1], $0x80, v4, vm0, $0xb8;
	[tilespmem:$0x10080] =	vst v63  }
0x190: {  	s28 =	simm.s32 $0x880  }
0x191: {  	[hbm4b:s4+s2] =	stream.indirect_vreg.scatter [tilespmem:s28], [sflag:$0x1], $0x80, v4, vm0, $0xb8;
	[tilespmem:$0x10080] =	vst v63  }
0x192: {  	s28 =	simm.s32 $0x1080  }
0x193: {  	[hbm4b:s5+s2] =	stream.indirect_vreg.scatter [tilespmem:s28], [sflag:$0x1], $0x80, v4, vm0, $0xb8;
	[tilespmem:$0x10080] =	vst v63  }
0x194: {  	s28 =	simm.s32 $0x1880  }
0x195: {  	[hbm4b:s6+s2] =	stream.indirect_vreg.scatter [tilespmem:s28], [sflag:$0x1], $0x80, v4, vm0, $0xb8;
	[tilespmem:$0x10080] =	vst v63  }
0x196: {  	s28 =	simm.s32 $0x2080  }
0x197: {  	[hbm4b:s7+s2] =	stream.indirect_vreg.scatter [tilespmem:s28], [sflag:$0x1], $0x80, v4, vm0, $0xb8;
	[tilespmem:$0x10080] =	vst v63  }
0x198: {  	v3 =	vperm.xlane v3, v2;
	s28 =	simm.s32 $0x2880  }
0x199: {  	[hbm4b:s8+s2] =	stream.indirect_vreg.scatter [tilespmem:s28], [sflag:$0x1], $0x80, v4, vm0, $0xb8;
	[tilespmem:$0x10080] =	vst v63  }
0x19a: {  	s0 =	simm.s32 $0x3080;
	v3 =	vadd.s32 v1, v3  }
0x19b: {  	[hbm4b:s9+s2] =	stream.indirect_vreg.scatter [tilespmem:s0], [sflag:$0x1], $0x80, v4, vm0, $0xb8;
	[tilespmem:$0x10080] =	vst v63  }
0x19c: {  	s1 =	simm.s32 $0x3880  }
0x19d: {  	[hbm4b:s10+s2] =	stream.indirect_vreg.scatter [tilespmem:s1], [sflag:$0x1], $0x80, v4, vm0, $0xb8;
	[tilespmem:$0x10080] =	vst v63  }
0x19e: {  	s11 =	simm.s32 $0x4080  }
0x19f: {  	[hbm4b:s3+s2] =	stream.indirect_vreg.scatter [tilespmem:s11], [sflag:$0x1], $0x80, v3, vm0, $0xb8;
	[tilespmem:$0x10080] =	vst v63  }
0x1a0: {  	s25 =	simm.s32 $0x4880  }
0x1a1: {  	[hbm4b:s4+s2] =	stream.indirect_vreg.scatter [tilespmem:s25], [sflag:$0x1], $0x80, v3, vm0, $0xb8;
	[tilespmem:$0x10080] =	vst v63  }
0x1a2: {  	s29 =	simm.s32 $0x5080  }
0x1a3: {  	[hbm4b:s5+s2] =	stream.indirect_vreg.scatter [tilespmem:s29], [sflag:$0x1], $0x80, v3, vm0, $0xb8;
	[tilespmem:$0x10080] =	vst v63  }
0x1a4: {  	s30 =	simm.s32 $0x5880  }
0x1a5: {  	[hbm4b:s6+s2] =	stream.indirect_vreg.scatter [tilespmem:s30], [sflag:$0x1], $0x80, v3, vm0, $0xb8;
	[tilespmem:$0x10080] =	vst v63  }
0x1a6: {  	s31 =	simm.s32 $0x6080  }
0x1a7: {  	[hbm4b:s7+s2] =	stream.indirect_vreg.scatter [tilespmem:s31], [sflag:$0x1], $0x80, v3, vm0, $0xb8;
	[tilespmem:$0x10080] =	vst v63  }
0x1a8: {  	s14 =	simm.s32 $0x6880  }
0x1a9: {  	[hbm4b:s8+s2] =	stream.indirect_vreg.scatter [tilespmem:s14], [sflag:$0x1], $0x80, v3, vm0, $0xb8;
	[tilespmem:$0x10080] =	vst v63  }
0x1aa: {  	s15 =	simm.s32 $0x7080  }
0x1ab: {  	[hbm4b:s9+s2] =	stream.indirect_vreg.scatter [tilespmem:s15], [sflag:$0x1], $0x80, v3, vm0, $0xb8;
	[tilespmem:$0x10080] =	vst v63  }
0x1ac: {  	s28 =	simm.s32 $0x7880  }
0x1ad: {  	[hbm4b:s10+s2] =	stream.indirect_vreg.scatter [tilespmem:s28], [sflag:$0x1], $0x80, v3, vm0, $0xb8;
	[tilespmem:$0x10080] =	vst v63  }
0x1ae: {  	v3 =	vld [tilespmem:$0x10];
	_ =	sdelay $0x4  }
0x1af: {  	v57 =	vshll.u32 v3, $0x4  }
0x1b0: {  	v3 =	vand.u32 $0x7, v3;
	v4 =	vand.u32 $0xFFFFFF80, v57  }
0x1b1: {  	v3 =	vor.u32 v3, v4  }
0x1b2: {  	v4 =	vperm.xlane v3, v0;
	_ =	sdelay $0x1  }
0x1b3: {  	v4 =	vadd.s32 v1, v4;
	_ =	sdelay $0x3  }
0x1b4: {  	s16 =	simm.s32 $0x8080  }
0x1b5: {  	[hbm4b:s3+s2] =	stream.indirect_vreg.scatter [tilespmem:s16], [sflag:$0x1], $0x80, v4, vm0, $0xb8;
	[tilespmem:$0x10080] =	vst v63  }
0x1b6: {  	s28 =	simm.s32 $0x8880  }
0x1b7: {  	[hbm4b:s4+s2] =	stream.indirect_vreg.scatter [tilespmem:s28], [sflag:$0x1], $0x80, v4, vm0, $0xb8;
	[tilespmem:$0x10080] =	vst v63  }
0x1b8: {  	s17 =	simm.s32 $0x9080  }
0x1b9: {  	[hbm4b:s5+s2] =	stream.indirect_vreg.scatter [tilespmem:s17], [sflag:$0x1], $0x80, v4, vm0, $0xb8;
	[tilespmem:$0x10080] =	vst v63  }
0x1ba: {  	s23 =	simm.s32 $0x9880  }
0x1bb: {  	[hbm4b:s6+s2] =	stream.indirect_vreg.scatter [tilespmem:s23], [sflag:$0x1], $0x80, v4, vm0, $0xb8;
	[tilespmem:$0x10080] =	vst v63  }
0x1bc: {  	s28 =	simm.s32 $0xA080  }
0x1bd: {  	[hbm4b:s7+s2] =	stream.indirect_vreg.scatter [tilespmem:s28], [sflag:$0x1], $0x80, v4, vm0, $0xb8;
	[tilespmem:$0x10080] =	vst v63  }
0x1be: {  	v3 =	vperm.xlane v3, v2;
	s28 =	simm.s32 $0xA880  }
0x1bf: {  	[hbm4b:s8+s2] =	stream.indirect_vreg.scatter [tilespmem:s28], [sflag:$0x1], $0x80, v4, vm0, $0xb8;
	[tilespmem:$0x10080] =	vst v63  }
0x1c0: {  	s22 =	simm.s32 $0xB080;
	v3 =	vadd.s32 v1, v3  }
0x1c1: {  	[hbm4b:s9+s2] =	stream.indirect_vreg.scatter [tilespmem:s22], [sflag:$0x1], $0x80, v4, vm0, $0xb8;
	[tilespmem:$0x10080] =	vst v63  }
0x1c2: {  	s18 =	simm.s32 $0xB880  }
0x1c3: {  	[hbm4b:s10+s2] =	stream.indirect_vreg.scatter [tilespmem:s18], [sflag:$0x1], $0x80, v4, vm0, $0xb8;
	[tilespmem:$0x10080] =	vst v63  }
0x1c4: {  	s19 =	simm.s32 $0xC080  }
0x1c5: {  	[hbm4b:s3+s2] =	stream.indirect_vreg.scatter [tilespmem:s19], [sflag:$0x1], $0x80, v3, vm0, $0xb8;
	[tilespmem:$0x10080] =	vst v63  }
0x1c6: {  	s24 =	simm.s32 $0xC880  }
0x1c7: {  	[hbm4b:s4+s2] =	stream.indirect_vreg.scatter [tilespmem:s24], [sflag:$0x1], $0x80, v3, vm0, $0xb8;
	[tilespmem:$0x10080] =	vst v63  }
0x1c8: {  	s28 =	simm.s32 $0xD080  }
0x1c9: {  	[hbm4b:s5+s2] =	stream.indirect_vreg.scatter [tilespmem:s28], [sflag:$0x1], $0x80, v3, vm0, $0xb8;
	[tilespmem:$0x10080] =	vst v63  }
0x1ca: {  	s28 =	simm.s32 $0xD880  }
0x1cb: {  	[hbm4b:s6+s2] =	stream.indirect_vreg.scatter [tilespmem:s28], [sflag:$0x1], $0x80, v3, vm0, $0xb8;
	[tilespmem:$0x10080] =	vst v63  }
0x1cc: {  	s28 =	simm.s32 $0xE080  }
0x1cd: {  	[hbm4b:s7+s2] =	stream.indirect_vreg.scatter [tilespmem:s28], [sflag:$0x1], $0x80, v3, vm0, $0xb8;
	[tilespmem:$0x10080] =	vst v63  }
0x1ce: {  	s28 =	simm.s32 $0xE880  }
0x1cf: {  	[hbm4b:s8+s2] =	stream.indirect_vreg.scatter [tilespmem:s28], [sflag:$0x1], $0x80, v3, vm0, $0xb8;
	[tilespmem:$0x10080] =	vst v63  }
0x1d0: {  	s28 =	simm.s32 $0xF080  }
0x1d1: {  	[hbm4b:s9+s2] =	stream.indirect_vreg.scatter [tilespmem:s28], [sflag:$0x1], $0x80, v3, vm0, $0xb8;
	[tilespmem:$0x10080] =	vst v63  }
0x1d2: {  	s20 =	simm.s32 $0xF880  }
0x1d3: {  	[hbm4b:s10+s2] =	stream.indirect_vreg.scatter [tilespmem:s20], [sflag:$0x1], $0x80, v3, vm0, $0xb8;
	[tilespmem:$0x10080] =	vst v63  }
0x1d4: {  	_ =	swait.ge [sflag:s26], $0x10000  }
0x1d5: {  	[sflag:s26] =	ssyncset.done $0x0  }
0x1d6: {  	s28 =	rddreg [dreg:$0x8];
	[sflag:s26] =	ssyncadd.s32 $0xFFFF0000  }
0x1d7: {  	[tilespmem:s2], [sflag:$0x2] =	stream.linear.gather [hbm4b:s28+s2], $0x20, $0x38;
	[tilespmem:$0x10080] =	vst v63  }
0x1d8: {  	_ =	swait.ge [sflag:s12], $0x20  }
0x1d9: {  	[sflag:s12] =	ssyncset.done $0x0  }
0x1da: {  	s28 =	rddreg [dreg:$0x10];
	[sflag:s12] =	ssyncadd.s32 $0xFFFFFFE0  }
0x1db: {  	[tilespmem:s13], [sflag:$0x2] =	stream.linear.gather [hbm4b:s28+s2], $0x10000, $0x38;
	[tilespmem:$0x10080] =	vst v63  }
0x1dc: {  	_ =	swait.ge [sflag:s12], $0x10000  }
0x1dd: {  	[sflag:s12] =	ssyncset.done $0x0  }
0x1de: {  	[sflag:s12] =	ssyncadd.s32 $0xFFFF0000  }
0x1df: {  	v3 =	vld [tilespmem:$0x0];
	_ =	sdelay $0x4  }
0x1e0: {  	v58 =	vshll.u32 v3, $0x4  }
0x1e1: {  	v3 =	vand.u32 $0x7, v3;
	v4 =	vand.u32 $0xFFFFFF80, v58  }
0x1e2: {  	v3 =	vor.u32 v3, v4  }
0x1e3: {  	v4 =	vperm.xlane v3, v0;
	_ =	sdelay $0x1  }
0x1e4: {  	v4 =	vadd.s32 v1, v4;
	_ =	sdelay $0x4  }
0x1e5: {  	[hbm4b:s3+s2] =	stream.indirect_vreg.scatter [tilespmem:s13], [sflag:$0x1], $0x80, v4, vm0, $0xb8;
	[tilespmem:$0x10080] =	vst v63  }
0x1e6: {  	s28 =	simm.s32 $0x880  }
0x1e7: {  	[hbm4b:s4+s2] =	stream.indirect_vreg.scatter [tilespmem:s28], [sflag:$0x1], $0x80, v4, vm0, $0xb8;
	[tilespmem:$0x10080] =	vst v63  }
0x1e8: {  	s28 =	simm.s32 $0x1080  }
0x1e9: {  	[hbm4b:s5+s2] =	stream.indirect_vreg.scatter [tilespmem:s28], [sflag:$0x1], $0x80, v4, vm0, $0xb8;
	[tilespmem:$0x10080] =	vst v63  }
0x1ea: {  	s28 =	simm.s32 $0x1880  }
0x1eb: {  	[hbm4b:s6+s2] =	stream.indirect_vreg.scatter [tilespmem:s28], [sflag:$0x1], $0x80, v4, vm0, $0xb8;
	[tilespmem:$0x10080] =	vst v63  }
0x1ec: {  	s28 =	simm.s32 $0x2080  }
0x1ed: {  	[hbm4b:s7+s2] =	stream.indirect_vreg.scatter [tilespmem:s28], [sflag:$0x1], $0x80, v4, vm0, $0xb8;
	[tilespmem:$0x10080] =	vst v63  }
0x1ee: {  	v3 =	vperm.xlane v3, v2;
	s28 =	simm.s32 $0x2880  }
0x1ef: {  	[hbm4b:s8+s2] =	stream.indirect_vreg.scatter [tilespmem:s28], [sflag:$0x1], $0x80, v4, vm0, $0xb8;
	[tilespmem:$0x10080] =	vst v63  }
0x1f0: {  	s0 =	simm.s32 $0x3080;
	v3 =	vadd.s32 v1, v3  }
0x1f1: {  	[hbm4b:s9+s2] =	stream.indirect_vreg.scatter [tilespmem:s0], [sflag:$0x1], $0x80, v4, vm0, $0xb8;
	[tilespmem:$0x10080] =	vst v63  }
0x1f2: {  	s1 =	simm.s32 $0x3880  }
0x1f3: {  	[hbm4b:s10+s2] =	stream.indirect_vreg.scatter [tilespmem:s1], [sflag:$0x1], $0x80, v4, vm0, $0xb8;
	[tilespmem:$0x10080] =	vst v63  }
0x1f4: {  	s11 =	simm.s32 $0x4080  }
0x1f5: {  	[hbm4b:s3+s2] =	stream.indirect_vreg.scatter [tilespmem:s11], [sflag:$0x1], $0x80, v3, vm0, $0xb8;
	[tilespmem:$0x10080] =	vst v63  }
0x1f6: {  	s25 =	simm.s32 $0x4880  }
0x1f7: {  	[hbm4b:s4+s2] =	stream.indirect_vreg.scatter [tilespmem:s25], [sflag:$0x1], $0x80, v3, vm0, $0xb8;
	[tilespmem:$0x10080] =	vst v63  }
0x1f8: {  	s29 =	simm.s32 $0x5080  }
0x1f9: {  	[hbm4b:s5+s2] =	stream.indirect_vreg.scatter [tilespmem:s29], [sflag:$0x1], $0x80, v3, vm0, $0xb8;
	[tilespmem:$0x10080] =	vst v63  }
0x1fa: {  	s30 =	simm.s32 $0x5880  }
0x1fb: {  	[hbm4b:s6+s2] =	stream.indirect_vreg.scatter [tilespmem:s30], [sflag:$0x1], $0x80, v3, vm0, $0xb8;
	[tilespmem:$0x10080] =	vst v63  }
0x1fc: {  	s31 =	simm.s32 $0x6080  }
0x1fd: {  	[hbm4b:s7+s2] =	stream.indirect_vreg.scatter [tilespmem:s31], [sflag:$0x1], $0x80, v3, vm0, $0xb8;
	[tilespmem:$0x10080] =	vst v63  }
0x1fe: {  	s14 =	simm.s32 $0x6880  }
0x1ff: {  	[hbm4b:s8+s2] =	stream.indirect_vreg.scatter [tilespmem:s14], [sflag:$0x1], $0x80, v3, vm0, $0xb8;
	[tilespmem:$0x10080] =	vst v63  }
0x200: {  	s15 =	simm.s32 $0x7080  }
0x201: {  	[hbm4b:s9+s2] =	stream.indirect_vreg.scatter [tilespmem:s15], [sflag:$0x1], $0x80, v3, vm0, $0xb8;
	[tilespmem:$0x10080] =	vst v63  }
0x202: {  	s28 =	simm.s32 $0x7880  }
0x203: {  	[hbm4b:s10+s2] =	stream.indirect_vreg.scatter [tilespmem:s28], [sflag:$0x1], $0x80, v3, vm0, $0xb8;
	[tilespmem:$0x10080] =	vst v63  }
0x204: {  	v3 =	vld [tilespmem:$0x10];
	_ =	sdelay $0x4  }
0x205: {  	v59 =	vshll.u32 v3, $0x4  }
0x206: {  	v3 =	vand.u32 $0x7, v3;
	v4 =	vand.u32 $0xFFFFFF80, v59  }
0x207: {  	v3 =	vor.u32 v3, v4  }
0x208: {  	v4 =	vperm.xlane v3, v0;
	_ =	sdelay $0x1  }
0x209: {  	v4 =	vadd.s32 v1, v4;
	_ =	sdelay $0x3  }
0x20a: {  	s16 =	simm.s32 $0x8080  }
0x20b: {  	[hbm4b:s3+s2] =	stream.indirect_vreg.scatter [tilespmem:s16], [sflag:$0x1], $0x80, v4, vm0, $0xb8;
	[tilespmem:$0x10080] =	vst v63  }
0x20c: {  	s28 =	simm.s32 $0x8880  }
0x20d: {  	[hbm4b:s4+s2] =	stream.indirect_vreg.scatter [tilespmem:s28], [sflag:$0x1], $0x80, v4, vm0, $0xb8;
	[tilespmem:$0x10080] =	vst v63  }
0x20e: {  	s17 =	simm.s32 $0x9080  }
0x20f: {  	[hbm4b:s5+s2] =	stream.indirect_vreg.scatter [tilespmem:s17], [sflag:$0x1], $0x80, v4, vm0, $0xb8;
	[tilespmem:$0x10080] =	vst v63  }
0x210: {  	s28 =	simm.s32 $0x9880  }
0x211: {  	[hbm4b:s6+s2] =	stream.indirect_vreg.scatter [tilespmem:s28], [sflag:$0x1], $0x80, v4, vm0, $0xb8;
	[tilespmem:$0x10080] =	vst v63  }
0x212: {  	s28 =	simm.s32 $0xA080  }
0x213: {  	[hbm4b:s7+s2] =	stream.indirect_vreg.scatter [tilespmem:s28], [sflag:$0x1], $0x80, v4, vm0, $0xb8;
	[tilespmem:$0x10080] =	vst v63  }
0x214: {  	v3 =	vperm.xlane v3, v2;
	s28 =	simm.s32 $0xA880  }
0x215: {  	[hbm4b:s8+s2] =	stream.indirect_vreg.scatter [tilespmem:s28], [sflag:$0x1], $0x80, v4, vm0, $0xb8;
	[tilespmem:$0x10080] =	vst v63  }
0x216: {  	s23 =	simm.s32 $0xB080;
	v3 =	vadd.s32 v1, v3  }
0x217: {  	[hbm4b:s9+s2] =	stream.indirect_vreg.scatter [tilespmem:s23], [sflag:$0x1], $0x80, v4, vm0, $0xb8;
	[tilespmem:$0x10080] =	vst v63  }
0x218: {  	s18 =	simm.s32 $0xB880  }
0x219: {  	[hbm4b:s10+s2] =	stream.indirect_vreg.scatter [tilespmem:s18], [sflag:$0x1], $0x80, v4, vm0, $0xb8;
	[tilespmem:$0x10080] =	vst v63  }
0x21a: {  	s19 =	simm.s32 $0xC080  }
0x21b: {  	[hbm4b:s3+s2] =	stream.indirect_vreg.scatter [tilespmem:s19], [sflag:$0x1], $0x80, v3, vm0, $0xb8;
	[tilespmem:$0x10080] =	vst v63  }
0x21c: {  	s22 =	simm.s32 $0xC880  }
0x21d: {  	[hbm4b:s4+s2] =	stream.indirect_vreg.scatter [tilespmem:s22], [sflag:$0x1], $0x80, v3, vm0, $0xb8;
	[tilespmem:$0x10080] =	vst v63  }
0x21e: {  	s24 =	simm.s32 $0xD080  }
0x21f: {  	[hbm4b:s5+s2] =	stream.indirect_vreg.scatter [tilespmem:s24], [sflag:$0x1], $0x80, v3, vm0, $0xb8;
	[tilespmem:$0x10080] =	vst v63  }
0x220: {  	s24 =	simm.s32 $0xD880  }
0x221: {  	[hbm4b:s6+s2] =	stream.indirect_vreg.scatter [tilespmem:s24], [sflag:$0x1], $0x80, v3, vm0, $0xb8;
	[tilespmem:$0x10080] =	vst v63  }
0x222: {  	s28 =	simm.s32 $0xE080  }
0x223: {  	[hbm4b:s7+s2] =	stream.indirect_vreg.scatter [tilespmem:s28], [sflag:$0x1], $0x80, v3, vm0, $0xb8;
	[tilespmem:$0x10080] =	vst v63  }
0x224: {  	s24 =	simm.s32 $0xE880  }
0x225: {  	[hbm4b:s8+s2] =	stream.indirect_vreg.scatter [tilespmem:s24], [sflag:$0x1], $0x80, v3, vm0, $0xb8;
	[tilespmem:$0x10080] =	vst v63  }
0x226: {  	s28 =	simm.s32 $0xF080  }
0x227: {  	[hbm4b:s9+s2] =	stream.indirect_vreg.scatter [tilespmem:s28], [sflag:$0x1], $0x80, v3, vm0, $0xb8;
	[tilespmem:$0x10080] =	vst v63  }
0x228: {  	s20 =	simm.s32 $0xF880  }
0x229: {  	[hbm4b:s10+s2] =	stream.indirect_vreg.scatter [tilespmem:s20], [sflag:$0x1], $0x80, v3, vm0, $0xb8;
	[tilespmem:$0x10080] =	vst v63  }
0x22a: {  	_ =	swait.ge [sflag:s26], $0x10000  }
0x22b: {  	[sflag:s26] =	ssyncset.done $0x0  }
0x22c: {  	s22 =	rddreg [dreg:$0x9];
	[sflag:s26] =	ssyncadd.s32 $0xFFFF0000  }
0x22d: {  	[tilespmem:s2], [sflag:$0x2] =	stream.linear.gather [hbm4b:s22+s2], $0x20, $0x38;
	[tilespmem:$0x10080] =	vst v63  }
0x22e: {  	_ =	swait.ge [sflag:s12], $0x20  }
0x22f: {  	[sflag:s12] =	ssyncset.done $0x0  }
0x230: {  	s24 =	rddreg [dreg:$0x11];
	[sflag:s12] =	ssyncadd.s32 $0xFFFFFFE0  }
0x231: {  	[tilespmem:s13], [sflag:$0x2] =	stream.linear.gather [hbm4b:s24+s2], $0x10000, $0x38;
	[tilespmem:$0x10080] =	vst v63  }
0x232: {  	_ =	swait.ge [sflag:s12], $0x10000  }
0x233: {  	[sflag:s12] =	ssyncset.done $0x0  }
0x234: {  	[sflag:s12] =	ssyncadd.s32 $0xFFFF0000  }
0x235: {  	v3 =	vld [tilespmem:$0x0];
	_ =	sdelay $0x4  }
0x236: {  	v60 =	vshll.u32 v3, $0x4  }
0x237: {  	v3 =	vand.u32 $0x7, v3;
	v4 =	vand.u32 $0xFFFFFF80, v60  }
0x238: {  	v3 =	vor.u32 v3, v4  }
0x239: {  	v4 =	vperm.xlane v3, v0;
	_ =	sdelay $0x1  }
0x23a: {  	v4 =	vadd.s32 v1, v4;
	_ =	sdelay $0x4  }
0x23b: {  	[hbm4b:s3+s2] =	stream.indirect_vreg.scatter [tilespmem:s13], [sflag:$0x1], $0x80, v4, vm0, $0xb8;
	[tilespmem:$0x10080] =	vst v63  }
0x23c: {  	s28 =	simm.s32 $0x880  }
0x23d: {  	[hbm4b:s4+s2] =	stream.indirect_vreg.scatter [tilespmem:s28], [sflag:$0x1], $0x80, v4, vm0, $0xb8;
	[tilespmem:$0x10080] =	vst v63  }
0x23e: {  	s22 =	simm.s32 $0x1080  }
0x23f: {  	[hbm4b:s5+s2] =	stream.indirect_vreg.scatter [tilespmem:s22], [sflag:$0x1], $0x80, v4, vm0, $0xb8;
	[tilespmem:$0x10080] =	vst v63  }
0x240: {  	s24 =	simm.s32 $0x1880  }
0x241: {  	[hbm4b:s6+s2] =	stream.indirect_vreg.scatter [tilespmem:s24], [sflag:$0x1], $0x80, v4, vm0, $0xb8;
	[tilespmem:$0x10080] =	vst v63  }
0x242: {  	s28 =	simm.s32 $0x2080  }
0x243: {  	[hbm4b:s7+s2] =	stream.indirect_vreg.scatter [tilespmem:s28], [sflag:$0x1], $0x80, v4, vm0, $0xb8;
	[tilespmem:$0x10080] =	vst v63  }
0x244: {  	v3 =	vperm.xlane v3, v2;
	s22 =	simm.s32 $0x2880  }
0x245: {  	[hbm4b:s8+s2] =	stream.indirect_vreg.scatter [tilespmem:s22], [sflag:$0x1], $0x80, v4, vm0, $0xb8;
	[tilespmem:$0x10080] =	vst v63  }
0x246: {  	s0 =	simm.s32 $0x3080;
	v3 =	vadd.s32 v1, v3  }
0x247: {  	[hbm4b:s9+s2] =	stream.indirect_vreg.scatter [tilespmem:s0], [sflag:$0x1], $0x80, v4, vm0, $0xb8;
	[tilespmem:$0x10080] =	vst v63  }
0x248: {  	s1 =	simm.s32 $0x3880  }
0x249: {  	[hbm4b:s10+s2] =	stream.indirect_vreg.scatter [tilespmem:s1], [sflag:$0x1], $0x80, v4, vm0, $0xb8;
	[tilespmem:$0x10080] =	vst v63  }
0x24a: {  	s11 =	simm.s32 $0x4080  }
0x24b: {  	[hbm4b:s3+s2] =	stream.indirect_vreg.scatter [tilespmem:s11], [sflag:$0x1], $0x80, v3, vm0, $0xb8;
	[tilespmem:$0x10080] =	vst v63  }
0x24c: {  	s25 =	simm.s32 $0x4880  }
0x24d: {  	[hbm4b:s4+s2] =	stream.indirect_vreg.scatter [tilespmem:s25], [sflag:$0x1], $0x80, v3, vm0, $0xb8;
	[tilespmem:$0x10080] =	vst v63  }
0x24e: {  	s29 =	simm.s32 $0x5080  }
0x24f: {  	[hbm4b:s5+s2] =	stream.indirect_vreg.scatter [tilespmem:s29], [sflag:$0x1], $0x80, v3, vm0, $0xb8;
	[tilespmem:$0x10080] =	vst v63  }
0x250: {  	s30 =	simm.s32 $0x5880  }
0x251: {  	[hbm4b:s6+s2] =	stream.indirect_vreg.scatter [tilespmem:s30], [sflag:$0x1], $0x80, v3, vm0, $0xb8;
	[tilespmem:$0x10080] =	vst v63  }
0x252: {  	s31 =	simm.s32 $0x6080  }
0x253: {  	[hbm4b:s7+s2] =	stream.indirect_vreg.scatter [tilespmem:s31], [sflag:$0x1], $0x80, v3, vm0, $0xb8;
	[tilespmem:$0x10080] =	vst v63  }
0x254: {  	s14 =	simm.s32 $0x6880  }
0x255: {  	[hbm4b:s8+s2] =	stream.indirect_vreg.scatter [tilespmem:s14], [sflag:$0x1], $0x80, v3, vm0, $0xb8;
	[tilespmem:$0x10080] =	vst v63  }
0x256: {  	s15 =	simm.s32 $0x7080  }
0x257: {  	[hbm4b:s9+s2] =	stream.indirect_vreg.scatter [tilespmem:s15], [sflag:$0x1], $0x80, v3, vm0, $0xb8;
	[tilespmem:$0x10080] =	vst v63  }
0x258: {  	s24 =	simm.s32 $0x7880  }
0x259: {  	[hbm4b:s10+s2] =	stream.indirect_vreg.scatter [tilespmem:s24], [sflag:$0x1], $0x80, v3, vm0, $0xb8;
	[tilespmem:$0x10080] =	vst v63  }
0x25a: {  	v3 =	vld [tilespmem:$0x10];
	_ =	sdelay $0x4  }
0x25b: {  	v61 =	vshll.u32 v3, $0x4  }
0x25c: {  	v3 =	vand.u32 $0x7, v3;
	v4 =	vand.u32 $0xFFFFFF80, v61  }
0x25d: {  	v3 =	vor.u32 v3, v4  }
0x25e: {  	v4 =	vperm.xlane v3, v0;
	_ =	sdelay $0x1  }
0x25f: {  	v4 =	vadd.s32 v1, v4;
	_ =	sdelay $0x3  }
0x260: {  	s16 =	simm.s32 $0x8080  }
0x261: {  	[hbm4b:s3+s2] =	stream.indirect_vreg.scatter [tilespmem:s16], [sflag:$0x1], $0x80, v4, vm0, $0xb8;
	[tilespmem:$0x10080] =	vst v63  }
0x262: {  	s28 =	simm.s32 $0x8880  }
0x263: {  	[hbm4b:s4+s2] =	stream.indirect_vreg.scatter [tilespmem:s28], [sflag:$0x1], $0x80, v4, vm0, $0xb8;
	[tilespmem:$0x10080] =	vst v63  }
0x264: {  	s17 =	simm.s32 $0x9080  }
0x265: {  	[hbm4b:s5+s2] =	stream.indirect_vreg.scatter [tilespmem:s17], [sflag:$0x1], $0x80, v4, vm0, $0xb8;
	[tilespmem:$0x10080] =	vst v63  }
0x266: {  	s24 =	simm.s32 $0x9880  }
0x267: {  	[hbm4b:s6+s2] =	stream.indirect_vreg.scatter [tilespmem:s24], [sflag:$0x1], $0x80, v4, vm0, $0xb8;
	[tilespmem:$0x10080] =	vst v63  }
0x268: {  	s28 =	simm.s32 $0xA080  }
0x269: {  	[hbm4b:s7+s2] =	stream.indirect_vreg.scatter [tilespmem:s28], [sflag:$0x1], $0x80, v4, vm0, $0xb8;
	[tilespmem:$0x10080] =	vst v63  }
0x26a: {  	v3 =	vperm.xlane v3, v2;
	s28 =	simm.s32 $0xA880  }
0x26b: {  	[hbm4b:s8+s2] =	stream.indirect_vreg.scatter [tilespmem:s28], [sflag:$0x1], $0x80, v4, vm0, $0xb8;
	[tilespmem:$0x10080] =	vst v63  }
0x26c: {  	v3 =	vadd.s32 v1, v3;
	s24 =	simm.s32 $0xB080  }
0x26d: {  	[hbm4b:s9+s2] =	stream.indirect_vreg.scatter [tilespmem:s24], [sflag:$0x1], $0x80, v4, vm0, $0xb8;
	[tilespmem:$0x10080] =	vst v63  }
0x26e: {  	s18 =	simm.s32 $0xB880  }
0x26f: {  	[hbm4b:s10+s2] =	stream.indirect_vreg.scatter [tilespmem:s18], [sflag:$0x1], $0x80, v4, vm0, $0xb8;
	[tilespmem:$0x10080] =	vst v63  }
0x270: {  	s19 =	simm.s32 $0xC080  }
0x271: {  	[hbm4b:s3+s2] =	stream.indirect_vreg.scatter [tilespmem:s19], [sflag:$0x1], $0x80, v3, vm0, $0xb8;
	[tilespmem:$0x10080] =	vst v63  }
0x272: {  	s23 =	simm.s32 $0xC880  }
0x273: {  	[hbm4b:s4+s2] =	stream.indirect_vreg.scatter [tilespmem:s23], [sflag:$0x1], $0x80, v3, vm0, $0xb8;
	[tilespmem:$0x10080] =	vst v63  }
0x274: {  	s28 =	simm.s32 $0xD080  }
0x275: {  	[hbm4b:s5+s2] =	stream.indirect_vreg.scatter [tilespmem:s28], [sflag:$0x1], $0x80, v3, vm0, $0xb8;
	[tilespmem:$0x10080] =	vst v63  }
0x276: {  	s28 =	simm.s32 $0xD880  }
0x277: {  	[hbm4b:s6+s2] =	stream.indirect_vreg.scatter [tilespmem:s28], [sflag:$0x1], $0x80, v3, vm0, $0xb8;
	[tilespmem:$0x10080] =	vst v63  }
0x278: {  	s28 =	simm.s32 $0xE080  }
0x279: {  	[hbm4b:s7+s2] =	stream.indirect_vreg.scatter [tilespmem:s28], [sflag:$0x1], $0x80, v3, vm0, $0xb8;
	[tilespmem:$0x10080] =	vst v63  }
0x27a: {  	s28 =	simm.s32 $0xE880  }
0x27b: {  	[hbm4b:s8+s2] =	stream.indirect_vreg.scatter [tilespmem:s28], [sflag:$0x1], $0x80, v3, vm0, $0xb8;
	[tilespmem:$0x10080] =	vst v63  }
0x27c: {  	s28 =	simm.s32 $0xF080  }
0x27d: {  	[hbm4b:s9+s2] =	stream.indirect_vreg.scatter [tilespmem:s28], [sflag:$0x1], $0x80, v3, vm0, $0xb8;
	[tilespmem:$0x10080] =	vst v63  }
0x27e: {  	s28 =	simm.s32 $0xF880  }
0x27f: {  	[hbm4b:s10+s2] =	stream.indirect_vreg.scatter [tilespmem:s28], [sflag:$0x1], $0x80, v3, vm0, $0xb8;
	[tilespmem:$0x10080] =	vst v63  }
0x280: {  	_ =	swait.ge [sflag:s26], $0x10000  }
0x281: {  	[sflag:s26] =	ssyncset.done $0x0  }
0x282: {  	s28 =	rddreg [dreg:$0xa];
	[sflag:s26] =	ssyncadd.s32 $0xFFFF0000  }
0x283: {  	[tilespmem:s2], [sflag:$0x2] =	stream.linear.gather [hbm4b:s28+s2], $0x20, $0x38;
	[tilespmem:$0x10080] =	vst v63  }
0x284: {  	_ =	swait.ge [sflag:s12], $0x20  }
0x285: {  	[sflag:s12] =	ssyncset.done $0x0  }
0x286: {  	s28 =	rddreg [dreg:$0x12];
	[sflag:s12] =	ssyncadd.s32 $0xFFFFFFE0  }
0x287: {  	[tilespmem:s13], [sflag:$0x2] =	stream.linear.gather [hbm4b:s28+s2], $0x10000, $0x38;
	[tilespmem:$0x10080] =	vst v63  }
0x288: {  	_ =	swait.ge [sflag:s12], $0x10000  }
0x289: {  	[sflag:s12] =	ssyncset.done $0x0  }
0x28a: {  	[sflag:s12] =	ssyncadd.s32 $0xFFFF0000  }
0x28b: {  	v3 =	vld [tilespmem:$0x0];
	_ =	sdelay $0x4  }
0x28c: {  	v62 =	vshll.u32 v3, $0x4  }
0x28d: {  	v3 =	vand.u32 $0x7, v3;
	v4 =	vand.u32 $0xFFFFFF80, v62  }
0x28e: {  	v3 =	vor.u32 v3, v4  }
0x28f: {  	v4 =	vperm.xlane v3, v0;
	_ =	sdelay $0x1  }
0x290: {  	v4 =	vadd.s32 v1, v4;
	_ =	sdelay $0x4  }
0x291: {  	[hbm4b:s3+s2] =	stream.indirect_vreg.scatter [tilespmem:s13], [sflag:$0x1], $0x80, v4, vm0, $0xb8;
	[tilespmem:$0x10080] =	vst v63  }
0x292: {  	s28 =	simm.s32 $0x880  }
0x293: {  	[hbm4b:s4+s2] =	stream.indirect_vreg.scatter [tilespmem:s28], [sflag:$0x1], $0x80, v4, vm0, $0xb8;
	[tilespmem:$0x10080] =	vst v63  }
0x294: {  	s28 =	simm.s32 $0x1080  }
0x295: {  	[hbm4b:s5+s2] =	stream.indirect_vreg.scatter [tilespmem:s28], [sflag:$0x1], $0x80, v4, vm0, $0xb8;
	[tilespmem:$0x10080] =	vst v63  }
0x296: {  	s28 =	simm.s32 $0x1880  }
0x297: {  	[hbm4b:s6+s2] =	stream.indirect_vreg.scatter [tilespmem:s28], [sflag:$0x1], $0x80, v4, vm0, $0xb8;
	[tilespmem:$0x10080] =	vst v63  }
0x298: {  	s28 =	simm.s32 $0x2080  }
0x299: {  	[hbm4b:s7+s2] =	stream.indirect_vreg.scatter [tilespmem:s28], [sflag:$0x1], $0x80, v4, vm0, $0xb8;
	[tilespmem:$0x10080] =	vst v63  }
0x29a: {  	v3 =	vperm.xlane v3, v2;
	s28 =	simm.s32 $0x2880  }
0x29b: {  	[hbm4b:s8+s2] =	stream.indirect_vreg.scatter [tilespmem:s28], [sflag:$0x1], $0x80, v4, vm0, $0xb8;
	[tilespmem:$0x10080] =	vst v63  }
0x29c: {  	s0 =	simm.s32 $0x3080;
	v3 =	vadd.s32 v1, v3  }
0x29d: {  	[hbm4b:s9+s2] =	stream.indirect_vreg.scatter [tilespmem:s0], [sflag:$0x1], $0x80, v4, vm0, $0xb8;
	[tilespmem:$0x10080] =	vst v63  }
0x29e: {  	s1 =	simm.s32 $0x3880  }
0x29f: {  	[hbm4b:s10+s2] =	stream.indirect_vreg.scatter [tilespmem:s1], [sflag:$0x1], $0x80, v4, vm0, $0xb8;
	[tilespmem:$0x10080] =	vst v63  }
0x2a0: {  	s11 =	simm.s32 $0x4080  }
0x2a1: {  	[hbm4b:s3+s2] =	stream.indirect_vreg.scatter [tilespmem:s11], [sflag:$0x1], $0x80, v3, vm0, $0xb8;
	[tilespmem:$0x10080] =	vst v63  }
0x2a2: {  	s20 =	simm.s32 $0x4880  }
0x2a3: {  	[hbm4b:s4+s2] =	stream.indirect_vreg.scatter [tilespmem:s20], [sflag:$0x1], $0x80, v3, vm0, $0xb8;
	[tilespmem:$0x10080] =	vst v63  }
0x2a4: {  	s25 =	simm.s32 $0x5080  }
0x2a5: {  	[hbm4b:s5+s2] =	stream.indirect_vreg.scatter [tilespmem:s25], [sflag:$0x1], $0x80, v3, vm0, $0xb8;
	[tilespmem:$0x10080] =	vst v63  }
0x2a6: {  	s29 =	simm.s32 $0x5880  }
0x2a7: {  	[hbm4b:s6+s2] =	stream.indirect_vreg.scatter [tilespmem:s29], [sflag:$0x1], $0x80, v3, vm0, $0xb8;
	[tilespmem:$0x10080] =	vst v63  }
0x2a8: {  	s30 =	simm.s32 $0x6080  }
0x2a9: {  	[hbm4b:s7+s2] =	stream.indirect_vreg.scatter [tilespmem:s30], [sflag:$0x1], $0x80, v3, vm0, $0xb8;
	[tilespmem:$0x10080] =	vst v63  }
0x2aa: {  	s14 =	simm.s32 $0x6880  }
0x2ab: {  	[hbm4b:s8+s2] =	stream.indirect_vreg.scatter [tilespmem:s14], [sflag:$0x1], $0x80, v3, vm0, $0xb8;
	[tilespmem:$0x10080] =	vst v63  }
0x2ac: {  	s15 =	simm.s32 $0x7080  }
0x2ad: {  	[hbm4b:s9+s2] =	stream.indirect_vreg.scatter [tilespmem:s15], [sflag:$0x1], $0x80, v3, vm0, $0xb8;
	[tilespmem:$0x10080] =	vst v63  }
0x2ae: {  	s31 =	simm.s32 $0x7880  }
0x2af: {  	[hbm4b:s10+s2] =	stream.indirect_vreg.scatter [tilespmem:s31], [sflag:$0x1], $0x80, v3, vm0, $0xb8;
	[tilespmem:$0x10080] =	vst v63  }
0x2b0: {  	v3 =	vld [tilespmem:$0x10];
	_ =	sdelay $0x4  }
0x2b1: {  	v63 =	vshll.u32 v3, $0x4  }
0x2b2: {  	v3 =	vand.u32 $0x7, v3;
	v4 =	vand.u32 $0xFFFFFF80, v63  }
0x2b3: {  	v3 =	vor.u32 v3, v4  }
0x2b4: {  	v4 =	vperm.xlane v3, v0;
	_ =	sdelay $0x1  }
0x2b5: {  	v4 =	vadd.s32 v1, v4;
	_ =	sdelay $0x3  }
0x2b6: {  	s16 =	simm.s32 $0x8080  }
0x2b7: {  	[hbm4b:s3+s2] =	stream.indirect_vreg.scatter [tilespmem:s16], [sflag:$0x1], $0x80, v4, vm0, $0xb8;
	[tilespmem:$0x10080] =	vst v63  }
0x2b8: {  	s16 =	simm.s32 $0x8880  }
0x2b9: {  	[hbm4b:s4+s2] =	stream.indirect_vreg.scatter [tilespmem:s16], [sflag:$0x1], $0x80, v4, vm0, $0xb8;
	[tilespmem:$0x10080] =	vst v63  }
0x2ba: {  	s17 =	simm.s32 $0x9080  }
0x2bb: {  	[hbm4b:s5+s2] =	stream.indirect_vreg.scatter [tilespmem:s17], [sflag:$0x1], $0x80, v4, vm0, $0xb8;
	[tilespmem:$0x10080] =	vst v63  }
0x2bc: {  	s22 =	simm.s32 $0x9880  }
0x2bd: {  	[hbm4b:s6+s2] =	stream.indirect_vreg.scatter [tilespmem:s22], [sflag:$0x1], $0x80, v4, vm0, $0xb8;
	[tilespmem:$0x10080] =	vst v63  }
0x2be: {  	s20 =	simm.s32 $0xA080  }
0x2bf: {  	[hbm4b:s7+s2] =	stream.indirect_vreg.scatter [tilespmem:s20], [sflag:$0x1], $0x80, v4, vm0, $0xb8;
	[tilespmem:$0x10080] =	vst v63  }
0x2c0: {  	v3 =	vperm.xlane v3, v2;
	s22 =	simm.s32 $0xA880  }
0x2c1: {  	[hbm4b:s8+s2] =	stream.indirect_vreg.scatter [tilespmem:s22], [sflag:$0x1], $0x80, v4, vm0, $0xb8;
	[tilespmem:$0x10080] =	vst v63  }
0x2c2: {  	s24 =	simm.s32 $0xB080;
	v3 =	vadd.s32 v1, v3  }
0x2c3: {  	[hbm4b:s9+s2] =	stream.indirect_vreg.scatter [tilespmem:s24], [sflag:$0x1], $0x80, v4, vm0, $0xb8;
	[tilespmem:$0x10080] =	vst v63  }
0x2c4: {  	s18 =	simm.s32 $0xB880  }
0x2c5: {  	[hbm4b:s10+s2] =	stream.indirect_vreg.scatter [tilespmem:s18], [sflag:$0x1], $0x80, v4, vm0, $0xb8;
	[tilespmem:$0x10080] =	vst v63  }
0x2c6: {  	s19 =	simm.s32 $0xC080  }
0x2c7: {  	[hbm4b:s3+s2] =	stream.indirect_vreg.scatter [tilespmem:s19], [sflag:$0x1], $0x80, v3, vm0, $0xb8;
	[tilespmem:$0x10080] =	vst v63  }
0x2c8: {  	s23 =	simm.s32 $0xC880  }
0x2c9: {  	[hbm4b:s4+s2] =	stream.indirect_vreg.scatter [tilespmem:s23], [sflag:$0x1], $0x80, v3, vm0, $0xb8;
	[tilespmem:$0x10080] =	vst v63  }
0x2ca: {  	s24 =	simm.s32 $0xD080  }
0x2cb: {  	[hbm4b:s5+s2] =	stream.indirect_vreg.scatter [tilespmem:s24], [sflag:$0x1], $0x80, v3, vm0, $0xb8;
	[tilespmem:$0x10080] =	vst v63  }
0x2cc: {  	s25 =	simm.s32 $0xD880  }
0x2cd: {  	[hbm4b:s6+s2] =	stream.indirect_vreg.scatter [tilespmem:s25], [sflag:$0x1], $0x80, v3, vm0, $0xb8;
	[tilespmem:$0x10080] =	vst v63  }
0x2ce: {  	s28 =	simm.s32 $0xE080  }
0x2cf: {  	[hbm4b:s7+s2] =	stream.indirect_vreg.scatter [tilespmem:s28], [sflag:$0x1], $0x80, v3, vm0, $0xb8;
	[tilespmem:$0x10080] =	vst v63  }
0x2d0: {  	s29 =	simm.s32 $0xE880  }
0x2d1: {  	[hbm4b:s8+s2] =	stream.indirect_vreg.scatter [tilespmem:s29], [sflag:$0x1], $0x80, v3, vm0, $0xb8;
	[tilespmem:$0x10080] =	vst v63  }
0x2d2: {  	p0 =	sne.s32 s21, $0x1;
	s30 =	simm.s32 $0xF080  }
0x2d3: {  	[hbm4b:s9+s2] =	stream.indirect_vreg.scatter [tilespmem:s30], [sflag:$0x1], $0x80, v3, vm0, $0xb8;
	[tilespmem:$0x10080] =	vst v63  }
.Ltmp0:
0x2d4: {  	s31 =	simm.s32 $0xF880;
	(pc) =	sbr.rel @p0 .LBB2_1-.Ltmp0, $4  }
0x2d5: {  	[hbm4b:s10+s2] =	stream.indirect_vreg.scatter [tilespmem:s31], [sflag:$0x1], $0x80, v3, vm0, $0xb8;
	[tilespmem:$0x10080] =	vst v63  }
0x2d6: {  	_ =	swait.ge [sflag:s26], $0x10000  }
0x2d7: {  	[sflag:s26] =	ssyncset.done $0x0  }
0x2d8: {  	s21 =	sadd.s32 $0xFFFFFFFF, s21;
	[sflag:s26] =	ssyncadd.s32 $0xFFFF0000  }
0x2d9: {  	_ =	sfence.sel $0x180000  }
0x2da: {  	[bflag:$0x0] =	sbarrier.arrive $0xFFFF  }
0x2db: {  	_ =	strace $0x9000004A  }
0x2dc: {  	s0 =	stileid.u32;
	[bflag:$0x2] =	sbarrier.arrive $0xFFFF  }
0x2dd: {  	p0 =	sne.s32 s0, $0x0;
	s0 =	rddreg [dreg:$0x2]  }
0x2de: {  	s0 =	sadd.s32 @!p0 $0x100000, s0  }
0x2df: {  	[sflag:s0] =	ssyncadd.tile.s32 @!p0 $0x1;
	_ =	shalt  }
.Lfunc_end2:
_tile_overlayer_lowered:
.L_overlay_start_2:
0x2e0: {  	(tag) =	ssettag $0x2  }
0x2e1: {  	s0 =	rddreg [dreg:$0x0];
	s2 =	stileid.u32  }
0x2e2: {  	s1 =	rddreg [dreg:$0x1];
	p0 =	sne.s32 s2, $0x0  }
0x2e3: {  	s3 =	rddreg [dreg:$0x2];
	[bflag:$0x3] =	sbarrier.arrive $0xFFFF;
	s2 =	simm.s32 @!p0 $0x1C02  }
0x2e4: {  	[timem:s3], [sflag:s2] =	dma.local @!p0 [hbm:s0], s1  }
0x2e5: {  	s0 =	simm.s32 @!p0 $0x2  }
0x2e6: {  	_ =	swait.ge @!p0 [sflag:s0], s1  }
0x2e7: {  	s1 =	ssub.s32 @!p0 $0x0, s1;
	[sflag:s0] =	ssyncset.done @!p0 $0x0  }
0x2e8: {  	[sflag:s0] =	ssyncadd.s32 @!p0 s1  }
0x2e9: {  	[bflag:$0x3] =	sbarrier.arrive $0xFFFF  }
0x2ea: {  	_ =	shalt  }

</sc_bundles>
